<compile_context>
chip_gen: v7x
topology: tpu7x:2x2x1
jax: 0.10.2.dev20260603
libtpu: 0.0.44.dev20260713+nightly
codegen_flags: <defaults>
</compile_context>

<pallas_src>
import functools

import jax
import jax.numpy as jnp
from jax import lax
from jax.experimental import pallas as pl
from jax.experimental.pallas import tpu as pltpu
from jax.experimental.pallas import tpu_sc as plsc

_NC = 2
_NS = 16
_NW = _NC * _NS
_L = 16
_CHUNK = 128
_R = 2048


def _make_deg_kernel(CH, NPAD):
    PER = NPAD // _NS
    NG = CH // _G
    mesh = plsc.VectorSubcoreMesh(core_axis_name="c", subcore_axis_name="s",
                                  num_cores=_NC)

    @functools.partial(
        pl.kernel,
        out_type=jax.ShapeDtypeStruct((_NC, NPAD), jnp.float32),
        mesh=mesh,
        scratch_types=[
            pltpu.VMEM((NG, _G, _CHUNK), jnp.int32),
            pltpu.VMEM((_CHUNK,), jnp.float32),
            pltpu.VMEM_SHARED((NPAD,), jnp.float32),
        ],
    )
    def deg_kernel(dst_hbm, zflat_hbm, out_hbm, idx_v, ones_v, acc):
        c = lax.axis_index("c")
        s = lax.axis_index("s")
        w = s * _NC + c
        pltpu.sync_copy(dst_hbm.at[w], idx_v)
        for i in range(_CHUNK // _L):
            ones_v[pl.ds(i * _L, _L)] = jnp.ones((_L,), jnp.float32)
        pltpu.sync_copy(zflat_hbm.at[pl.ds(s * PER, PER)],
                        acc.at[pl.ds(s * PER, PER)])
        plsc.subcore_barrier()

        def body(gj, carry):
            for k in range(_G):
                pltpu.sync_copy(ones_v, acc.at[idx_v.at[gj, k]], add=True)
            return carry

        lax.fori_loop(0, NG, body, 0)
        plsc.subcore_barrier()
        pltpu.sync_copy(acc.at[pl.ds(s * PER, PER)],
                        out_hbm.at[c, pl.ds(s * PER, PER)])

    return deg_kernel


_G = 8


def _make_prop_kernel(CH, NPAD, D):
    PER = NPAD // _NS
    NG = CH // _G
    NPAIR = NG // 2
    mesh = plsc.VectorSubcoreMesh(core_axis_name="c", subcore_axis_name="s",
                                  num_cores=_NC)

    @functools.partial(
        pl.kernel,
        out_type=jax.ShapeDtypeStruct((_NC, NPAD, D), jnp.float32),
        mesh=mesh,
        scratch_types=[
            pltpu.VMEM((_G, _CHUNK), jnp.int32),
            pltpu.VMEM((_G, _CHUNK), jnp.int32),
            pltpu.VMEM((_G, _CHUNK), jnp.int32),
            pltpu.VMEM((_G, _CHUNK), jnp.int32),
            pltpu.VMEM((_CHUNK, D), jnp.float32),
            pltpu.VMEM((_CHUNK, D), jnp.float32),
            pltpu.VMEM_SHARED((NPAD, D), jnp.float32),
            pltpu.SemaphoreType.DMA,
            pltpu.SemaphoreType.DMA,
            pltpu.SemaphoreType.DMA,
            pltpu.SemaphoreType.DMA,
        ],
    )
    def prop_kernel(g_hbm, src_hbm, dst_hbm, zrows_hbm, out_hbm,
                    srcg0, dstg0, srcg1, dstg1, rows0, rows1, acc,
                    semi0, semi1, semg0, semg1):
        c = lax.axis_index("c")
        s = lax.axis_index("s")
        w = s * _NC + c
        r0 = s * PER
        srcg = (srcg0, srcg1)
        dstg = (dstg0, dstg1)
        semi = (semi0, semi1)
        rows = (rows0, rows1)
        semg = (semg0, semg1)

        def wait_idx(q):
            pltpu.make_async_copy(src_hbm.at[w, 0], srcg[q], semi[q]).wait()
            pltpu.make_async_copy(dst_hbm.at[w, 0], dstg[q], semi[q]).wait()

        def wait_rows(p):
            pltpu.make_async_copy(g_hbm.at[pl.ds(0, _CHUNK)], rows[p],
                                  semg[p]).wait()

        pltpu.async_copy(src_hbm.at[w, 0], srcg0, semi0)
        pltpu.async_copy(dst_hbm.at[w, 0], dstg0, semi0)
        pltpu.async_copy(src_hbm.at[w, 1], srcg1, semi1)
        pltpu.async_copy(dst_hbm.at[w, 1], dstg1, semi1)
        pltpu.sync_copy(zrows_hbm.at[pl.ds(r0, PER)], acc.at[pl.ds(r0, PER)])
        plsc.subcore_barrier()
        wait_idx(0)
        pltpu.async_copy(g_hbm.at[srcg0.at[0]], rows0, semg0)

        def emit_pair(gg, last):
            for q in (0, 1):
                for k in range(_G):
                    p = k % 2
                    wait_rows(p)
                    if k < _G - 1:
                        pltpu.async_copy(g_hbm.at[srcg[q].at[k + 1]],
                                         rows[1 - p], semg[1 - p])
                    elif q == 0:
                        wait_idx(1)
                        pltpu.async_copy(g_hbm.at[srcg1.at[0]],
                                         rows[1 - p], semg[1 - p])
                    elif not last:
                        wait_idx(0)
                        pltpu.async_copy(g_hbm.at[srcg0.at[0]],
                                         rows[1 - p], semg[1 - p])
                    pltpu.sync_copy(rows[p], acc.at[dstg[q].at[k]], add=True)
                if not last:
                    g_next = 2 * (gg + 1) + q
                    pltpu.async_copy(src_hbm.at[w, g_next], srcg[q], semi[q])
                    pltpu.async_copy(dst_hbm.at[w, g_next], dstg[q], semi[q])

        def body(gg, carry):
            emit_pair(gg, False)
            return carry

        lax.fori_loop(0, NPAIR - 1, body, 0)
        emit_pair(NPAIR - 1, True)
        plsc.subcore_barrier()
        pltpu.sync_copy(acc.at[pl.ds(r0, PER)], out_hbm.at[c, pl.ds(r0, PER)])

    return prop_kernel


def _dis_of(degp_ref):
    deg = degp_ref[0] + degp_ref[1]
    return jnp.where(deg > 0.0, lax.rsqrt(jnp.maximum(deg, 1e-12)), 0.0)


def _mm1_body(x_ref, w_ref, degp_ref, o_ref):
    dis = _dis_of(degp_ref)
    h = jnp.dot(x_ref[...], w_ref[...], preferred_element_type=jnp.float32)
    o_ref[...] = h * dis


def _mid_body(p_ref, degp_ref, b_ref, w_ref, o_ref):
    dis = _dis_of(degp_ref)
    s = p_ref[0] + p_ref[1]
    h = jnp.maximum(s * dis + b_ref[...], 0.0)
    o_ref[...] = jnp.dot(h, w_ref[...], preferred_element_type=jnp.float32) * dis


def _fin_body(p_ref, degp_ref, b_ref, o_ref):
    dis = _dis_of(degp_ref)
    s = p_ref[0] + p_ref[1]
    o_ref[...] = s * dis + b_ref[...]


def kernel(x, edge_index, W1, b1, W2, b2):
    N, D = x.shape
    E = edge_index.shape[1]
    NPAD = ((N + _R - 1) // _R) * _R
    ecap = _NW * _CHUNK
    CH = (E + ecap - 1) // ecap
    CH = ((CH + 2 * _G - 1) // (2 * _G)) * (2 * _G)
    TPW = CH * _CHUNK
    EPAD = TPW * _NW
    NG = CH // _G

    src = edge_index[0]
    dst = edge_index[1]
    pad = EPAD - E
    srcp = jnp.concatenate([src, jnp.zeros((pad,), jnp.int32)]).reshape(
        _NW, NG, _G, _CHUNK)
    dstp = jnp.concatenate([dst, jnp.full((pad,), N, jnp.int32)]).reshape(
        _NW, NG, _G, _CHUNK)

    zflat = jnp.zeros((NPAD,), jnp.float32)
    zrows = jnp.zeros((NPAD, D), jnp.float32)
    xp = jnp.zeros((NPAD, D), jnp.float32).at[:N].set(x)

    deg_k = _make_deg_kernel(CH, NPAD)
    prop_k = _make_prop_kernel(CH, NPAD, D)

    degp = deg_k(dstp, zflat).reshape(_NC, NPAD, 1)

    grid = (NPAD // _R,)
    deg_spec = pl.BlockSpec((_NC, _R, 1), lambda i: (0, i, 0))
    row_spec = pl.BlockSpec((_R, D), lambda i: (i, 0))
    p_spec = pl.BlockSpec((_NC, _R, D), lambda i: (0, i, 0))
    w_spec = pl.BlockSpec((D, D), lambda i: (0, 0))
    b_spec = pl.BlockSpec((1, D), lambda i: (0, 0))
    row_shape = jax.ShapeDtypeStruct((NPAD, D), jnp.float32)

    h1 = pl.pallas_call(
        _mm1_body, grid=grid,
        in_specs=[row_spec, w_spec, deg_spec],
        out_specs=row_spec, out_shape=row_shape,
    )(xp, W1, degp)

    p1 = prop_k(h1, srcp, dstp, zrows)

    h2 = pl.pallas_call(
        _mid_body, grid=grid,
        in_specs=[p_spec, deg_spec, b_spec, w_spec],
        out_specs=row_spec, out_shape=row_shape,
    )(p1, degp, b1.reshape(1, D), W2)

    p2 = prop_k(h2, srcp, dstp, zrows)

    out = pl.pallas_call(
        _fin_body, grid=grid,
        in_specs=[p_spec, deg_spec, b_spec],
        out_specs=row_spec, out_shape=row_shape,
    )(p2, degp, b2.reshape(1, D))

    return out[:N]

# --- scband reference (transcript-rebuilt; emitter-appended) ---
"""Pipeline reference for scband-gcn-1357209666152 (READ-ONLY COPY).

The authoritative reference and input builder live on the scoring server;
editing this copy changes nothing except your own understanding.
"""

import jax, jax.numpy as jnp
import numpy as np

N = 10000
E = 320000
D_IN = 128
D_HID = 128
D_OUT = 128


def setup_inputs(seed: int = 0) -> dict:
    key = jax.random.key(seed)
    k1, k2, k3, k4, k5, k6 = jax.random.split(key, 6)
    x = jax.random.normal(k1, (N, D_IN), dtype=jnp.float32)
    edge_index = jax.random.randint(k2, (2, E), 0, N, dtype=jnp.int32)
    W1 = jax.random.normal(k3, (D_IN, D_HID), dtype=jnp.float32) / np.sqrt(D_IN)
    b1 = jnp.zeros((D_HID,), dtype=jnp.float32)
    W2 = jax.random.normal(k4, (D_HID, D_OUT), dtype=jnp.float32) / np.sqrt(D_HID)
    b2 = jnp.zeros((D_OUT,), dtype=jnp.float32)
    return {"x": x, "edge_index": edge_index, "W1": W1, "b1": b1, "W2": W2, "b2": b2}


def _gcn_conv(x, edge_index, W, b):
    # GCNConv with normalize=True, add_self_loops=False
    src = edge_index[0]
    dst = edge_index[1]
    n = x.shape[0]
    ones = jnp.ones((edge_index.shape[1],), dtype=x.dtype)
    deg = jax.ops.segment_sum(ones, dst, num_segments=n)
    deg_inv_sqrt = jnp.where(deg > 0, jax.lax.rsqrt(jnp.maximum(deg, 1e-12)), 0.0)
    norm = deg_inv_sqrt[src] * deg_inv_sqrt[dst]
    h = x @ W
    msg = h[src] * norm[:, None]
    out = jax.ops.segment_sum(msg, dst, num_segments=n)
    return out + b


def reference(x, edge_index, W1, b1, W2, b2):
    # layer 0 (dropout p=0.0 is identity; no batch_norm, no residual)
    h = _gcn_conv(x, edge_index, W1, b1)
    h = jax.nn.relu(h)
    # final layer
    out = _gcn_conv(h, edge_index, W2, b2)
    return out

if __name__ == "__main__":
    import jax
    _d = setup_inputs()
    print(jax.jit(kernel)(*tuple(_d.values())))

</pallas_src>

<mosaic_0001>
#map = affine_map<(d0, d1) -> (0, 0)>
#map1 = affine_map<(d0, d1) -> (0, 0, 0, 0)>
#map2 = affine_map<(d0, d1) -> (0, 0, 0)>
module attributes {stable_mosaic.version = 14 : i64} {
  func.func @prop_kernel(%arg0: i32, %arg1: i32, %arg2: memref<10240x128xf32, #tpu.memory_space<hbm>>, %arg3: memref<32x10x8x128xi32, #tpu.memory_space<hbm>>, %arg4: memref<32x10x8x128xi32, #tpu.memory_space<hbm>>, %arg5: memref<10240x128xf32, #tpu.memory_space<hbm>>, %arg6: memref<2x10240x128xf32, #tpu.memory_space<hbm>>, %arg7: memref<8x128xi32, #tpu.memory_space<vmem>>, %arg8: memref<8x128xi32, #tpu.memory_space<vmem>>, %arg9: memref<8x128xi32, #tpu.memory_space<vmem>>, %arg10: memref<8x128xi32, #tpu.memory_space<vmem>>, %arg11: memref<128x128xf32, #tpu.memory_space<vmem>>, %arg12: memref<128x128xf32, #tpu.memory_space<vmem>>, %arg13: memref<10240x128xf32, #tpu.memory_space<vmem_shared>>, %arg14: memref<!tpu.dma_semaphore, #tpu.memory_space<semaphore_mem>>, %arg15: memref<!tpu.dma_semaphore, #tpu.memory_space<semaphore_mem>>, %arg16: memref<!tpu.dma_semaphore, #tpu.memory_space<semaphore_mem>>, %arg17: memref<!tpu.dma_semaphore, #tpu.memory_space<semaphore_mem>>) attributes {dimension_semantics = [#tpu.dimension_semantics<core_parallel>, #tpu.dimension_semantics<subcore_parallel>], iteration_bounds = array<i64: 2, 16>, scalar_prefetch = 0 : i64, scratch_operands = 11 : i64, tpu.core_type = #tpu.core_type<sc_vector_subcore>, window_params = [{transform_indices = #map}, {transform_indices = #map1}, {transform_indices = #map1}, {transform_indices = #map}, {transform_indices = #map2}]} {
    %mul3A = arith.constant 2 : i32
    %mul3A_0 = arith.muli %arg1, %mul3A : i32
    %add3A = arith.addi %mul3A_0, %arg0 : i32
    %mul3A_1 = arith.constant 640 : i32
    %mul3A_2 = arith.muli %arg1, %mul3A_1 : i32
    %dma_start3A = arith.constant 0 : i32
    %dma_start3A_3 = arith.constant 0 : i32
    %dma_start3A_4 = arith.constant 0 : i32
    %dma_start3A_5 = tpu.memref_slice %arg3[%add3A, %dma_start3A, %dma_start3A_3, %dma_start3A_4] : memref<32x10x8x128xi32, #tpu.memory_space<hbm>> -> memref<1x1x8x128xi32, #tpu.memory_space<hbm>>
    %dma_start3A_6 = tpu.memref_squeeze %dma_start3A_5 : memref<1x1x8x128xi32, #tpu.memory_space<hbm>> -> memref<8x128xi32, #tpu.memory_space<hbm>>
    %dma_start3A_7 = arith.constant 0 : i32
    %dma_start3A_8 = arith.constant 0 : i32
    %dma_start3A_9 = tpu.memref_slice %arg3[%add3A, %dma_start3A, %dma_start3A_7, %dma_start3A_8] : memref<32x10x8x128xi32, #tpu.memory_space<hbm>> -> memref<1x1x8x128xi32, #tpu.memory_space<hbm>>
    %dma_start3A_10 = tpu.memref_squeeze %dma_start3A_9 : memref<1x1x8x128xi32, #tpu.memory_space<hbm>> -> memref<8x128xi32, #tpu.memory_space<hbm>>
    tpu.enqueue_dma source(%dma_start3A_10 : memref<8x128xi32, #tpu.memory_space<hbm>>) target(%arg7 : memref<8x128xi32, #tpu.memory_space<vmem>>) target_semaphore(%arg14 : memref<!tpu.dma_semaphore, #tpu.memory_space<semaphore_mem>>)
    %dma_start3A_11 = arith.constant 0 : i32
    %dma_start3A_12 = arith.constant 0 : i32
    %dma_start3A_13 = arith.constant 0 : i32
    %dma_start3A_14 = tpu.memref_slice %arg4[%add3A, %dma_start3A_11, %dma_start3A_12, %dma_start3A_13] : memref<32x10x8x128xi32, #tpu.memory_space<hbm>> -> memref<1x1x8x128xi32, #tpu.memory_space<hbm>>
    %dma_start3A_15 = tpu.memref_squeeze %dma_start3A_14 : memref<1x1x8x128xi32, #tpu.memory_space<hbm>> -> memref<8x128xi32, #tpu.memory_space<hbm>>
    %dma_start3A_16 = arith.constant 0 : i32
    %dma_start3A_17 = arith.constant 0 : i32
    %dma_start3A_18 = tpu.memref_slice %arg4[%add3A, %dma_start3A_11, %dma_start3A_16, %dma_start3A_17] : memref<32x10x8x128xi32, #tpu.memory_space<hbm>> -> memref<1x1x8x128xi32, #tpu.memory_space<hbm>>
    %dma_start3A_19 = tpu.memref_squeeze %dma_start3A_18 : memref<1x1x8x128xi32, #tpu.memory_space<hbm>> -> memref<8x128xi32, #tpu.memory_space<hbm>>
    tpu.enqueue_dma source(%dma_start3A_19 : memref<8x128xi32, #tpu.memory_space<hbm>>) target(%arg8 : memref<8x128xi32, #tpu.memory_space<vmem>>) target_semaphore(%arg14 : memref<!tpu.dma_semaphore, #tpu.memory_space<semaphore_mem>>)
    %dma_start3A_20 = arith.constant 1 : i32
    %dma_start3A_21 = arith.constant 0 : i32
    %dma_start3A_22 = arith.constant 0 : i32
    %dma_start3A_23 = tpu.memref_slice %arg3[%add3A, %dma_start3A_20, %dma_start3A_21, %dma_start3A_22] : memref<32x10x8x128xi32, #tpu.memory_space<hbm>> -> memref<1x1x8x128xi32, #tpu.memory_space<hbm>>
    %dma_start3A_24 = tpu.memref_squeeze %dma_start3A_23 : memref<1x1x8x128xi32, #tpu.memory_space<hbm>> -> memref<8x128xi32, #tpu.memory_space<hbm>>
    %dma_start3A_25 = arith.constant 0 : i32
    %dma_start3A_26 = arith.constant 0 : i32
    %dma_start3A_27 = tpu.memref_slice %arg3[%add3A, %dma_start3A_20, %dma_start3A_25, %dma_start3A_26] : memref<32x10x8x128xi32, #tpu.memory_space<hbm>> -> memref<1x1x8x128xi32, #tpu.memory_space<hbm>>
    %dma_start3A_28 = tpu.memref_squeeze %dma_start3A_27 : memref<1x1x8x128xi32, #tpu.memory_space<hbm>> -> memref<8x128xi32, #tpu.memory_space<hbm>>
    tpu.enqueue_dma source(%dma_start3A_28 : memref<8x128xi32, #tpu.memory_space<hbm>>) target(%arg9 : memref<8x128xi32, #tpu.memory_space<vmem>>) target_semaphore(%arg15 : memref<!tpu.dma_semaphore, #tpu.memory_space<semaphore_mem>>)
    %dma_start3A_29 = arith.constant 1 : i32
    %dma_start3A_30 = arith.constant 0 : i32
    %dma_start3A_31 = arith.constant 0 : i32
    %dma_start3A_32 = tpu.memref_slice %arg4[%add3A, %dma_start3A_29, %dma_start3A_30, %dma_start3A_31] : memref<32x10x8x128xi32, #tpu.memory_space<hbm>> -> memref<1x1x8x128xi32, #tpu.memory_space<hbm>>
    %dma_start3A_33 = tpu.memref_squeeze %dma_start3A_32 : memref<1x1x8x128xi32, #tpu.memory_space<hbm>> -> memref<8x128xi32, #tpu.memory_space<hbm>>
    %dma_start3A_34 = arith.constant 0 : i32
    %dma_start3A_35 = arith.constant 0 : i32
    %dma_start3A_36 = tpu.memref_slice %arg4[%add3A, %dma_start3A_29, %dma_start3A_34, %dma_start3A_35] : memref<32x10x8x128xi32, #tpu.memory_space<hbm>> -> memref<1x1x8x128xi32, #tpu.memory_space<hbm>>
    %dma_start3A_37 = tpu.memref_squeeze %dma_start3A_36 : memref<1x1x8x128xi32, #tpu.memory_space<hbm>> -> memref<8x128xi32, #tpu.memory_space<hbm>>
    tpu.enqueue_dma source(%dma_start3A_37 : memref<8x128xi32, #tpu.memory_space<hbm>>) target(%arg10 : memref<8x128xi32, #tpu.memory_space<vmem>>) target_semaphore(%arg15 : memref<!tpu.dma_semaphore, #tpu.memory_space<semaphore_mem>>)
    "tpu.region"() ({
      %run_scoped3A_302 = tpu.sem_alloc : memref<!tpu.dma_semaphore, #tpu.memory_space<semaphore_mem>>
      %dma_start3A_303 = arith.constant 0 : i32
      %dma_start3A_304 = tpu.memref_slice %arg13[%mul3A_2, %dma_start3A_303] : memref<10240x128xf32, #tpu.memory_space<vmem_shared>> -> memref<640x128xf32, #tpu.memory_space<vmem_shared>>
      %dma_start3A_305 = arith.constant 0 : i32
      %dma_start3A_306 = tpu.memref_slice %arg5[%mul3A_2, %dma_start3A_305] : memref<10240x128xf32, #tpu.memory_space<hbm>> -> memref<640x128xf32, #tpu.memory_space<hbm>>
      tpu.enqueue_dma source(%dma_start3A_306 : memref<640x128xf32, #tpu.memory_space<hbm>>) target(%dma_start3A_304 : memref<640x128xf32, #tpu.memory_space<vmem_shared>>) target_semaphore(%run_scoped3A_302 : memref<!tpu.dma_semaphore, #tpu.memory_space<semaphore_mem>>)
      %dma_wait3A_307 = arith.constant 0 : i32
      %dma_wait3A_308 = tpu.memref_slice %arg13[%mul3A_2, %dma_wait3A_307] : memref<10240x128xf32, #tpu.memory_space<vmem_shared>> -> memref<640x128xf32, #tpu.memory_space<vmem_shared>>
      %dma_wait3A_309 = arith.constant 0 : i32
      %dma_wait3A_310 = tpu.memref_slice %arg5[%mul3A_2, %dma_wait3A_309] : memref<10240x128xf32, #tpu.memory_space<hbm>> -> memref<640x128xf32, #tpu.memory_space<hbm>>
      tpu.wait_dma2 semaphore(%run_scoped3A_302 : memref<!tpu.dma_semaphore, #tpu.memory_space<semaphore_mem>>) src(%dma_wait3A_310 : memref<640x128xf32, #tpu.memory_space<hbm>>) dst(%dma_wait3A_308 : memref<640x128xf32, #tpu.memory_space<vmem_shared>>)
      tpu.yield
    }) : () -> ()
    %barrier3A = arith.constant 0 : index
    tpu.barrier barrier_id(%barrier3A)
    %dma_wait3A = arith.constant 0 : i32
    %dma_wait3A_38 = arith.constant 0 : i32
    %dma_wait3A_39 = arith.constant 0 : i32
    %dma_wait3A_40 = tpu.memref_slice %arg3[%add3A, %dma_wait3A, %dma_wait3A_38, %dma_wait3A_39] : memref<32x10x8x128xi32, #tpu.memory_space<hbm>> -> memref<1x1x8x128xi32, #tpu.memory_space<hbm>>
    %dma_wait3A_41 = tpu.memref_squeeze %dma_wait3A_40 : memref<1x1x8x128xi32, #tpu.memory_space<hbm>> -> memref<8x128xi32, #tpu.memory_space<hbm>>
    %dma_wait3A_42 = arith.constant 0 : i32
    %dma_wait3A_43 = arith.constant 0 : i32
    %dma_wait3A_44 = tpu.memref_slice %arg3[%add3A, %dma_wait3A, %dma_wait3A_42, %dma_wait3A_43] : memref<32x10x8x128xi32, #tpu.memory_space<hbm>> -> memref<1x1x8x128xi32, #tpu.memory_space<hbm>>
    %dma_wait3A_45 = tpu.memref_squeeze %dma_wait3A_44 : memref<1x1x8x128xi32, #tpu.memory_space<hbm>> -> memref<8x128xi32, #tpu.memory_space<hbm>>
    tpu.wait_dma2 semaphore(%arg14 : memref<!tpu.dma_semaphore, #tpu.memory_space<semaphore_mem>>) src(%dma_wait3A_45 : memref<8x128xi32, #tpu.memory_space<hbm>>) dst(%arg7 : memref<8x128xi32, #tpu.memory_space<vmem>>)
    %dma_wait3A_46 = arith.constant 0 : i32
    %dma_wait3A_47 = arith.constant 0 : i32
    %dma_wait3A_48 = arith.constant 0 : i32
    %dma_wait3A_49 = tpu.memref_slice %arg4[%add3A, %dma_wait3A_46, %dma_wait3A_47, %dma_wait3A_48] : memref<32x10x8x128xi32, #tpu.memory_space<hbm>> -> memref<1x1x8x128xi32, #tpu.memory_space<hbm>>
    %dma_wait3A_50 = tpu.memref_squeeze %dma_wait3A_49 : memref<1x1x8x128xi32, #tpu.memory_space<hbm>> -> memref<8x128xi32, #tpu.memory_space<hbm>>
    %dma_wait3A_51 = arith.constant 0 : i32
    %dma_wait3A_52 = arith.constant 0 : i32
    %dma_wait3A_53 = tpu.memref_slice %arg4[%add3A, %dma_wait3A_46, %dma_wait3A_51, %dma_wait3A_52] : memref<32x10x8x128xi32, #tpu.memory_space<hbm>> -> memref<1x1x8x128xi32, #tpu.memory_space<hbm>>
    %dma_wait3A_54 = tpu.memref_squeeze %dma_wait3A_53 : memref<1x1x8x128xi32, #tpu.memory_space<hbm>> -> memref<8x128xi32, #tpu.memory_space<hbm>>
    tpu.wait_dma2 semaphore(%arg14 : memref<!tpu.dma_semaphore, #tpu.memory_space<semaphore_mem>>) src(%dma_wait3A_54 : memref<8x128xi32, #tpu.memory_space<hbm>>) dst(%arg8 : memref<8x128xi32, #tpu.memory_space<vmem>>)
    %dma_start3A_55 = arith.constant 0 : i32
    %dma_start3A_56 = arith.constant 0 : i32
    %dma_start3A_57 = tpu.memref_slice %arg7[%dma_start3A_55, %dma_start3A_56] : memref<8x128xi32, #tpu.memory_space<vmem>> -> memref<1x128xi32, #tpu.memory_space<vmem>>
    %dma_start3A_58 = tpu.memref_squeeze %dma_start3A_57 : memref<1x128xi32, #tpu.memory_space<vmem>> -> memref<128xi32, #tpu.memory_space<vmem>>
    %dma_start3A_59 = arith.constant 0 : i32
    %dma_start3A_60 = arith.constant 0 : i32
    %dma_start3A_61 = tpu.memref_slice %arg2[%dma_start3A_59, %dma_start3A_60] : memref<10240x128xf32, #tpu.memory_space<hbm>> -> memref<10240x128xf32, #tpu.memory_space<hbm>>
    tpu.enqueue_indirect_dma source(%dma_start3A_61 : memref<10240x128xf32, #tpu.memory_space<hbm>>) target(%arg11 : memref<128x128xf32, #tpu.memory_space<vmem>>) offsets(%dma_start3A_58 : memref<128xi32, #tpu.memory_space<vmem>>) semaphore(%arg16 : memref<!tpu.dma_semaphore, #tpu.memory_space<semaphore_mem>>)
    %scan3A = arith.constant 0 : i32
    %scan3A_62 = arith.constant 0 : i32
    %scan3A_63 = arith.constant 4 : i32
    %scan3A_64 = arith.addi %scan3A_62, %scan3A_63 : i32
    %scan3A_65 = arith.constant 1 : i32
    scf.for %scan3A_302 = %scan3A_62 to %scan3A_64 step %scan3A_65  : i32 {
      %dma_wait3A_303 = arith.constant 0 : i32
      %dma_wait3A_304 = arith.constant 0 : i32
      %dma_wait3A_305 = tpu.memref_slice %arg2[%dma_wait3A_303, %dma_wait3A_304] : memref<10240x128xf32, #tpu.memory_space<hbm>> -> memref<128x128xf32, #tpu.memory_space<hbm>>
      %dma_wait3A_306 = arith.constant 0 : i32
      %dma_wait3A_307 = arith.constant 0 : i32
      %dma_wait3A_308 = tpu.memref_slice %arg2[%dma_wait3A_306, %dma_wait3A_307] : memref<10240x128xf32, #tpu.memory_space<hbm>> -> memref<128x128xf32, #tpu.memory_space<hbm>>
      tpu.wait_dma2 semaphore(%arg16 : memref<!tpu.dma_semaphore, #tpu.memory_space<semaphore_mem>>) src(%dma_wait3A_308 : memref<128x128xf32, #tpu.memory_space<hbm>>) dst(%arg11 : memref<128x128xf32, #tpu.memory_space<vmem>>)
      %dma_start3A_309 = arith.constant 1 : i32
      %dma_start3A_310 = arith.constant 0 : i32
      %dma_start3A_311 = tpu.memref_slice %arg7[%dma_start3A_309, %dma_start3A_310] : memref<8x128xi32, #tpu.memory_space<vmem>> -> memref<1x128xi32, #tpu.memory_space<vmem>>
      %dma_start3A_312 = tpu.memref_squeeze %dma_start3A_311 : memref<1x128xi32, #tpu.memory_space<vmem>> -> memref<128xi32, #tpu.memory_space<vmem>>
      %dma_start3A_313 = arith.constant 0 : i32
      %dma_start3A_314 = arith.constant 0 : i32
      %dma_start3A_315 = tpu.memref_slice %arg2[%dma_start3A_313, %dma_start3A_314] : memref<10240x128xf32, #tpu.memory_space<hbm>> -> memref<10240x128xf32, #tpu.memory_space<hbm>>
      tpu.enqueue_indirect_dma source(%dma_start3A_315 : memref<10240x128xf32, #tpu.memory_space<hbm>>) target(%arg12 : memref<128x128xf32, #tpu.memory_space<vmem>>) offsets(%dma_start3A_312 : memref<128xi32, #tpu.memory_space<vmem>>) semaphore(%arg17 : memref<!tpu.dma_semaphore, #tpu.memory_space<semaphore_mem>>)
      %run_scoped3A_316 = arith.constant 0 : i32
      "tpu.region"() ({
        %run_scoped3A_607 = tpu.sem_alloc : memref<!tpu.dma_semaphore, #tpu.memory_space<semaphore_mem>>
        %dma_start3A_608 = arith.constant 0 : i32
        %dma_start3A_609 = tpu.memref_slice %arg8[%run_scoped3A_316, %dma_start3A_608] : memref<8x128xi32, #tpu.memory_space<vmem>> -> memref<1x128xi32, #tpu.memory_space<vmem>>
        %dma_start3A_610 = tpu.memref_squeeze %dma_start3A_609 : memref<1x128xi32, #tpu.memory_space<vmem>> -> memref<128xi32, #tpu.memory_space<vmem>>
        %dma_start3A_611 = arith.constant 0 : i32
        %dma_start3A_612 = arith.constant 0 : i32
        %dma_start3A_613 = tpu.memref_slice %arg13[%dma_start3A_611, %dma_start3A_612] : memref<10240x128xf32, #tpu.memory_space<vmem_shared>> -> memref<10240x128xf32, #tpu.memory_space<vmem_shared>>
        tpu.enqueue_indirect_dma source(%arg11 : memref<128x128xf32, #tpu.memory_space<vmem>>) target(%dma_start3A_613 : memref<10240x128xf32, #tpu.memory_space<vmem_shared>>) offsets(%dma_start3A_610 : memref<128xi32, #tpu.memory_space<vmem>>) semaphore(%run_scoped3A_607 : memref<!tpu.dma_semaphore, #tpu.memory_space<semaphore_mem>>) {add = true}
        %dma_wait3A_614 = arith.constant 0 : i32
        %dma_wait3A_615 = tpu.memref_slice %arg8[%run_scoped3A_316, %dma_wait3A_614] : memref<8x128xi32, #tpu.memory_space<vmem>> -> memref<1x128xi32, #tpu.memory_space<vmem>>
        %dma_wait3A_616 = tpu.memref_squeeze %dma_wait3A_615 : memref<1x128xi32, #tpu.memory_space<vmem>> -> memref<128xi32, #tpu.memory_space<vmem>>
        %dma_wait3A_617 = arith.constant 0 : i32
        %dma_wait3A_618 = arith.constant 0 : i32
        %dma_wait3A_619 = tpu.memref_slice %arg13[%dma_wait3A_617, %dma_wait3A_618] : memref<10240x128xf32, #tpu.memory_space<vmem_shared>> -> memref<10240x128xf32, #tpu.memory_space<vmem_shared>>
        tpu.wait_indirect_dma semaphore(%run_scoped3A_607 : memref<!tpu.dma_semaphore, #tpu.memory_space<semaphore_mem>>) src(%arg11 : memref<128x128xf32, #tpu.memory_space<vmem>>) dst(%dma_wait3A_619 : memref<10240x128xf32, #tpu.memory_space<vmem_shared>>)
        tpu.yield
      }) : () -> ()
      %dma_wait3A_317 = arith.constant 0 : i32
      %dma_wait3A_318 = arith.constant 0 : i32
      %dma_wait3A_319 = tpu.memref_slice %arg2[%dma_wait3A_317, %dma_wait3A_318] : memref<10240x128xf32, #tpu.memory_space<hbm>> -> memref<128x128xf32, #tpu.memory_space<hbm>>
      %dma_wait3A_320 = arith.constant 0 : i32
      %dma_wait3A_321 = arith.constant 0 : i32
      %dma_wait3A_322 = tpu.memref_slice %arg2[%dma_wait3A_320, %dma_wait3A_321] : memref<10240x128xf32, #tpu.memory_space<hbm>> -> memref<128x128xf32, #tpu.memory_space<hbm>>
      tpu.wait_dma2 semaphore(%arg17 : memref<!tpu.dma_semaphore, #tpu.memory_space<semaphore_mem>>) src(%dma_wait3A_322 : memref<128x128xf32, #tpu.memory_space<hbm>>) dst(%arg12 : memref<128x128xf32, #tpu.memory_space<vmem>>)
      %dma_start3A_323 = arith.constant 2 : i32
      %dma_start3A_324 = arith.constant 0 : i32
      %dma_start3A_325 = tpu.memref_slice %arg7[%dma_start3A_323, %dma_start3A_324] : memref<8x128xi32, #tpu.memory_space<vmem>> -> memref<1x128xi32, #tpu.memory_space<vmem>>
      %dma_start3A_326 = tpu.memref_squeeze %dma_start3A_325 : memref<1x128xi32, #tpu.memory_space<vmem>> -> memref<128xi32, #tpu.memory_space<vmem>>
      %dma_start3A_327 = arith.constant 0 : i32
      %dma_start3A_328 = arith.constant 0 : i32
      %dma_start3A_329 = tpu.memref_slice %arg2[%dma_start3A_327, %dma_start3A_328] : memref<10240x128xf32, #tpu.memory_space<hbm>> -> memref<10240x128xf32, #tpu.memory_space<hbm>>
      tpu.enqueue_indirect_dma source(%dma_start3A_329 : memref<10240x128xf32, #tpu.memory_space<hbm>>) target(%arg11 : memref<128x128xf32, #tpu.memory_space<vmem>>) offsets(%dma_start3A_326 : memref<128xi32, #tpu.memory_space<vmem>>) semaphore(%arg16 : memref<!tpu.dma_semaphore, #tpu.memory_space<semaphore_mem>>)
      %run_scoped3A_330 = arith.constant 1 : i32
      "tpu.region"() ({
        %run_scoped3A_607 = tpu.sem_alloc : memref<!tpu.dma_semaphore, #tpu.memory_space<semaphore_mem>>
        %dma_start3A_608 = arith.constant 0 : i32
        %dma_start3A_609 = tpu.memref_slice %arg8[%run_scoped3A_330, %dma_start3A_608] : memref<8x128xi32, #tpu.memory_space<vmem>> -> memref<1x128xi32, #tpu.memory_space<vmem>>
        %dma_start3A_610 = tpu.memref_squeeze %dma_start3A_609 : memref<1x128xi32, #tpu.memory_space<vmem>> -> memref<128xi32, #tpu.memory_space<vmem>>
        %dma_start3A_611 = arith.constant 0 : i32
        %dma_start3A_612 = arith.constant 0 : i32
        %dma_start3A_613 = tpu.memref_slice %arg13[%dma_start3A_611, %dma_start3A_612] : memref<10240x128xf32, #tpu.memory_space<vmem_shared>> -> memref<10240x128xf32, #tpu.memory_space<vmem_shared>>
        tpu.enqueue_indirect_dma source(%arg12 : memref<128x128xf32, #tpu.memory_space<vmem>>) target(%dma_start3A_613 : memref<10240x128xf32, #tpu.memory_space<vmem_shared>>) offsets(%dma_start3A_610 : memref<128xi32, #tpu.memory_space<vmem>>) semaphore(%run_scoped3A_607 : memref<!tpu.dma_semaphore, #tpu.memory_space<semaphore_mem>>) {add = true}
        %dma_wait3A_614 = arith.constant 0 : i32
        %dma_wait3A_615 = tpu.memref_slice %arg8[%run_scoped3A_330, %dma_wait3A_614] : memref<8x128xi32, #tpu.memory_space<vmem>> -> memref<1x128xi32, #tpu.memory_space<vmem>>
        %dma_wait3A_616 = tpu.memref_squeeze %dma_wait3A_615 : memref<1x128xi32, #tpu.memory_space<vmem>> -> memref<128xi32, #tpu.memory_space<vmem>>
        %dma_wait3A_617 = arith.constant 0 : i32
        %dma_wait3A_618 = arith.constant 0 : i32
        %dma_wait3A_619 = tpu.memref_slice %arg13[%dma_wait3A_617, %dma_wait3A_618] : memref<10240x128xf32, #tpu.memory_space<vmem_shared>> -> memref<10240x128xf32, #tpu.memory_space<vmem_shared>>
        tpu.wait_indirect_dma semaphore(%run_scoped3A_607 : memref<!tpu.dma_semaphore, #tpu.memory_space<semaphore_mem>>) src(%arg12 : memref<128x128xf32, #tpu.memory_space<vmem>>) dst(%dma_wait3A_619 : memref<10240x128xf32, #tpu.memory_space<vmem_shared>>)
        tpu.yield
      }) : () -> ()
      %dma_wait3A_331 = arith.constant 0 : i32
      %dma_wait3A_332 = arith.constant 0 : i32
      %dma_wait3A_333 = tpu.memref_slice %arg2[%dma_wait3A_331, %dma_wait3A_332] : memref<10240x128xf32, #tpu.memory_space<hbm>> -> memref<128x128xf32, #tpu.memory_space<hbm>>
      %dma_wait3A_334 = arith.constant 0 : i32
      %dma_wait3A_335 = arith.constant 0 : i32
      %dma_wait3A_336 = tpu.memref_slice %arg2[%dma_wait3A_334, %dma_wait3A_335] : memref<10240x128xf32, #tpu.memory_space<hbm>> -> memref<128x128xf32, #tpu.memory_space<hbm>>
      tpu.wait_dma2 semaphore(%arg16 : memref<!tpu.dma_semaphore, #tpu.memory_space<semaphore_mem>>) src(%dma_wait3A_336 : memref<128x128xf32, #tpu.memory_space<hbm>>) dst(%arg11 : memref<128x128xf32, #tpu.memory_space<vmem>>)
      %dma_start3A_337 = arith.constant 3 : i32
      %dma_start3A_338 = arith.constant 0 : i32
      %dma_start3A_339 = tpu.memref_slice %arg7[%dma_start3A_337, %dma_start3A_338] : memref<8x128xi32, #tpu.memory_space<vmem>> -> memref<1x128xi32, #tpu.memory_space<vmem>>
      %dma_start3A_340 = tpu.memref_squeeze %dma_start3A_339 : memref<1x128xi32, #tpu.memory_space<vmem>> -> memref<128xi32, #tpu.memory_space<vmem>>
      %dma_start3A_341 = arith.constant 0 : i32
      %dma_start3A_342 = arith.constant 0 : i32
      %dma_start3A_343 = tpu.memref_slice %arg2[%dma_start3A_341, %dma_start3A_342] : memref<10240x128xf32, #tpu.memory_space<hbm>> -> memref<10240x128xf32, #tpu.memory_space<hbm>>
      tpu.enqueue_indirect_dma source(%dma_start3A_343 : memref<10240x128xf32, #tpu.memory_space<hbm>>) target(%arg12 : memref<128x128xf32, #tpu.memory_space<vmem>>) offsets(%dma_start3A_340 : memref<128xi32, #tpu.memory_space<vmem>>) semaphore(%arg17 : memref<!tpu.dma_semaphore, #tpu.memory_space<semaphore_mem>>)
      %run_scoped3A_344 = arith.constant 2 : i32
      "tpu.region"() ({
        %run_scoped3A_607 = tpu.sem_alloc : memref<!tpu.dma_semaphore, #tpu.memory_space<semaphore_mem>>
        %dma_start3A_608 = arith.constant 0 : i32
        %dma_start3A_609 = tpu.memref_slice %arg8[%run_scoped3A_344, %dma_start3A_608] : memref<8x128xi32, #tpu.memory_space<vmem>> -> memref<1x128xi32, #tpu.memory_space<vmem>>
        %dma_start3A_610 = tpu.memref_squeeze %dma_start3A_609 : memref<1x128xi32, #tpu.memory_space<vmem>> -> memref<128xi32, #tpu.memory_space<vmem>>
        %dma_start3A_611 = arith.constant 0 : i32
        %dma_start3A_612 = arith.constant 0 : i32
        %dma_start3A_613 = tpu.memref_slice %arg13[%dma_start3A_611, %dma_start3A_612] : memref<10240x128xf32, #tpu.memory_space<vmem_shared>> -> memref<10240x128xf32, #tpu.memory_space<vmem_shared>>
        tpu.enqueue_indirect_dma source(%arg11 : memref<128x128xf32, #tpu.memory_space<vmem>>) target(%dma_start3A_613 : memref<10240x128xf32, #tpu.memory_space<vmem_shared>>) offsets(%dma_start3A_610 : memref<128xi32, #tpu.memory_space<vmem>>) semaphore(%run_scoped3A_607 : memref<!tpu.dma_semaphore, #tpu.memory_space<semaphore_mem>>) {add = true}
        %dma_wait3A_614 = arith.constant 0 : i32
        %dma_wait3A_615 = tpu.memref_slice %arg8[%run_scoped3A_344, %dma_wait3A_614] : memref<8x128xi32, #tpu.memory_space<vmem>> -> memref<1x128xi32, #tpu.memory_space<vmem>>
        %dma_wait3A_616 = tpu.memref_squeeze %dma_wait3A_615 : memref<1x128xi32, #tpu.memory_space<vmem>> -> memref<128xi32, #tpu.memory_space<vmem>>
        %dma_wait3A_617 = arith.constant 0 : i32
        %dma_wait3A_618 = arith.constant 0 : i32
        %dma_wait3A_619 = tpu.memref_slice %arg13[%dma_wait3A_617, %dma_wait3A_618] : memref<10240x128xf32, #tpu.memory_space<vmem_shared>> -> memref<10240x128xf32, #tpu.memory_space<vmem_shared>>
        tpu.wait_indirect_dma semaphore(%run_scoped3A_607 : memref<!tpu.dma_semaphore, #tpu.memory_space<semaphore_mem>>) src(%arg11 : memref<128x128xf32, #tpu.memory_space<vmem>>) dst(%dma_wait3A_619 : memref<10240x128xf32, #tpu.memory_space<vmem_shared>>)
        tpu.yield
      }) : () -> ()
      %dma_wait3A_345 = arith.constant 0 : i32
      %dma_wait3A_346 = arith.constant 0 : i32
      %dma_wait3A_347 = tpu.memref_slice %arg2[%dma_wait3A_345, %dma_wait3A_346] : memref<10240x128xf32, #tpu.memory_space<hbm>> -> memref<128x128xf32, #tpu.memory_space<hbm>>
      %dma_wait3A_348 = arith.constant 0 : i32
      %dma_wait3A_349 = arith.constant 0 : i32
      %dma_wait3A_350 = tpu.memref_slice %arg2[%dma_wait3A_348, %dma_wait3A_349] : memref<10240x128xf32, #tpu.memory_space<hbm>> -> memref<128x128xf32, #tpu.memory_space<hbm>>
      tpu.wait_dma2 semaphore(%arg17 : memref<!tpu.dma_semaphore, #tpu.memory_space<semaphore_mem>>) src(%dma_wait3A_350 : memref<128x128xf32, #tpu.memory_space<hbm>>) dst(%arg12 : memref<128x128xf32, #tpu.memory_space<vmem>>)
      %dma_start3A_351 = arith.constant 4 : i32
      %dma_start3A_352 = arith.constant 0 : i32
      %dma_start3A_353 = tpu.memref_slice %arg7[%dma_start3A_351, %dma_start3A_352] : memref<8x128xi32, #tpu.memory_space<vmem>> -> memref<1x128xi32, #tpu.memory_space<vmem>>
      %dma_start3A_354 = tpu.memref_squeeze %dma_start3A_353 : memref<1x128xi32, #tpu.memory_space<vmem>> -> memref<128xi32, #tpu.memory_space<vmem>>
      %dma_start3A_355 = arith.constant 0 : i32
      %dma_start3A_356 = arith.constant 0 : i32
      %dma_start3A_357 = tpu.memref_slice %arg2[%dma_start3A_355, %dma_start3A_356] : memref<10240x128xf32, #tpu.memory_space<hbm>> -> memref<10240x128xf32, #tpu.memory_space<hbm>>
      tpu.enqueue_indirect_dma source(%dma_start3A_357 : memref<10240x128xf32, #tpu.memory_space<hbm>>) target(%arg11 : memref<128x128xf32, #tpu.memory_space<vmem>>) offsets(%dma_start3A_354 : memref<128xi32, #tpu.memory_space<vmem>>) semaphore(%arg16 : memref<!tpu.dma_semaphore, #tpu.memory_space<semaphore_mem>>)
      %run_scoped3A_358 = arith.constant 3 : i32
      "tpu.region"() ({
        %run_scoped3A_607 = tpu.sem_alloc : memref<!tpu.dma_semaphore, #tpu.memory_space<semaphore_mem>>
        %dma_start3A_608 = arith.constant 0 : i32
        %dma_start3A_609 = tpu.memref_slice %arg8[%run_scoped3A_358, %dma_start3A_608] : memref<8x128xi32, #tpu.memory_space<vmem>> -> memref<1x128xi32, #tpu.memory_space<vmem>>
        %dma_start3A_610 = tpu.memref_squeeze %dma_start3A_609 : memref<1x128xi32, #tpu.memory_space<vmem>> -> memref<128xi32, #tpu.memory_space<vmem>>
        %dma_start3A_611 = arith.constant 0 : i32
        %dma_start3A_612 = arith.constant 0 : i32
        %dma_start3A_613 = tpu.memref_slice %arg13[%dma_start3A_611, %dma_start3A_612] : memref<10240x128xf32, #tpu.memory_space<vmem_shared>> -> memref<10240x128xf32, #tpu.memory_space<vmem_shared>>
        tpu.enqueue_indirect_dma source(%arg12 : memref<128x128xf32, #tpu.memory_space<vmem>>) target(%dma_start3A_613 : memref<10240x128xf32, #tpu.memory_space<vmem_shared>>) offsets(%dma_start3A_610 : memref<128xi32, #tpu.memory_space<vmem>>) semaphore(%run_scoped3A_607 : memref<!tpu.dma_semaphore, #tpu.memory_space<semaphore_mem>>) {add = true}
        %dma_wait3A_614 = arith.constant 0 : i32
        %dma_wait3A_615 = tpu.memref_slice %arg8[%run_scoped3A_358, %dma_wait3A_614] : memref<8x128xi32, #tpu.memory_space<vmem>> -> memref<1x128xi32, #tpu.memory_space<vmem>>
        %dma_wait3A_616 = tpu.memref_squeeze %dma_wait3A_615 : memref<1x128xi32, #tpu.memory_space<vmem>> -> memref<128xi32, #tpu.memory_space<vmem>>
        %dma_wait3A_617 = arith.constant 0 : i32
        %dma_wait3A_618 = arith.constant 0 : i32
        %dma_wait3A_619 = tpu.memref_slice %arg13[%dma_wait3A_617, %dma_wait3A_618] : memref<10240x128xf32, #tpu.memory_space<vmem_shared>> -> memref<10240x128xf32, #tpu.memory_space<vmem_shared>>
        tpu.wait_indirect_dma semaphore(%run_scoped3A_607 : memref<!tpu.dma_semaphore, #tpu.memory_space<semaphore_mem>>) src(%arg12 : memref<128x128xf32, #tpu.memory_space<vmem>>) dst(%dma_wait3A_619 : memref<10240x128xf32, #tpu.memory_space<vmem_shared>>)
        tpu.yield
      }) : () -> ()
      %dma_wait3A_359 = arith.constant 0 : i32
      %dma_wait3A_360 = arith.constant 0 : i32
      %dma_wait3A_361 = tpu.memref_slice %arg2[%dma_wait3A_359, %dma_wait3A_360] : memref<10240x128xf32, #tpu.memory_space<hbm>> -> memref<128x128xf32, #tpu.memory_space<hbm>>
      %dma_wait3A_362 = arith.constant 0 : i32
      %dma_wait3A_363 = arith.constant 0 : i32
      %dma_wait3A_364 = tpu.memref_slice %arg2[%dma_wait3A_362, %dma_wait3A_363] : memref<10240x128xf32, #tpu.memory_space<hbm>> -> memref<128x128xf32, #tpu.memory_space<hbm>>
      tpu.wait_dma2 semaphore(%arg16 : memref<!tpu.dma_semaphore, #tpu.memory_space<semaphore_mem>>) src(%dma_wait3A_364 : memref<128x128xf32, #tpu.memory_space<hbm>>) dst(%arg11 : memref<128x128xf32, #tpu.memory_space<vmem>>)
      %dma_start3A_365 = arith.constant 5 : i32
      %dma_start3A_366 = arith.constant 0 : i32
      %dma_start3A_367 = tpu.memref_slice %arg7[%dma_start3A_365, %dma_start3A_366] : memref<8x128xi32, #tpu.memory_space<vmem>> -> memref<1x128xi32, #tpu.memory_space<vmem>>
      %dma_start3A_368 = tpu.memref_squeeze %dma_start3A_367 : memref<1x128xi32, #tpu.memory_space<vmem>> -> memref<128xi32, #tpu.memory_space<vmem>>
      %dma_start3A_369 = arith.constant 0 : i32
      %dma_start3A_370 = arith.constant 0 : i32
      %dma_start3A_371 = tpu.memref_slice %arg2[%dma_start3A_369, %dma_start3A_370] : memref<10240x128xf32, #tpu.memory_space<hbm>> -> memref<10240x128xf32, #tpu.memory_space<hbm>>
      tpu.enqueue_indirect_dma source(%dma_start3A_371 : memref<10240x128xf32, #tpu.memory_space<hbm>>) target(%arg12 : memref<128x128xf32, #tpu.memory_space<vmem>>) offsets(%dma_start3A_368 : memref<128xi32, #tpu.memory_space<vmem>>) semaphore(%arg17 : memref<!tpu.dma_semaphore, #tpu.memory_space<semaphore_mem>>)
      %run_scoped3A_372 = arith.constant 4 : i32
      "tpu.region"() ({
        %run_scoped3A_607 = tpu.sem_alloc : memref<!tpu.dma_semaphore, #tpu.memory_space<semaphore_mem>>
        %dma_start3A_608 = arith.constant 0 : i32
        %dma_start3A_609 = tpu.memref_slice %arg8[%run_scoped3A_372, %dma_start3A_608] : memref<8x128xi32, #tpu.memory_space<vmem>> -> memref<1x128xi32, #tpu.memory_space<vmem>>
        %dma_start3A_610 = tpu.memref_squeeze %dma_start3A_609 : memref<1x128xi32, #tpu.memory_space<vmem>> -> memref<128xi32, #tpu.memory_space<vmem>>
        %dma_start3A_611 = arith.constant 0 : i32
        %dma_start3A_612 = arith.constant 0 : i32
        %dma_start3A_613 = tpu.memref_slice %arg13[%dma_start3A_611, %dma_start3A_612] : memref<10240x128xf32, #tpu.memory_space<vmem_shared>> -> memref<10240x128xf32, #tpu.memory_space<vmem_shared>>
        tpu.enqueue_indirect_dma source(%arg11 : memref<128x128xf32, #tpu.memory_space<vmem>>) target(%dma_start3A_613 : memref<10240x128xf32, #tpu.memory_space<vmem_shared>>) offsets(%dma_start3A_610 : memref<128xi32, #tpu.memory_space<vmem>>) semaphore(%run_scoped3A_607 : memref<!tpu.dma_semaphore, #tpu.memory_space<semaphore_mem>>) {add = true}
        %dma_wait3A_614 = arith.constant 0 : i32
        %dma_wait3A_615 = tpu.memref_slice %arg8[%run_scoped3A_372, %dma_wait3A_614] : memref<8x128xi32, #tpu.memory_space<vmem>> -> memref<1x128xi32, #tpu.memory_space<vmem>>
        %dma_wait3A_616 = tpu.memref_squeeze %dma_wait3A_615 : memref<1x128xi32, #tpu.memory_space<vmem>> -> memref<128xi32, #tpu.memory_space<vmem>>
        %dma_wait3A_617 = arith.constant 0 : i32
        %dma_wait3A_618 = arith.constant 0 : i32
        %dma_wait3A_619 = tpu.memref_slice %arg13[%dma_wait3A_617, %dma_wait3A_618] : memref<10240x128xf32, #tpu.memory_space<vmem_shared>> -> memref<10240x128xf32, #tpu.memory_space<vmem_shared>>
        tpu.wait_indirect_dma semaphore(%run_scoped3A_607 : memref<!tpu.dma_semaphore, #tpu.memory_space<semaphore_mem>>) src(%arg11 : memref<128x128xf32, #tpu.memory_space<vmem>>) dst(%dma_wait3A_619 : memref<10240x128xf32, #tpu.memory_space<vmem_shared>>)
        tpu.yield
      }) : () -> ()
      %dma_wait3A_373 = arith.constant 0 : i32
      %dma_wait3A_374 = arith.constant 0 : i32
      %dma_wait3A_375 = tpu.memref_slice %arg2[%dma_wait3A_373, %dma_wait3A_374] : memref<10240x128xf32, #tpu.memory_space<hbm>> -> memref<128x128xf32, #tpu.memory_space<hbm>>
      %dma_wait3A_376 = arith.constant 0 : i32
      %dma_wait3A_377 = arith.constant 0 : i32
      %dma_wait3A_378 = tpu.memref_slice %arg2[%dma_wait3A_376, %dma_wait3A_377] : memref<10240x128xf32, #tpu.memory_space<hbm>> -> memref<128x128xf32, #tpu.memory_space<hbm>>
      tpu.wait_dma2 semaphore(%arg17 : memref<!tpu.dma_semaphore, #tpu.memory_space<semaphore_mem>>) src(%dma_wait3A_378 : memref<128x128xf32, #tpu.memory_space<hbm>>) dst(%arg12 : memref<128x128xf32, #tpu.memory_space<vmem>>)
      %dma_start3A_379 = arith.constant 6 : i32
      %dma_start3A_380 = arith.constant 0 : i32
      %dma_start3A_381 = tpu.memref_slice %arg7[%dma_start3A_379, %dma_start3A_380] : memref<8x128xi32, #tpu.memory_space<vmem>> -> memref<1x128xi32, #tpu.memory_space<vmem>>
      %dma_start3A_382 = tpu.memref_squeeze %dma_start3A_381 : memref<1x128xi32, #tpu.memory_space<vmem>> -> memref<128xi32, #tpu.memory_space<vmem>>
      %dma_start3A_383 = arith.constant 0 : i32
      %dma_start3A_384 = arith.constant 0 : i32
      %dma_start3A_385 = tpu.memref_slice %arg2[%dma_start3A_383, %dma_start3A_384] : memref<10240x128xf32, #tpu.memory_space<hbm>> -> memref<10240x128xf32, #tpu.memory_space<hbm>>
      tpu.enqueue_indirect_dma source(%dma_start3A_385 : memref<10240x128xf32, #tpu.memory_space<hbm>>) target(%arg11 : memref<128x128xf32, #tpu.memory_space<vmem>>) offsets(%dma_start3A_382 : memref<128xi32, #tpu.memory_space<vmem>>) semaphore(%arg16 : memref<!tpu.dma_semaphore, #tpu.memory_space<semaphore_mem>>)
      %run_scoped3A_386 = arith.constant 5 : i32
      "tpu.region"() ({
        %run_scoped3A_607 = tpu.sem_alloc : memref<!tpu.dma_semaphore, #tpu.memory_space<semaphore_mem>>
        %dma_start3A_608 = arith.constant 0 : i32
        %dma_start3A_609 = tpu.memref_slice %arg8[%run_scoped3A_386, %dma_start3A_608] : memref<8x128xi32, #tpu.memory_space<vmem>> -> memref<1x128xi32, #tpu.memory_space<vmem>>
        %dma_start3A_610 = tpu.memref_squeeze %dma_start3A_609 : memref<1x128xi32, #tpu.memory_space<vmem>> -> memref<128xi32, #tpu.memory_space<vmem>>
        %dma_start3A_611 = arith.constant 0 : i32
        %dma_start3A_612 = arith.constant 0 : i32
        %dma_start3A_613 = tpu.memref_slice %arg13[%dma_start3A_611, %dma_start3A_612] : memref<10240x128xf32, #tpu.memory_space<vmem_shared>> -> memref<10240x128xf32, #tpu.memory_space<vmem_shared>>
        tpu.enqueue_indirect_dma source(%arg12 : memref<128x128xf32, #tpu.memory_space<vmem>>) target(%dma_start3A_613 : memref<10240x128xf32, #tpu.memory_space<vmem_shared>>) offsets(%dma_start3A_610 : memref<128xi32, #tpu.memory_space<vmem>>) semaphore(%run_scoped3A_607 : memref<!tpu.dma_semaphore, #tpu.memory_space<semaphore_mem>>) {add = true}
        %dma_wait3A_614 = arith.constant 0 : i32
        %dma_wait3A_615 = tpu.memref_slice %arg8[%run_scoped3A_386, %dma_wait3A_614] : memref<8x128xi32, #tpu.memory_space<vmem>> -> memref<1x128xi32, #tpu.memory_space<vmem>>
        %dma_wait3A_616 = tpu.memref_squeeze %dma_wait3A_615 : memref<1x128xi32, #tpu.memory_space<vmem>> -> memref<128xi32, #tpu.memory_space<vmem>>
        %dma_wait3A_617 = arith.constant 0 : i32
        %dma_wait3A_618 = arith.constant 0 : i32
        %dma_wait3A_619 = tpu.memref_slice %arg13[%dma_wait3A_617, %dma_wait3A_618] : memref<10240x128xf32, #tpu.memory_space<vmem_shared>> -> memref<10240x128xf32, #tpu.memory_space<vmem_shared>>
        tpu.wait_indirect_dma semaphore(%run_scoped3A_607 : memref<!tpu.dma_semaphore, #tpu.memory_space<semaphore_mem>>) src(%arg12 : memref<128x128xf32, #tpu.memory_space<vmem>>) dst(%dma_wait3A_619 : memref<10240x128xf32, #tpu.memory_space<vmem_shared>>)
        tpu.yield
      }) : () -> ()
      %dma_wait3A_387 = arith.constant 0 : i32
      %dma_wait3A_388 = arith.constant 0 : i32
      %dma_wait3A_389 = tpu.memref_slice %arg2[%dma_wait3A_387, %dma_wait3A_388] : memref<10240x128xf32, #tpu.memory_space<hbm>> -> memref<128x128xf32, #tpu.memory_space<hbm>>
      %dma_wait3A_390 = arith.constant 0 : i32
      %dma_wait3A_391 = arith.constant 0 : i32
      %dma_wait3A_392 = tpu.memref_slice %arg2[%dma_wait3A_390, %dma_wait3A_391] : memref<10240x128xf32, #tpu.memory_space<hbm>> -> memref<128x128xf32, #tpu.memory_space<hbm>>
      tpu.wait_dma2 semaphore(%arg16 : memref<!tpu.dma_semaphore, #tpu.memory_space<semaphore_mem>>) src(%dma_wait3A_392 : memref<128x128xf32, #tpu.memory_space<hbm>>) dst(%arg11 : memref<128x128xf32, #tpu.memory_space<vmem>>)
      %dma_start3A_393 = arith.constant 7 : i32
      %dma_start3A_394 = arith.constant 0 : i32
      %dma_start3A_395 = tpu.memref_slice %arg7[%dma_start3A_393, %dma_start3A_394] : memref<8x128xi32, #tpu.memory_space<vmem>> -> memref<1x128xi32, #tpu.memory_space<vmem>>
      %dma_start3A_396 = tpu.memref_squeeze %dma_start3A_395 : memref<1x128xi32, #tpu.memory_space<vmem>> -> memref<128xi32, #tpu.memory_space<vmem>>
      %dma_start3A_397 = arith.constant 0 : i32
      %dma_start3A_398 = arith.constant 0 : i32
      %dma_start3A_399 = tpu.memref_slice %arg2[%dma_start3A_397, %dma_start3A_398] : memref<10240x128xf32, #tpu.memory_space<hbm>> -> memref<10240x128xf32, #tpu.memory_space<hbm>>
      tpu.enqueue_indirect_dma source(%dma_start3A_399 : memref<10240x128xf32, #tpu.memory_space<hbm>>) target(%arg12 : memref<128x128xf32, #tpu.memory_space<vmem>>) offsets(%dma_start3A_396 : memref<128xi32, #tpu.memory_space<vmem>>) semaphore(%arg17 : memref<!tpu.dma_semaphore, #tpu.memory_space<semaphore_mem>>)
      %run_scoped3A_400 = arith.constant 6 : i32
      "tpu.region"() ({
        %run_scoped3A_607 = tpu.sem_alloc : memref<!tpu.dma_semaphore, #tpu.memory_space<semaphore_mem>>
        %dma_start3A_608 = arith.constant 0 : i32
        %dma_start3A_609 = tpu.memref_slice %arg8[%run_scoped3A_400, %dma_start3A_608] : memref<8x128xi32, #tpu.memory_space<vmem>> -> memref<1x128xi32, #tpu.memory_space<vmem>>
        %dma_start3A_610 = tpu.memref_squeeze %dma_start3A_609 : memref<1x128xi32, #tpu.memory_space<vmem>> -> memref<128xi32, #tpu.memory_space<vmem>>
        %dma_start3A_611 = arith.constant 0 : i32
        %dma_start3A_612 = arith.constant 0 : i32
        %dma_start3A_613 = tpu.memref_slice %arg13[%dma_start3A_611, %dma_start3A_612] : memref<10240x128xf32, #tpu.memory_space<vmem_shared>> -> memref<10240x128xf32, #tpu.memory_space<vmem_shared>>
        tpu.enqueue_indirect_dma source(%arg11 : memref<128x128xf32, #tpu.memory_space<vmem>>) target(%dma_start3A_613 : memref<10240x128xf32, #tpu.memory_space<vmem_shared>>) offsets(%dma_start3A_610 : memref<128xi32, #tpu.memory_space<vmem>>) semaphore(%run_scoped3A_607 : memref<!tpu.dma_semaphore, #tpu.memory_space<semaphore_mem>>) {add = true}
        %dma_wait3A_614 = arith.constant 0 : i32
        %dma_wait3A_615 = tpu.memref_slice %arg8[%run_scoped3A_400, %dma_wait3A_614] : memref<8x128xi32, #tpu.memory_space<vmem>> -> memref<1x128xi32, #tpu.memory_space<vmem>>
        %dma_wait3A_616 = tpu.memref_squeeze %dma_wait3A_615 : memref<1x128xi32, #tpu.memory_space<vmem>> -> memref<128xi32, #tpu.memory_space<vmem>>
        %dma_wait3A_617 = arith.constant 0 : i32
        %dma_wait3A_618 = arith.constant 0 : i32
        %dma_wait3A_619 = tpu.memref_slice %arg13[%dma_wait3A_617, %dma_wait3A_618] : memref<10240x128xf32, #tpu.memory_space<vmem_shared>> -> memref<10240x128xf32, #tpu.memory_space<vmem_shared>>
        tpu.wait_indirect_dma semaphore(%run_scoped3A_607 : memref<!tpu.dma_semaphore, #tpu.memory_space<semaphore_mem>>) src(%arg11 : memref<128x128xf32, #tpu.memory_space<vmem>>) dst(%dma_wait3A_619 : memref<10240x128xf32, #tpu.memory_space<vmem_shared>>)
        tpu.yield
      }) : () -> ()
      %dma_wait3A_401 = arith.constant 0 : i32
      %dma_wait3A_402 = arith.constant 0 : i32
      %dma_wait3A_403 = tpu.memref_slice %arg2[%dma_wait3A_401, %dma_wait3A_402] : memref<10240x128xf32, #tpu.memory_space<hbm>> -> memref<128x128xf32, #tpu.memory_space<hbm>>
      %dma_wait3A_404 = arith.constant 0 : i32
      %dma_wait3A_405 = arith.constant 0 : i32
      %dma_wait3A_406 = tpu.memref_slice %arg2[%dma_wait3A_404, %dma_wait3A_405] : memref<10240x128xf32, #tpu.memory_space<hbm>> -> memref<128x128xf32, #tpu.memory_space<hbm>>
      tpu.wait_dma2 semaphore(%arg17 : memref<!tpu.dma_semaphore, #tpu.memory_space<semaphore_mem>>) src(%dma_wait3A_406 : memref<128x128xf32, #tpu.memory_space<hbm>>) dst(%arg12 : memref<128x128xf32, #tpu.memory_space<vmem>>)
      %dma_wait3A_407 = arith.constant 0 : i32
      %dma_wait3A_408 = arith.constant 0 : i32
      %dma_wait3A_409 = arith.constant 0 : i32
      %dma_wait3A_410 = tpu.memref_slice %arg3[%add3A, %dma_wait3A_407, %dma_wait3A_408, %dma_wait3A_409] : memref<32x10x8x128xi32, #tpu.memory_space<hbm>> -> memref<1x1x8x128xi32, #tpu.memory_space<hbm>>
      %dma_wait3A_411 = tpu.memref_squeeze %dma_wait3A_410 : memref<1x1x8x128xi32, #tpu.memory_space<hbm>> -> memref<8x128xi32, #tpu.memory_space<hbm>>
      %dma_wait3A_412 = arith.constant 0 : i32
      %dma_wait3A_413 = arith.constant 0 : i32
      %dma_wait3A_414 = tpu.memref_slice %arg3[%add3A, %dma_wait3A_407, %dma_wait3A_412, %dma_wait3A_413] : memref<32x10x8x128xi32, #tpu.memory_space<hbm>> -> memref<1x1x8x128xi32, #tpu.memory_space<hbm>>
      %dma_wait3A_415 = tpu.memref_squeeze %dma_wait3A_414 : memref<1x1x8x128xi32, #tpu.memory_space<hbm>> -> memref<8x128xi32, #tpu.memory_space<hbm>>
      tpu.wait_dma2 semaphore(%arg15 : memref<!tpu.dma_semaphore, #tpu.memory_space<semaphore_mem>>) src(%dma_wait3A_415 : memref<8x128xi32, #tpu.memory_space<hbm>>) dst(%arg9 : memref<8x128xi32, #tpu.memory_space<vmem>>)
      %dma_wait3A_416 = arith.constant 0 : i32
      %dma_wait3A_417 = arith.constant 0 : i32
      %dma_wait3A_418 = arith.constant 0 : i32
      %dma_wait3A_419 = tpu.memref_slice %arg4[%add3A, %dma_wait3A_416, %dma_wait3A_417, %dma_wait3A_418] : memref<32x10x8x128xi32, #tpu.memory_space<hbm>> -> memref<1x1x8x128xi32, #tpu.memory_space<hbm>>
      %dma_wait3A_420 = tpu.memref_squeeze %dma_wait3A_419 : memref<1x1x8x128xi32, #tpu.memory_space<hbm>> -> memref<8x128xi32, #tpu.memory_space<hbm>>
      %dma_wait3A_421 = arith.constant 0 : i32
      %dma_wait3A_422 = arith.constant 0 : i32
      %dma_wait3A_423 = tpu.memref_slice %arg4[%add3A, %dma_wait3A_416, %dma_wait3A_421, %dma_wait3A_422] : memref<32x10x8x128xi32, #tpu.memory_space<hbm>> -> memref<1x1x8x128xi32, #tpu.memory_space<hbm>>
      %dma_wait3A_424 = tpu.memref_squeeze %dma_wait3A_423 : memref<1x1x8x128xi32, #tpu.memory_space<hbm>> -> memref<8x128xi32, #tpu.memory_space<hbm>>
      tpu.wait_dma2 semaphore(%arg15 : memref<!tpu.dma_semaphore, #tpu.memory_space<semaphore_mem>>) src(%dma_wait3A_424 : memref<8x128xi32, #tpu.memory_space<hbm>>) dst(%arg10 : memref<8x128xi32, #tpu.memory_space<vmem>>)
      %dma_start3A_425 = arith.constant 0 : i32
      %dma_start3A_426 = arith.constant 0 : i32
      %dma_start3A_427 = tpu.memref_slice %arg9[%dma_start3A_425, %dma_start3A_426] : memref<8x128xi32, #tpu.memory_space<vmem>> -> memref<1x128xi32, #tpu.memory_space<vmem>>
      %dma_start3A_428 = tpu.memref_squeeze %dma_start3A_427 : memref<1x128xi32, #tpu.memory_space<vmem>> -> memref<128xi32, #tpu.memory_space<vmem>>
      %dma_start3A_429 = arith.constant 0 : i32
      %dma_start3A_430 = arith.constant 0 : i32
      %dma_start3A_431 = tpu.memref_slice %arg2[%dma_start3A_429, %dma_start3A_430] : memref<10240x128xf32, #tpu.memory_space<hbm>> -> memref<10240x128xf32, #tpu.memory_space<hbm>>
      tpu.enqueue_indirect_dma source(%dma_start3A_431 : memref<10240x128xf32, #tpu.memory_space<hbm>>) target(%arg11 : memref<128x128xf32, #tpu.memory_space<vmem>>) offsets(%dma_start3A_428 : memref<128xi32, #tpu.memory_space<vmem>>) semaphore(%arg16 : memref<!tpu.dma_semaphore, #tpu.memory_space<semaphore_mem>>)
      %run_scoped3A_432 = arith.constant 7 : i32
      "tpu.region"() ({
        %run_scoped3A_607 = tpu.sem_alloc : memref<!tpu.dma_semaphore, #tpu.memory_space<semaphore_mem>>
        %dma_start3A_608 = arith.constant 0 : i32
        %dma_start3A_609 = tpu.memref_slice %arg8[%run_scoped3A_432, %dma_start3A_608] : memref<8x128xi32, #tpu.memory_space<vmem>> -> memref<1x128xi32, #tpu.memory_space<vmem>>
        %dma_start3A_610 = tpu.memref_squeeze %dma_start3A_609 : memref<1x128xi32, #tpu.memory_space<vmem>> -> memref<128xi32, #tpu.memory_space<vmem>>
        %dma_start3A_611 = arith.constant 0 : i32
        %dma_start3A_612 = arith.constant 0 : i32
        %dma_start3A_613 = tpu.memref_slice %arg13[%dma_start3A_611, %dma_start3A_612] : memref<10240x128xf32, #tpu.memory_space<vmem_shared>> -> memref<10240x128xf32, #tpu.memory_space<vmem_shared>>
        tpu.enqueue_indirect_dma source(%arg12 : memref<128x128xf32, #tpu.memory_space<vmem>>) target(%dma_start3A_613 : memref<10240x128xf32, #tpu.memory_space<vmem_shared>>) offsets(%dma_start3A_610 : memref<128xi32, #tpu.memory_space<vmem>>) semaphore(%run_scoped3A_607 : memref<!tpu.dma_semaphore, #tpu.memory_space<semaphore_mem>>) {add = true}
        %dma_wait3A_614 = arith.constant 0 : i32
        %dma_wait3A_615 = tpu.memref_slice %arg8[%run_scoped3A_432, %dma_wait3A_614] : memref<8x128xi32, #tpu.memory_space<vmem>> -> memref<1x128xi32, #tpu.memory_space<vmem>>
        %dma_wait3A_616 = tpu.memref_squeeze %dma_wait3A_615 : memref<1x128xi32, #tpu.memory_space<vmem>> -> memref<128xi32, #tpu.memory_space<vmem>>
        %dma_wait3A_617 = arith.constant 0 : i32
        %dma_wait3A_618 = arith.constant 0 : i32
        %dma_wait3A_619 = tpu.memref_slice %arg13[%dma_wait3A_617, %dma_wait3A_618] : memref<10240x128xf32, #tpu.memory_space<vmem_shared>> -> memref<10240x128xf32, #tpu.memory_space<vmem_shared>>
        tpu.wait_indirect_dma semaphore(%run_scoped3A_607 : memref<!tpu.dma_semaphore, #tpu.memory_space<semaphore_mem>>) src(%arg12 : memref<128x128xf32, #tpu.memory_space<vmem>>) dst(%dma_wait3A_619 : memref<10240x128xf32, #tpu.memory_space<vmem_shared>>)
        tpu.yield
      }) : () -> ()
      %add3A_433 = arith.constant 1 : i32
      %add3A_434 = arith.addi %scan3A_302, %add3A_433 : i32
      %mul3A_435 = arith.constant 2 : i32
      %mul3A_436 = arith.muli %mul3A_435, %add3A_434 : i32
      %add3A_437 = arith.constant 0 : i32
      %add3A_438 = arith.addi %mul3A_436, %add3A_437 : i32
      %dma_start3A_439 = arith.constant 0 : i32
      %dma_start3A_440 = arith.constant 0 : i32
      %dma_start3A_441 = tpu.memref_slice %arg3[%add3A, %add3A_438, %dma_start3A_439, %dma_start3A_440] : memref<32x10x8x128xi32, #tpu.memory_space<hbm>> -> memref<1x1x8x128xi32, #tpu.memory_space<hbm>>
      %dma_start3A_442 = tpu.memref_squeeze %dma_start3A_441 : memref<1x1x8x128xi32, #tpu.memory_space<hbm>> -> memref<8x128xi32, #tpu.memory_space<hbm>>
      %dma_start3A_443 = arith.constant 0 : i32
      %dma_start3A_444 = arith.constant 0 : i32
      %dma_start3A_445 = tpu.memref_slice %arg3[%add3A, %add3A_438, %dma_start3A_443, %dma_start3A_444] : memref<32x10x8x128xi32, #tpu.memory_space<hbm>> -> memref<1x1x8x128xi32, #tpu.memory_space<hbm>>
      %dma_start3A_446 = tpu.memref_squeeze %dma_start3A_445 : memref<1x1x8x128xi32, #tpu.memory_space<hbm>> -> memref<8x128xi32, #tpu.memory_space<hbm>>
      tpu.enqueue_dma source(%dma_start3A_446 : memref<8x128xi32, #tpu.memory_space<hbm>>) target(%arg7 : memref<8x128xi32, #tpu.memory_space<vmem>>) target_semaphore(%arg14 : memref<!tpu.dma_semaphore, #tpu.memory_space<semaphore_mem>>)
      %dma_start3A_447 = arith.constant 0 : i32
      %dma_start3A_448 = arith.constant 0 : i32
      %dma_start3A_449 = tpu.memref_slice %arg4[%add3A, %add3A_438, %dma_start3A_447, %dma_start3A_448] : memref<32x10x8x128xi32, #tpu.memory_space<hbm>> -> memref<1x1x8x128xi32, #tpu.memory_space<hbm>>
      %dma_start3A_450 = tpu.memref_squeeze %dma_start3A_449 : memref<1x1x8x128xi32, #tpu.memory_space<hbm>> -> memref<8x128xi32, #tpu.memory_space<hbm>>
      %dma_start3A_451 = arith.constant 0 : i32
      %dma_start3A_452 = arith.constant 0 : i32
      %dma_start3A_453 = tpu.memref_slice %arg4[%add3A, %add3A_438, %dma_start3A_451, %dma_start3A_452] : memref<32x10x8x128xi32, #tpu.memory_space<hbm>> -> memref<1x1x8x128xi32, #tpu.memory_space<hbm>>
      %dma_start3A_454 = tpu.memref_squeeze %dma_start3A_453 : memref<1x1x8x128xi32, #tpu.memory_space<hbm>> -> memref<8x128xi32, #tpu.memory_space<hbm>>
      tpu.enqueue_dma source(%dma_start3A_454 : memref<8x128xi32, #tpu.memory_space<hbm>>) target(%arg8 : memref<8x128xi32, #tpu.memory_space<vmem>>) target_semaphore(%arg14 : memref<!tpu.dma_semaphore, #tpu.memory_space<semaphore_mem>>)
      %dma_wait3A_455 = arith.constant 0 : i32
      %dma_wait3A_456 = arith.constant 0 : i32
      %dma_wait3A_457 = tpu.memref_slice %arg2[%dma_wait3A_455, %dma_wait3A_456] : memref<10240x128xf32, #tpu.memory_space<hbm>> -> memref<128x128xf32, #tpu.memory_space<hbm>>
      %dma_wait3A_458 = arith.constant 0 : i32
      %dma_wait3A_459 = arith.constant 0 : i32
      %dma_wait3A_460 = tpu.memref_slice %arg2[%dma_wait3A_458, %dma_wait3A_459] : memref<10240x128xf32, #tpu.memory_space<hbm>> -> memref<128x128xf32, #tpu.memory_space<hbm>>
      tpu.wait_dma2 semaphore(%arg16 : memref<!tpu.dma_semaphore, #tpu.memory_space<semaphore_mem>>) src(%dma_wait3A_460 : memref<128x128xf32, #tpu.memory_space<hbm>>) dst(%arg11 : memref<128x128xf32, #tpu.memory_space<vmem>>)
      %dma_start3A_461 = arith.constant 1 : i32
      %dma_start3A_462 = arith.constant 0 : i32
      %dma_start3A_463 = tpu.memref_slice %arg9[%dma_start3A_461, %dma_start3A_462] : memref<8x128xi32, #tpu.memory_space<vmem>> -> memref<1x128xi32, #tpu.memory_space<vmem>>
      %dma_start3A_464 = tpu.memref_squeeze %dma_start3A_463 : memref<1x128xi32, #tpu.memory_space<vmem>> -> memref<128xi32, #tpu.memory_space<vmem>>
      %dma_start3A_465 = arith.constant 0 : i32
      %dma_start3A_466 = arith.constant 0 : i32
      %dma_start3A_467 = tpu.memref_slice %arg2[%dma_start3A_465, %dma_start3A_466] : memref<10240x128xf32, #tpu.memory_space<hbm>> -> memref<10240x128xf32, #tpu.memory_space<hbm>>
      tpu.enqueue_indirect_dma source(%dma_start3A_467 : memref<10240x128xf32, #tpu.memory_space<hbm>>) target(%arg12 : memref<128x128xf32, #tpu.memory_space<vmem>>) offsets(%dma_start3A_464 : memref<128xi32, #tpu.memory_space<vmem>>) semaphore(%arg17 : memref<!tpu.dma_semaphore, #tpu.memory_space<semaphore_mem>>)
      %run_scoped3A_468 = arith.constant 0 : i32
      "tpu.region"() ({
        %run_scoped3A_607 = tpu.sem_alloc : memref<!tpu.dma_semaphore, #tpu.memory_space<semaphore_mem>>
        %dma_start3A_608 = arith.constant 0 : i32
        %dma_start3A_609 = tpu.memref_slice %arg10[%run_scoped3A_468, %dma_start3A_608] : memref<8x128xi32, #tpu.memory_space<vmem>> -> memref<1x128xi32, #tpu.memory_space<vmem>>
        %dma_start3A_610 = tpu.memref_squeeze %dma_start3A_609 : memref<1x128xi32, #tpu.memory_space<vmem>> -> memref<128xi32, #tpu.memory_space<vmem>>
        %dma_start3A_611 = arith.constant 0 : i32
        %dma_start3A_612 = arith.constant 0 : i32
        %dma_start3A_613 = tpu.memref_slice %arg13[%dma_start3A_611, %dma_start3A_612] : memref<10240x128xf32, #tpu.memory_space<vmem_shared>> -> memref<10240x128xf32, #tpu.memory_space<vmem_shared>>
        tpu.enqueue_indirect_dma source(%arg11 : memref<128x128xf32, #tpu.memory_space<vmem>>) target(%dma_start3A_613 : memref<10240x128xf32, #tpu.memory_space<vmem_shared>>) offsets(%dma_start3A_610 : memref<128xi32, #tpu.memory_space<vmem>>) semaphore(%run_scoped3A_607 : memref<!tpu.dma_semaphore, #tpu.memory_space<semaphore_mem>>) {add = true}
        %dma_wait3A_614 = arith.constant 0 : i32
        %dma_wait3A_615 = tpu.memref_slice %arg10[%run_scoped3A_468, %dma_wait3A_614] : memref<8x128xi32, #tpu.memory_space<vmem>> -> memref<1x128xi32, #tpu.memory_space<vmem>>
        %dma_wait3A_616 = tpu.memref_squeeze %dma_wait3A_615 : memref<1x128xi32, #tpu.memory_space<vmem>> -> memref<128xi32, #tpu.memory_space<vmem>>
        %dma_wait3A_617 = arith.constant 0 : i32
        %dma_wait3A_618 = arith.constant 0 : i32
        %dma_wait3A_619 = tpu.memref_slice %arg13[%dma_wait3A_617, %dma_wait3A_618] : memref<10240x128xf32, #tpu.memory_space<vmem_shared>> -> memref<10240x128xf32, #tpu.memory_space<vmem_shared>>
        tpu.wait_indirect_dma semaphore(%run_scoped3A_607 : memref<!tpu.dma_semaphore, #tpu.memory_space<semaphore_mem>>) src(%arg11 : memref<128x128xf32, #tpu.memory_space<vmem>>) dst(%dma_wait3A_619 : memref<10240x128xf32, #tpu.memory_space<vmem_shared>>)
        tpu.yield
      }) : () -> ()
      %dma_wait3A_469 = arith.constant 0 : i32
      %dma_wait3A_470 = arith.constant 0 : i32
      %dma_wait3A_471 = tpu.memref_slice %arg2[%dma_wait3A_469, %dma_wait3A_470] : memref<10240x128xf32, #tpu.memory_space<hbm>> -> memref<128x128xf32, #tpu.memory_space<hbm>>
      %dma_wait3A_472 = arith.constant 0 : i32
      %dma_wait3A_473 = arith.constant 0 : i32
      %dma_wait3A_474 = tpu.memref_slice %arg2[%dma_wait3A_472, %dma_wait3A_473] : memref<10240x128xf32, #tpu.memory_space<hbm>> -> memref<128x128xf32, #tpu.memory_space<hbm>>
      tpu.wait_dma2 semaphore(%arg17 : memref<!tpu.dma_semaphore, #tpu.memory_space<semaphore_mem>>) src(%dma_wait3A_474 : memref<128x128xf32, #tpu.memory_space<hbm>>) dst(%arg12 : memref<128x128xf32, #tpu.memory_space<vmem>>)
      %dma_start3A_475 = arith.constant 2 : i32
      %dma_start3A_476 = arith.constant 0 : i32
      %dma_start3A_477 = tpu.memref_slice %arg9[%dma_start3A_475, %dma_start3A_476] : memref<8x128xi32, #tpu.memory_space<vmem>> -> memref<1x128xi32, #tpu.memory_space<vmem>>
      %dma_start3A_478 = tpu.memref_squeeze %dma_start3A_477 : memref<1x128xi32, #tpu.memory_space<vmem>> -> memref<128xi32, #tpu.memory_space<vmem>>
      %dma_start3A_479 = arith.constant 0 : i32
      %dma_start3A_480 = arith.constant 0 : i32
      %dma_start3A_481 = tpu.memref_slice %arg2[%dma_start3A_479, %dma_start3A_480] : memref<10240x128xf32, #tpu.memory_space<hbm>> -> memref<10240x128xf32, #tpu.memory_space<hbm>>
      tpu.enqueue_indirect_dma source(%dma_start3A_481 : memref<10240x128xf32, #tpu.memory_space<hbm>>) target(%arg11 : memref<128x128xf32, #tpu.memory_space<vmem>>) offsets(%dma_start3A_478 : memref<128xi32, #tpu.memory_space<vmem>>) semaphore(%arg16 : memref<!tpu.dma_semaphore, #tpu.memory_space<semaphore_mem>>)
      %run_scoped3A_482 = arith.constant 1 : i32
      "tpu.region"() ({
        %run_scoped3A_607 = tpu.sem_alloc : memref<!tpu.dma_semaphore, #tpu.memory_space<semaphore_mem>>
        %dma_start3A_608 = arith.constant 0 : i32
        %dma_start3A_609 = tpu.memref_slice %arg10[%run_scoped3A_482, %dma_start3A_608] : memref<8x128xi32, #tpu.memory_space<vmem>> -> memref<1x128xi32, #tpu.memory_space<vmem>>
        %dma_start3A_610 = tpu.memref_squeeze %dma_start3A_609 : memref<1x128xi32, #tpu.memory_space<vmem>> -> memref<128xi32, #tpu.memory_space<vmem>>
        %dma_start3A_611 = arith.constant 0 : i32
        %dma_start3A_612 = arith.constant 0 : i32
        %dma_start3A_613 = tpu.memref_slice %arg13[%dma_start3A_611, %dma_start3A_612] : memref<10240x128xf32, #tpu.memory_space<vmem_shared>> -> memref<10240x128xf32, #tpu.memory_space<vmem_shared>>
        tpu.enqueue_indirect_dma source(%arg12 : memref<128x128xf32, #tpu.memory_space<vmem>>) target(%dma_start3A_613 : memref<10240x128xf32, #tpu.memory_space<vmem_shared>>) offsets(%dma_start3A_610 : memref<128xi32, #tpu.memory_space<vmem>>) semaphore(%run_scoped3A_607 : memref<!tpu.dma_semaphore, #tpu.memory_space<semaphore_mem>>) {add = true}
        %dma_wait3A_614 = arith.constant 0 : i32
        %dma_wait3A_615 = tpu.memref_slice %arg10[%run_scoped3A_482, %dma_wait3A_614] : memref<8x128xi32, #tpu.memory_space<vmem>> -> memref<1x128xi32, #tpu.memory_space<vmem>>
        %dma_wait3A_616 = tpu.memref_squeeze %dma_wait3A_615 : memref<1x128xi32, #tpu.memory_space<vmem>> -> memref<128xi32, #tpu.memory_space<vmem>>
        %dma_wait3A_617 = arith.constant 0 : i32
        %dma_wait3A_618 = arith.constant 0 : i32
        %dma_wait3A_619 = tpu.memref_slice %arg13[%dma_wait3A_617, %dma_wait3A_618] : memref<10240x128xf32, #tpu.memory_space<vmem_shared>> -> memref<10240x128xf32, #tpu.memory_space<vmem_shared>>
        tpu.wait_indirect_dma semaphore(%run_scoped3A_607 : memref<!tpu.dma_semaphore, #tpu.memory_space<semaphore_mem>>) src(%arg12 : memref<128x128xf32, #tpu.memory_space<vmem>>) dst(%dma_wait3A_619 : memref<10240x128xf32, #tpu.memory_space<vmem_shared>>)
        tpu.yield
      }) : () -> ()
      %dma_wait3A_483 = arith.constant 0 : i32
      %dma_wait3A_484 = arith.constant 0 : i32
      %dma_wait3A_485 = tpu.memref_slice %arg2[%dma_wait3A_483, %dma_wait3A_484] : memref<10240x128xf32, #tpu.memory_space<hbm>> -> memref<128x128xf32, #tpu.memory_space<hbm>>
      %dma_wait3A_486 = arith.constant 0 : i32
      %dma_wait3A_487 = arith.constant 0 : i32
      %dma_wait3A_488 = tpu.memref_slice %arg2[%dma_wait3A_486, %dma_wait3A_487] : memref<10240x128xf32, #tpu.memory_space<hbm>> -> memref<128x128xf32, #tpu.memory_space<hbm>>
      tpu.wait_dma2 semaphore(%arg16 : memref<!tpu.dma_semaphore, #tpu.memory_space<semaphore_mem>>) src(%dma_wait3A_488 : memref<128x128xf32, #tpu.memory_space<hbm>>) dst(%arg11 : memref<128x128xf32, #tpu.memory_space<vmem>>)
      %dma_start3A_489 = arith.constant 3 : i32
      %dma_start3A_490 = arith.constant 0 : i32
      %dma_start3A_491 = tpu.memref_slice %arg9[%dma_start3A_489, %dma_start3A_490] : memref<8x128xi32, #tpu.memory_space<vmem>> -> memref<1x128xi32, #tpu.memory_space<vmem>>
      %dma_start3A_492 = tpu.memref_squeeze %dma_start3A_491 : memref<1x128xi32, #tpu.memory_space<vmem>> -> memref<128xi32, #tpu.memory_space<vmem>>
      %dma_start3A_493 = arith.constant 0 : i32
      %dma_start3A_494 = arith.constant 0 : i32
      %dma_start3A_495 = tpu.memref_slice %arg2[%dma_start3A_493, %dma_start3A_494] : memref<10240x128xf32, #tpu.memory_space<hbm>> -> memref<10240x128xf32, #tpu.memory_space<hbm>>
      tpu.enqueue_indirect_dma source(%dma_start3A_495 : memref<10240x128xf32, #tpu.memory_space<hbm>>) target(%arg12 : memref<128x128xf32, #tpu.memory_space<vmem>>) offsets(%dma_start3A_492 : memref<128xi32, #tpu.memory_space<vmem>>) semaphore(%arg17 : memref<!tpu.dma_semaphore, #tpu.memory_space<semaphore_mem>>)
      %run_scoped3A_496 = arith.constant 2 : i32
      "tpu.region"() ({
        %run_scoped3A_607 = tpu.sem_alloc : memref<!tpu.dma_semaphore, #tpu.memory_space<semaphore_mem>>
        %dma_start3A_608 = arith.constant 0 : i32
        %dma_start3A_609 = tpu.memref_slice %arg10[%run_scoped3A_496, %dma_start3A_608] : memref<8x128xi32, #tpu.memory_space<vmem>> -> memref<1x128xi32, #tpu.memory_space<vmem>>
        %dma_start3A_610 = tpu.memref_squeeze %dma_start3A_609 : memref<1x128xi32, #tpu.memory_space<vmem>> -> memref<128xi32, #tpu.memory_space<vmem>>
        %dma_start3A_611 = arith.constant 0 : i32
        %dma_start3A_612 = arith.constant 0 : i32
        %dma_start3A_613 = tpu.memref_slice %arg13[%dma_start3A_611, %dma_start3A_612] : memref<10240x128xf32, #tpu.memory_space<vmem_shared>> -> memref<10240x128xf32, #tpu.memory_space<vmem_shared>>
        tpu.enqueue_indirect_dma source(%arg11 : memref<128x128xf32, #tpu.memory_space<vmem>>) target(%dma_start3A_613 : memref<10240x128xf32, #tpu.memory_space<vmem_shared>>) offsets(%dma_start3A_610 : memref<128xi32, #tpu.memory_space<vmem>>) semaphore(%run_scoped3A_607 : memref<!tpu.dma_semaphore, #tpu.memory_space<semaphore_mem>>) {add = true}
        %dma_wait3A_614 = arith.constant 0 : i32
        %dma_wait3A_615 = tpu.memref_slice %arg10[%run_scoped3A_496, %dma_wait3A_614] : memref<8x128xi32, #tpu.memory_space<vmem>> -> memref<1x128xi32, #tpu.memory_space<vmem>>
        %dma_wait3A_616 = tpu.memref_squeeze %dma_wait3A_615 : memref<1x128xi32, #tpu.memory_space<vmem>> -> memref<128xi32, #tpu.memory_space<vmem>>
        %dma_wait3A_617 = arith.constant 0 : i32
        %dma_wait3A_618 = arith.constant 0 : i32
        %dma_wait3A_619 = tpu.memref_slice %arg13[%dma_wait3A_617, %dma_wait3A_618] : memref<10240x128xf32, #tpu.memory_space<vmem_shared>> -> memref<10240x128xf32, #tpu.memory_space<vmem_shared>>
        tpu.wait_indirect_dma semaphore(%run_scoped3A_607 : memref<!tpu.dma_semaphore, #tpu.memory_space<semaphore_mem>>) src(%arg11 : memref<128x128xf32, #tpu.memory_space<vmem>>) dst(%dma_wait3A_619 : memref<10240x128xf32, #tpu.memory_space<vmem_shared>>)
        tpu.yield
      }) : () -> ()
      %dma_wait3A_497 = arith.constant 0 : i32
      %dma_wait3A_498 = arith.constant 0 : i32
      %dma_wait3A_499 = tpu.memref_slice %arg2[%dma_wait3A_497, %dma_wait3A_498] : memref<10240x128xf32, #tpu.memory_space<hbm>> -> memref<128x128xf32, #tpu.memory_space<hbm>>
      %dma_wait3A_500 = arith.constant 0 : i32
      %dma_wait3A_501 = arith.constant 0 : i32
      %dma_wait3A_502 = tpu.memref_slice %arg2[%dma_wait3A_500, %dma_wait3A_501] : memref<10240x128xf32, #tpu.memory_space<hbm>> -> memref<128x128xf32, #tpu.memory_space<hbm>>
      tpu.wait_dma2 semaphore(%arg17 : memref<!tpu.dma_semaphore, #tpu.memory_space<semaphore_mem>>) src(%dma_wait3A_502 : memref<128x128xf32, #tpu.memory_space<hbm>>) dst(%arg12 : memref<128x128xf32, #tpu.memory_space<vmem>>)
      %dma_start3A_503 = arith.constant 4 : i32
      %dma_start3A_504 = arith.constant 0 : i32
      %dma_start3A_505 = tpu.memref_slice %arg9[%dma_start3A_503, %dma_start3A_504] : memref<8x128xi32, #tpu.memory_space<vmem>> -> memref<1x128xi32, #tpu.memory_space<vmem>>
      %dma_start3A_506 = tpu.memref_squeeze %dma_start3A_505 : memref<1x128xi32, #tpu.memory_space<vmem>> -> memref<128xi32, #tpu.memory_space<vmem>>
      %dma_start3A_507 = arith.constant 0 : i32
      %dma_start3A_508 = arith.constant 0 : i32
      %dma_start3A_509 = tpu.memref_slice %arg2[%dma_start3A_507, %dma_start3A_508] : memref<10240x128xf32, #tpu.memory_space<hbm>> -> memref<10240x128xf32, #tpu.memory_space<hbm>>
      tpu.enqueue_indirect_dma source(%dma_start3A_509 : memref<10240x128xf32, #tpu.memory_space<hbm>>) target(%arg11 : memref<128x128xf32, #tpu.memory_space<vmem>>) offsets(%dma_start3A_506 : memref<128xi32, #tpu.memory_space<vmem>>) semaphore(%arg16 : memref<!tpu.dma_semaphore, #tpu.memory_space<semaphore_mem>>)
      %run_scoped3A_510 = arith.constant 3 : i32
      "tpu.region"() ({
        %run_scoped3A_607 = tpu.sem_alloc : memref<!tpu.dma_semaphore, #tpu.memory_space<semaphore_mem>>
        %dma_start3A_608 = arith.constant 0 : i32
        %dma_start3A_609 = tpu.memref_slice %arg10[%run_scoped3A_510, %dma_start3A_608] : memref<8x128xi32, #tpu.memory_space<vmem>> -> memref<1x128xi32, #tpu.memory_space<vmem>>
        %dma_start3A_610 = tpu.memref_squeeze %dma_start3A_609 : memref<1x128xi32, #tpu.memory_space<vmem>> -> memref<128xi32, #tpu.memory_space<vmem>>
        %dma_start3A_611 = arith.constant 0 : i32
        %dma_start3A_612 = arith.constant 0 : i32
        %dma_start3A_613 = tpu.memref_slice %arg13[%dma_start3A_611, %dma_start3A_612] : memref<10240x128xf32, #tpu.memory_space<vmem_shared>> -> memref<10240x128xf32, #tpu.memory_space<vmem_shared>>
        tpu.enqueue_indirect_dma source(%arg12 : memref<128x128xf32, #tpu.memory_space<vmem>>) target(%dma_start3A_613 : memref<10240x128xf32, #tpu.memory_space<vmem_shared>>) offsets(%dma_start3A_610 : memref<128xi32, #tpu.memory_space<vmem>>) semaphore(%run_scoped3A_607 : memref<!tpu.dma_semaphore, #tpu.memory_space<semaphore_mem>>) {add = true}
        %dma_wait3A_614 = arith.constant 0 : i32
        %dma_wait3A_615 = tpu.memref_slice %arg10[%run_scoped3A_510, %dma_wait3A_614] : memref<8x128xi32, #tpu.memory_space<vmem>> -> memref<1x128xi32, #tpu.memory_space<vmem>>
        %dma_wait3A_616 = tpu.memref_squeeze %dma_wait3A_615 : memref<1x128xi32, #tpu.memory_space<vmem>> -> memref<128xi32, #tpu.memory_space<vmem>>
        %dma_wait3A_617 = arith.constant 0 : i32
        %dma_wait3A_618 = arith.constant 0 : i32
        %dma_wait3A_619 = tpu.memref_slice %arg13[%dma_wait3A_617, %dma_wait3A_618] : memref<10240x128xf32, #tpu.memory_space<vmem_shared>> -> memref<10240x128xf32, #tpu.memory_space<vmem_shared>>
        tpu.wait_indirect_dma semaphore(%run_scoped3A_607 : memref<!tpu.dma_semaphore, #tpu.memory_space<semaphore_mem>>) src(%arg12 : memref<128x128xf32, #tpu.memory_space<vmem>>) dst(%dma_wait3A_619 : memref<10240x128xf32, #tpu.memory_space<vmem_shared>>)
        tpu.yield
      }) : () -> ()
      %dma_wait3A_511 = arith.constant 0 : i32
      %dma_wait3A_512 = arith.constant 0 : i32
      %dma_wait3A_513 = tpu.memref_slice %arg2[%dma_wait3A_511, %dma_wait3A_512] : memref<10240x128xf32, #tpu.memory_space<hbm>> -> memref<128x128xf32, #tpu.memory_space<hbm>>
      %dma_wait3A_514 = arith.constant 0 : i32
      %dma_wait3A_515 = arith.constant 0 : i32
      %dma_wait3A_516 = tpu.memref_slice %arg2[%dma_wait3A_514, %dma_wait3A_515] : memref<10240x128xf32, #tpu.memory_space<hbm>> -> memref<128x128xf32, #tpu.memory_space<hbm>>
      tpu.wait_dma2 semaphore(%arg16 : memref<!tpu.dma_semaphore, #tpu.memory_space<semaphore_mem>>) src(%dma_wait3A_516 : memref<128x128xf32, #tpu.memory_space<hbm>>) dst(%arg11 : memref<128x128xf32, #tpu.memory_space<vmem>>)
      %dma_start3A_517 = arith.constant 5 : i32
      %dma_start3A_518 = arith.constant 0 : i32
      %dma_start3A_519 = tpu.memref_slice %arg9[%dma_start3A_517, %dma_start3A_518] : memref<8x128xi32, #tpu.memory_space<vmem>> -> memref<1x128xi32, #tpu.memory_space<vmem>>
      %dma_start3A_520 = tpu.memref_squeeze %dma_start3A_519 : memref<1x128xi32, #tpu.memory_space<vmem>> -> memref<128xi32, #tpu.memory_space<vmem>>
      %dma_start3A_521 = arith.constant 0 : i32
      %dma_start3A_522 = arith.constant 0 : i32
      %dma_start3A_523 = tpu.memref_slice %arg2[%dma_start3A_521, %dma_start3A_522] : memref<10240x128xf32, #tpu.memory_space<hbm>> -> memref<10240x128xf32, #tpu.memory_space<hbm>>
      tpu.enqueue_indirect_dma source(%dma_start3A_523 : memref<10240x128xf32, #tpu.memory_space<hbm>>) target(%arg12 : memref<128x128xf32, #tpu.memory_space<vmem>>) offsets(%dma_start3A_520 : memref<128xi32, #tpu.memory_space<vmem>>) semaphore(%arg17 : memref<!tpu.dma_semaphore, #tpu.memory_space<semaphore_mem>>)
      %run_scoped3A_524 = arith.constant 4 : i32
      "tpu.region"() ({
        %run_scoped3A_607 = tpu.sem_alloc : memref<!tpu.dma_semaphore, #tpu.memory_space<semaphore_mem>>
        %dma_start3A_608 = arith.constant 0 : i32
        %dma_start3A_609 = tpu.memref_slice %arg10[%run_scoped3A_524, %dma_start3A_608] : memref<8x128xi32, #tpu.memory_space<vmem>> -> memref<1x128xi32, #tpu.memory_space<vmem>>
        %dma_start3A_610 = tpu.memref_squeeze %dma_start3A_609 : memref<1x128xi32, #tpu.memory_space<vmem>> -> memref<128xi32, #tpu.memory_space<vmem>>
        %dma_start3A_611 = arith.constant 0 : i32
        %dma_start3A_612 = arith.constant 0 : i32
        %dma_start3A_613 = tpu.memref_slice %arg13[%dma_start3A_611, %dma_start3A_612] : memref<10240x128xf32, #tpu.memory_space<vmem_shared>> -> memref<10240x128xf32, #tpu.memory_space<vmem_shared>>
        tpu.enqueue_indirect_dma source(%arg11 : memref<128x128xf32, #tpu.memory_space<vmem>>) target(%dma_start3A_613 : memref<10240x128xf32, #tpu.memory_space<vmem_shared>>) offsets(%dma_start3A_610 : memref<128xi32, #tpu.memory_space<vmem>>) semaphore(%run_scoped3A_607 : memref<!tpu.dma_semaphore, #tpu.memory_space<semaphore_mem>>) {add = true}
        %dma_wait3A_614 = arith.constant 0 : i32
        %dma_wait3A_615 = tpu.memref_slice %arg10[%run_scoped3A_524, %dma_wait3A_614] : memref<8x128xi32, #tpu.memory_space<vmem>> -> memref<1x128xi32, #tpu.memory_space<vmem>>
        %dma_wait3A_616 = tpu.memref_squeeze %dma_wait3A_615 : memref<1x128xi32, #tpu.memory_space<vmem>> -> memref<128xi32, #tpu.memory_space<vmem>>
        %dma_wait3A_617 = arith.constant 0 : i32
        %dma_wait3A_618 = arith.constant 0 : i32
        %dma_wait3A_619 = tpu.memref_slice %arg13[%dma_wait3A_617, %dma_wait3A_618] : memref<10240x128xf32, #tpu.memory_space<vmem_shared>> -> memref<10240x128xf32, #tpu.memory_space<vmem_shared>>
        tpu.wait_indirect_dma semaphore(%run_scoped3A_607 : memref<!tpu.dma_semaphore, #tpu.memory_space<semaphore_mem>>) src(%arg11 : memref<128x128xf32, #tpu.memory_space<vmem>>) dst(%dma_wait3A_619 : memref<10240x128xf32, #tpu.memory_space<vmem_shared>>)
        tpu.yield
      }) : () -> ()
      %dma_wait3A_525 = arith.constant 0 : i32
      %dma_wait3A_526 = arith.constant 0 : i32
      %dma_wait3A_527 = tpu.memref_slice %arg2[%dma_wait3A_525, %dma_wait3A_526] : memref<10240x128xf32, #tpu.memory_space<hbm>> -> memref<128x128xf32, #tpu.memory_space<hbm>>
      %dma_wait3A_528 = arith.constant 0 : i32
      %dma_wait3A_529 = arith.constant 0 : i32
      %dma_wait3A_530 = tpu.memref_slice %arg2[%dma_wait3A_528, %dma_wait3A_529] : memref<10240x128xf32, #tpu.memory_space<hbm>> -> memref<128x128xf32, #tpu.memory_space<hbm>>
      tpu.wait_dma2 semaphore(%arg17 : memref<!tpu.dma_semaphore, #tpu.memory_space<semaphore_mem>>) src(%dma_wait3A_530 : memref<128x128xf32, #tpu.memory_space<hbm>>) dst(%arg12 : memref<128x128xf32, #tpu.memory_space<vmem>>)
      %dma_start3A_531 = arith.constant 6 : i32
      %dma_start3A_532 = arith.constant 0 : i32
      %dma_start3A_533 = tpu.memref_slice %arg9[%dma_start3A_531, %dma_start3A_532] : memref<8x128xi32, #tpu.memory_space<vmem>> -> memref<1x128xi32, #tpu.memory_space<vmem>>
      %dma_start3A_534 = tpu.memref_squeeze %dma_start3A_533 : memref<1x128xi32, #tpu.memory_space<vmem>> -> memref<128xi32, #tpu.memory_space<vmem>>
      %dma_start3A_535 = arith.constant 0 : i32
      %dma_start3A_536 = arith.constant 0 : i32
      %dma_start3A_537 = tpu.memref_slice %arg2[%dma_start3A_535, %dma_start3A_536] : memref<10240x128xf32, #tpu.memory_space<hbm>> -> memref<10240x128xf32, #tpu.memory_space<hbm>>
      tpu.enqueue_indirect_dma source(%dma_start3A_537 : memref<10240x128xf32, #tpu.memory_space<hbm>>) target(%arg11 : memref<128x128xf32, #tpu.memory_space<vmem>>) offsets(%dma_start3A_534 : memref<128xi32, #tpu.memory_space<vmem>>) semaphore(%arg16 : memref<!tpu.dma_semaphore, #tpu.memory_space<semaphore_mem>>)
      %run_scoped3A_538 = arith.constant 5 : i32
      "tpu.region"() ({
        %run_scoped3A_607 = tpu.sem_alloc : memref<!tpu.dma_semaphore, #tpu.memory_space<semaphore_mem>>
        %dma_start3A_608 = arith.constant 0 : i32
        %dma_start3A_609 = tpu.memref_slice %arg10[%run_scoped3A_538, %dma_start3A_608] : memref<8x128xi32, #tpu.memory_space<vmem>> -> memref<1x128xi32, #tpu.memory_space<vmem>>
        %dma_start3A_610 = tpu.memref_squeeze %dma_start3A_609 : memref<1x128xi32, #tpu.memory_space<vmem>> -> memref<128xi32, #tpu.memory_space<vmem>>
        %dma_start3A_611 = arith.constant 0 : i32
        %dma_start3A_612 = arith.constant 0 : i32
        %dma_start3A_613 = tpu.memref_slice %arg13[%dma_start3A_611, %dma_start3A_612] : memref<10240x128xf32, #tpu.memory_space<vmem_shared>> -> memref<10240x128xf32, #tpu.memory_space<vmem_shared>>
        tpu.enqueue_indirect_dma source(%arg12 : memref<128x128xf32, #tpu.memory_space<vmem>>) target(%dma_start3A_613 : memref<10240x128xf32, #tpu.memory_space<vmem_shared>>) offsets(%dma_start3A_610 : memref<128xi32, #tpu.memory_space<vmem>>) semaphore(%run_scoped3A_607 : memref<!tpu.dma_semaphore, #tpu.memory_space<semaphore_mem>>) {add = true}
        %dma_wait3A_614 = arith.constant 0 : i32
        %dma_wait3A_615 = tpu.memref_slice %arg10[%run_scoped3A_538, %dma_wait3A_614] : memref<8x128xi32, #tpu.memory_space<vmem>> -> memref<1x128xi32, #tpu.memory_space<vmem>>
        %dma_wait3A_616 = tpu.memref_squeeze %dma_wait3A_615 : memref<1x128xi32, #tpu.memory_space<vmem>> -> memref<128xi32, #tpu.memory_space<vmem>>
        %dma_wait3A_617 = arith.constant 0 : i32
        %dma_wait3A_618 = arith.constant 0 : i32
        %dma_wait3A_619 = tpu.memref_slice %arg13[%dma_wait3A_617, %dma_wait3A_618] : memref<10240x128xf32, #tpu.memory_space<vmem_shared>> -> memref<10240x128xf32, #tpu.memory_space<vmem_shared>>
        tpu.wait_indirect_dma semaphore(%run_scoped3A_607 : memref<!tpu.dma_semaphore, #tpu.memory_space<semaphore_mem>>) src(%arg12 : memref<128x128xf32, #tpu.memory_space<vmem>>) dst(%dma_wait3A_619 : memref<10240x128xf32, #tpu.memory_space<vmem_shared>>)
        tpu.yield
      }) : () -> ()
      %dma_wait3A_539 = arith.constant 0 : i32
      %dma_wait3A_540 = arith.constant 0 : i32
      %dma_wait3A_541 = tpu.memref_slice %arg2[%dma_wait3A_539, %dma_wait3A_540] : memref<10240x128xf32, #tpu.memory_space<hbm>> -> memref<128x128xf32, #tpu.memory_space<hbm>>
      %dma_wait3A_542 = arith.constant 0 : i32
      %dma_wait3A_543 = arith.constant 0 : i32
      %dma_wait3A_544 = tpu.memref_slice %arg2[%dma_wait3A_542, %dma_wait3A_543] : memref<10240x128xf32, #tpu.memory_space<hbm>> -> memref<128x128xf32, #tpu.memory_space<hbm>>
      tpu.wait_dma2 semaphore(%arg16 : memref<!tpu.dma_semaphore, #tpu.memory_space<semaphore_mem>>) src(%dma_wait3A_544 : memref<128x128xf32, #tpu.memory_space<hbm>>) dst(%arg11 : memref<128x128xf32, #tpu.memory_space<vmem>>)
      %dma_start3A_545 = arith.constant 7 : i32
      %dma_start3A_546 = arith.constant 0 : i32
      %dma_start3A_547 = tpu.memref_slice %arg9[%dma_start3A_545, %dma_start3A_546] : memref<8x128xi32, #tpu.memory_space<vmem>> -> memref<1x128xi32, #tpu.memory_space<vmem>>
      %dma_start3A_548 = tpu.memref_squeeze %dma_start3A_547 : memref<1x128xi32, #tpu.memory_space<vmem>> -> memref<128xi32, #tpu.memory_space<vmem>>
      %dma_start3A_549 = arith.constant 0 : i32
      %dma_start3A_550 = arith.constant 0 : i32
      %dma_start3A_551 = tpu.memref_slice %arg2[%dma_start3A_549, %dma_start3A_550] : memref<10240x128xf32, #tpu.memory_space<hbm>> -> memref<10240x128xf32, #tpu.memory_space<hbm>>
      tpu.enqueue_indirect_dma source(%dma_start3A_551 : memref<10240x128xf32, #tpu.memory_space<hbm>>) target(%arg12 : memref<128x128xf32, #tpu.memory_space<vmem>>) offsets(%dma_start3A_548 : memref<128xi32, #tpu.memory_space<vmem>>) semaphore(%arg17 : memref<!tpu.dma_semaphore, #tpu.memory_space<semaphore_mem>>)
      %run_scoped3A_552 = arith.constant 6 : i32
      "tpu.region"() ({
        %run_scoped3A_607 = tpu.sem_alloc : memref<!tpu.dma_semaphore, #tpu.memory_space<semaphore_mem>>
        %dma_start3A_608 = arith.constant 0 : i32
        %dma_start3A_609 = tpu.memref_slice %arg10[%run_scoped3A_552, %dma_start3A_608] : memref<8x128xi32, #tpu.memory_space<vmem>> -> memref<1x128xi32, #tpu.memory_space<vmem>>
        %dma_start3A_610 = tpu.memref_squeeze %dma_start3A_609 : memref<1x128xi32, #tpu.memory_space<vmem>> -> memref<128xi32, #tpu.memory_space<vmem>>
        %dma_start3A_611 = arith.constant 0 : i32
        %dma_start3A_612 = arith.constant 0 : i32
        %dma_start3A_613 = tpu.memref_slice %arg13[%dma_start3A_611, %dma_start3A_612] : memref<10240x128xf32, #tpu.memory_space<vmem_shared>> -> memref<10240x128xf32, #tpu.memory_space<vmem_shared>>
        tpu.enqueue_indirect_dma source(%arg11 : memref<128x128xf32, #tpu.memory_space<vmem>>) target(%dma_start3A_613 : memref<10240x128xf32, #tpu.memory_space<vmem_shared>>) offsets(%dma_start3A_610 : memref<128xi32, #tpu.memory_space<vmem>>) semaphore(%run_scoped3A_607 : memref<!tpu.dma_semaphore, #tpu.memory_space<semaphore_mem>>) {add = true}
        %dma_wait3A_614 = arith.constant 0 : i32
        %dma_wait3A_615 = tpu.memref_slice %arg10[%run_scoped3A_552, %dma_wait3A_614] : memref<8x128xi32, #tpu.memory_space<vmem>> -> memref<1x128xi32, #tpu.memory_space<vmem>>
        %dma_wait3A_616 = tpu.memref_squeeze %dma_wait3A_615 : memref<1x128xi32, #tpu.memory_space<vmem>> -> memref<128xi32, #tpu.memory_space<vmem>>
        %dma_wait3A_617 = arith.constant 0 : i32
        %dma_wait3A_618 = arith.constant 0 : i32
        %dma_wait3A_619 = tpu.memref_slice %arg13[%dma_wait3A_617, %dma_wait3A_618] : memref<10240x128xf32, #tpu.memory_space<vmem_shared>> -> memref<10240x128xf32, #tpu.memory_space<vmem_shared>>
        tpu.wait_indirect_dma semaphore(%run_scoped3A_607 : memref<!tpu.dma_semaphore, #tpu.memory_space<semaphore_mem>>) src(%arg11 : memref<128x128xf32, #tpu.memory_space<vmem>>) dst(%dma_wait3A_619 : memref<10240x128xf32, #tpu.memory_space<vmem_shared>>)
        tpu.yield
      }) : () -> ()
      %dma_wait3A_553 = arith.constant 0 : i32
      %dma_wait3A_554 = arith.constant 0 : i32
      %dma_wait3A_555 = tpu.memref_slice %arg2[%dma_wait3A_553, %dma_wait3A_554] : memref<10240x128xf32, #tpu.memory_space<hbm>> -> memref<128x128xf32, #tpu.memory_space<hbm>>
      %dma_wait3A_556 = arith.constant 0 : i32
      %dma_wait3A_557 = arith.constant 0 : i32
      %dma_wait3A_558 = tpu.memref_slice %arg2[%dma_wait3A_556, %dma_wait3A_557] : memref<10240x128xf32, #tpu.memory_space<hbm>> -> memref<128x128xf32, #tpu.memory_space<hbm>>
      tpu.wait_dma2 semaphore(%arg17 : memref<!tpu.dma_semaphore, #tpu.memory_space<semaphore_mem>>) src(%dma_wait3A_558 : memref<128x128xf32, #tpu.memory_space<hbm>>) dst(%arg12 : memref<128x128xf32, #tpu.memory_space<vmem>>)
      %dma_wait3A_559 = arith.constant 0 : i32
      %dma_wait3A_560 = arith.constant 0 : i32
      %dma_wait3A_561 = arith.constant 0 : i32
      %dma_wait3A_562 = tpu.memref_slice %arg3[%add3A, %dma_wait3A_559, %dma_wait3A_560, %dma_wait3A_561] : memref<32x10x8x128xi32, #tpu.memory_space<hbm>> -> memref<1x1x8x128xi32, #tpu.memory_space<hbm>>
      %dma_wait3A_563 = tpu.memref_squeeze %dma_wait3A_562 : memref<1x1x8x128xi32, #tpu.memory_space<hbm>> -> memref<8x128xi32, #tpu.memory_space<hbm>>
      %dma_wait3A_564 = arith.constant 0 : i32
      %dma_wait3A_565 = arith.constant 0 : i32
      %dma_wait3A_566 = tpu.memref_slice %arg3[%add3A, %dma_wait3A_559, %dma_wait3A_564, %dma_wait3A_565] : memref<32x10x8x128xi32, #tpu.memory_space<hbm>> -> memref<1x1x8x128xi32, #tpu.memory_space<hbm>>
      %dma_wait3A_567 = tpu.memref_squeeze %dma_wait3A_566 : memref<1x1x8x128xi32, #tpu.memory_space<hbm>> -> memref<8x128xi32, #tpu.memory_space<hbm>>
      tpu.wait_dma2 semaphore(%arg14 : memref<!tpu.dma_semaphore, #tpu.memory_space<semaphore_mem>>) src(%dma_wait3A_567 : memref<8x128xi32, #tpu.memory_space<hbm>>) dst(%arg7 : memref<8x128xi32, #tpu.memory_space<vmem>>)
      %dma_wait3A_568 = arith.constant 0 : i32
      %dma_wait3A_569 = arith.constant 0 : i32
      %dma_wait3A_570 = arith.constant 0 : i32
      %dma_wait3A_571 = tpu.memref_slice %arg4[%add3A, %dma_wait3A_568, %dma_wait3A_569, %dma_wait3A_570] : memref<32x10x8x128xi32, #tpu.memory_space<hbm>> -> memref<1x1x8x128xi32, #tpu.memory_space<hbm>>
      %dma_wait3A_572 = tpu.memref_squeeze %dma_wait3A_571 : memref<1x1x8x128xi32, #tpu.memory_space<hbm>> -> memref<8x128xi32, #tpu.memory_space<hbm>>
      %dma_wait3A_573 = arith.constant 0 : i32
      %dma_wait3A_574 = arith.constant 0 : i32
      %dma_wait3A_575 = tpu.memref_slice %arg4[%add3A, %dma_wait3A_568, %dma_wait3A_573, %dma_wait3A_574] : memref<32x10x8x128xi32, #tpu.memory_space<hbm>> -> memref<1x1x8x128xi32, #tpu.memory_space<hbm>>
      %dma_wait3A_576 = tpu.memref_squeeze %dma_wait3A_575 : memref<1x1x8x128xi32, #tpu.memory_space<hbm>> -> memref<8x128xi32, #tpu.memory_space<hbm>>
      tpu.wait_dma2 semaphore(%arg14 : memref<!tpu.dma_semaphore, #tpu.memory_space<semaphore_mem>>) src(%dma_wait3A_576 : memref<8x128xi32, #tpu.memory_space<hbm>>) dst(%arg8 : memref<8x128xi32, #tpu.memory_space<vmem>>)
      %dma_start3A_577 = arith.constant 0 : i32
      %dma_start3A_578 = arith.constant 0 : i32
      %dma_start3A_579 = tpu.memref_slice %arg7[%dma_start3A_577, %dma_start3A_578] : memref<8x128xi32, #tpu.memory_space<vmem>> -> memref<1x128xi32, #tpu.memory_space<vmem>>
      %dma_start3A_580 = tpu.memref_squeeze %dma_start3A_579 : memref<1x128xi32, #tpu.memory_space<vmem>> -> memref<128xi32, #tpu.memory_space<vmem>>
      %dma_start3A_581 = arith.constant 0 : i32
      %dma_start3A_582 = arith.constant 0 : i32
      %dma_start3A_583 = tpu.memref_slice %arg2[%dma_start3A_581, %dma_start3A_582] : memref<10240x128xf32, #tpu.memory_space<hbm>> -> memref<10240x128xf32, #tpu.memory_space<hbm>>
      tpu.enqueue_indirect_dma source(%dma_start3A_583 : memref<10240x128xf32, #tpu.memory_space<hbm>>) target(%arg11 : memref<128x128xf32, #tpu.memory_space<vmem>>) offsets(%dma_start3A_580 : memref<128xi32, #tpu.memory_space<vmem>>) semaphore(%arg16 : memref<!tpu.dma_semaphore, #tpu.memory_space<semaphore_mem>>)
      %run_scoped3A_584 = arith.constant 7 : i32
      "tpu.region"() ({
        %run_scoped3A_607 = tpu.sem_alloc : memref<!tpu.dma_semaphore, #tpu.memory_space<semaphore_mem>>
        %dma_start3A_608 = arith.constant 0 : i32
        %dma_start3A_609 = tpu.memref_slice %arg10[%run_scoped3A_584, %dma_start3A_608] : memref<8x128xi32, #tpu.memory_space<vmem>> -> memref<1x128xi32, #tpu.memory_space<vmem>>
        %dma_start3A_610 = tpu.memref_squeeze %dma_start3A_609 : memref<1x128xi32, #tpu.memory_space<vmem>> -> memref<128xi32, #tpu.memory_space<vmem>>
        %dma_start3A_611 = arith.constant 0 : i32
        %dma_start3A_612 = arith.constant 0 : i32
        %dma_start3A_613 = tpu.memref_slice %arg13[%dma_start3A_611, %dma_start3A_612] : memref<10240x128xf32, #tpu.memory_space<vmem_shared>> -> memref<10240x128xf32, #tpu.memory_space<vmem_shared>>
        tpu.enqueue_indirect_dma source(%arg12 : memref<128x128xf32, #tpu.memory_space<vmem>>) target(%dma_start3A_613 : memref<10240x128xf32, #tpu.memory_space<vmem_shared>>) offsets(%dma_start3A_610 : memref<128xi32, #tpu.memory_space<vmem>>) semaphore(%run_scoped3A_607 : memref<!tpu.dma_semaphore, #tpu.memory_space<semaphore_mem>>) {add = true}
        %dma_wait3A_614 = arith.constant 0 : i32
        %dma_wait3A_615 = tpu.memref_slice %arg10[%run_scoped3A_584, %dma_wait3A_614] : memref<8x128xi32, #tpu.memory_space<vmem>> -> memref<1x128xi32, #tpu.memory_space<vmem>>
        %dma_wait3A_616 = tpu.memref_squeeze %dma_wait3A_615 : memref<1x128xi32, #tpu.memory_space<vmem>> -> memref<128xi32, #tpu.memory_space<vmem>>
        %dma_wait3A_617 = arith.constant 0 : i32
        %dma_wait3A_618 = arith.constant 0 : i32
        %dma_wait3A_619 = tpu.memref_slice %arg13[%dma_wait3A_617, %dma_wait3A_618] : memref<10240x128xf32, #tpu.memory_space<vmem_shared>> -> memref<10240x128xf32, #tpu.memory_space<vmem_shared>>
        tpu.wait_indirect_dma semaphore(%run_scoped3A_607 : memref<!tpu.dma_semaphore, #tpu.memory_space<semaphore_mem>>) src(%arg12 : memref<128x128xf32, #tpu.memory_space<vmem>>) dst(%dma_wait3A_619 : memref<10240x128xf32, #tpu.memory_space<vmem_shared>>)
        tpu.yield
      }) : () -> ()
      %add3A_585 = arith.constant 1 : i32
      %add3A_586 = arith.addi %scan3A_302, %add3A_585 : i32
      %mul3A_587 = arith.constant 2 : i32
      %mul3A_588 = arith.muli %mul3A_587, %add3A_586 : i32
      %add3A_589 = arith.constant 1 : i32
      %add3A_590 = arith.addi %mul3A_588, %add3A_589 : i32
      %dma_start3A_591 = arith.constant 0 : i32
      %dma_start3A_592 = arith.constant 0 : i32
      %dma_start3A_593 = tpu.memref_slice %arg3[%add3A, %add3A_590, %dma_start3A_591, %dma_start3A_592] : memref<32x10x8x128xi32, #tpu.memory_space<hbm>> -> memref<1x1x8x128xi32, #tpu.memory_space<hbm>>
      %dma_start3A_594 = tpu.memref_squeeze %dma_start3A_593 : memref<1x1x8x128xi32, #tpu.memory_space<hbm>> -> memref<8x128xi32, #tpu.memory_space<hbm>>
      %dma_start3A_595 = arith.constant 0 : i32
      %dma_start3A_596 = arith.constant 0 : i32
      %dma_start3A_597 = tpu.memref_slice %arg3[%add3A, %add3A_590, %dma_start3A_595, %dma_start3A_596] : memref<32x10x8x128xi32, #tpu.memory_space<hbm>> -> memref<1x1x8x128xi32, #tpu.memory_space<hbm>>
      %dma_start3A_598 = tpu.memref_squeeze %dma_start3A_597 : memref<1x1x8x128xi32, #tpu.memory_space<hbm>> -> memref<8x128xi32, #tpu.memory_space<hbm>>
      tpu.enqueue_dma source(%dma_start3A_598 : memref<8x128xi32, #tpu.memory_space<hbm>>) target(%arg9 : memref<8x128xi32, #tpu.memory_space<vmem>>) target_semaphore(%arg15 : memref<!tpu.dma_semaphore, #tpu.memory_space<semaphore_mem>>)
      %dma_start3A_599 = arith.constant 0 : i32
      %dma_start3A_600 = arith.constant 0 : i32
      %dma_start3A_601 = tpu.memref_slice %arg4[%add3A, %add3A_590, %dma_start3A_599, %dma_start3A_600] : memref<32x10x8x128xi32, #tpu.memory_space<hbm>> -> memref<1x1x8x128xi32, #tpu.memory_space<hbm>>
      %dma_start3A_602 = tpu.memref_squeeze %dma_start3A_601 : memref<1x1x8x128xi32, #tpu.memory_space<hbm>> -> memref<8x128xi32, #tpu.memory_space<hbm>>
      %dma_start3A_603 = arith.constant 0 : i32
      %dma_start3A_604 = arith.constant 0 : i32
      %dma_start3A_605 = tpu.memref_slice %arg4[%add3A, %add3A_590, %dma_start3A_603, %dma_start3A_604] : memref<32x10x8x128xi32, #tpu.memory_space<hbm>> -> memref<1x1x8x128xi32, #tpu.memory_space<hbm>>
      %dma_start3A_606 = tpu.memref_squeeze %dma_start3A_605 : memref<1x1x8x128xi32, #tpu.memory_space<hbm>> -> memref<8x128xi32, #tpu.memory_space<hbm>>
      tpu.enqueue_dma source(%dma_start3A_606 : memref<8x128xi32, #tpu.memory_space<hbm>>) target(%arg10 : memref<8x128xi32, #tpu.memory_space<vmem>>) target_semaphore(%arg15 : memref<!tpu.dma_semaphore, #tpu.memory_space<semaphore_mem>>)
    }
    %scan3A_66 = arith.constant 4 : i32
    %dma_wait3A_67 = arith.constant 0 : i32
    %dma_wait3A_68 = arith.constant 0 : i32
    %dma_wait3A_69 = tpu.memref_slice %arg2[%dma_wait3A_67, %dma_wait3A_68] : memref<10240x128xf32, #tpu.memory_space<hbm>> -> memref<128x128xf32, #tpu.memory_space<hbm>>
    %dma_wait3A_70 = arith.constant 0 : i32
    %dma_wait3A_71 = arith.constant 0 : i32
    %dma_wait3A_72 = tpu.memref_slice %arg2[%dma_wait3A_70, %dma_wait3A_71] : memref<10240x128xf32, #tpu.memory_space<hbm>> -> memref<128x128xf32, #tpu.memory_space<hbm>>
    tpu.wait_dma2 semaphore(%arg16 : memref<!tpu.dma_semaphore, #tpu.memory_space<semaphore_mem>>) src(%dma_wait3A_72 : memref<128x128xf32, #tpu.memory_space<hbm>>) dst(%arg11 : memref<128x128xf32, #tpu.memory_space<vmem>>)
    %dma_start3A_73 = arith.constant 1 : i32
    %dma_start3A_74 = arith.constant 0 : i32
    %dma_start3A_75 = tpu.memref_slice %arg7[%dma_start3A_73, %dma_start3A_74] : memref<8x128xi32, #tpu.memory_space<vmem>> -> memref<1x128xi32, #tpu.memory_space<vmem>>
    %dma_start3A_76 = tpu.memref_squeeze %dma_start3A_75 : memref<1x128xi32, #tpu.memory_space<vmem>> -> memref<128xi32, #tpu.memory_space<vmem>>
    %dma_start3A_77 = arith.constant 0 : i32
    %dma_start3A_78 = arith.constant 0 : i32
    %dma_start3A_79 = tpu.memref_slice %arg2[%dma_start3A_77, %dma_start3A_78] : memref<10240x128xf32, #tpu.memory_space<hbm>> -> memref<10240x128xf32, #tpu.memory_space<hbm>>
    tpu.enqueue_indirect_dma source(%dma_start3A_79 : memref<10240x128xf32, #tpu.memory_space<hbm>>) target(%arg12 : memref<128x128xf32, #tpu.memory_space<vmem>>) offsets(%dma_start3A_76 : memref<128xi32, #tpu.memory_space<vmem>>) semaphore(%arg17 : memref<!tpu.dma_semaphore, #tpu.memory_space<semaphore_mem>>)
    %run_scoped3A = arith.constant 0 : i32
    "tpu.region"() ({
      %run_scoped3A_302 = tpu.sem_alloc : memref<!tpu.dma_semaphore, #tpu.memory_space<semaphore_mem>>
      %dma_start3A_303 = arith.constant 0 : i32
      %dma_start3A_304 = tpu.memref_slice %arg8[%run_scoped3A, %dma_start3A_303] : memref<8x128xi32, #tpu.memory_space<vmem>> -> memref<1x128xi32, #tpu.memory_space<vmem>>
      %dma_start3A_305 = tpu.memref_squeeze %dma_start3A_304 : memref<1x128xi32, #tpu.memory_space<vmem>> -> memref<128xi32, #tpu.memory_space<vmem>>
      %dma_start3A_306 = arith.constant 0 : i32
      %dma_start3A_307 = arith.constant 0 : i32
      %dma_start3A_308 = tpu.memref_slice %arg13[%dma_start3A_306, %dma_start3A_307] : memref<10240x128xf32, #tpu.memory_space<vmem_shared>> -> memref<10240x128xf32, #tpu.memory_space<vmem_shared>>
      tpu.enqueue_indirect_dma source(%arg11 : memref<128x128xf32, #tpu.memory_space<vmem>>) target(%dma_start3A_308 : memref<10240x128xf32, #tpu.memory_space<vmem_shared>>) offsets(%dma_start3A_305 : memref<128xi32, #tpu.memory_space<vmem>>) semaphore(%run_scoped3A_302 : memref<!tpu.dma_semaphore, #tpu.memory_space<semaphore_mem>>) {add = true}
      %dma_wait3A_309 = arith.constant 0 : i32
      %dma_wait3A_310 = tpu.memref_slice %arg8[%run_scoped3A, %dma_wait3A_309] : memref<8x128xi32, #tpu.memory_space<vmem>> -> memref<1x128xi32, #tpu.memory_space<vmem>>
      %dma_wait3A_311 = tpu.memref_squeeze %dma_wait3A_310 : memref<1x128xi32, #tpu.memory_space<vmem>> -> memref<128xi32, #tpu.memory_space<vmem>>
      %dma_wait3A_312 = arith.constant 0 : i32
      %dma_wait3A_313 = arith.constant 0 : i32
      %dma_wait3A_314 = tpu.memref_slice %arg13[%dma_wait3A_312, %dma_wait3A_313] : memref<10240x128xf32, #tpu.memory_space<vmem_shared>> -> memref<10240x128xf32, #tpu.memory_space<vmem_shared>>
      tpu.wait_indirect_dma semaphore(%run_scoped3A_302 : memref<!tpu.dma_semaphore, #tpu.memory_space<semaphore_mem>>) src(%arg11 : memref<128x128xf32, #tpu.memory_space<vmem>>) dst(%dma_wait3A_314 : memref<10240x128xf32, #tpu.memory_space<vmem_shared>>)
      tpu.yield
    }) : () -> ()
    %dma_wait3A_80 = arith.constant 0 : i32
    %dma_wait3A_81 = arith.constant 0 : i32
    %dma_wait3A_82 = tpu.memref_slice %arg2[%dma_wait3A_80, %dma_wait3A_81] : memref<10240x128xf32, #tpu.memory_space<hbm>> -> memref<128x128xf32, #tpu.memory_space<hbm>>
    %dma_wait3A_83 = arith.constant 0 : i32
    %dma_wait3A_84 = arith.constant 0 : i32
    %dma_wait3A_85 = tpu.memref_slice %arg2[%dma_wait3A_83, %dma_wait3A_84] : memref<10240x128xf32, #tpu.memory_space<hbm>> -> memref<128x128xf32, #tpu.memory_space<hbm>>
    tpu.wait_dma2 semaphore(%arg17 : memref<!tpu.dma_semaphore, #tpu.memory_space<semaphore_mem>>) src(%dma_wait3A_85 : memref<128x128xf32, #tpu.memory_space<hbm>>) dst(%arg12 : memref<128x128xf32, #tpu.memory_space<vmem>>)
    %dma_start3A_86 = arith.constant 2 : i32
    %dma_start3A_87 = arith.constant 0 : i32
    %dma_start3A_88 = tpu.memref_slice %arg7[%dma_start3A_86, %dma_start3A_87] : memref<8x128xi32, #tpu.memory_space<vmem>> -> memref<1x128xi32, #tpu.memory_space<vmem>>
    %dma_start3A_89 = tpu.memref_squeeze %dma_start3A_88 : memref<1x128xi32, #tpu.memory_space<vmem>> -> memref<128xi32, #tpu.memory_space<vmem>>
    %dma_start3A_90 = arith.constant 0 : i32
    %dma_start3A_91 = arith.constant 0 : i32
    %dma_start3A_92 = tpu.memref_slice %arg2[%dma_start3A_90, %dma_start3A_91] : memref<10240x128xf32, #tpu.memory_space<hbm>> -> memref<10240x128xf32, #tpu.memory_space<hbm>>
    tpu.enqueue_indirect_dma source(%dma_start3A_92 : memref<10240x128xf32, #tpu.memory_space<hbm>>) target(%arg11 : memref<128x128xf32, #tpu.memory_space<vmem>>) offsets(%dma_start3A_89 : memref<128xi32, #tpu.memory_space<vmem>>) semaphore(%arg16 : memref<!tpu.dma_semaphore, #tpu.memory_space<semaphore_mem>>)
    %run_scoped3A_93 = arith.constant 1 : i32
    "tpu.region"() ({
      %run_scoped3A_302 = tpu.sem_alloc : memref<!tpu.dma_semaphore, #tpu.memory_space<semaphore_mem>>
      %dma_start3A_303 = arith.constant 0 : i32
      %dma_start3A_304 = tpu.memref_slice %arg8[%run_scoped3A_93, %dma_start3A_303] : memref<8x128xi32, #tpu.memory_space<vmem>> -> memref<1x128xi32, #tpu.memory_space<vmem>>
      %dma_start3A_305 = tpu.memref_squeeze %dma_start3A_304 : memref<1x128xi32, #tpu.memory_space<vmem>> -> memref<128xi32, #tpu.memory_space<vmem>>
      %dma_start3A_306 = arith.constant 0 : i32
      %dma_start3A_307 = arith.constant 0 : i32
      %dma_start3A_308 = tpu.memref_slice %arg13[%dma_start3A_306, %dma_start3A_307] : memref<10240x128xf32, #tpu.memory_space<vmem_shared>> -> memref<10240x128xf32, #tpu.memory_space<vmem_shared>>
      tpu.enqueue_indirect_dma source(%arg12 : memref<128x128xf32, #tpu.memory_space<vmem>>) target(%dma_start3A_308 : memref<10240x128xf32, #tpu.memory_space<vmem_shared>>) offsets(%dma_start3A_305 : memref<128xi32, #tpu.memory_space<vmem>>) semaphore(%run_scoped3A_302 : memref<!tpu.dma_semaphore, #tpu.memory_space<semaphore_mem>>) {add = true}
      %dma_wait3A_309 = arith.constant 0 : i32
      %dma_wait3A_310 = tpu.memref_slice %arg8[%run_scoped3A_93, %dma_wait3A_309] : memref<8x128xi32, #tpu.memory_space<vmem>> -> memref<1x128xi32, #tpu.memory_space<vmem>>
      %dma_wait3A_311 = tpu.memref_squeeze %dma_wait3A_310 : memref<1x128xi32, #tpu.memory_space<vmem>> -> memref<128xi32, #tpu.memory_space<vmem>>
      %dma_wait3A_312 = arith.constant 0 : i32
      %dma_wait3A_313 = arith.constant 0 : i32
      %dma_wait3A_314 = tpu.memref_slice %arg13[%dma_wait3A_312, %dma_wait3A_313] : memref<10240x128xf32, #tpu.memory_space<vmem_shared>> -> memref<10240x128xf32, #tpu.memory_space<vmem_shared>>
      tpu.wait_indirect_dma semaphore(%run_scoped3A_302 : memref<!tpu.dma_semaphore, #tpu.memory_space<semaphore_mem>>) src(%arg12 : memref<128x128xf32, #tpu.memory_space<vmem>>) dst(%dma_wait3A_314 : memref<10240x128xf32, #tpu.memory_space<vmem_shared>>)
      tpu.yield
    }) : () -> ()
    %dma_wait3A_94 = arith.constant 0 : i32
    %dma_wait3A_95 = arith.constant 0 : i32
    %dma_wait3A_96 = tpu.memref_slice %arg2[%dma_wait3A_94, %dma_wait3A_95] : memref<10240x128xf32, #tpu.memory_space<hbm>> -> memref<128x128xf32, #tpu.memory_space<hbm>>
    %dma_wait3A_97 = arith.constant 0 : i32
    %dma_wait3A_98 = arith.constant 0 : i32
    %dma_wait3A_99 = tpu.memref_slice %arg2[%dma_wait3A_97, %dma_wait3A_98] : memref<10240x128xf32, #tpu.memory_space<hbm>> -> memref<128x128xf32, #tpu.memory_space<hbm>>
    tpu.wait_dma2 semaphore(%arg16 : memref<!tpu.dma_semaphore, #tpu.memory_space<semaphore_mem>>) src(%dma_wait3A_99 : memref<128x128xf32, #tpu.memory_space<hbm>>) dst(%arg11 : memref<128x128xf32, #tpu.memory_space<vmem>>)
    %dma_start3A_100 = arith.constant 3 : i32
    %dma_start3A_101 = arith.constant 0 : i32
    %dma_start3A_102 = tpu.memref_slice %arg7[%dma_start3A_100, %dma_start3A_101] : memref<8x128xi32, #tpu.memory_space<vmem>> -> memref<1x128xi32, #tpu.memory_space<vmem>>
    %dma_start3A_103 = tpu.memref_squeeze %dma_start3A_102 : memref<1x128xi32, #tpu.memory_space<vmem>> -> memref<128xi32, #tpu.memory_space<vmem>>
    %dma_start3A_104 = arith.constant 0 : i32
    %dma_start3A_105 = arith.constant 0 : i32
    %dma_start3A_106 = tpu.memref_slice %arg2[%dma_start3A_104, %dma_start3A_105] : memref<10240x128xf32, #tpu.memory_space<hbm>> -> memref<10240x128xf32, #tpu.memory_space<hbm>>
    tpu.enqueue_indirect_dma source(%dma_start3A_106 : memref<10240x128xf32, #tpu.memory_space<hbm>>) target(%arg12 : memref<128x128xf32, #tpu.memory_space<vmem>>) offsets(%dma_start3A_103 : memref<128xi32, #tpu.memory_space<vmem>>) semaphore(%arg17 : memref<!tpu.dma_semaphore, #tpu.memory_space<semaphore_mem>>)
    %run_scoped3A_107 = arith.constant 2 : i32
    "tpu.region"() ({
      %run_scoped3A_302 = tpu.sem_alloc : memref<!tpu.dma_semaphore, #tpu.memory_space<semaphore_mem>>
      %dma_start3A_303 = arith.constant 0 : i32
      %dma_start3A_304 = tpu.memref_slice %arg8[%run_scoped3A_107, %dma_start3A_303] : memref<8x128xi32, #tpu.memory_space<vmem>> -> memref<1x128xi32, #tpu.memory_space<vmem>>
      %dma_start3A_305 = tpu.memref_squeeze %dma_start3A_304 : memref<1x128xi32, #tpu.memory_space<vmem>> -> memref<128xi32, #tpu.memory_space<vmem>>
      %dma_start3A_306 = arith.constant 0 : i32
      %dma_start3A_307 = arith.constant 0 : i32
      %dma_start3A_308 = tpu.memref_slice %arg13[%dma_start3A_306, %dma_start3A_307] : memref<10240x128xf32, #tpu.memory_space<vmem_shared>> -> memref<10240x128xf32, #tpu.memory_space<vmem_shared>>
      tpu.enqueue_indirect_dma source(%arg11 : memref<128x128xf32, #tpu.memory_space<vmem>>) target(%dma_start3A_308 : memref<10240x128xf32, #tpu.memory_space<vmem_shared>>) offsets(%dma_start3A_305 : memref<128xi32, #tpu.memory_space<vmem>>) semaphore(%run_scoped3A_302 : memref<!tpu.dma_semaphore, #tpu.memory_space<semaphore_mem>>) {add = true}
      %dma_wait3A_309 = arith.constant 0 : i32
      %dma_wait3A_310 = tpu.memref_slice %arg8[%run_scoped3A_107, %dma_wait3A_309] : memref<8x128xi32, #tpu.memory_space<vmem>> -> memref<1x128xi32, #tpu.memory_space<vmem>>
      %dma_wait3A_311 = tpu.memref_squeeze %dma_wait3A_310 : memref<1x128xi32, #tpu.memory_space<vmem>> -> memref<128xi32, #tpu.memory_space<vmem>>
      %dma_wait3A_312 = arith.constant 0 : i32
      %dma_wait3A_313 = arith.constant 0 : i32
      %dma_wait3A_314 = tpu.memref_slice %arg13[%dma_wait3A_312, %dma_wait3A_313] : memref<10240x128xf32, #tpu.memory_space<vmem_shared>> -> memref<10240x128xf32, #tpu.memory_space<vmem_shared>>
      tpu.wait_indirect_dma semaphore(%run_scoped3A_302 : memref<!tpu.dma_semaphore, #tpu.memory_space<semaphore_mem>>) src(%arg11 : memref<128x128xf32, #tpu.memory_space<vmem>>) dst(%dma_wait3A_314 : memref<10240x128xf32, #tpu.memory_space<vmem_shared>>)
      tpu.yield
    }) : () -> ()
    %dma_wait3A_108 = arith.constant 0 : i32
    %dma_wait3A_109 = arith.constant 0 : i32
    %dma_wait3A_110 = tpu.memref_slice %arg2[%dma_wait3A_108, %dma_wait3A_109] : memref<10240x128xf32, #tpu.memory_space<hbm>> -> memref<128x128xf32, #tpu.memory_space<hbm>>
    %dma_wait3A_111 = arith.constant 0 : i32
    %dma_wait3A_112 = arith.constant 0 : i32
    %dma_wait3A_113 = tpu.memref_slice %arg2[%dma_wait3A_111, %dma_wait3A_112] : memref<10240x128xf32, #tpu.memory_space<hbm>> -> memref<128x128xf32, #tpu.memory_space<hbm>>
    tpu.wait_dma2 semaphore(%arg17 : memref<!tpu.dma_semaphore, #tpu.memory_space<semaphore_mem>>) src(%dma_wait3A_113 : memref<128x128xf32, #tpu.memory_space<hbm>>) dst(%arg12 : memref<128x128xf32, #tpu.memory_space<vmem>>)
    %dma_start3A_114 = arith.constant 4 : i32
    %dma_start3A_115 = arith.constant 0 : i32
    %dma_start3A_116 = tpu.memref_slice %arg7[%dma_start3A_114, %dma_start3A_115] : memref<8x128xi32, #tpu.memory_space<vmem>> -> memref<1x128xi32, #tpu.memory_space<vmem>>
    %dma_start3A_117 = tpu.memref_squeeze %dma_start3A_116 : memref<1x128xi32, #tpu.memory_space<vmem>> -> memref<128xi32, #tpu.memory_space<vmem>>
    %dma_start3A_118 = arith.constant 0 : i32
    %dma_start3A_119 = arith.constant 0 : i32
    %dma_start3A_120 = tpu.memref_slice %arg2[%dma_start3A_118, %dma_start3A_119] : memref<10240x128xf32, #tpu.memory_space<hbm>> -> memref<10240x128xf32, #tpu.memory_space<hbm>>
    tpu.enqueue_indirect_dma source(%dma_start3A_120 : memref<10240x128xf32, #tpu.memory_space<hbm>>) target(%arg11 : memref<128x128xf32, #tpu.memory_space<vmem>>) offsets(%dma_start3A_117 : memref<128xi32, #tpu.memory_space<vmem>>) semaphore(%arg16 : memref<!tpu.dma_semaphore, #tpu.memory_space<semaphore_mem>>)
    %run_scoped3A_121 = arith.constant 3 : i32
    "tpu.region"() ({
      %run_scoped3A_302 = tpu.sem_alloc : memref<!tpu.dma_semaphore, #tpu.memory_space<semaphore_mem>>
      %dma_start3A_303 = arith.constant 0 : i32
      %dma_start3A_304 = tpu.memref_slice %arg8[%run_scoped3A_121, %dma_start3A_303] : memref<8x128xi32, #tpu.memory_space<vmem>> -> memref<1x128xi32, #tpu.memory_space<vmem>>
      %dma_start3A_305 = tpu.memref_squeeze %dma_start3A_304 : memref<1x128xi32, #tpu.memory_space<vmem>> -> memref<128xi32, #tpu.memory_space<vmem>>
      %dma_start3A_306 = arith.constant 0 : i32
      %dma_start3A_307 = arith.constant 0 : i32
      %dma_start3A_308 = tpu.memref_slice %arg13[%dma_start3A_306, %dma_start3A_307] : memref<10240x128xf32, #tpu.memory_space<vmem_shared>> -> memref<10240x128xf32, #tpu.memory_space<vmem_shared>>
      tpu.enqueue_indirect_dma source(%arg12 : memref<128x128xf32, #tpu.memory_space<vmem>>) target(%dma_start3A_308 : memref<10240x128xf32, #tpu.memory_space<vmem_shared>>) offsets(%dma_start3A_305 : memref<128xi32, #tpu.memory_space<vmem>>) semaphore(%run_scoped3A_302 : memref<!tpu.dma_semaphore, #tpu.memory_space<semaphore_mem>>) {add = true}
      %dma_wait3A_309 = arith.constant 0 : i32
      %dma_wait3A_310 = tpu.memref_slice %arg8[%run_scoped3A_121, %dma_wait3A_309] : memref<8x128xi32, #tpu.memory_space<vmem>> -> memref<1x128xi32, #tpu.memory_space<vmem>>
      %dma_wait3A_311 = tpu.memref_squeeze %dma_wait3A_310 : memref<1x128xi32, #tpu.memory_space<vmem>> -> memref<128xi32, #tpu.memory_space<vmem>>
      %dma_wait3A_312 = arith.constant 0 : i32
      %dma_wait3A_313 = arith.constant 0 : i32
      %dma_wait3A_314 = tpu.memref_slice %arg13[%dma_wait3A_312, %dma_wait3A_313] : memref<10240x128xf32, #tpu.memory_space<vmem_shared>> -> memref<10240x128xf32, #tpu.memory_space<vmem_shared>>
      tpu.wait_indirect_dma semaphore(%run_scoped3A_302 : memref<!tpu.dma_semaphore, #tpu.memory_space<semaphore_mem>>) src(%arg12 : memref<128x128xf32, #tpu.memory_space<vmem>>) dst(%dma_wait3A_314 : memref<10240x128xf32, #tpu.memory_space<vmem_shared>>)
      tpu.yield
    }) : () -> ()
    %dma_wait3A_122 = arith.constant 0 : i32
    %dma_wait3A_123 = arith.constant 0 : i32
    %dma_wait3A_124 = tpu.memref_slice %arg2[%dma_wait3A_122, %dma_wait3A_123] : memref<10240x128xf32, #tpu.memory_space<hbm>> -> memref<128x128xf32, #tpu.memory_space<hbm>>
    %dma_wait3A_125 = arith.constant 0 : i32
    %dma_wait3A_126 = arith.constant 0 : i32
    %dma_wait3A_127 = tpu.memref_slice %arg2[%dma_wait3A_125, %dma_wait3A_126] : memref<10240x128xf32, #tpu.memory_space<hbm>> -> memref<128x128xf32, #tpu.memory_space<hbm>>
    tpu.wait_dma2 semaphore(%arg16 : memref<!tpu.dma_semaphore, #tpu.memory_space<semaphore_mem>>) src(%dma_wait3A_127 : memref<128x128xf32, #tpu.memory_space<hbm>>) dst(%arg11 : memref<128x128xf32, #tpu.memory_space<vmem>>)
    %dma_start3A_128 = arith.constant 5 : i32
    %dma_start3A_129 = arith.constant 0 : i32
    %dma_start3A_130 = tpu.memref_slice %arg7[%dma_start3A_128, %dma_start3A_129] : memref<8x128xi32, #tpu.memory_space<vmem>> -> memref<1x128xi32, #tpu.memory_space<vmem>>
    %dma_start3A_131 = tpu.memref_squeeze %dma_start3A_130 : memref<1x128xi32, #tpu.memory_space<vmem>> -> memref<128xi32, #tpu.memory_space<vmem>>
    %dma_start3A_132 = arith.constant 0 : i32
    %dma_start3A_133 = arith.constant 0 : i32
    %dma_start3A_134 = tpu.memref_slice %arg2[%dma_start3A_132, %dma_start3A_133] : memref<10240x128xf32, #tpu.memory_space<hbm>> -> memref<10240x128xf32, #tpu.memory_space<hbm>>
    tpu.enqueue_indirect_dma source(%dma_start3A_134 : memref<10240x128xf32, #tpu.memory_space<hbm>>) target(%arg12 : memref<128x128xf32, #tpu.memory_space<vmem>>) offsets(%dma_start3A_131 : memref<128xi32, #tpu.memory_space<vmem>>) semaphore(%arg17 : memref<!tpu.dma_semaphore, #tpu.memory_space<semaphore_mem>>)
    %run_scoped3A_135 = arith.constant 4 : i32
    "tpu.region"() ({
      %run_scoped3A_302 = tpu.sem_alloc : memref<!tpu.dma_semaphore, #tpu.memory_space<semaphore_mem>>
      %dma_start3A_303 = arith.constant 0 : i32
      %dma_start3A_304 = tpu.memref_slice %arg8[%run_scoped3A_135, %dma_start3A_303] : memref<8x128xi32, #tpu.memory_space<vmem>> -> memref<1x128xi32, #tpu.memory_space<vmem>>
      %dma_start3A_305 = tpu.memref_squeeze %dma_start3A_304 : memref<1x128xi32, #tpu.memory_space<vmem>> -> memref<128xi32, #tpu.memory_space<vmem>>
      %dma_start3A_306 = arith.constant 0 : i32
      %dma_start3A_307 = arith.constant 0 : i32
      %dma_start3A_308 = tpu.memref_slice %arg13[%dma_start3A_306, %dma_start3A_307] : memref<10240x128xf32, #tpu.memory_space<vmem_shared>> -> memref<10240x128xf32, #tpu.memory_space<vmem_shared>>
      tpu.enqueue_indirect_dma source(%arg11 : memref<128x128xf32, #tpu.memory_space<vmem>>) target(%dma_start3A_308 : memref<10240x128xf32, #tpu.memory_space<vmem_shared>>) offsets(%dma_start3A_305 : memref<128xi32, #tpu.memory_space<vmem>>) semaphore(%run_scoped3A_302 : memref<!tpu.dma_semaphore, #tpu.memory_space<semaphore_mem>>) {add = true}
      %dma_wait3A_309 = arith.constant 0 : i32
      %dma_wait3A_310 = tpu.memref_slice %arg8[%run_scoped3A_135, %dma_wait3A_309] : memref<8x128xi32, #tpu.memory_space<vmem>> -> memref<1x128xi32, #tpu.memory_space<vmem>>
      %dma_wait3A_311 = tpu.memref_squeeze %dma_wait3A_310 : memref<1x128xi32, #tpu.memory_space<vmem>> -> memref<128xi32, #tpu.memory_space<vmem>>
      %dma_wait3A_312 = arith.constant 0 : i32
      %dma_wait3A_313 = arith.constant 0 : i32
      %dma_wait3A_314 = tpu.memref_slice %arg13[%dma_wait3A_312, %dma_wait3A_313] : memref<10240x128xf32, #tpu.memory_space<vmem_shared>> -> memref<10240x128xf32, #tpu.memory_space<vmem_shared>>
      tpu.wait_indirect_dma semaphore(%run_scoped3A_302 : memref<!tpu.dma_semaphore, #tpu.memory_space<semaphore_mem>>) src(%arg11 : memref<128x128xf32, #tpu.memory_space<vmem>>) dst(%dma_wait3A_314 : memref<10240x128xf32, #tpu.memory_space<vmem_shared>>)
      tpu.yield
    }) : () -> ()
    %dma_wait3A_136 = arith.constant 0 : i32
    %dma_wait3A_137 = arith.constant 0 : i32
    %dma_wait3A_138 = tpu.memref_slice %arg2[%dma_wait3A_136, %dma_wait3A_137] : memref<10240x128xf32, #tpu.memory_space<hbm>> -> memref<128x128xf32, #tpu.memory_space<hbm>>
    %dma_wait3A_139 = arith.constant 0 : i32
    %dma_wait3A_140 = arith.constant 0 : i32
    %dma_wait3A_141 = tpu.memref_slice %arg2[%dma_wait3A_139, %dma_wait3A_140] : memref<10240x128xf32, #tpu.memory_space<hbm>> -> memref<128x128xf32, #tpu.memory_space<hbm>>
    tpu.wait_dma2 semaphore(%arg17 : memref<!tpu.dma_semaphore, #tpu.memory_space<semaphore_mem>>) src(%dma_wait3A_141 : memref<128x128xf32, #tpu.memory_space<hbm>>) dst(%arg12 : memref<128x128xf32, #tpu.memory_space<vmem>>)
    %dma_start3A_142 = arith.constant 6 : i32
    %dma_start3A_143 = arith.constant 0 : i32
    %dma_start3A_144 = tpu.memref_slice %arg7[%dma_start3A_142, %dma_start3A_143] : memref<8x128xi32, #tpu.memory_space<vmem>> -> memref<1x128xi32, #tpu.memory_space<vmem>>
    %dma_start3A_145 = tpu.memref_squeeze %dma_start3A_144 : memref<1x128xi32, #tpu.memory_space<vmem>> -> memref<128xi32, #tpu.memory_space<vmem>>
    %dma_start3A_146 = arith.constant 0 : i32
    %dma_start3A_147 = arith.constant 0 : i32
    %dma_start3A_148 = tpu.memref_slice %arg2[%dma_start3A_146, %dma_start3A_147] : memref<10240x128xf32, #tpu.memory_space<hbm>> -> memref<10240x128xf32, #tpu.memory_space<hbm>>
    tpu.enqueue_indirect_dma source(%dma_start3A_148 : memref<10240x128xf32, #tpu.memory_space<hbm>>) target(%arg11 : memref<128x128xf32, #tpu.memory_space<vmem>>) offsets(%dma_start3A_145 : memref<128xi32, #tpu.memory_space<vmem>>) semaphore(%arg16 : memref<!tpu.dma_semaphore, #tpu.memory_space<semaphore_mem>>)
    %run_scoped3A_149 = arith.constant 5 : i32
    "tpu.region"() ({
      %run_scoped3A_302 = tpu.sem_alloc : memref<!tpu.dma_semaphore, #tpu.memory_space<semaphore_mem>>
      %dma_start3A_303 = arith.constant 0 : i32
      %dma_start3A_304 = tpu.memref_slice %arg8[%run_scoped3A_149, %dma_start3A_303] : memref<8x128xi32, #tpu.memory_space<vmem>> -> memref<1x128xi32, #tpu.memory_space<vmem>>
      %dma_start3A_305 = tpu.memref_squeeze %dma_start3A_304 : memref<1x128xi32, #tpu.memory_space<vmem>> -> memref<128xi32, #tpu.memory_space<vmem>>
      %dma_start3A_306 = arith.constant 0 : i32
      %dma_start3A_307 = arith.constant 0 : i32
      %dma_start3A_308 = tpu.memref_slice %arg13[%dma_start3A_306, %dma_start3A_307] : memref<10240x128xf32, #tpu.memory_space<vmem_shared>> -> memref<10240x128xf32, #tpu.memory_space<vmem_shared>>
      tpu.enqueue_indirect_dma source(%arg12 : memref<128x128xf32, #tpu.memory_space<vmem>>) target(%dma_start3A_308 : memref<10240x128xf32, #tpu.memory_space<vmem_shared>>) offsets(%dma_start3A_305 : memref<128xi32, #tpu.memory_space<vmem>>) semaphore(%run_scoped3A_302 : memref<!tpu.dma_semaphore, #tpu.memory_space<semaphore_mem>>) {add = true}
      %dma_wait3A_309 = arith.constant 0 : i32
      %dma_wait3A_310 = tpu.memref_slice %arg8[%run_scoped3A_149, %dma_wait3A_309] : memref<8x128xi32, #tpu.memory_space<vmem>> -> memref<1x128xi32, #tpu.memory_space<vmem>>
      %dma_wait3A_311 = tpu.memref_squeeze %dma_wait3A_310 : memref<1x128xi32, #tpu.memory_space<vmem>> -> memref<128xi32, #tpu.memory_space<vmem>>
      %dma_wait3A_312 = arith.constant 0 : i32
      %dma_wait3A_313 = arith.constant 0 : i32
      %dma_wait3A_314 = tpu.memref_slice %arg13[%dma_wait3A_312, %dma_wait3A_313] : memref<10240x128xf32, #tpu.memory_space<vmem_shared>> -> memref<10240x128xf32, #tpu.memory_space<vmem_shared>>
      tpu.wait_indirect_dma semaphore(%run_scoped3A_302 : memref<!tpu.dma_semaphore, #tpu.memory_space<semaphore_mem>>) src(%arg12 : memref<128x128xf32, #tpu.memory_space<vmem>>) dst(%dma_wait3A_314 : memref<10240x128xf32, #tpu.memory_space<vmem_shared>>)
      tpu.yield
    }) : () -> ()
    %dma_wait3A_150 = arith.constant 0 : i32
    %dma_wait3A_151 = arith.constant 0 : i32
    %dma_wait3A_152 = tpu.memref_slice %arg2[%dma_wait3A_150, %dma_wait3A_151] : memref<10240x128xf32, #tpu.memory_space<hbm>> -> memref<128x128xf32, #tpu.memory_space<hbm>>
    %dma_wait3A_153 = arith.constant 0 : i32
    %dma_wait3A_154 = arith.constant 0 : i32
    %dma_wait3A_155 = tpu.memref_slice %arg2[%dma_wait3A_153, %dma_wait3A_154] : memref<10240x128xf32, #tpu.memory_space<hbm>> -> memref<128x128xf32, #tpu.memory_space<hbm>>
    tpu.wait_dma2 semaphore(%arg16 : memref<!tpu.dma_semaphore, #tpu.memory_space<semaphore_mem>>) src(%dma_wait3A_155 : memref<128x128xf32, #tpu.memory_space<hbm>>) dst(%arg11 : memref<128x128xf32, #tpu.memory_space<vmem>>)
    %dma_start3A_156 = arith.constant 7 : i32
    %dma_start3A_157 = arith.constant 0 : i32
    %dma_start3A_158 = tpu.memref_slice %arg7[%dma_start3A_156, %dma_start3A_157] : memref<8x128xi32, #tpu.memory_space<vmem>> -> memref<1x128xi32, #tpu.memory_space<vmem>>
    %dma_start3A_159 = tpu.memref_squeeze %dma_start3A_158 : memref<1x128xi32, #tpu.memory_space<vmem>> -> memref<128xi32, #tpu.memory_space<vmem>>
    %dma_start3A_160 = arith.constant 0 : i32
    %dma_start3A_161 = arith.constant 0 : i32
    %dma_start3A_162 = tpu.memref_slice %arg2[%dma_start3A_160, %dma_start3A_161] : memref<10240x128xf32, #tpu.memory_space<hbm>> -> memref<10240x128xf32, #tpu.memory_space<hbm>>
    tpu.enqueue_indirect_dma source(%dma_start3A_162 : memref<10240x128xf32, #tpu.memory_space<hbm>>) target(%arg12 : memref<128x128xf32, #tpu.memory_space<vmem>>) offsets(%dma_start3A_159 : memref<128xi32, #tpu.memory_space<vmem>>) semaphore(%arg17 : memref<!tpu.dma_semaphore, #tpu.memory_space<semaphore_mem>>)
    %run_scoped3A_163 = arith.constant 6 : i32
    "tpu.region"() ({
      %run_scoped3A_302 = tpu.sem_alloc : memref<!tpu.dma_semaphore, #tpu.memory_space<semaphore_mem>>
      %dma_start3A_303 = arith.constant 0 : i32
      %dma_start3A_304 = tpu.memref_slice %arg8[%run_scoped3A_163, %dma_start3A_303] : memref<8x128xi32, #tpu.memory_space<vmem>> -> memref<1x128xi32, #tpu.memory_space<vmem>>
      %dma_start3A_305 = tpu.memref_squeeze %dma_start3A_304 : memref<1x128xi32, #tpu.memory_space<vmem>> -> memref<128xi32, #tpu.memory_space<vmem>>
      %dma_start3A_306 = arith.constant 0 : i32
      %dma_start3A_307 = arith.constant 0 : i32
      %dma_start3A_308 = tpu.memref_slice %arg13[%dma_start3A_306, %dma_start3A_307] : memref<10240x128xf32, #tpu.memory_space<vmem_shared>> -> memref<10240x128xf32, #tpu.memory_space<vmem_shared>>
      tpu.enqueue_indirect_dma source(%arg11 : memref<128x128xf32, #tpu.memory_space<vmem>>) target(%dma_start3A_308 : memref<10240x128xf32, #tpu.memory_space<vmem_shared>>) offsets(%dma_start3A_305 : memref<128xi32, #tpu.memory_space<vmem>>) semaphore(%run_scoped3A_302 : memref<!tpu.dma_semaphore, #tpu.memory_space<semaphore_mem>>) {add = true}
      %dma_wait3A_309 = arith.constant 0 : i32
      %dma_wait3A_310 = tpu.memref_slice %arg8[%run_scoped3A_163, %dma_wait3A_309] : memref<8x128xi32, #tpu.memory_space<vmem>> -> memref<1x128xi32, #tpu.memory_space<vmem>>
      %dma_wait3A_311 = tpu.memref_squeeze %dma_wait3A_310 : memref<1x128xi32, #tpu.memory_space<vmem>> -> memref<128xi32, #tpu.memory_space<vmem>>
      %dma_wait3A_312 = arith.constant 0 : i32
      %dma_wait3A_313 = arith.constant 0 : i32
      %dma_wait3A_314 = tpu.memref_slice %arg13[%dma_wait3A_312, %dma_wait3A_313] : memref<10240x128xf32, #tpu.memory_space<vmem_shared>> -> memref<10240x128xf32, #tpu.memory_space<vmem_shared>>
      tpu.wait_indirect_dma semaphore(%run_scoped3A_302 : memref<!tpu.dma_semaphore, #tpu.memory_space<semaphore_mem>>) src(%arg11 : memref<128x128xf32, #tpu.memory_space<vmem>>) dst(%dma_wait3A_314 : memref<10240x128xf32, #tpu.memory_space<vmem_shared>>)
      tpu.yield
    }) : () -> ()
    %dma_wait3A_164 = arith.constant 0 : i32
    %dma_wait3A_165 = arith.constant 0 : i32
    %dma_wait3A_166 = tpu.memref_slice %arg2[%dma_wait3A_164, %dma_wait3A_165] : memref<10240x128xf32, #tpu.memory_space<hbm>> -> memref<128x128xf32, #tpu.memory_space<hbm>>
    %dma_wait3A_167 = arith.constant 0 : i32
    %dma_wait3A_168 = arith.constant 0 : i32
    %dma_wait3A_169 = tpu.memref_slice %arg2[%dma_wait3A_167, %dma_wait3A_168] : memref<10240x128xf32, #tpu.memory_space<hbm>> -> memref<128x128xf32, #tpu.memory_space<hbm>>
    tpu.wait_dma2 semaphore(%arg17 : memref<!tpu.dma_semaphore, #tpu.memory_space<semaphore_mem>>) src(%dma_wait3A_169 : memref<128x128xf32, #tpu.memory_space<hbm>>) dst(%arg12 : memref<128x128xf32, #tpu.memory_space<vmem>>)
    %dma_wait3A_170 = arith.constant 0 : i32
    %dma_wait3A_171 = arith.constant 0 : i32
    %dma_wait3A_172 = arith.constant 0 : i32
    %dma_wait3A_173 = tpu.memref_slice %arg3[%add3A, %dma_wait3A_170, %dma_wait3A_171, %dma_wait3A_172] : memref<32x10x8x128xi32, #tpu.memory_space<hbm>> -> memref<1x1x8x128xi32, #tpu.memory_space<hbm>>
    %dma_wait3A_174 = tpu.memref_squeeze %dma_wait3A_173 : memref<1x1x8x128xi32, #tpu.memory_space<hbm>> -> memref<8x128xi32, #tpu.memory_space<hbm>>
    %dma_wait3A_175 = arith.constant 0 : i32
    %dma_wait3A_176 = arith.constant 0 : i32
    %dma_wait3A_177 = tpu.memref_slice %arg3[%add3A, %dma_wait3A_170, %dma_wait3A_175, %dma_wait3A_176] : memref<32x10x8x128xi32, #tpu.memory_space<hbm>> -> memref<1x1x8x128xi32, #tpu.memory_space<hbm>>
    %dma_wait3A_178 = tpu.memref_squeeze %dma_wait3A_177 : memref<1x1x8x128xi32, #tpu.memory_space<hbm>> -> memref<8x128xi32, #tpu.memory_space<hbm>>
    tpu.wait_dma2 semaphore(%arg15 : memref<!tpu.dma_semaphore, #tpu.memory_space<semaphore_mem>>) src(%dma_wait3A_178 : memref<8x128xi32, #tpu.memory_space<hbm>>) dst(%arg9 : memref<8x128xi32, #tpu.memory_space<vmem>>)
    %dma_wait3A_179 = arith.constant 0 : i32
    %dma_wait3A_180 = arith.constant 0 : i32
    %dma_wait3A_181 = arith.constant 0 : i32
    %dma_wait3A_182 = tpu.memref_slice %arg4[%add3A, %dma_wait3A_179, %dma_wait3A_180, %dma_wait3A_181] : memref<32x10x8x128xi32, #tpu.memory_space<hbm>> -> memref<1x1x8x128xi32, #tpu.memory_space<hbm>>
    %dma_wait3A_183 = tpu.memref_squeeze %dma_wait3A_182 : memref<1x1x8x128xi32, #tpu.memory_space<hbm>> -> memref<8x128xi32, #tpu.memory_space<hbm>>
    %dma_wait3A_184 = arith.constant 0 : i32
    %dma_wait3A_185 = arith.constant 0 : i32
    %dma_wait3A_186 = tpu.memref_slice %arg4[%add3A, %dma_wait3A_179, %dma_wait3A_184, %dma_wait3A_185] : memref<32x10x8x128xi32, #tpu.memory_space<hbm>> -> memref<1x1x8x128xi32, #tpu.memory_space<hbm>>
    %dma_wait3A_187 = tpu.memref_squeeze %dma_wait3A_186 : memref<1x1x8x128xi32, #tpu.memory_space<hbm>> -> memref<8x128xi32, #tpu.memory_space<hbm>>
    tpu.wait_dma2 semaphore(%arg15 : memref<!tpu.dma_semaphore, #tpu.memory_space<semaphore_mem>>) src(%dma_wait3A_187 : memref<8x128xi32, #tpu.memory_space<hbm>>) dst(%arg10 : memref<8x128xi32, #tpu.memory_space<vmem>>)
    %dma_start3A_188 = arith.constant 0 : i32
    %dma_start3A_189 = arith.constant 0 : i32
    %dma_start3A_190 = tpu.memref_slice %arg9[%dma_start3A_188, %dma_start3A_189] : memref<8x128xi32, #tpu.memory_space<vmem>> -> memref<1x128xi32, #tpu.memory_space<vmem>>
    %dma_start3A_191 = tpu.memref_squeeze %dma_start3A_190 : memref<1x128xi32, #tpu.memory_space<vmem>> -> memref<128xi32, #tpu.memory_space<vmem>>
    %dma_start3A_192 = arith.constant 0 : i32
    %dma_start3A_193 = arith.constant 0 : i32
    %dma_start3A_194 = tpu.memref_slice %arg2[%dma_start3A_192, %dma_start3A_193] : memref<10240x128xf32, #tpu.memory_space<hbm>> -> memref<10240x128xf32, #tpu.memory_space<hbm>>
    tpu.enqueue_indirect_dma source(%dma_start3A_194 : memref<10240x128xf32, #tpu.memory_space<hbm>>) target(%arg11 : memref<128x128xf32, #tpu.memory_space<vmem>>) offsets(%dma_start3A_191 : memref<128xi32, #tpu.memory_space<vmem>>) semaphore(%arg16 : memref<!tpu.dma_semaphore, #tpu.memory_space<semaphore_mem>>)
    %run_scoped3A_195 = arith.constant 7 : i32
    "tpu.region"() ({
      %run_scoped3A_302 = tpu.sem_alloc : memref<!tpu.dma_semaphore, #tpu.memory_space<semaphore_mem>>
      %dma_start3A_303 = arith.constant 0 : i32
      %dma_start3A_304 = tpu.memref_slice %arg8[%run_scoped3A_195, %dma_start3A_303] : memref<8x128xi32, #tpu.memory_space<vmem>> -> memref<1x128xi32, #tpu.memory_space<vmem>>
      %dma_start3A_305 = tpu.memref_squeeze %dma_start3A_304 : memref<1x128xi32, #tpu.memory_space<vmem>> -> memref<128xi32, #tpu.memory_space<vmem>>
      %dma_start3A_306 = arith.constant 0 : i32
      %dma_start3A_307 = arith.constant 0 : i32
      %dma_start3A_308 = tpu.memref_slice %arg13[%dma_start3A_306, %dma_start3A_307] : memref<10240x128xf32, #tpu.memory_space<vmem_shared>> -> memref<10240x128xf32, #tpu.memory_space<vmem_shared>>
      tpu.enqueue_indirect_dma source(%arg12 : memref<128x128xf32, #tpu.memory_space<vmem>>) target(%dma_start3A_308 : memref<10240x128xf32, #tpu.memory_space<vmem_shared>>) offsets(%dma_start3A_305 : memref<128xi32, #tpu.memory_space<vmem>>) semaphore(%run_scoped3A_302 : memref<!tpu.dma_semaphore, #tpu.memory_space<semaphore_mem>>) {add = true}
      %dma_wait3A_309 = arith.constant 0 : i32
      %dma_wait3A_310 = tpu.memref_slice %arg8[%run_scoped3A_195, %dma_wait3A_309] : memref<8x128xi32, #tpu.memory_space<vmem>> -> memref<1x128xi32, #tpu.memory_space<vmem>>
      %dma_wait3A_311 = tpu.memref_squeeze %dma_wait3A_310 : memref<1x128xi32, #tpu.memory_space<vmem>> -> memref<128xi32, #tpu.memory_space<vmem>>
      %dma_wait3A_312 = arith.constant 0 : i32
      %dma_wait3A_313 = arith.constant 0 : i32
      %dma_wait3A_314 = tpu.memref_slice %arg13[%dma_wait3A_312, %dma_wait3A_313] : memref<10240x128xf32, #tpu.memory_space<vmem_shared>> -> memref<10240x128xf32, #tpu.memory_space<vmem_shared>>
      tpu.wait_indirect_dma semaphore(%run_scoped3A_302 : memref<!tpu.dma_semaphore, #tpu.memory_space<semaphore_mem>>) src(%arg12 : memref<128x128xf32, #tpu.memory_space<vmem>>) dst(%dma_wait3A_314 : memref<10240x128xf32, #tpu.memory_space<vmem_shared>>)
      tpu.yield
    }) : () -> ()
    %dma_wait3A_196 = arith.constant 0 : i32
    %dma_wait3A_197 = arith.constant 0 : i32
    %dma_wait3A_198 = tpu.memref_slice %arg2[%dma_wait3A_196, %dma_wait3A_197] : memref<10240x128xf32, #tpu.memory_space<hbm>> -> memref<128x128xf32, #tpu.memory_space<hbm>>
    %dma_wait3A_199 = arith.constant 0 : i32
    %dma_wait3A_200 = arith.constant 0 : i32
    %dma_wait3A_201 = tpu.memref_slice %arg2[%dma_wait3A_199, %dma_wait3A_200] : memref<10240x128xf32, #tpu.memory_space<hbm>> -> memref<128x128xf32, #tpu.memory_space<hbm>>
    tpu.wait_dma2 semaphore(%arg16 : memref<!tpu.dma_semaphore, #tpu.memory_space<semaphore_mem>>) src(%dma_wait3A_201 : memref<128x128xf32, #tpu.memory_space<hbm>>) dst(%arg11 : memref<128x128xf32, #tpu.memory_space<vmem>>)
    %dma_start3A_202 = arith.constant 1 : i32
    %dma_start3A_203 = arith.constant 0 : i32
    %dma_start3A_204 = tpu.memref_slice %arg9[%dma_start3A_202, %dma_start3A_203] : memref<8x128xi32, #tpu.memory_space<vmem>> -> memref<1x128xi32, #tpu.memory_space<vmem>>
    %dma_start3A_205 = tpu.memref_squeeze %dma_start3A_204 : memref<1x128xi32, #tpu.memory_space<vmem>> -> memref<128xi32, #tpu.memory_space<vmem>>
    %dma_start3A_206 = arith.constant 0 : i32
    %dma_start3A_207 = arith.constant 0 : i32
    %dma_start3A_208 = tpu.memref_slice %arg2[%dma_start3A_206, %dma_start3A_207] : memref<10240x128xf32, #tpu.memory_space<hbm>> -> memref<10240x128xf32, #tpu.memory_space<hbm>>
    tpu.enqueue_indirect_dma source(%dma_start3A_208 : memref<10240x128xf32, #tpu.memory_space<hbm>>) target(%arg12 : memref<128x128xf32, #tpu.memory_space<vmem>>) offsets(%dma_start3A_205 : memref<128xi32, #tpu.memory_space<vmem>>) semaphore(%arg17 : memref<!tpu.dma_semaphore, #tpu.memory_space<semaphore_mem>>)
    %run_scoped3A_209 = arith.constant 0 : i32
    "tpu.region"() ({
      %run_scoped3A_302 = tpu.sem_alloc : memref<!tpu.dma_semaphore, #tpu.memory_space<semaphore_mem>>
      %dma_start3A_303 = arith.constant 0 : i32
      %dma_start3A_304 = tpu.memref_slice %arg10[%run_scoped3A_209, %dma_start3A_303] : memref<8x128xi32, #tpu.memory_space<vmem>> -> memref<1x128xi32, #tpu.memory_space<vmem>>
      %dma_start3A_305 = tpu.memref_squeeze %dma_start3A_304 : memref<1x128xi32, #tpu.memory_space<vmem>> -> memref<128xi32, #tpu.memory_space<vmem>>
      %dma_start3A_306 = arith.constant 0 : i32
      %dma_start3A_307 = arith.constant 0 : i32
      %dma_start3A_308 = tpu.memref_slice %arg13[%dma_start3A_306, %dma_start3A_307] : memref<10240x128xf32, #tpu.memory_space<vmem_shared>> -> memref<10240x128xf32, #tpu.memory_space<vmem_shared>>
      tpu.enqueue_indirect_dma source(%arg11 : memref<128x128xf32, #tpu.memory_space<vmem>>) target(%dma_start3A_308 : memref<10240x128xf32, #tpu.memory_space<vmem_shared>>) offsets(%dma_start3A_305 : memref<128xi32, #tpu.memory_space<vmem>>) semaphore(%run_scoped3A_302 : memref<!tpu.dma_semaphore, #tpu.memory_space<semaphore_mem>>) {add = true}
      %dma_wait3A_309 = arith.constant 0 : i32
      %dma_wait3A_310 = tpu.memref_slice %arg10[%run_scoped3A_209, %dma_wait3A_309] : memref<8x128xi32, #tpu.memory_space<vmem>> -> memref<1x128xi32, #tpu.memory_space<vmem>>
      %dma_wait3A_311 = tpu.memref_squeeze %dma_wait3A_310 : memref<1x128xi32, #tpu.memory_space<vmem>> -> memref<128xi32, #tpu.memory_space<vmem>>
      %dma_wait3A_312 = arith.constant 0 : i32
      %dma_wait3A_313 = arith.constant 0 : i32
      %dma_wait3A_314 = tpu.memref_slice %arg13[%dma_wait3A_312, %dma_wait3A_313] : memref<10240x128xf32, #tpu.memory_space<vmem_shared>> -> memref<10240x128xf32, #tpu.memory_space<vmem_shared>>
      tpu.wait_indirect_dma semaphore(%run_scoped3A_302 : memref<!tpu.dma_semaphore, #tpu.memory_space<semaphore_mem>>) src(%arg11 : memref<128x128xf32, #tpu.memory_space<vmem>>) dst(%dma_wait3A_314 : memref<10240x128xf32, #tpu.memory_space<vmem_shared>>)
      tpu.yield
    }) : () -> ()
    %dma_wait3A_210 = arith.constant 0 : i32
    %dma_wait3A_211 = arith.constant 0 : i32
    %dma_wait3A_212 = tpu.memref_slice %arg2[%dma_wait3A_210, %dma_wait3A_211] : memref<10240x128xf32, #tpu.memory_space<hbm>> -> memref<128x128xf32, #tpu.memory_space<hbm>>
    %dma_wait3A_213 = arith.constant 0 : i32
    %dma_wait3A_214 = arith.constant 0 : i32
    %dma_wait3A_215 = tpu.memref_slice %arg2[%dma_wait3A_213, %dma_wait3A_214] : memref<10240x128xf32, #tpu.memory_space<hbm>> -> memref<128x128xf32, #tpu.memory_space<hbm>>
    tpu.wait_dma2 semaphore(%arg17 : memref<!tpu.dma_semaphore, #tpu.memory_space<semaphore_mem>>) src(%dma_wait3A_215 : memref<128x128xf32, #tpu.memory_space<hbm>>) dst(%arg12 : memref<128x128xf32, #tpu.memory_space<vmem>>)
    %dma_start3A_216 = arith.constant 2 : i32
    %dma_start3A_217 = arith.constant 0 : i32
    %dma_start3A_218 = tpu.memref_slice %arg9[%dma_start3A_216, %dma_start3A_217] : memref<8x128xi32, #tpu.memory_space<vmem>> -> memref<1x128xi32, #tpu.memory_space<vmem>>
    %dma_start3A_219 = tpu.memref_squeeze %dma_start3A_218 : memref<1x128xi32, #tpu.memory_space<vmem>> -> memref<128xi32, #tpu.memory_space<vmem>>
    %dma_start3A_220 = arith.constant 0 : i32
    %dma_start3A_221 = arith.constant 0 : i32
    %dma_start3A_222 = tpu.memref_slice %arg2[%dma_start3A_220, %dma_start3A_221] : memref<10240x128xf32, #tpu.memory_space<hbm>> -> memref<10240x128xf32, #tpu.memory_space<hbm>>
    tpu.enqueue_indirect_dma source(%dma_start3A_222 : memref<10240x128xf32, #tpu.memory_space<hbm>>) target(%arg11 : memref<128x128xf32, #tpu.memory_space<vmem>>) offsets(%dma_start3A_219 : memref<128xi32, #tpu.memory_space<vmem>>) semaphore(%arg16 : memref<!tpu.dma_semaphore, #tpu.memory_space<semaphore_mem>>)
    %run_scoped3A_223 = arith.constant 1 : i32
    "tpu.region"() ({
      %run_scoped3A_302 = tpu.sem_alloc : memref<!tpu.dma_semaphore, #tpu.memory_space<semaphore_mem>>
      %dma_start3A_303 = arith.constant 0 : i32
      %dma_start3A_304 = tpu.memref_slice %arg10[%run_scoped3A_223, %dma_start3A_303] : memref<8x128xi32, #tpu.memory_space<vmem>> -> memref<1x128xi32, #tpu.memory_space<vmem>>
      %dma_start3A_305 = tpu.memref_squeeze %dma_start3A_304 : memref<1x128xi32, #tpu.memory_space<vmem>> -> memref<128xi32, #tpu.memory_space<vmem>>
      %dma_start3A_306 = arith.constant 0 : i32
      %dma_start3A_307 = arith.constant 0 : i32
      %dma_start3A_308 = tpu.memref_slice %arg13[%dma_start3A_306, %dma_start3A_307] : memref<10240x128xf32, #tpu.memory_space<vmem_shared>> -> memref<10240x128xf32, #tpu.memory_space<vmem_shared>>
      tpu.enqueue_indirect_dma source(%arg12 : memref<128x128xf32, #tpu.memory_space<vmem>>) target(%dma_start3A_308 : memref<10240x128xf32, #tpu.memory_space<vmem_shared>>) offsets(%dma_start3A_305 : memref<128xi32, #tpu.memory_space<vmem>>) semaphore(%run_scoped3A_302 : memref<!tpu.dma_semaphore, #tpu.memory_space<semaphore_mem>>) {add = true}
      %dma_wait3A_309 = arith.constant 0 : i32
      %dma_wait3A_310 = tpu.memref_slice %arg10[%run_scoped3A_223, %dma_wait3A_309] : memref<8x128xi32, #tpu.memory_space<vmem>> -> memref<1x128xi32, #tpu.memory_space<vmem>>
      %dma_wait3A_311 = tpu.memref_squeeze %dma_wait3A_310 : memref<1x128xi32, #tpu.memory_space<vmem>> -> memref<128xi32, #tpu.memory_space<vmem>>
      %dma_wait3A_312 = arith.constant 0 : i32
      %dma_wait3A_313 = arith.constant 0 : i32
      %dma_wait3A_314 = tpu.memref_slice %arg13[%dma_wait3A_312, %dma_wait3A_313] : memref<10240x128xf32, #tpu.memory_space<vmem_shared>> -> memref<10240x128xf32, #tpu.memory_space<vmem_shared>>
      tpu.wait_indirect_dma semaphore(%run_scoped3A_302 : memref<!tpu.dma_semaphore, #tpu.memory_space<semaphore_mem>>) src(%arg12 : memref<128x128xf32, #tpu.memory_space<vmem>>) dst(%dma_wait3A_314 : memref<10240x128xf32, #tpu.memory_space<vmem_shared>>)
      tpu.yield
    }) : () -> ()
    %dma_wait3A_224 = arith.constant 0 : i32
    %dma_wait3A_225 = arith.constant 0 : i32
    %dma_wait3A_226 = tpu.memref_slice %arg2[%dma_wait3A_224, %dma_wait3A_225] : memref<10240x128xf32, #tpu.memory_space<hbm>> -> memref<128x128xf32, #tpu.memory_space<hbm>>
    %dma_wait3A_227 = arith.constant 0 : i32
    %dma_wait3A_228 = arith.constant 0 : i32
    %dma_wait3A_229 = tpu.memref_slice %arg2[%dma_wait3A_227, %dma_wait3A_228] : memref<10240x128xf32, #tpu.memory_space<hbm>> -> memref<128x128xf32, #tpu.memory_space<hbm>>
    tpu.wait_dma2 semaphore(%arg16 : memref<!tpu.dma_semaphore, #tpu.memory_space<semaphore_mem>>) src(%dma_wait3A_229 : memref<128x128xf32, #tpu.memory_space<hbm>>) dst(%arg11 : memref<128x128xf32, #tpu.memory_space<vmem>>)
    %dma_start3A_230 = arith.constant 3 : i32
    %dma_start3A_231 = arith.constant 0 : i32
    %dma_start3A_232 = tpu.memref_slice %arg9[%dma_start3A_230, %dma_start3A_231] : memref<8x128xi32, #tpu.memory_space<vmem>> -> memref<1x128xi32, #tpu.memory_space<vmem>>
    %dma_start3A_233 = tpu.memref_squeeze %dma_start3A_232 : memref<1x128xi32, #tpu.memory_space<vmem>> -> memref<128xi32, #tpu.memory_space<vmem>>
    %dma_start3A_234 = arith.constant 0 : i32
    %dma_start3A_235 = arith.constant 0 : i32
    %dma_start3A_236 = tpu.memref_slice %arg2[%dma_start3A_234, %dma_start3A_235] : memref<10240x128xf32, #tpu.memory_space<hbm>> -> memref<10240x128xf32, #tpu.memory_space<hbm>>
    tpu.enqueue_indirect_dma source(%dma_start3A_236 : memref<10240x128xf32, #tpu.memory_space<hbm>>) target(%arg12 : memref<128x128xf32, #tpu.memory_space<vmem>>) offsets(%dma_start3A_233 : memref<128xi32, #tpu.memory_space<vmem>>) semaphore(%arg17 : memref<!tpu.dma_semaphore, #tpu.memory_space<semaphore_mem>>)
    %run_scoped3A_237 = arith.constant 2 : i32
    "tpu.region"() ({
      %run_scoped3A_302 = tpu.sem_alloc : memref<!tpu.dma_semaphore, #tpu.memory_space<semaphore_mem>>
      %dma_start3A_303 = arith.constant 0 : i32
      %dma_start3A_304 = tpu.memref_slice %arg10[%run_scoped3A_237, %dma_start3A_303] : memref<8x128xi32, #tpu.memory_space<vmem>> -> memref<1x128xi32, #tpu.memory_space<vmem>>
      %dma_start3A_305 = tpu.memref_squeeze %dma_start3A_304 : memref<1x128xi32, #tpu.memory_space<vmem>> -> memref<128xi32, #tpu.memory_space<vmem>>
      %dma_start3A_306 = arith.constant 0 : i32
      %dma_start3A_307 = arith.constant 0 : i32
      %dma_start3A_308 = tpu.memref_slice %arg13[%dma_start3A_306, %dma_start3A_307] : memref<10240x128xf32, #tpu.memory_space<vmem_shared>> -> memref<10240x128xf32, #tpu.memory_space<vmem_shared>>
      tpu.enqueue_indirect_dma source(%arg11 : memref<128x128xf32, #tpu.memory_space<vmem>>) target(%dma_start3A_308 : memref<10240x128xf32, #tpu.memory_space<vmem_shared>>) offsets(%dma_start3A_305 : memref<128xi32, #tpu.memory_space<vmem>>) semaphore(%run_scoped3A_302 : memref<!tpu.dma_semaphore, #tpu.memory_space<semaphore_mem>>) {add = true}
      %dma_wait3A_309 = arith.constant 0 : i32
      %dma_wait3A_310 = tpu.memref_slice %arg10[%run_scoped3A_237, %dma_wait3A_309] : memref<8x128xi32, #tpu.memory_space<vmem>> -> memref<1x128xi32, #tpu.memory_space<vmem>>
      %dma_wait3A_311 = tpu.memref_squeeze %dma_wait3A_310 : memref<1x128xi32, #tpu.memory_space<vmem>> -> memref<128xi32, #tpu.memory_space<vmem>>
      %dma_wait3A_312 = arith.constant 0 : i32
      %dma_wait3A_313 = arith.constant 0 : i32
      %dma_wait3A_314 = tpu.memref_slice %arg13[%dma_wait3A_312, %dma_wait3A_313] : memref<10240x128xf32, #tpu.memory_space<vmem_shared>> -> memref<10240x128xf32, #tpu.memory_space<vmem_shared>>
      tpu.wait_indirect_dma semaphore(%run_scoped3A_302 : memref<!tpu.dma_semaphore, #tpu.memory_space<semaphore_mem>>) src(%arg11 : memref<128x128xf32, #tpu.memory_space<vmem>>) dst(%dma_wait3A_314 : memref<10240x128xf32, #tpu.memory_space<vmem_shared>>)
      tpu.yield
    }) : () -> ()
    %dma_wait3A_238 = arith.constant 0 : i32
    %dma_wait3A_239 = arith.constant 0 : i32
    %dma_wait3A_240 = tpu.memref_slice %arg2[%dma_wait3A_238, %dma_wait3A_239] : memref<10240x128xf32, #tpu.memory_space<hbm>> -> memref<128x128xf32, #tpu.memory_space<hbm>>
    %dma_wait3A_241 = arith.constant 0 : i32
    %dma_wait3A_242 = arith.constant 0 : i32
    %dma_wait3A_243 = tpu.memref_slice %arg2[%dma_wait3A_241, %dma_wait3A_242] : memref<10240x128xf32, #tpu.memory_space<hbm>> -> memref<128x128xf32, #tpu.memory_space<hbm>>
    tpu.wait_dma2 semaphore(%arg17 : memref<!tpu.dma_semaphore, #tpu.memory_space<semaphore_mem>>) src(%dma_wait3A_243 : memref<128x128xf32, #tpu.memory_space<hbm>>) dst(%arg12 : memref<128x128xf32, #tpu.memory_space<vmem>>)
    %dma_start3A_244 = arith.constant 4 : i32
    %dma_start3A_245 = arith.constant 0 : i32
    %dma_start3A_246 = tpu.memref_slice %arg9[%dma_start3A_244, %dma_start3A_245] : memref<8x128xi32, #tpu.memory_space<vmem>> -> memref<1x128xi32, #tpu.memory_space<vmem>>
    %dma_start3A_247 = tpu.memref_squeeze %dma_start3A_246 : memref<1x128xi32, #tpu.memory_space<vmem>> -> memref<128xi32, #tpu.memory_space<vmem>>
    %dma_start3A_248 = arith.constant 0 : i32
    %dma_start3A_249 = arith.constant 0 : i32
    %dma_start3A_250 = tpu.memref_slice %arg2[%dma_start3A_248, %dma_start3A_249] : memref<10240x128xf32, #tpu.memory_space<hbm>> -> memref<10240x128xf32, #tpu.memory_space<hbm>>
    tpu.enqueue_indirect_dma source(%dma_start3A_250 : memref<10240x128xf32, #tpu.memory_space<hbm>>) target(%arg11 : memref<128x128xf32, #tpu.memory_space<vmem>>) offsets(%dma_start3A_247 : memref<128xi32, #tpu.memory_space<vmem>>) semaphore(%arg16 : memref<!tpu.dma_semaphore, #tpu.memory_space<semaphore_mem>>)
    %run_scoped3A_251 = arith.constant 3 : i32
    "tpu.region"() ({
      %run_scoped3A_302 = tpu.sem_alloc : memref<!tpu.dma_semaphore, #tpu.memory_space<semaphore_mem>>
      %dma_start3A_303 = arith.constant 0 : i32
      %dma_start3A_304 = tpu.memref_slice %arg10[%run_scoped3A_251, %dma_start3A_303] : memref<8x128xi32, #tpu.memory_space<vmem>> -> memref<1x128xi32, #tpu.memory_space<vmem>>
      %dma_start3A_305 = tpu.memref_squeeze %dma_start3A_304 : memref<1x128xi32, #tpu.memory_space<vmem>> -> memref<128xi32, #tpu.memory_space<vmem>>
      %dma_start3A_306 = arith.constant 0 : i32
      %dma_start3A_307 = arith.constant 0 : i32
      %dma_start3A_308 = tpu.memref_slice %arg13[%dma_start3A_306, %dma_start3A_307] : memref<10240x128xf32, #tpu.memory_space<vmem_shared>> -> memref<10240x128xf32, #tpu.memory_space<vmem_shared>>
      tpu.enqueue_indirect_dma source(%arg12 : memref<128x128xf32, #tpu.memory_space<vmem>>) target(%dma_start3A_308 : memref<10240x128xf32, #tpu.memory_space<vmem_shared>>) offsets(%dma_start3A_305 : memref<128xi32, #tpu.memory_space<vmem>>) semaphore(%run_scoped3A_302 : memref<!tpu.dma_semaphore, #tpu.memory_space<semaphore_mem>>) {add = true}
      %dma_wait3A_309 = arith.constant 0 : i32
      %dma_wait3A_310 = tpu.memref_slice %arg10[%run_scoped3A_251, %dma_wait3A_309] : memref<8x128xi32, #tpu.memory_space<vmem>> -> memref<1x128xi32, #tpu.memory_space<vmem>>
      %dma_wait3A_311 = tpu.memref_squeeze %dma_wait3A_310 : memref<1x128xi32, #tpu.memory_space<vmem>> -> memref<128xi32, #tpu.memory_space<vmem>>
      %dma_wait3A_312 = arith.constant 0 : i32
      %dma_wait3A_313 = arith.constant 0 : i32
      %dma_wait3A_314 = tpu.memref_slice %arg13[%dma_wait3A_312, %dma_wait3A_313] : memref<10240x128xf32, #tpu.memory_space<vmem_shared>> -> memref<10240x128xf32, #tpu.memory_space<vmem_shared>>
      tpu.wait_indirect_dma semaphore(%run_scoped3A_302 : memref<!tpu.dma_semaphore, #tpu.memory_space<semaphore_mem>>) src(%arg12 : memref<128x128xf32, #tpu.memory_space<vmem>>) dst(%dma_wait3A_314 : memref<10240x128xf32, #tpu.memory_space<vmem_shared>>)
      tpu.yield
    }) : () -> ()
    %dma_wait3A_252 = arith.constant 0 : i32
    %dma_wait3A_253 = arith.constant 0 : i32
    %dma_wait3A_254 = tpu.memref_slice %arg2[%dma_wait3A_252, %dma_wait3A_253] : memref<10240x128xf32, #tpu.memory_space<hbm>> -> memref<128x128xf32, #tpu.memory_space<hbm>>
    %dma_wait3A_255 = arith.constant 0 : i32
    %dma_wait3A_256 = arith.constant 0 : i32
    %dma_wait3A_257 = tpu.memref_slice %arg2[%dma_wait3A_255, %dma_wait3A_256] : memref<10240x128xf32, #tpu.memory_space<hbm>> -> memref<128x128xf32, #tpu.memory_space<hbm>>
    tpu.wait_dma2 semaphore(%arg16 : memref<!tpu.dma_semaphore, #tpu.memory_space<semaphore_mem>>) src(%dma_wait3A_257 : memref<128x128xf32, #tpu.memory_space<hbm>>) dst(%arg11 : memref<128x128xf32, #tpu.memory_space<vmem>>)
    %dma_start3A_258 = arith.constant 5 : i32
    %dma_start3A_259 = arith.constant 0 : i32
    %dma_start3A_260 = tpu.memref_slice %arg9[%dma_start3A_258, %dma_start3A_259] : memref<8x128xi32, #tpu.memory_space<vmem>> -> memref<1x128xi32, #tpu.memory_space<vmem>>
    %dma_start3A_261 = tpu.memref_squeeze %dma_start3A_260 : memref<1x128xi32, #tpu.memory_space<vmem>> -> memref<128xi32, #tpu.memory_space<vmem>>
    %dma_start3A_262 = arith.constant 0 : i32
    %dma_start3A_263 = arith.constant 0 : i32
    %dma_start3A_264 = tpu.memref_slice %arg2[%dma_start3A_262, %dma_start3A_263] : memref<10240x128xf32, #tpu.memory_space<hbm>> -> memref<10240x128xf32, #tpu.memory_space<hbm>>
    tpu.enqueue_indirect_dma source(%dma_start3A_264 : memref<10240x128xf32, #tpu.memory_space<hbm>>) target(%arg12 : memref<128x128xf32, #tpu.memory_space<vmem>>) offsets(%dma_start3A_261 : memref<128xi32, #tpu.memory_space<vmem>>) semaphore(%arg17 : memref<!tpu.dma_semaphore, #tpu.memory_space<semaphore_mem>>)
    %run_scoped3A_265 = arith.constant 4 : i32
    "tpu.region"() ({
      %run_scoped3A_302 = tpu.sem_alloc : memref<!tpu.dma_semaphore, #tpu.memory_space<semaphore_mem>>
      %dma_start3A_303 = arith.constant 0 : i32
      %dma_start3A_304 = tpu.memref_slice %arg10[%run_scoped3A_265, %dma_start3A_303] : memref<8x128xi32, #tpu.memory_space<vmem>> -> memref<1x128xi32, #tpu.memory_space<vmem>>
      %dma_start3A_305 = tpu.memref_squeeze %dma_start3A_304 : memref<1x128xi32, #tpu.memory_space<vmem>> -> memref<128xi32, #tpu.memory_space<vmem>>
      %dma_start3A_306 = arith.constant 0 : i32
      %dma_start3A_307 = arith.constant 0 : i32
      %dma_start3A_308 = tpu.memref_slice %arg13[%dma_start3A_306, %dma_start3A_307] : memref<10240x128xf32, #tpu.memory_space<vmem_shared>> -> memref<10240x128xf32, #tpu.memory_space<vmem_shared>>
      tpu.enqueue_indirect_dma source(%arg11 : memref<128x128xf32, #tpu.memory_space<vmem>>) target(%dma_start3A_308 : memref<10240x128xf32, #tpu.memory_space<vmem_shared>>) offsets(%dma_start3A_305 : memref<128xi32, #tpu.memory_space<vmem>>) semaphore(%run_scoped3A_302 : memref<!tpu.dma_semaphore, #tpu.memory_space<semaphore_mem>>) {add = true}
      %dma_wait3A_309 = arith.constant 0 : i32
      %dma_wait3A_310 = tpu.memref_slice %arg10[%run_scoped3A_265, %dma_wait3A_309] : memref<8x128xi32, #tpu.memory_space<vmem>> -> memref<1x128xi32, #tpu.memory_space<vmem>>
      %dma_wait3A_311 = tpu.memref_squeeze %dma_wait3A_310 : memref<1x128xi32, #tpu.memory_space<vmem>> -> memref<128xi32, #tpu.memory_space<vmem>>
      %dma_wait3A_312 = arith.constant 0 : i32
      %dma_wait3A_313 = arith.constant 0 : i32
      %dma_wait3A_314 = tpu.memref_slice %arg13[%dma_wait3A_312, %dma_wait3A_313] : memref<10240x128xf32, #tpu.memory_space<vmem_shared>> -> memref<10240x128xf32, #tpu.memory_space<vmem_shared>>
      tpu.wait_indirect_dma semaphore(%run_scoped3A_302 : memref<!tpu.dma_semaphore, #tpu.memory_space<semaphore_mem>>) src(%arg11 : memref<128x128xf32, #tpu.memory_space<vmem>>) dst(%dma_wait3A_314 : memref<10240x128xf32, #tpu.memory_space<vmem_shared>>)
      tpu.yield
    }) : () -> ()
    %dma_wait3A_266 = arith.constant 0 : i32
    %dma_wait3A_267 = arith.constant 0 : i32
    %dma_wait3A_268 = tpu.memref_slice %arg2[%dma_wait3A_266, %dma_wait3A_267] : memref<10240x128xf32, #tpu.memory_space<hbm>> -> memref<128x128xf32, #tpu.memory_space<hbm>>
    %dma_wait3A_269 = arith.constant 0 : i32
    %dma_wait3A_270 = arith.constant 0 : i32
    %dma_wait3A_271 = tpu.memref_slice %arg2[%dma_wait3A_269, %dma_wait3A_270] : memref<10240x128xf32, #tpu.memory_space<hbm>> -> memref<128x128xf32, #tpu.memory_space<hbm>>
    tpu.wait_dma2 semaphore(%arg17 : memref<!tpu.dma_semaphore, #tpu.memory_space<semaphore_mem>>) src(%dma_wait3A_271 : memref<128x128xf32, #tpu.memory_space<hbm>>) dst(%arg12 : memref<128x128xf32, #tpu.memory_space<vmem>>)
    %dma_start3A_272 = arith.constant 6 : i32
    %dma_start3A_273 = arith.constant 0 : i32
    %dma_start3A_274 = tpu.memref_slice %arg9[%dma_start3A_272, %dma_start3A_273] : memref<8x128xi32, #tpu.memory_space<vmem>> -> memref<1x128xi32, #tpu.memory_space<vmem>>
    %dma_start3A_275 = tpu.memref_squeeze %dma_start3A_274 : memref<1x128xi32, #tpu.memory_space<vmem>> -> memref<128xi32, #tpu.memory_space<vmem>>
    %dma_start3A_276 = arith.constant 0 : i32
    %dma_start3A_277 = arith.constant 0 : i32
    %dma_start3A_278 = tpu.memref_slice %arg2[%dma_start3A_276, %dma_start3A_277] : memref<10240x128xf32, #tpu.memory_space<hbm>> -> memref<10240x128xf32, #tpu.memory_space<hbm>>
    tpu.enqueue_indirect_dma source(%dma_start3A_278 : memref<10240x128xf32, #tpu.memory_space<hbm>>) target(%arg11 : memref<128x128xf32, #tpu.memory_space<vmem>>) offsets(%dma_start3A_275 : memref<128xi32, #tpu.memory_space<vmem>>) semaphore(%arg16 : memref<!tpu.dma_semaphore, #tpu.memory_space<semaphore_mem>>)
    %run_scoped3A_279 = arith.constant 5 : i32
    "tpu.region"() ({
      %run_scoped3A_302 = tpu.sem_alloc : memref<!tpu.dma_semaphore, #tpu.memory_space<semaphore_mem>>
      %dma_start3A_303 = arith.constant 0 : i32
      %dma_start3A_304 = tpu.memref_slice %arg10[%run_scoped3A_279, %dma_start3A_303] : memref<8x128xi32, #tpu.memory_space<vmem>> -> memref<1x128xi32, #tpu.memory_space<vmem>>
      %dma_start3A_305 = tpu.memref_squeeze %dma_start3A_304 : memref<1x128xi32, #tpu.memory_space<vmem>> -> memref<128xi32, #tpu.memory_space<vmem>>
      %dma_start3A_306 = arith.constant 0 : i32
      %dma_start3A_307 = arith.constant 0 : i32
      %dma_start3A_308 = tpu.memref_slice %arg13[%dma_start3A_306, %dma_start3A_307] : memref<10240x128xf32, #tpu.memory_space<vmem_shared>> -> memref<10240x128xf32, #tpu.memory_space<vmem_shared>>
      tpu.enqueue_indirect_dma source(%arg12 : memref<128x128xf32, #tpu.memory_space<vmem>>) target(%dma_start3A_308 : memref<10240x128xf32, #tpu.memory_space<vmem_shared>>) offsets(%dma_start3A_305 : memref<128xi32, #tpu.memory_space<vmem>>) semaphore(%run_scoped3A_302 : memref<!tpu.dma_semaphore, #tpu.memory_space<semaphore_mem>>) {add = true}
      %dma_wait3A_309 = arith.constant 0 : i32
      %dma_wait3A_310 = tpu.memref_slice %arg10[%run_scoped3A_279, %dma_wait3A_309] : memref<8x128xi32, #tpu.memory_space<vmem>> -> memref<1x128xi32, #tpu.memory_space<vmem>>
      %dma_wait3A_311 = tpu.memref_squeeze %dma_wait3A_310 : memref<1x128xi32, #tpu.memory_space<vmem>> -> memref<128xi32, #tpu.memory_space<vmem>>
      %dma_wait3A_312 = arith.constant 0 : i32
      %dma_wait3A_313 = arith.constant 0 : i32
      %dma_wait3A_314 = tpu.memref_slice %arg13[%dma_wait3A_312, %dma_wait3A_313] : memref<10240x128xf32, #tpu.memory_space<vmem_shared>> -> memref<10240x128xf32, #tpu.memory_space<vmem_shared>>
      tpu.wait_indirect_dma semaphore(%run_scoped3A_302 : memref<!tpu.dma_semaphore, #tpu.memory_space<semaphore_mem>>) src(%arg12 : memref<128x128xf32, #tpu.memory_space<vmem>>) dst(%dma_wait3A_314 : memref<10240x128xf32, #tpu.memory_space<vmem_shared>>)
      tpu.yield
    }) : () -> ()
    %dma_wait3A_280 = arith.constant 0 : i32
    %dma_wait3A_281 = arith.constant 0 : i32
    %dma_wait3A_282 = tpu.memref_slice %arg2[%dma_wait3A_280, %dma_wait3A_281] : memref<10240x128xf32, #tpu.memory_space<hbm>> -> memref<128x128xf32, #tpu.memory_space<hbm>>
    %dma_wait3A_283 = arith.constant 0 : i32
    %dma_wait3A_284 = arith.constant 0 : i32
    %dma_wait3A_285 = tpu.memref_slice %arg2[%dma_wait3A_283, %dma_wait3A_284] : memref<10240x128xf32, #tpu.memory_space<hbm>> -> memref<128x128xf32, #tpu.memory_space<hbm>>
    tpu.wait_dma2 semaphore(%arg16 : memref<!tpu.dma_semaphore, #tpu.memory_space<semaphore_mem>>) src(%dma_wait3A_285 : memref<128x128xf32, #tpu.memory_space<hbm>>) dst(%arg11 : memref<128x128xf32, #tpu.memory_space<vmem>>)
    %dma_start3A_286 = arith.constant 7 : i32
    %dma_start3A_287 = arith.constant 0 : i32
    %dma_start3A_288 = tpu.memref_slice %arg9[%dma_start3A_286, %dma_start3A_287] : memref<8x128xi32, #tpu.memory_space<vmem>> -> memref<1x128xi32, #tpu.memory_space<vmem>>
    %dma_start3A_289 = tpu.memref_squeeze %dma_start3A_288 : memref<1x128xi32, #tpu.memory_space<vmem>> -> memref<128xi32, #tpu.memory_space<vmem>>
    %dma_start3A_290 = arith.constant 0 : i32
    %dma_start3A_291 = arith.constant 0 : i32
    %dma_start3A_292 = tpu.memref_slice %arg2[%dma_start3A_290, %dma_start3A_291] : memref<10240x128xf32, #tpu.memory_space<hbm>> -> memref<10240x128xf32, #tpu.memory_space<hbm>>
    tpu.enqueue_indirect_dma source(%dma_start3A_292 : memref<10240x128xf32, #tpu.memory_space<hbm>>) target(%arg12 : memref<128x128xf32, #tpu.memory_space<vmem>>) offsets(%dma_start3A_289 : memref<128xi32, #tpu.memory_space<vmem>>) semaphore(%arg17 : memref<!tpu.dma_semaphore, #tpu.memory_space<semaphore_mem>>)
    %run_scoped3A_293 = arith.constant 6 : i32
    "tpu.region"() ({
      %run_scoped3A_302 = tpu.sem_alloc : memref<!tpu.dma_semaphore, #tpu.memory_space<semaphore_mem>>
      %dma_start3A_303 = arith.constant 0 : i32
      %dma_start3A_304 = tpu.memref_slice %arg10[%run_scoped3A_293, %dma_start3A_303] : memref<8x128xi32, #tpu.memory_space<vmem>> -> memref<1x128xi32, #tpu.memory_space<vmem>>
      %dma_start3A_305 = tpu.memref_squeeze %dma_start3A_304 : memref<1x128xi32, #tpu.memory_space<vmem>> -> memref<128xi32, #tpu.memory_space<vmem>>
      %dma_start3A_306 = arith.constant 0 : i32
      %dma_start3A_307 = arith.constant 0 : i32
      %dma_start3A_308 = tpu.memref_slice %arg13[%dma_start3A_306, %dma_start3A_307] : memref<10240x128xf32, #tpu.memory_space<vmem_shared>> -> memref<10240x128xf32, #tpu.memory_space<vmem_shared>>
      tpu.enqueue_indirect_dma source(%arg11 : memref<128x128xf32, #tpu.memory_space<vmem>>) target(%dma_start3A_308 : memref<10240x128xf32, #tpu.memory_space<vmem_shared>>) offsets(%dma_start3A_305 : memref<128xi32, #tpu.memory_space<vmem>>) semaphore(%run_scoped3A_302 : memref<!tpu.dma_semaphore, #tpu.memory_space<semaphore_mem>>) {add = true}
      %dma_wait3A_309 = arith.constant 0 : i32
      %dma_wait3A_310 = tpu.memref_slice %arg10[%run_scoped3A_293, %dma_wait3A_309] : memref<8x128xi32, #tpu.memory_space<vmem>> -> memref<1x128xi32, #tpu.memory_space<vmem>>
      %dma_wait3A_311 = tpu.memref_squeeze %dma_wait3A_310 : memref<1x128xi32, #tpu.memory_space<vmem>> -> memref<128xi32, #tpu.memory_space<vmem>>
      %dma_wait3A_312 = arith.constant 0 : i32
      %dma_wait3A_313 = arith.constant 0 : i32
      %dma_wait3A_314 = tpu.memref_slice %arg13[%dma_wait3A_312, %dma_wait3A_313] : memref<10240x128xf32, #tpu.memory_space<vmem_shared>> -> memref<10240x128xf32, #tpu.memory_space<vmem_shared>>
      tpu.wait_indirect_dma semaphore(%run_scoped3A_302 : memref<!tpu.dma_semaphore, #tpu.memory_space<semaphore_mem>>) src(%arg11 : memref<128x128xf32, #tpu.memory_space<vmem>>) dst(%dma_wait3A_314 : memref<10240x128xf32, #tpu.memory_space<vmem_shared>>)
      tpu.yield
    }) : () -> ()
    %dma_wait3A_294 = arith.constant 0 : i32
    %dma_wait3A_295 = arith.constant 0 : i32
    %dma_wait3A_296 = tpu.memref_slice %arg2[%dma_wait3A_294, %dma_wait3A_295] : memref<10240x128xf32, #tpu.memory_space<hbm>> -> memref<128x128xf32, #tpu.memory_space<hbm>>
    %dma_wait3A_297 = arith.constant 0 : i32
    %dma_wait3A_298 = arith.constant 0 : i32
    %dma_wait3A_299 = tpu.memref_slice %arg2[%dma_wait3A_297, %dma_wait3A_298] : memref<10240x128xf32, #tpu.memory_space<hbm>> -> memref<128x128xf32, #tpu.memory_space<hbm>>
    tpu.wait_dma2 semaphore(%arg17 : memref<!tpu.dma_semaphore, #tpu.memory_space<semaphore_mem>>) src(%dma_wait3A_299 : memref<128x128xf32, #tpu.memory_space<hbm>>) dst(%arg12 : memref<128x128xf32, #tpu.memory_space<vmem>>)
    %run_scoped3A_300 = arith.constant 7 : i32
    "tpu.region"() ({
      %run_scoped3A_302 = tpu.sem_alloc : memref<!tpu.dma_semaphore, #tpu.memory_space<semaphore_mem>>
      %dma_start3A_303 = arith.constant 0 : i32
      %dma_start3A_304 = tpu.memref_slice %arg10[%run_scoped3A_300, %dma_start3A_303] : memref<8x128xi32, #tpu.memory_space<vmem>> -> memref<1x128xi32, #tpu.memory_space<vmem>>
      %dma_start3A_305 = tpu.memref_squeeze %dma_start3A_304 : memref<1x128xi32, #tpu.memory_space<vmem>> -> memref<128xi32, #tpu.memory_space<vmem>>
      %dma_start3A_306 = arith.constant 0 : i32
      %dma_start3A_307 = arith.constant 0 : i32
      %dma_start3A_308 = tpu.memref_slice %arg13[%dma_start3A_306, %dma_start3A_307] : memref<10240x128xf32, #tpu.memory_space<vmem_shared>> -> memref<10240x128xf32, #tpu.memory_space<vmem_shared>>
      tpu.enqueue_indirect_dma source(%arg12 : memref<128x128xf32, #tpu.memory_space<vmem>>) target(%dma_start3A_308 : memref<10240x128xf32, #tpu.memory_space<vmem_shared>>) offsets(%dma_start3A_305 : memref<128xi32, #tpu.memory_space<vmem>>) semaphore(%run_scoped3A_302 : memref<!tpu.dma_semaphore, #tpu.memory_space<semaphore_mem>>) {add = true}
      %dma_wait3A_309 = arith.constant 0 : i32
      %dma_wait3A_310 = tpu.memref_slice %arg10[%run_scoped3A_300, %dma_wait3A_309] : memref<8x128xi32, #tpu.memory_space<vmem>> -> memref<1x128xi32, #tpu.memory_space<vmem>>
      %dma_wait3A_311 = tpu.memref_squeeze %dma_wait3A_310 : memref<1x128xi32, #tpu.memory_space<vmem>> -> memref<128xi32, #tpu.memory_space<vmem>>
      %dma_wait3A_312 = arith.constant 0 : i32
      %dma_wait3A_313 = arith.constant 0 : i32
      %dma_wait3A_314 = tpu.memref_slice %arg13[%dma_wait3A_312, %dma_wait3A_313] : memref<10240x128xf32, #tpu.memory_space<vmem_shared>> -> memref<10240x128xf32, #tpu.memory_space<vmem_shared>>
      tpu.wait_indirect_dma semaphore(%run_scoped3A_302 : memref<!tpu.dma_semaphore, #tpu.memory_space<semaphore_mem>>) src(%arg12 : memref<128x128xf32, #tpu.memory_space<vmem>>) dst(%dma_wait3A_314 : memref<10240x128xf32, #tpu.memory_space<vmem_shared>>)
      tpu.yield
    }) : () -> ()
    %barrier3A_301 = arith.constant 0 : index
    tpu.barrier barrier_id(%barrier3A_301)
    "tpu.region"() ({
      %run_scoped3A_302 = tpu.sem_alloc : memref<!tpu.dma_semaphore, #tpu.memory_space<semaphore_mem>>
      %dma_start3A_303 = arith.constant 0 : i32
      %dma_start3A_304 = tpu.memref_slice %arg6[%arg0, %mul3A_2, %dma_start3A_303] : memref<2x10240x128xf32, #tpu.memory_space<hbm>> -> memref<1x640x128xf32, #tpu.memory_space<hbm>>
      %dma_start3A_305 = tpu.memref_squeeze %dma_start3A_304 : memref<1x640x128xf32, #tpu.memory_space<hbm>> -> memref<640x128xf32, #tpu.memory_space<hbm>>
      %dma_start3A_306 = arith.constant 0 : i32
      %dma_start3A_307 = tpu.memref_slice %arg13[%mul3A_2, %dma_start3A_306] : memref<10240x128xf32, #tpu.memory_space<vmem_shared>> -> memref<640x128xf32, #tpu.memory_space<vmem_shared>>
      tpu.enqueue_dma source(%dma_start3A_307 : memref<640x128xf32, #tpu.memory_space<vmem_shared>>) target(%dma_start3A_305 : memref<640x128xf32, #tpu.memory_space<hbm>>) target_semaphore(%run_scoped3A_302 : memref<!tpu.dma_semaphore, #tpu.memory_space<semaphore_mem>>)
      %dma_wait3A_308 = arith.constant 0 : i32
      %dma_wait3A_309 = tpu.memref_slice %arg6[%arg0, %mul3A_2, %dma_wait3A_308] : memref<2x10240x128xf32, #tpu.memory_space<hbm>> -> memref<1x640x128xf32, #tpu.memory_space<hbm>>
      %dma_wait3A_310 = tpu.memref_squeeze %dma_wait3A_309 : memref<1x640x128xf32, #tpu.memory_space<hbm>> -> memref<640x128xf32, #tpu.memory_space<hbm>>
      %dma_wait3A_311 = arith.constant 0 : i32
      %dma_wait3A_312 = tpu.memref_slice %arg13[%mul3A_2, %dma_wait3A_311] : memref<10240x128xf32, #tpu.memory_space<vmem_shared>> -> memref<640x128xf32, #tpu.memory_space<vmem_shared>>
      tpu.wait_dma2 semaphore(%run_scoped3A_302 : memref<!tpu.dma_semaphore, #tpu.memory_space<semaphore_mem>>) src(%dma_wait3A_312 : memref<640x128xf32, #tpu.memory_space<vmem_shared>>) dst(%dma_wait3A_310 : memref<640x128xf32, #tpu.memory_space<hbm>>)
      tpu.yield
    }) : () -> ()
    return
  }
}

#map = affine_map<(d0, d1) -> (0, 0, 0, 0)>
#map1 = affine_map<(d0, d1) -> (0)>
#map2 = affine_map<(d0, d1) -> (0, 0)>
module attributes {stable_mosaic.version = 14 : i64} {
  func.func @deg_kernel(%arg0: i32, %arg1: i32, %arg2: memref<32x10x8x128xi32, #tpu.memory_space<hbm>>, %arg3: memref<10240xf32, #tpu.memory_space<hbm>>, %arg4: memref<2x10240xf32, #tpu.memory_space<hbm>>, %arg5: memref<10x8x128xi32, #tpu.memory_space<vmem>>, %arg6: memref<128xf32, #tpu.memory_space<vmem>>, %arg7: memref<10240xf32, #tpu.memory_space<vmem_shared>>) attributes {dimension_semantics = [#tpu.dimension_semantics<core_parallel>, #tpu.dimension_semantics<subcore_parallel>], iteration_bounds = array<i64: 2, 16>, scalar_prefetch = 0 : i64, scratch_operands = 3 : i64, tpu.core_type = #tpu.core_type<sc_vector_subcore>, window_params = [{transform_indices = #map}, {transform_indices = #map1}, {transform_indices = #map2}]} {
    %mul3A = arith.constant 2 : i32
    %mul3A_0 = arith.muli %arg1, %mul3A : i32
    %add3A = arith.addi %mul3A_0, %arg0 : i32
    "tpu.region"() ({
      %run_scoped3A = tpu.sem_alloc : memref<!tpu.dma_semaphore, #tpu.memory_space<semaphore_mem>>
      %dma_start3A = arith.constant 0 : i32
      %dma_start3A_61 = arith.constant 0 : i32
      %dma_start3A_62 = arith.constant 0 : i32
      %dma_start3A_63 = tpu.memref_slice %arg2[%add3A, %dma_start3A, %dma_start3A_61, %dma_start3A_62] : memref<32x10x8x128xi32, #tpu.memory_space<hbm>> -> memref<1x10x8x128xi32, #tpu.memory_space<hbm>>
      %dma_start3A_64 = tpu.memref_squeeze %dma_start3A_63 : memref<1x10x8x128xi32, #tpu.memory_space<hbm>> -> memref<10x8x128xi32, #tpu.memory_space<hbm>>
      %dma_start3A_65 = arith.constant 0 : i32
      %dma_start3A_66 = arith.constant 0 : i32
      %dma_start3A_67 = arith.constant 0 : i32
      %dma_start3A_68 = tpu.memref_slice %arg2[%add3A, %dma_start3A_65, %dma_start3A_66, %dma_start3A_67] : memref<32x10x8x128xi32, #tpu.memory_space<hbm>> -> memref<1x10x8x128xi32, #tpu.memory_space<hbm>>
      %dma_start3A_69 = tpu.memref_squeeze %dma_start3A_68 : memref<1x10x8x128xi32, #tpu.memory_space<hbm>> -> memref<10x8x128xi32, #tpu.memory_space<hbm>>
      tpu.enqueue_dma source(%dma_start3A_69 : memref<10x8x128xi32, #tpu.memory_space<hbm>>) target(%arg5 : memref<10x8x128xi32, #tpu.memory_space<vmem>>) target_semaphore(%run_scoped3A : memref<!tpu.dma_semaphore, #tpu.memory_space<semaphore_mem>>)
      %dma_wait3A = arith.constant 0 : i32
      %dma_wait3A_70 = arith.constant 0 : i32
      %dma_wait3A_71 = arith.constant 0 : i32
      %dma_wait3A_72 = tpu.memref_slice %arg2[%add3A, %dma_wait3A, %dma_wait3A_70, %dma_wait3A_71] : memref<32x10x8x128xi32, #tpu.memory_space<hbm>> -> memref<1x10x8x128xi32, #tpu.memory_space<hbm>>
      %dma_wait3A_73 = tpu.memref_squeeze %dma_wait3A_72 : memref<1x10x8x128xi32, #tpu.memory_space<hbm>> -> memref<10x8x128xi32, #tpu.memory_space<hbm>>
      %dma_wait3A_74 = arith.constant 0 : i32
      %dma_wait3A_75 = arith.constant 0 : i32
      %dma_wait3A_76 = arith.constant 0 : i32
      %dma_wait3A_77 = tpu.memref_slice %arg2[%add3A, %dma_wait3A_74, %dma_wait3A_75, %dma_wait3A_76] : memref<32x10x8x128xi32, #tpu.memory_space<hbm>> -> memref<1x10x8x128xi32, #tpu.memory_space<hbm>>
      %dma_wait3A_78 = tpu.memref_squeeze %dma_wait3A_77 : memref<1x10x8x128xi32, #tpu.memory_space<hbm>> -> memref<10x8x128xi32, #tpu.memory_space<hbm>>
      tpu.wait_dma2 semaphore(%run_scoped3A : memref<!tpu.dma_semaphore, #tpu.memory_space<semaphore_mem>>) src(%dma_wait3A_78 : memref<10x8x128xi32, #tpu.memory_space<hbm>>) dst(%arg5 : memref<10x8x128xi32, #tpu.memory_space<vmem>>)
      tpu.yield
    }) : () -> ()
    %broadcast_in_dim3A = arith.constant 1.000000e+00 : f32
    %broadcast_in_dim3A_1 = vector.broadcast %broadcast_in_dim3A : f32 to vector<16xf32>
    %swap3A = arith.constant 0 : index
    %swap3A_2 = tpu.vector_load %arg6[%swap3A] {strides = array<i32>} : memref<128xf32, #tpu.memory_space<vmem>>, vector<16xf32>,
    %swap3A_3 = vector.shape_cast %swap3A_2 : vector<16xf32> to vector<16xf32>
    %swap3A_4 = vector.shape_cast %broadcast_in_dim3A_1 : vector<16xf32> to vector<16xf32>
    tpu.vector_store %arg6[%swap3A], %swap3A_4 {strides = array<i32>} : memref<128xf32, #tpu.memory_space<vmem>>, vector<16xf32>,
    %broadcast_in_dim3A_5 = arith.constant 1.000000e+00 : f32
    %broadcast_in_dim3A_6 = vector.broadcast %broadcast_in_dim3A_5 : f32 to vector<16xf32>
    %swap3A_7 = arith.constant 16 : index
    %swap3A_8 = tpu.vector_load %arg6[%swap3A_7] {strides = array<i32>} : memref<128xf32, #tpu.memory_space<vmem>>, vector<16xf32>,
    %swap3A_9 = vector.shape_cast %swap3A_8 : vector<16xf32> to vector<16xf32>
    %swap3A_10 = vector.shape_cast %broadcast_in_dim3A_6 : vector<16xf32> to vector<16xf32>
    tpu.vector_store %arg6[%swap3A_7], %swap3A_10 {strides = array<i32>} : memref<128xf32, #tpu.memory_space<vmem>>, vector<16xf32>,
    %broadcast_in_dim3A_11 = arith.constant 1.000000e+00 : f32
    %broadcast_in_dim3A_12 = vector.broadcast %broadcast_in_dim3A_11 : f32 to vector<16xf32>
    %swap3A_13 = arith.constant 32 : index
    %swap3A_14 = tpu.vector_load %arg6[%swap3A_13] {strides = array<i32>} : memref<128xf32, #tpu.memory_space<vmem>>, vector<16xf32>,
    %swap3A_15 = vector.shape_cast %swap3A_14 : vector<16xf32> to vector<16xf32>
    %swap3A_16 = vector.shape_cast %broadcast_in_dim3A_12 : vector<16xf32> to vector<16xf32>
    tpu.vector_store %arg6[%swap3A_13], %swap3A_16 {strides = array<i32>} : memref<128xf32, #tpu.memory_space<vmem>>, vector<16xf32>,
    %broadcast_in_dim3A_17 = arith.constant 1.000000e+00 : f32
    %broadcast_in_dim3A_18 = vector.broadcast %broadcast_in_dim3A_17 : f32 to vector<16xf32>
    %swap3A_19 = arith.constant 48 : index
    %swap3A_20 = tpu.vector_load %arg6[%swap3A_19] {strides = array<i32>} : memref<128xf32, #tpu.memory_space<vmem>>, vector<16xf32>,
    %swap3A_21 = vector.shape_cast %swap3A_20 : vector<16xf32> to vector<16xf32>
    %swap3A_22 = vector.shape_cast %broadcast_in_dim3A_18 : vector<16xf32> to vector<16xf32>
    tpu.vector_store %arg6[%swap3A_19], %swap3A_22 {strides = array<i32>} : memref<128xf32, #tpu.memory_space<vmem>>, vector<16xf32>,
    %broadcast_in_dim3A_23 = arith.constant 1.000000e+00 : f32
    %broadcast_in_dim3A_24 = vector.broadcast %broadcast_in_dim3A_23 : f32 to vector<16xf32>
    %swap3A_25 = arith.constant 64 : index
    %swap3A_26 = tpu.vector_load %arg6[%swap3A_25] {strides = array<i32>} : memref<128xf32, #tpu.memory_space<vmem>>, vector<16xf32>,
    %swap3A_27 = vector.shape_cast %swap3A_26 : vector<16xf32> to vector<16xf32>
    %swap3A_28 = vector.shape_cast %broadcast_in_dim3A_24 : vector<16xf32> to vector<16xf32>
    tpu.vector_store %arg6[%swap3A_25], %swap3A_28 {strides = array<i32>} : memref<128xf32, #tpu.memory_space<vmem>>, vector<16xf32>,
    %broadcast_in_dim3A_29 = arith.constant 1.000000e+00 : f32
    %broadcast_in_dim3A_30 = vector.broadcast %broadcast_in_dim3A_29 : f32 to vector<16xf32>
    %swap3A_31 = arith.constant 80 : index
    %swap3A_32 = tpu.vector_load %arg6[%swap3A_31] {strides = array<i32>} : memref<128xf32, #tpu.memory_space<vmem>>, vector<16xf32>,
    %swap3A_33 = vector.shape_cast %swap3A_32 : vector<16xf32> to vector<16xf32>
    %swap3A_34 = vector.shape_cast %broadcast_in_dim3A_30 : vector<16xf32> to vector<16xf32>
    tpu.vector_store %arg6[%swap3A_31], %swap3A_34 {strides = array<i32>} : memref<128xf32, #tpu.memory_space<vmem>>, vector<16xf32>,
    %broadcast_in_dim3A_35 = arith.constant 1.000000e+00 : f32
    %broadcast_in_dim3A_36 = vector.broadcast %broadcast_in_dim3A_35 : f32 to vector<16xf32>
    %swap3A_37 = arith.constant 96 : index
    %swap3A_38 = tpu.vector_load %arg6[%swap3A_37] {strides = array<i32>} : memref<128xf32, #tpu.memory_space<vmem>>, vector<16xf32>,
    %swap3A_39 = vector.shape_cast %swap3A_38 : vector<16xf32> to vector<16xf32>
    %swap3A_40 = vector.shape_cast %broadcast_in_dim3A_36 : vector<16xf32> to vector<16xf32>
    tpu.vector_store %arg6[%swap3A_37], %swap3A_40 {strides = array<i32>} : memref<128xf32, #tpu.memory_space<vmem>>, vector<16xf32>,
    %broadcast_in_dim3A_41 = arith.constant 1.000000e+00 : f32
    %broadcast_in_dim3A_42 = vector.broadcast %broadcast_in_dim3A_41 : f32 to vector<16xf32>
    %swap3A_43 = arith.constant 112 : index
    %swap3A_44 = tpu.vector_load %arg6[%swap3A_43] {strides = array<i32>} : memref<128xf32, #tpu.memory_space<vmem>>, vector<16xf32>,
    %swap3A_45 = vector.shape_cast %swap3A_44 : vector<16xf32> to vector<16xf32>
    %swap3A_46 = vector.shape_cast %broadcast_in_dim3A_42 : vector<16xf32> to vector<16xf32>
    tpu.vector_store %arg6[%swap3A_43], %swap3A_46 {strides = array<i32>} : memref<128xf32, #tpu.memory_space<vmem>>, vector<16xf32>,
    %mul3A_47 = arith.constant 640 : i32
    %mul3A_48 = arith.muli %arg1, %mul3A_47 : i32
    %mul3A_49 = arith.constant 640 : i32
    %mul3A_50 = arith.muli %arg1, %mul3A_49 : i32
    "tpu.region"() ({
      %run_scoped3A = tpu.sem_alloc : memref<!tpu.dma_semaphore, #tpu.memory_space<semaphore_mem>>
      %dma_start3A = tpu.memref_slice %arg7[%mul3A_50] : memref<10240xf32, #tpu.memory_space<vmem_shared>> -> memref<640xf32, #tpu.memory_space<vmem_shared>>
      %dma_start3A_61 = tpu.memref_slice %arg3[%mul3A_48] : memref<10240xf32, #tpu.memory_space<hbm>> -> memref<640xf32, #tpu.memory_space<hbm>>
      tpu.enqueue_dma source(%dma_start3A_61 : memref<640xf32, #tpu.memory_space<hbm>>) target(%dma_start3A : memref<640xf32, #tpu.memory_space<vmem_shared>>) target_semaphore(%run_scoped3A : memref<!tpu.dma_semaphore, #tpu.memory_space<semaphore_mem>>)
      %dma_wait3A = tpu.memref_slice %arg7[%mul3A_50] : memref<10240xf32, #tpu.memory_space<vmem_shared>> -> memref<640xf32, #tpu.memory_space<vmem_shared>>
      %dma_wait3A_62 = tpu.memref_slice %arg3[%mul3A_48] : memref<10240xf32, #tpu.memory_space<hbm>> -> memref<640xf32, #tpu.memory_space<hbm>>
      tpu.wait_dma2 semaphore(%run_scoped3A : memref<!tpu.dma_semaphore, #tpu.memory_space<semaphore_mem>>) src(%dma_wait3A_62 : memref<640xf32, #tpu.memory_space<hbm>>) dst(%dma_wait3A : memref<640xf32, #tpu.memory_space<vmem_shared>>)
      tpu.yield
    }) : () -> ()
    %barrier3A = arith.constant 0 : index
    tpu.barrier barrier_id(%barrier3A)
    %scan3A = arith.constant 0 : i32
    %scan3A_51 = arith.constant 0 : i32
    %scan3A_52 = arith.constant 10 : i32
    %scan3A_53 = arith.addi %scan3A_51, %scan3A_52 : i32
    %scan3A_54 = arith.constant 1 : i32
    scf.for %scan3A_61 = %scan3A_51 to %scan3A_53 step %scan3A_54  : i32 {
      %run_scoped3A = arith.constant 0 : i32
      "tpu.region"() ({
        %run_scoped3A_69 = tpu.sem_alloc : memref<!tpu.dma_semaphore, #tpu.memory_space<semaphore_mem>>
        %dma_start3A = arith.constant 0 : i32
        %dma_start3A_70 = tpu.memref_slice %arg5[%scan3A_61, %run_scoped3A, %dma_start3A] : memref<10x8x128xi32, #tpu.memory_space<vmem>> -> memref<1x1x128xi32, #tpu.memory_space<vmem>>
        %dma_start3A_71 = tpu.memref_squeeze %dma_start3A_70 : memref<1x1x128xi32, #tpu.memory_space<vmem>> -> memref<128xi32, #tpu.memory_space<vmem>>
        %dma_start3A_72 = arith.constant 0 : i32
        %dma_start3A_73 = tpu.memref_slice %arg7[%dma_start3A_72] : memref<10240xf32, #tpu.memory_space<vmem_shared>> -> memref<10240xf32, #tpu.memory_space<vmem_shared>>
        tpu.enqueue_indirect_dma source(%arg6 : memref<128xf32, #tpu.memory_space<vmem>>) target(%dma_start3A_73 : memref<10240xf32, #tpu.memory_space<vmem_shared>>) offsets(%dma_start3A_71 : memref<128xi32, #tpu.memory_space<vmem>>) semaphore(%run_scoped3A_69 : memref<!tpu.dma_semaphore, #tpu.memory_space<semaphore_mem>>) {add = true}
        %dma_wait3A = arith.constant 0 : i32
        %dma_wait3A_74 = tpu.memref_slice %arg5[%scan3A_61, %run_scoped3A, %dma_wait3A] : memref<10x8x128xi32, #tpu.memory_space<vmem>> -> memref<1x1x128xi32, #tpu.memory_space<vmem>>
        %dma_wait3A_75 = tpu.memref_squeeze %dma_wait3A_74 : memref<1x1x128xi32, #tpu.memory_space<vmem>> -> memref<128xi32, #tpu.memory_space<vmem>>
        %dma_wait3A_76 = arith.constant 0 : i32
        %dma_wait3A_77 = tpu.memref_slice %arg7[%dma_wait3A_76] : memref<10240xf32, #tpu.memory_space<vmem_shared>> -> memref<10240xf32, #tpu.memory_space<vmem_shared>>
        tpu.wait_indirect_dma semaphore(%run_scoped3A_69 : memref<!tpu.dma_semaphore, #tpu.memory_space<semaphore_mem>>) src(%arg6 : memref<128xf32, #tpu.memory_space<vmem>>) dst(%dma_wait3A_77 : memref<10240xf32, #tpu.memory_space<vmem_shared>>)
        tpu.yield
      }) : () -> ()
      %run_scoped3A_62 = arith.constant 1 : i32
      "tpu.region"() ({
        %run_scoped3A_69 = tpu.sem_alloc : memref<!tpu.dma_semaphore, #tpu.memory_space<semaphore_mem>>
        %dma_start3A = arith.constant 0 : i32
        %dma_start3A_70 = tpu.memref_slice %arg5[%scan3A_61, %run_scoped3A_62, %dma_start3A] : memref<10x8x128xi32, #tpu.memory_space<vmem>> -> memref<1x1x128xi32, #tpu.memory_space<vmem>>
        %dma_start3A_71 = tpu.memref_squeeze %dma_start3A_70 : memref<1x1x128xi32, #tpu.memory_space<vmem>> -> memref<128xi32, #tpu.memory_space<vmem>>
        %dma_start3A_72 = arith.constant 0 : i32
        %dma_start3A_73 = tpu.memref_slice %arg7[%dma_start3A_72] : memref<10240xf32, #tpu.memory_space<vmem_shared>> -> memref<10240xf32, #tpu.memory_space<vmem_shared>>
        tpu.enqueue_indirect_dma source(%arg6 : memref<128xf32, #tpu.memory_space<vmem>>) target(%dma_start3A_73 : memref<10240xf32, #tpu.memory_space<vmem_shared>>) offsets(%dma_start3A_71 : memref<128xi32, #tpu.memory_space<vmem>>) semaphore(%run_scoped3A_69 : memref<!tpu.dma_semaphore, #tpu.memory_space<semaphore_mem>>) {add = true}
        %dma_wait3A = arith.constant 0 : i32
        %dma_wait3A_74 = tpu.memref_slice %arg5[%scan3A_61, %run_scoped3A_62, %dma_wait3A] : memref<10x8x128xi32, #tpu.memory_space<vmem>> -> memref<1x1x128xi32, #tpu.memory_space<vmem>>
        %dma_wait3A_75 = tpu.memref_squeeze %dma_wait3A_74 : memref<1x1x128xi32, #tpu.memory_space<vmem>> -> memref<128xi32, #tpu.memory_space<vmem>>
        %dma_wait3A_76 = arith.constant 0 : i32
        %dma_wait3A_77 = tpu.memref_slice %arg7[%dma_wait3A_76] : memref<10240xf32, #tpu.memory_space<vmem_shared>> -> memref<10240xf32, #tpu.memory_space<vmem_shared>>
        tpu.wait_indirect_dma semaphore(%run_scoped3A_69 : memref<!tpu.dma_semaphore, #tpu.memory_space<semaphore_mem>>) src(%arg6 : memref<128xf32, #tpu.memory_space<vmem>>) dst(%dma_wait3A_77 : memref<10240xf32, #tpu.memory_space<vmem_shared>>)
        tpu.yield
      }) : () -> ()
      %run_scoped3A_63 = arith.constant 2 : i32
      "tpu.region"() ({
        %run_scoped3A_69 = tpu.sem_alloc : memref<!tpu.dma_semaphore, #tpu.memory_space<semaphore_mem>>
        %dma_start3A = arith.constant 0 : i32
        %dma_start3A_70 = tpu.memref_slice %arg5[%scan3A_61, %run_scoped3A_63, %dma_start3A] : memref<10x8x128xi32, #tpu.memory_space<vmem>> -> memref<1x1x128xi32, #tpu.memory_space<vmem>>
        %dma_start3A_71 = tpu.memref_squeeze %dma_start3A_70 : memref<1x1x128xi32, #tpu.memory_space<vmem>> -> memref<128xi32, #tpu.memory_space<vmem>>
        %dma_start3A_72 = arith.constant 0 : i32
        %dma_start3A_73 = tpu.memref_slice %arg7[%dma_start3A_72] : memref<10240xf32, #tpu.memory_space<vmem_shared>> -> memref<10240xf32, #tpu.memory_space<vmem_shared>>
        tpu.enqueue_indirect_dma source(%arg6 : memref<128xf32, #tpu.memory_space<vmem>>) target(%dma_start3A_73 : memref<10240xf32, #tpu.memory_space<vmem_shared>>) offsets(%dma_start3A_71 : memref<128xi32, #tpu.memory_space<vmem>>) semaphore(%run_scoped3A_69 : memref<!tpu.dma_semaphore, #tpu.memory_space<semaphore_mem>>) {add = true}
        %dma_wait3A = arith.constant 0 : i32
        %dma_wait3A_74 = tpu.memref_slice %arg5[%scan3A_61, %run_scoped3A_63, %dma_wait3A] : memref<10x8x128xi32, #tpu.memory_space<vmem>> -> memref<1x1x128xi32, #tpu.memory_space<vmem>>
        %dma_wait3A_75 = tpu.memref_squeeze %dma_wait3A_74 : memref<1x1x128xi32, #tpu.memory_space<vmem>> -> memref<128xi32, #tpu.memory_space<vmem>>
        %dma_wait3A_76 = arith.constant 0 : i32
        %dma_wait3A_77 = tpu.memref_slice %arg7[%dma_wait3A_76] : memref<10240xf32, #tpu.memory_space<vmem_shared>> -> memref<10240xf32, #tpu.memory_space<vmem_shared>>
        tpu.wait_indirect_dma semaphore(%run_scoped3A_69 : memref<!tpu.dma_semaphore, #tpu.memory_space<semaphore_mem>>) src(%arg6 : memref<128xf32, #tpu.memory_space<vmem>>) dst(%dma_wait3A_77 : memref<10240xf32, #tpu.memory_space<vmem_shared>>)
        tpu.yield
      }) : () -> ()
      %run_scoped3A_64 = arith.constant 3 : i32
      "tpu.region"() ({
        %run_scoped3A_69 = tpu.sem_alloc : memref<!tpu.dma_semaphore, #tpu.memory_space<semaphore_mem>>
        %dma_start3A = arith.constant 0 : i32
        %dma_start3A_70 = tpu.memref_slice %arg5[%scan3A_61, %run_scoped3A_64, %dma_start3A] : memref<10x8x128xi32, #tpu.memory_space<vmem>> -> memref<1x1x128xi32, #tpu.memory_space<vmem>>
        %dma_start3A_71 = tpu.memref_squeeze %dma_start3A_70 : memref<1x1x128xi32, #tpu.memory_space<vmem>> -> memref<128xi32, #tpu.memory_space<vmem>>
        %dma_start3A_72 = arith.constant 0 : i32
        %dma_start3A_73 = tpu.memref_slice %arg7[%dma_start3A_72] : memref<10240xf32, #tpu.memory_space<vmem_shared>> -> memref<10240xf32, #tpu.memory_space<vmem_shared>>
        tpu.enqueue_indirect_dma source(%arg6 : memref<128xf32, #tpu.memory_space<vmem>>) target(%dma_start3A_73 : memref<10240xf32, #tpu.memory_space<vmem_shared>>) offsets(%dma_start3A_71 : memref<128xi32, #tpu.memory_space<vmem>>) semaphore(%run_scoped3A_69 : memref<!tpu.dma_semaphore, #tpu.memory_space<semaphore_mem>>) {add = true}
        %dma_wait3A = arith.constant 0 : i32
        %dma_wait3A_74 = tpu.memref_slice %arg5[%scan3A_61, %run_scoped3A_64, %dma_wait3A] : memref<10x8x128xi32, #tpu.memory_space<vmem>> -> memref<1x1x128xi32, #tpu.memory_space<vmem>>
        %dma_wait3A_75 = tpu.memref_squeeze %dma_wait3A_74 : memref<1x1x128xi32, #tpu.memory_space<vmem>> -> memref<128xi32, #tpu.memory_space<vmem>>
        %dma_wait3A_76 = arith.constant 0 : i32
        %dma_wait3A_77 = tpu.memref_slice %arg7[%dma_wait3A_76] : memref<10240xf32, #tpu.memory_space<vmem_shared>> -> memref<10240xf32, #tpu.memory_space<vmem_shared>>
        tpu.wait_indirect_dma semaphore(%run_scoped3A_69 : memref<!tpu.dma_semaphore, #tpu.memory_space<semaphore_mem>>) src(%arg6 : memref<128xf32, #tpu.memory_space<vmem>>) dst(%dma_wait3A_77 : memref<10240xf32, #tpu.memory_space<vmem_shared>>)
        tpu.yield
      }) : () -> ()
      %run_scoped3A_65 = arith.constant 4 : i32
      "tpu.region"() ({
        %run_scoped3A_69 = tpu.sem_alloc : memref<!tpu.dma_semaphore, #tpu.memory_space<semaphore_mem>>
        %dma_start3A = arith.constant 0 : i32
        %dma_start3A_70 = tpu.memref_slice %arg5[%scan3A_61, %run_scoped3A_65, %dma_start3A] : memref<10x8x128xi32, #tpu.memory_space<vmem>> -> memref<1x1x128xi32, #tpu.memory_space<vmem>>
        %dma_start3A_71 = tpu.memref_squeeze %dma_start3A_70 : memref<1x1x128xi32, #tpu.memory_space<vmem>> -> memref<128xi32, #tpu.memory_space<vmem>>
        %dma_start3A_72 = arith.constant 0 : i32
        %dma_start3A_73 = tpu.memref_slice %arg7[%dma_start3A_72] : memref<10240xf32, #tpu.memory_space<vmem_shared>> -> memref<10240xf32, #tpu.memory_space<vmem_shared>>
        tpu.enqueue_indirect_dma source(%arg6 : memref<128xf32, #tpu.memory_space<vmem>>) target(%dma_start3A_73 : memref<10240xf32, #tpu.memory_space<vmem_shared>>) offsets(%dma_start3A_71 : memref<128xi32, #tpu.memory_space<vmem>>) semaphore(%run_scoped3A_69 : memref<!tpu.dma_semaphore, #tpu.memory_space<semaphore_mem>>) {add = true}
        %dma_wait3A = arith.constant 0 : i32
        %dma_wait3A_74 = tpu.memref_slice %arg5[%scan3A_61, %run_scoped3A_65, %dma_wait3A] : memref<10x8x128xi32, #tpu.memory_space<vmem>> -> memref<1x1x128xi32, #tpu.memory_space<vmem>>
        %dma_wait3A_75 = tpu.memref_squeeze %dma_wait3A_74 : memref<1x1x128xi32, #tpu.memory_space<vmem>> -> memref<128xi32, #tpu.memory_space<vmem>>
        %dma_wait3A_76 = arith.constant 0 : i32
        %dma_wait3A_77 = tpu.memref_slice %arg7[%dma_wait3A_76] : memref<10240xf32, #tpu.memory_space<vmem_shared>> -> memref<10240xf32, #tpu.memory_space<vmem_shared>>
        tpu.wait_indirect_dma semaphore(%run_scoped3A_69 : memref<!tpu.dma_semaphore, #tpu.memory_space<semaphore_mem>>) src(%arg6 : memref<128xf32, #tpu.memory_space<vmem>>) dst(%dma_wait3A_77 : memref<10240xf32, #tpu.memory_space<vmem_shared>>)
        tpu.yield
      }) : () -> ()
      %run_scoped3A_66 = arith.constant 5 : i32
      "tpu.region"() ({
        %run_scoped3A_69 = tpu.sem_alloc : memref<!tpu.dma_semaphore, #tpu.memory_space<semaphore_mem>>
        %dma_start3A = arith.constant 0 : i32
        %dma_start3A_70 = tpu.memref_slice %arg5[%scan3A_61, %run_scoped3A_66, %dma_start3A] : memref<10x8x128xi32, #tpu.memory_space<vmem>> -> memref<1x1x128xi32, #tpu.memory_space<vmem>>
        %dma_start3A_71 = tpu.memref_squeeze %dma_start3A_70 : memref<1x1x128xi32, #tpu.memory_space<vmem>> -> memref<128xi32, #tpu.memory_space<vmem>>
        %dma_start3A_72 = arith.constant 0 : i32
        %dma_start3A_73 = tpu.memref_slice %arg7[%dma_start3A_72] : memref<10240xf32, #tpu.memory_space<vmem_shared>> -> memref<10240xf32, #tpu.memory_space<vmem_shared>>
        tpu.enqueue_indirect_dma source(%arg6 : memref<128xf32, #tpu.memory_space<vmem>>) target(%dma_start3A_73 : memref<10240xf32, #tpu.memory_space<vmem_shared>>) offsets(%dma_start3A_71 : memref<128xi32, #tpu.memory_space<vmem>>) semaphore(%run_scoped3A_69 : memref<!tpu.dma_semaphore, #tpu.memory_space<semaphore_mem>>) {add = true}
        %dma_wait3A = arith.constant 0 : i32
        %dma_wait3A_74 = tpu.memref_slice %arg5[%scan3A_61, %run_scoped3A_66, %dma_wait3A] : memref<10x8x128xi32, #tpu.memory_space<vmem>> -> memref<1x1x128xi32, #tpu.memory_space<vmem>>
        %dma_wait3A_75 = tpu.memref_squeeze %dma_wait3A_74 : memref<1x1x128xi32, #tpu.memory_space<vmem>> -> memref<128xi32, #tpu.memory_space<vmem>>
        %dma_wait3A_76 = arith.constant 0 : i32
        %dma_wait3A_77 = tpu.memref_slice %arg7[%dma_wait3A_76] : memref<10240xf32, #tpu.memory_space<vmem_shared>> -> memref<10240xf32, #tpu.memory_space<vmem_shared>>
        tpu.wait_indirect_dma semaphore(%run_scoped3A_69 : memref<!tpu.dma_semaphore, #tpu.memory_space<semaphore_mem>>) src(%arg6 : memref<128xf32, #tpu.memory_space<vmem>>) dst(%dma_wait3A_77 : memref<10240xf32, #tpu.memory_space<vmem_shared>>)
        tpu.yield
      }) : () -> ()
      %run_scoped3A_67 = arith.constant 6 : i32
      "tpu.region"() ({
        %run_scoped3A_69 = tpu.sem_alloc : memref<!tpu.dma_semaphore, #tpu.memory_space<semaphore_mem>>
        %dma_start3A = arith.constant 0 : i32
        %dma_start3A_70 = tpu.memref_slice %arg5[%scan3A_61, %run_scoped3A_67, %dma_start3A] : memref<10x8x128xi32, #tpu.memory_space<vmem>> -> memref<1x1x128xi32, #tpu.memory_space<vmem>>
        %dma_start3A_71 = tpu.memref_squeeze %dma_start3A_70 : memref<1x1x128xi32, #tpu.memory_space<vmem>> -> memref<128xi32, #tpu.memory_space<vmem>>
        %dma_start3A_72 = arith.constant 0 : i32
        %dma_start3A_73 = tpu.memref_slice %arg7[%dma_start3A_72] : memref<10240xf32, #tpu.memory_space<vmem_shared>> -> memref<10240xf32, #tpu.memory_space<vmem_shared>>
        tpu.enqueue_indirect_dma source(%arg6 : memref<128xf32, #tpu.memory_space<vmem>>) target(%dma_start3A_73 : memref<10240xf32, #tpu.memory_space<vmem_shared>>) offsets(%dma_start3A_71 : memref<128xi32, #tpu.memory_space<vmem>>) semaphore(%run_scoped3A_69 : memref<!tpu.dma_semaphore, #tpu.memory_space<semaphore_mem>>) {add = true}
        %dma_wait3A = arith.constant 0 : i32
        %dma_wait3A_74 = tpu.memref_slice %arg5[%scan3A_61, %run_scoped3A_67, %dma_wait3A] : memref<10x8x128xi32, #tpu.memory_space<vmem>> -> memref<1x1x128xi32, #tpu.memory_space<vmem>>
        %dma_wait3A_75 = tpu.memref_squeeze %dma_wait3A_74 : memref<1x1x128xi32, #tpu.memory_space<vmem>> -> memref<128xi32, #tpu.memory_space<vmem>>
        %dma_wait3A_76 = arith.constant 0 : i32
        %dma_wait3A_77 = tpu.memref_slice %arg7[%dma_wait3A_76] : memref<10240xf32, #tpu.memory_space<vmem_shared>> -> memref<10240xf32, #tpu.memory_space<vmem_shared>>
        tpu.wait_indirect_dma semaphore(%run_scoped3A_69 : memref<!tpu.dma_semaphore, #tpu.memory_space<semaphore_mem>>) src(%arg6 : memref<128xf32, #tpu.memory_space<vmem>>) dst(%dma_wait3A_77 : memref<10240xf32, #tpu.memory_space<vmem_shared>>)
        tpu.yield
      }) : () -> ()
      %run_scoped3A_68 = arith.constant 7 : i32
      "tpu.region"() ({
        %run_scoped3A_69 = tpu.sem_alloc : memref<!tpu.dma_semaphore, #tpu.memory_space<semaphore_mem>>
        %dma_start3A = arith.constant 0 : i32
        %dma_start3A_70 = tpu.memref_slice %arg5[%scan3A_61, %run_scoped3A_68, %dma_start3A] : memref<10x8x128xi32, #tpu.memory_space<vmem>> -> memref<1x1x128xi32, #tpu.memory_space<vmem>>
        %dma_start3A_71 = tpu.memref_squeeze %dma_start3A_70 : memref<1x1x128xi32, #tpu.memory_space<vmem>> -> memref<128xi32, #tpu.memory_space<vmem>>
        %dma_start3A_72 = arith.constant 0 : i32
        %dma_start3A_73 = tpu.memref_slice %arg7[%dma_start3A_72] : memref<10240xf32, #tpu.memory_space<vmem_shared>> -> memref<10240xf32, #tpu.memory_space<vmem_shared>>
        tpu.enqueue_indirect_dma source(%arg6 : memref<128xf32, #tpu.memory_space<vmem>>) target(%dma_start3A_73 : memref<10240xf32, #tpu.memory_space<vmem_shared>>) offsets(%dma_start3A_71 : memref<128xi32, #tpu.memory_space<vmem>>) semaphore(%run_scoped3A_69 : memref<!tpu.dma_semaphore, #tpu.memory_space<semaphore_mem>>) {add = true}
        %dma_wait3A = arith.constant 0 : i32
        %dma_wait3A_74 = tpu.memref_slice %arg5[%scan3A_61, %run_scoped3A_68, %dma_wait3A] : memref<10x8x128xi32, #tpu.memory_space<vmem>> -> memref<1x1x128xi32, #tpu.memory_space<vmem>>
        %dma_wait3A_75 = tpu.memref_squeeze %dma_wait3A_74 : memref<1x1x128xi32, #tpu.memory_space<vmem>> -> memref<128xi32, #tpu.memory_space<vmem>>
        %dma_wait3A_76 = arith.constant 0 : i32
        %dma_wait3A_77 = tpu.memref_slice %arg7[%dma_wait3A_76] : memref<10240xf32, #tpu.memory_space<vmem_shared>> -> memref<10240xf32, #tpu.memory_space<vmem_shared>>
        tpu.wait_indirect_dma semaphore(%run_scoped3A_69 : memref<!tpu.dma_semaphore, #tpu.memory_space<semaphore_mem>>) src(%arg6 : memref<128xf32, #tpu.memory_space<vmem>>) dst(%dma_wait3A_77 : memref<10240xf32, #tpu.memory_space<vmem_shared>>)
        tpu.yield
      }) : () -> ()
    }
    %scan3A_55 = arith.constant 10 : i32
    %barrier3A_56 = arith.constant 0 : index
    tpu.barrier barrier_id(%barrier3A_56)
    %mul3A_57 = arith.constant 640 : i32
    %mul3A_58 = arith.muli %arg1, %mul3A_57 : i32
    %mul3A_59 = arith.constant 640 : i32
    %mul3A_60 = arith.muli %arg1, %mul3A_59 : i32
    "tpu.region"() ({
      %run_scoped3A = tpu.sem_alloc : memref<!tpu.dma_semaphore, #tpu.memory_space<semaphore_mem>>
      %dma_start3A = tpu.memref_slice %arg4[%arg0, %mul3A_60] : memref<2x10240xf32, #tpu.memory_space<hbm>> -> memref<1x640xf32, #tpu.memory_space<hbm>>
      %dma_start3A_61 = tpu.memref_squeeze %dma_start3A : memref<1x640xf32, #tpu.memory_space<hbm>> -> memref<640xf32, #tpu.memory_space<hbm>>
      %dma_start3A_62 = tpu.memref_slice %arg7[%mul3A_58] : memref<10240xf32, #tpu.memory_space<vmem_shared>> -> memref<640xf32, #tpu.memory_space<vmem_shared>>
      tpu.enqueue_dma source(%dma_start3A_62 : memref<640xf32, #tpu.memory_space<vmem_shared>>) target(%dma_start3A_61 : memref<640xf32, #tpu.memory_space<hbm>>) target_semaphore(%run_scoped3A : memref<!tpu.dma_semaphore, #tpu.memory_space<semaphore_mem>>)
      %dma_wait3A = tpu.memref_slice %arg4[%arg0, %mul3A_60] : memref<2x10240xf32, #tpu.memory_space<hbm>> -> memref<1x640xf32, #tpu.memory_space<hbm>>
      %dma_wait3A_63 = tpu.memref_squeeze %dma_wait3A : memref<1x640xf32, #tpu.memory_space<hbm>> -> memref<640xf32, #tpu.memory_space<hbm>>
      %dma_wait3A_64 = tpu.memref_slice %arg7[%mul3A_58] : memref<10240xf32, #tpu.memory_space<vmem_shared>> -> memref<640xf32, #tpu.memory_space<vmem_shared>>
      tpu.wait_dma2 semaphore(%run_scoped3A : memref<!tpu.dma_semaphore, #tpu.memory_space<semaphore_mem>>) src(%dma_wait3A_64 : memref<640xf32, #tpu.memory_space<vmem_shared>>) dst(%dma_wait3A_63 : memref<640xf32, #tpu.memory_space<hbm>>)
      tpu.yield
    }) : () -> ()
    return
  }
}

#map = affine_map<(d0, d1) -> (0, 0)>
#map1 = affine_map<(d0, d1) -> (0, 0, 0, 0)>
#map2 = affine_map<(d0, d1) -> (0, 0, 0)>
module attributes {stable_mosaic.version = 14 : i64} {
  func.func @prop_kernel(%arg0: i32, %arg1: i32, %arg2: memref<10240x128xf32, #tpu.memory_space<hbm>>, %arg3: memref<32x10x8x128xi32, #tpu.memory_space<hbm>>, %arg4: memref<32x10x8x128xi32, #tpu.memory_space<hbm>>, %arg5: memref<10240x128xf32, #tpu.memory_space<hbm>>, %arg6: memref<2x10240x128xf32, #tpu.memory_space<hbm>>, %arg7: memref<8x128xi32, #tpu.memory_space<vmem>>, %arg8: memref<8x128xi32, #tpu.memory_space<vmem>>, %arg9: memref<8x128xi32, #tpu.memory_space<vmem>>, %arg10: memref<8x128xi32, #tpu.memory_space<vmem>>, %arg11: memref<128x128xf32, #tpu.memory_space<vmem>>, %arg12: memref<128x128xf32, #tpu.memory_space<vmem>>, %arg13: memref<10240x128xf32, #tpu.memory_space<vmem_shared>>, %arg14: memref<!tpu.dma_semaphore, #tpu.memory_space<semaphore_mem>>, %arg15: memref<!tpu.dma_semaphore, #tpu.memory_space<semaphore_mem>>, %arg16: memref<!tpu.dma_semaphore, #tpu.memory_space<semaphore_mem>>, %arg17: memref<!tpu.dma_semaphore, #tpu.memory_space<semaphore_mem>>) attributes {dimension_semantics = [#tpu.dimension_semantics<core_parallel>, #tpu.dimension_semantics<subcore_parallel>], iteration_bounds = array<i64: 2, 16>, scalar_prefetch = 0 : i64, scratch_operands = 11 : i64, tpu.core_type = #tpu.core_type<sc_vector_subcore>, window_params = [{transform_indices = #map}, {transform_indices = #map1}, {transform_indices = #map1}, {transform_indices = #map}, {transform_indices = #map2}]} {
    %mul3A = arith.constant 2 : i32
    %mul3A_0 = arith.muli %arg1, %mul3A : i32
    %add3A = arith.addi %mul3A_0, %arg0 : i32
    %mul3A_1 = arith.constant 640 : i32
    %mul3A_2 = arith.muli %arg1, %mul3A_1 : i32
    %dma_start3A = arith.constant 0 : i32
    %dma_start3A_3 = arith.constant 0 : i32
    %dma_start3A_4 = arith.constant 0 : i32
    %dma_start3A_5 = tpu.memref_slice %arg3[%add3A, %dma_start3A, %dma_start3A_3, %dma_start3A_4] : memref<32x10x8x128xi32, #tpu.memory_space<hbm>> -> memref<1x1x8x128xi32, #tpu.memory_space<hbm>>
    %dma_start3A_6 = tpu.memref_squeeze %dma_start3A_5 : memref<1x1x8x128xi32, #tpu.memory_space<hbm>> -> memref<8x128xi32, #tpu.memory_space<hbm>>
    %dma_start3A_7 = arith.constant 0 : i32
    %dma_start3A_8 = arith.constant 0 : i32
    %dma_start3A_9 = tpu.memref_slice %arg3[%add3A, %dma_start3A, %dma_start3A_7, %dma_start3A_8] : memref<32x10x8x128xi32, #tpu.memory_space<hbm>> -> memref<1x1x8x128xi32, #tpu.memory_space<hbm>>
    %dma_start3A_10 = tpu.memref_squeeze %dma_start3A_9 : memref<1x1x8x128xi32, #tpu.memory_space<hbm>> -> memref<8x128xi32, #tpu.memory_space<hbm>>
    tpu.enqueue_dma source(%dma_start3A_10 : memref<8x128xi32, #tpu.memory_space<hbm>>) target(%arg7 : memref<8x128xi32, #tpu.memory_space<vmem>>) target_semaphore(%arg14 : memref<!tpu.dma_semaphore, #tpu.memory_space<semaphore_mem>>)
    %dma_start3A_11 = arith.constant 0 : i32
    %dma_start3A_12 = arith.constant 0 : i32
    %dma_start3A_13 = arith.constant 0 : i32
    %dma_start3A_14 = tpu.memref_slice %arg4[%add3A, %dma_start3A_11, %dma_start3A_12, %dma_start3A_13] : memref<32x10x8x128xi32, #tpu.memory_space<hbm>> -> memref<1x1x8x128xi32, #tpu.memory_space<hbm>>
    %dma_start3A_15 = tpu.memref_squeeze %dma_start3A_14 : memref<1x1x8x128xi32, #tpu.memory_space<hbm>> -> memref<8x128xi32, #tpu.memory_space<hbm>>
    %dma_start3A_16 = arith.constant 0 : i32
    %dma_start3A_17 = arith.constant 0 : i32
    %dma_start3A_18 = tpu.memref_slice %arg4[%add3A, %dma_start3A_11, %dma_start3A_16, %dma_start3A_17] : memref<32x10x8x128xi32, #tpu.memory_space<hbm>> -> memref<1x1x8x128xi32, #tpu.memory_space<hbm>>
    %dma_start3A_19 = tpu.memref_squeeze %dma_start3A_18 : memref<1x1x8x128xi32, #tpu.memory_space<hbm>> -> memref<8x128xi32, #tpu.memory_space<hbm>>
    tpu.enqueue_dma source(%dma_start3A_19 : memref<8x128xi32, #tpu.memory_space<hbm>>) target(%arg8 : memref<8x128xi32, #tpu.memory_space<vmem>>) target_semaphore(%arg14 : memref<!tpu.dma_semaphore, #tpu.memory_space<semaphore_mem>>)
    %dma_start3A_20 = arith.constant 1 : i32
    %dma_start3A_21 = arith.constant 0 : i32
    %dma_start3A_22 = arith.constant 0 : i32
    %dma_start3A_23 = tpu.memref_slice %arg3[%add3A, %dma_start3A_20, %dma_start3A_21, %dma_start3A_22] : memref<32x10x8x128xi32, #tpu.memory_space<hbm>> -> memref<1x1x8x128xi32, #tpu.memory_space<hbm>>
    %dma_start3A_24 = tpu.memref_squeeze %dma_start3A_23 : memref<1x1x8x128xi32, #tpu.memory_space<hbm>> -> memref<8x128xi32, #tpu.memory_space<hbm>>
    %dma_start3A_25 = arith.constant 0 : i32
    %dma_start3A_26 = arith.constant 0 : i32
    %dma_start3A_27 = tpu.memref_slice %arg3[%add3A, %dma_start3A_20, %dma_start3A_25, %dma_start3A_26] : memref<32x10x8x128xi32, #tpu.memory_space<hbm>> -> memref<1x1x8x128xi32, #tpu.memory_space<hbm>>
    %dma_start3A_28 = tpu.memref_squeeze %dma_start3A_27 : memref<1x1x8x128xi32, #tpu.memory_space<hbm>> -> memref<8x128xi32, #tpu.memory_space<hbm>>
    tpu.enqueue_dma source(%dma_start3A_28 : memref<8x128xi32, #tpu.memory_space<hbm>>) target(%arg9 : memref<8x128xi32, #tpu.memory_space<vmem>>) target_semaphore(%arg15 : memref<!tpu.dma_semaphore, #tpu.memory_space<semaphore_mem>>)
    %dma_start3A_29 = arith.constant 1 : i32
    %dma_start3A_30 = arith.constant 0 : i32
    %dma_start3A_31 = arith.constant 0 : i32
    %dma_start3A_32 = tpu.memref_slice %arg4[%add3A, %dma_start3A_29, %dma_start3A_30, %dma_start3A_31] : memref<32x10x8x128xi32, #tpu.memory_space<hbm>> -> memref<1x1x8x128xi32, #tpu.memory_space<hbm>>
    %dma_start3A_33 = tpu.memref_squeeze %dma_start3A_32 : memref<1x1x8x128xi32, #tpu.memory_space<hbm>> -> memref<8x128xi32, #tpu.memory_space<hbm>>
    %dma_start3A_34 = arith.constant 0 : i32
    %dma_start3A_35 = arith.constant 0 : i32
    %dma_start3A_36 = tpu.memref_slice %arg4[%add3A, %dma_start3A_29, %dma_start3A_34, %dma_start3A_35] : memref<32x10x8x128xi32, #tpu.memory_space<hbm>> -> memref<1x1x8x128xi32, #tpu.memory_space<hbm>>
    %dma_start3A_37 = tpu.memref_squeeze %dma_start3A_36 : memref<1x1x8x128xi32, #tpu.memory_space<hbm>> -> memref<8x128xi32, #tpu.memory_space<hbm>>
    tpu.enqueue_dma source(%dma_start3A_37 : memref<8x128xi32, #tpu.memory_space<hbm>>) target(%arg10 : memref<8x128xi32, #tpu.memory_space<vmem>>) target_semaphore(%arg15 : memref<!tpu.dma_semaphore, #tpu.memory_space<semaphore_mem>>)
    "tpu.region"() ({
      %run_scoped3A_302 = tpu.sem_alloc : memref<!tpu.dma_semaphore, #tpu.memory_space<semaphore_mem>>
      %dma_start3A_303 = arith.constant 0 : i32
      %dma_start3A_304 = tpu.memref_slice %arg13[%mul3A_2, %dma_start3A_303] : memref<10240x128xf32, #tpu.memory_space<vmem_shared>> -> memref<640x128xf32, #tpu.memory_space<vmem_shared>>
      %dma_start3A_305 = arith.constant 0 : i32
      %dma_start3A_306 = tpu.memref_slice %arg5[%mul3A_2, %dma_start3A_305] : memref<10240x128xf32, #tpu.memory_space<hbm>> -> memref<640x128xf32, #tpu.memory_space<hbm>>
      tpu.enqueue_dma source(%dma_start3A_306 : memref<640x128xf32, #tpu.memory_space<hbm>>) target(%dma_start3A_304 : memref<640x128xf32, #tpu.memory_space<vmem_shared>>) target_semaphore(%run_scoped3A_302 : memref<!tpu.dma_semaphore, #tpu.memory_space<semaphore_mem>>)
      %dma_wait3A_307 = arith.constant 0 : i32
      %dma_wait3A_308 = tpu.memref_slice %arg13[%mul3A_2, %dma_wait3A_307] : memref<10240x128xf32, #tpu.memory_space<vmem_shared>> -> memref<640x128xf32, #tpu.memory_space<vmem_shared>>
      %dma_wait3A_309 = arith.constant 0 : i32
      %dma_wait3A_310 = tpu.memref_slice %arg5[%mul3A_2, %dma_wait3A_309] : memref<10240x128xf32, #tpu.memory_space<hbm>> -> memref<640x128xf32, #tpu.memory_space<hbm>>
      tpu.wait_dma2 semaphore(%run_scoped3A_302 : memref<!tpu.dma_semaphore, #tpu.memory_space<semaphore_mem>>) src(%dma_wait3A_310 : memref<640x128xf32, #tpu.memory_space<hbm>>) dst(%dma_wait3A_308 : memref<640x128xf32, #tpu.memory_space<vmem_shared>>)
      tpu.yield
    }) : () -> ()
    %barrier3A = arith.constant 0 : index
    tpu.barrier barrier_id(%barrier3A)
    %dma_wait3A = arith.constant 0 : i32
    %dma_wait3A_38 = arith.constant 0 : i32
    %dma_wait3A_39 = arith.constant 0 : i32
    %dma_wait3A_40 = tpu.memref_slice %arg3[%add3A, %dma_wait3A, %dma_wait3A_38, %dma_wait3A_39] : memref<32x10x8x128xi32, #tpu.memory_space<hbm>> -> memref<1x1x8x128xi32, #tpu.memory_space<hbm>>
    %dma_wait3A_41 = tpu.memref_squeeze %dma_wait3A_40 : memref<1x1x8x128xi32, #tpu.memory_space<hbm>> -> memref<8x128xi32, #tpu.memory_space<hbm>>
    %dma_wait3A_42 = arith.constant 0 : i32
    %dma_wait3A_43 = arith.constant 0 : i32
    %dma_wait3A_44 = tpu.memref_slice %arg3[%add3A, %dma_wait3A, %dma_wait3A_42, %dma_wait3A_43] : memref<32x10x8x128xi32, #tpu.memory_space<hbm>> -> memref<1x1x8x128xi32, #tpu.memory_space<hbm>>
    %dma_wait3A_45 = tpu.memref_squeeze %dma_wait3A_44 : memref<1x1x8x128xi32, #tpu.memory_space<hbm>> -> memref<8x128xi32, #tpu.memory_space<hbm>>
    tpu.wait_dma2 semaphore(%arg14 : memref<!tpu.dma_semaphore, #tpu.memory_space<semaphore_mem>>) src(%dma_wait3A_45 : memref<8x128xi32, #tpu.memory_space<hbm>>) dst(%arg7 : memref<8x128xi32, #tpu.memory_space<vmem>>)
    %dma_wait3A_46 = arith.constant 0 : i32
    %dma_wait3A_47 = arith.constant 0 : i32
    %dma_wait3A_48 = arith.constant 0 : i32
    %dma_wait3A_49 = tpu.memref_slice %arg4[%add3A, %dma_wait3A_46, %dma_wait3A_47, %dma_wait3A_48] : memref<32x10x8x128xi32, #tpu.memory_space<hbm>> -> memref<1x1x8x128xi32, #tpu.memory_space<hbm>>
    %dma_wait3A_50 = tpu.memref_squeeze %dma_wait3A_49 : memref<1x1x8x128xi32, #tpu.memory_space<hbm>> -> memref<8x128xi32, #tpu.memory_space<hbm>>
    %dma_wait3A_51 = arith.constant 0 : i32
    %dma_wait3A_52 = arith.constant 0 : i32
    %dma_wait3A_53 = tpu.memref_slice %arg4[%add3A, %dma_wait3A_46, %dma_wait3A_51, %dma_wait3A_52] : memref<32x10x8x128xi32, #tpu.memory_space<hbm>> -> memref<1x1x8x128xi32, #tpu.memory_space<hbm>>
    %dma_wait3A_54 = tpu.memref_squeeze %dma_wait3A_53 : memref<1x1x8x128xi32, #tpu.memory_space<hbm>> -> memref<8x128xi32, #tpu.memory_space<hbm>>
    tpu.wait_dma2 semaphore(%arg14 : memref<!tpu.dma_semaphore, #tpu.memory_space<semaphore_mem>>) src(%dma_wait3A_54 : memref<8x128xi32, #tpu.memory_space<hbm>>) dst(%arg8 : memref<8x128xi32, #tpu.memory_space<vmem>>)
    %dma_start3A_55 = arith.constant 0 : i32
    %dma_start3A_56 = arith.constant 0 : i32
    %dma_start3A_57 = tpu.memref_slice %arg7[%dma_start3A_55, %dma_start3A_56] : memref<8x128xi32, #tpu.memory_space<vmem>> -> memref<1x128xi32, #tpu.memory_space<vmem>>
    %dma_start3A_58 = tpu.memref_squeeze %dma_start3A_57 : memref<1x128xi32, #tpu.memory_space<vmem>> -> memref<128xi32, #tpu.memory_space<vmem>>
    %dma_start3A_59 = arith.constant 0 : i32
    %dma_start3A_60 = arith.constant 0 : i32
    %dma_start3A_61 = tpu.memref_slice %arg2[%dma_start3A_59, %dma_start3A_60] : memref<10240x128xf32, #tpu.memory_space<hbm>> -> memref<10240x128xf32, #tpu.memory_space<hbm>>
    tpu.enqueue_indirect_dma source(%dma_start3A_61 : memref<10240x128xf32, #tpu.memory_space<hbm>>) target(%arg11 : memref<128x128xf32, #tpu.memory_space<vmem>>) offsets(%dma_start3A_58 : memref<128xi32, #tpu.memory_space<vmem>>) semaphore(%arg16 : memref<!tpu.dma_semaphore, #tpu.memory_space<semaphore_mem>>)
    %scan3A = arith.constant 0 : i32
    %scan3A_62 = arith.constant 0 : i32
    %scan3A_63 = arith.constant 4 : i32
    %scan3A_64 = arith.addi %scan3A_62, %scan3A_63 : i32
    %scan3A_65 = arith.constant 1 : i32
    scf.for %scan3A_302 = %scan3A_62 to %scan3A_64 step %scan3A_65  : i32 {
      %dma_wait3A_303 = arith.constant 0 : i32
      %dma_wait3A_304 = arith.constant 0 : i32
      %dma_wait3A_305 = tpu.memref_slice %arg2[%dma_wait3A_303, %dma_wait3A_304] : memref<10240x128xf32, #tpu.memory_space<hbm>> -> memref<128x128xf32, #tpu.memory_space<hbm>>
      %dma_wait3A_306 = arith.constant 0 : i32
      %dma_wait3A_307 = arith.constant 0 : i32
      %dma_wait3A_308 = tpu.memref_slice %arg2[%dma_wait3A_306, %dma_wait3A_307] : memref<10240x128xf32, #tpu.memory_space<hbm>> -> memref<128x128xf32, #tpu.memory_space<hbm>>
      tpu.wait_dma2 semaphore(%arg16 : memref<!tpu.dma_semaphore, #tpu.memory_space<semaphore_mem>>) src(%dma_wait3A_308 : memref<128x128xf32, #tpu.memory_space<hbm>>) dst(%arg11 : memref<128x128xf32, #tpu.memory_space<vmem>>)
      %dma_start3A_309 = arith.constant 1 : i32
      %dma_start3A_310 = arith.constant 0 : i32
      %dma_start3A_311 = tpu.memref_slice %arg7[%dma_start3A_309, %dma_start3A_310] : memref<8x128xi32, #tpu.memory_space<vmem>> -> memref<1x128xi32, #tpu.memory_space<vmem>>
      %dma_start3A_312 = tpu.memref_squeeze %dma_start3A_311 : memref<1x128xi32, #tpu.memory_space<vmem>> -> memref<128xi32, #tpu.memory_space<vmem>>
      %dma_start3A_313 = arith.constant 0 : i32
      %dma_start3A_314 = arith.constant 0 : i32
      %dma_start3A_315 = tpu.memref_slice %arg2[%dma_start3A_313, %dma_start3A_314] : memref<10240x128xf32, #tpu.memory_space<hbm>> -> memref<10240x128xf32, #tpu.memory_space<hbm>>
      tpu.enqueue_indirect_dma source(%dma_start3A_315 : memref<10240x128xf32, #tpu.memory_space<hbm>>) target(%arg12 : memref<128x128xf32, #tpu.memory_space<vmem>>) offsets(%dma_start3A_312 : memref<128xi32, #tpu.memory_space<vmem>>) semaphore(%arg17 : memref<!tpu.dma_semaphore, #tpu.memory_space<semaphore_mem>>)
      %run_scoped3A_316 = arith.constant 0 : i32
      "tpu.region"() ({
        %run_scoped3A_607 = tpu.sem_alloc : memref<!tpu.dma_semaphore, #tpu.memory_space<semaphore_mem>>
        %dma_start3A_608 = arith.constant 0 : i32
        %dma_start3A_609 = tpu.memref_slice %arg8[%run_scoped3A_316, %dma_start3A_608] : memref<8x128xi32, #tpu.memory_space<vmem>> -> memref<1x128xi32, #tpu.memory_space<vmem>>
        %dma_start3A_610 = tpu.memref_squeeze %dma_start3A_609 : memref<1x128xi32, #tpu.memory_space<vmem>> -> memref<128xi32, #tpu.memory_space<vmem>>
        %dma_start3A_611 = arith.constant 0 : i32
        %dma_start3A_612 = arith.constant 0 : i32
        %dma_start3A_613 = tpu.memref_slice %arg13[%dma_start3A_611, %dma_start3A_612] : memref<10240x128xf32, #tpu.memory_space<vmem_shared>> -> memref<10240x128xf32, #tpu.memory_space<vmem_shared>>
        tpu.enqueue_indirect_dma source(%arg11 : memref<128x128xf32, #tpu.memory_space<vmem>>) target(%dma_start3A_613 : memref<10240x128xf32, #tpu.memory_space<vmem_shared>>) offsets(%dma_start3A_610 : memref<128xi32, #tpu.memory_space<vmem>>) semaphore(%run_scoped3A_607 : memref<!tpu.dma_semaphore, #tpu.memory_space<semaphore_mem>>) {add = true}
        %dma_wait3A_614 = arith.constant 0 : i32
        %dma_wait3A_615 = tpu.memref_slice %arg8[%run_scoped3A_316, %dma_wait3A_614] : memref<8x128xi32, #tpu.memory_space<vmem>> -> memref<1x128xi32, #tpu.memory_space<vmem>>
        %dma_wait3A_616 = tpu.memref_squeeze %dma_wait3A_615 : memref<1x128xi32, #tpu.memory_space<vmem>> -> memref<128xi32, #tpu.memory_space<vmem>>
        %dma_wait3A_617 = arith.constant 0 : i32
        %dma_wait3A_618 = arith.constant 0 : i32
        %dma_wait3A_619 = tpu.memref_slice %arg13[%dma_wait3A_617, %dma_wait3A_618] : memref<10240x128xf32, #tpu.memory_space<vmem_shared>> -> memref<10240x128xf32, #tpu.memory_space<vmem_shared>>
        tpu.wait_indirect_dma semaphore(%run_scoped3A_607 : memref<!tpu.dma_semaphore, #tpu.memory_space<semaphore_mem>>) src(%arg11 : memref<128x128xf32, #tpu.memory_space<vmem>>) dst(%dma_wait3A_619 : memref<10240x128xf32, #tpu.memory_space<vmem_shared>>)
        tpu.yield
      }) : () -> ()
      %dma_wait3A_317 = arith.constant 0 : i32
      %dma_wait3A_318 = arith.constant 0 : i32
      %dma_wait3A_319 = tpu.memref_slice %arg2[%dma_wait3A_317, %dma_wait3A_318] : memref<10240x128xf32, #tpu.memory_space<hbm>> -> memref<128x128xf32, #tpu.memory_space<hbm>>
      %dma_wait3A_320 = arith.constant 0 : i32
      %dma_wait3A_321 = arith.constant 0 : i32
      %dma_wait3A_322 = tpu.memref_slice %arg2[%dma_wait3A_320, %dma_wait3A_321] : memref<10240x128xf32, #tpu.memory_space<hbm>> -> memref<128x128xf32, #tpu.memory_space<hbm>>
      tpu.wait_dma2 semaphore(%arg17 : memref<!tpu.dma_semaphore, #tpu.memory_space<semaphore_mem>>) src(%dma_wait3A_322 : memref<128x128xf32, #tpu.memory_space<hbm>>) dst(%arg12 : memref<128x128xf32, #tpu.memory_space<vmem>>)
      %dma_start3A_323 = arith.constant 2 : i32
      %dma_start3A_324 = arith.constant 0 : i32
      %dma_start3A_325 = tpu.memref_slice %arg7[%dma_start3A_323, %dma_start3A_324] : memref<8x128xi32, #tpu.memory_space<vmem>> -> memref<1x128xi32, #tpu.memory_space<vmem>>
      %dma_start3A_326 = tpu.memref_squeeze %dma_start3A_325 : memref<1x128xi32, #tpu.memory_space<vmem>> -> memref<128xi32, #tpu.memory_space<vmem>>
      %dma_start3A_327 = arith.constant 0 : i32
      %dma_start3A_328 = arith.constant 0 : i32
      %dma_start3A_329 = tpu.memref_slice %arg2[%dma_start3A_327, %dma_start3A_328] : memref<10240x128xf32, #tpu.memory_space<hbm>> -> memref<10240x128xf32, #tpu.memory_space<hbm>>
      tpu.enqueue_indirect_dma source(%dma_start3A_329 : memref<10240x128xf32, #tpu.memory_space<hbm>>) target(%arg11 : memref<128x128xf32, #tpu.memory_space<vmem>>) offsets(%dma_start3A_326 : memref<128xi32, #tpu.memory_space<vmem>>) semaphore(%arg16 : memref<!tpu.dma_semaphore, #tpu.memory_space<semaphore_mem>>)
      %run_scoped3A_330 = arith.constant 1 : i32
      "tpu.region"() ({
        %run_scoped3A_607 = tpu.sem_alloc : memref<!tpu.dma_semaphore, #tpu.memory_space<semaphore_mem>>
        %dma_start3A_608 = arith.constant 0 : i32
        %dma_start3A_609 = tpu.memref_slice %arg8[%run_scoped3A_330, %dma_start3A_608] : memref<8x128xi32, #tpu.memory_space<vmem>> -> memref<1x128xi32, #tpu.memory_space<vmem>>
        %dma_start3A_610 = tpu.memref_squeeze %dma_start3A_609 : memref<1x128xi32, #tpu.memory_space<vmem>> -> memref<128xi32, #tpu.memory_space<vmem>>
        %dma_start3A_611 = arith.constant 0 : i32
        %dma_start3A_612 = arith.constant 0 : i32
        %dma_start3A_613 = tpu.memref_slice %arg13[%dma_start3A_611, %dma_start3A_612] : memref<10240x128xf32, #tpu.memory_space<vmem_shared>> -> memref<10240x128xf32, #tpu.memory_space<vmem_shared>>
        tpu.enqueue_indirect_dma source(%arg12 : memref<128x128xf32, #tpu.memory_space<vmem>>) target(%dma_start3A_613 : memref<10240x128xf32, #tpu.memory_space<vmem_shared>>) offsets(%dma_start3A_610 : memref<128xi32, #tpu.memory_space<vmem>>) semaphore(%run_scoped3A_607 : memref<!tpu.dma_semaphore, #tpu.memory_space<semaphore_mem>>) {add = true}
        %dma_wait3A_614 = arith.constant 0 : i32
        %dma_wait3A_615 = tpu.memref_slice %arg8[%run_scoped3A_330, %dma_wait3A_614] : memref<8x128xi32, #tpu.memory_space<vmem>> -> memref<1x128xi32, #tpu.memory_space<vmem>>
        %dma_wait3A_616 = tpu.memref_squeeze %dma_wait3A_615 : memref<1x128xi32, #tpu.memory_space<vmem>> -> memref<128xi32, #tpu.memory_space<vmem>>
        %dma_wait3A_617 = arith.constant 0 : i32
        %dma_wait3A_618 = arith.constant 0 : i32
        %dma_wait3A_619 = tpu.memref_slice %arg13[%dma_wait3A_617, %dma_wait3A_618] : memref<10240x128xf32, #tpu.memory_space<vmem_shared>> -> memref<10240x128xf32, #tpu.memory_space<vmem_shared>>
        tpu.wait_indirect_dma semaphore(%run_scoped3A_607 : memref<!tpu.dma_semaphore, #tpu.memory_space<semaphore_mem>>) src(%arg12 : memref<128x128xf32, #tpu.memory_space<vmem>>) dst(%dma_wait3A_619 : memref<10240x128xf32, #tpu.memory_space<vmem_shared>>)
        tpu.yield
      }) : () -> ()
      %dma_wait3A_331 = arith.constant 0 : i32
      %dma_wait3A_332 = arith.constant 0 : i32
      %dma_wait3A_333 = tpu.memref_slice %arg2[%dma_wait3A_331, %dma_wait3A_332] : memref<10240x128xf32, #tpu.memory_space<hbm>> -> memref<128x128xf32, #tpu.memory_space<hbm>>
      %dma_wait3A_334 = arith.constant 0 : i32
      %dma_wait3A_335 = arith.constant 0 : i32
      %dma_wait3A_336 = tpu.memref_slice %arg2[%dma_wait3A_334, %dma_wait3A_335] : memref<10240x128xf32, #tpu.memory_space<hbm>> -> memref<128x128xf32, #tpu.memory_space<hbm>>
      tpu.wait_dma2 semaphore(%arg16 : memref<!tpu.dma_semaphore, #tpu.memory_space<semaphore_mem>>) src(%dma_wait3A_336 : memref<128x128xf32, #tpu.memory_space<hbm>>) dst(%arg11 : memref<128x128xf32, #tpu.memory_space<vmem>>)
      %dma_start3A_337 = arith.constant 3 : i32
      %dma_start3A_338 = arith.constant 0 : i32
      %dma_start3A_339 = tpu.memref_slice %arg7[%dma_start3A_337, %dma_start3A_338] : memref<8x128xi32, #tpu.memory_space<vmem>> -> memref<1x128xi32, #tpu.memory_space<vmem>>
      %dma_start3A_340 = tpu.memref_squeeze %dma_start3A_339 : memref<1x128xi32, #tpu.memory_space<vmem>> -> memref<128xi32, #tpu.memory_space<vmem>>
      %dma_start3A_341 = arith.constant 0 : i32
      %dma_start3A_342 = arith.constant 0 : i32
      %dma_start3A_343 = tpu.memref_slice %arg2[%dma_start3A_341, %dma_start3A_342] : memref<10240x128xf32, #tpu.memory_space<hbm>> -> memref<10240x128xf32, #tpu.memory_space<hbm>>
      tpu.enqueue_indirect_dma source(%dma_start3A_343 : memref<10240x128xf32, #tpu.memory_space<hbm>>) target(%arg12 : memref<128x128xf32, #tpu.memory_space<vmem>>) offsets(%dma_start3A_340 : memref<128xi32, #tpu.memory_space<vmem>>) semaphore(%arg17 : memref<!tpu.dma_semaphore, #tpu.memory_space<semaphore_mem>>)
      %run_scoped3A_344 = arith.constant 2 : i32
      "tpu.region"() ({
        %run_scoped3A_607 = tpu.sem_alloc : memref<!tpu.dma_semaphore, #tpu.memory_space<semaphore_mem>>
        %dma_start3A_608 = arith.constant 0 : i32
        %dma_start3A_609 = tpu.memref_slice %arg8[%run_scoped3A_344, %dma_start3A_608] : memref<8x128xi32, #tpu.memory_space<vmem>> -> memref<1x128xi32, #tpu.memory_space<vmem>>
        %dma_start3A_610 = tpu.memref_squeeze %dma_start3A_609 : memref<1x128xi32, #tpu.memory_space<vmem>> -> memref<128xi32, #tpu.memory_space<vmem>>
        %dma_start3A_611 = arith.constant 0 : i32
        %dma_start3A_612 = arith.constant 0 : i32
        %dma_start3A_613 = tpu.memref_slice %arg13[%dma_start3A_611, %dma_start3A_612] : memref<10240x128xf32, #tpu.memory_space<vmem_shared>> -> memref<10240x128xf32, #tpu.memory_space<vmem_shared>>
        tpu.enqueue_indirect_dma source(%arg11 : memref<128x128xf32, #tpu.memory_space<vmem>>) target(%dma_start3A_613 : memref<10240x128xf32, #tpu.memory_space<vmem_shared>>) offsets(%dma_start3A_610 : memref<128xi32, #tpu.memory_space<vmem>>) semaphore(%run_scoped3A_607 : memref<!tpu.dma_semaphore, #tpu.memory_space<semaphore_mem>>) {add = true}
        %dma_wait3A_614 = arith.constant 0 : i32
        %dma_wait3A_615 = tpu.memref_slice %arg8[%run_scoped3A_344, %dma_wait3A_614] : memref<8x128xi32, #tpu.memory_space<vmem>> -> memref<1x128xi32, #tpu.memory_space<vmem>>
        %dma_wait3A_616 = tpu.memref_squeeze %dma_wait3A_615 : memref<1x128xi32, #tpu.memory_space<vmem>> -> memref<128xi32, #tpu.memory_space<vmem>>
        %dma_wait3A_617 = arith.constant 0 : i32
        %dma_wait3A_618 = arith.constant 0 : i32
        %dma_wait3A_619 = tpu.memref_slice %arg13[%dma_wait3A_617, %dma_wait3A_618] : memref<10240x128xf32, #tpu.memory_space<vmem_shared>> -> memref<10240x128xf32, #tpu.memory_space<vmem_shared>>
        tpu.wait_indirect_dma semaphore(%run_scoped3A_607 : memref<!tpu.dma_semaphore, #tpu.memory_space<semaphore_mem>>) src(%arg11 : memref<128x128xf32, #tpu.memory_space<vmem>>) dst(%dma_wait3A_619 : memref<10240x128xf32, #tpu.memory_space<vmem_shared>>)
        tpu.yield
      }) : () -> ()
      %dma_wait3A_345 = arith.constant 0 : i32
      %dma_wait3A_346 = arith.constant 0 : i32
      %dma_wait3A_347 = tpu.memref_slice %arg2[%dma_wait3A_345, %dma_wait3A_346] : memref<10240x128xf32, #tpu.memory_space<hbm>> -> memref<128x128xf32, #tpu.memory_space<hbm>>
      %dma_wait3A_348 = arith.constant 0 : i32
      %dma_wait3A_349 = arith.constant 0 : i32
      %dma_wait3A_350 = tpu.memref_slice %arg2[%dma_wait3A_348, %dma_wait3A_349] : memref<10240x128xf32, #tpu.memory_space<hbm>> -> memref<128x128xf32, #tpu.memory_space<hbm>>
      tpu.wait_dma2 semaphore(%arg17 : memref<!tpu.dma_semaphore, #tpu.memory_space<semaphore_mem>>) src(%dma_wait3A_350 : memref<128x128xf32, #tpu.memory_space<hbm>>) dst(%arg12 : memref<128x128xf32, #tpu.memory_space<vmem>>)
      %dma_start3A_351 = arith.constant 4 : i32
      %dma_start3A_352 = arith.constant 0 : i32
      %dma_start3A_353 = tpu.memref_slice %arg7[%dma_start3A_351, %dma_start3A_352] : memref<8x128xi32, #tpu.memory_space<vmem>> -> memref<1x128xi32, #tpu.memory_space<vmem>>
      %dma_start3A_354 = tpu.memref_squeeze %dma_start3A_353 : memref<1x128xi32, #tpu.memory_space<vmem>> -> memref<128xi32, #tpu.memory_space<vmem>>
      %dma_start3A_355 = arith.constant 0 : i32
      %dma_start3A_356 = arith.constant 0 : i32
      %dma_start3A_357 = tpu.memref_slice %arg2[%dma_start3A_355, %dma_start3A_356] : memref<10240x128xf32, #tpu.memory_space<hbm>> -> memref<10240x128xf32, #tpu.memory_space<hbm>>
      tpu.enqueue_indirect_dma source(%dma_start3A_357 : memref<10240x128xf32, #tpu.memory_space<hbm>>) target(%arg11 : memref<128x128xf32, #tpu.memory_space<vmem>>) offsets(%dma_start3A_354 : memref<128xi32, #tpu.memory_space<vmem>>) semaphore(%arg16 : memref<!tpu.dma_semaphore, #tpu.memory_space<semaphore_mem>>)
      %run_scoped3A_358 = arith.constant 3 : i32
      "tpu.region"() ({
        %run_scoped3A_607 = tpu.sem_alloc : memref<!tpu.dma_semaphore, #tpu.memory_space<semaphore_mem>>
        %dma_start3A_608 = arith.constant 0 : i32
        %dma_start3A_609 = tpu.memref_slice %arg8[%run_scoped3A_358, %dma_start3A_608] : memref<8x128xi32, #tpu.memory_space<vmem>> -> memref<1x128xi32, #tpu.memory_space<vmem>>
        %dma_start3A_610 = tpu.memref_squeeze %dma_start3A_609 : memref<1x128xi32, #tpu.memory_space<vmem>> -> memref<128xi32, #tpu.memory_space<vmem>>
        %dma_start3A_611 = arith.constant 0 : i32
        %dma_start3A_612 = arith.constant 0 : i32
        %dma_start3A_613 = tpu.memref_slice %arg13[%dma_start3A_611, %dma_start3A_612] : memref<10240x128xf32, #tpu.memory_space<vmem_shared>> -> memref<10240x128xf32, #tpu.memory_space<vmem_shared>>
        tpu.enqueue_indirect_dma source(%arg12 : memref<128x128xf32, #tpu.memory_space<vmem>>) target(%dma_start3A_613 : memref<10240x128xf32, #tpu.memory_space<vmem_shared>>) offsets(%dma_start3A_610 : memref<128xi32, #tpu.memory_space<vmem>>) semaphore(%run_scoped3A_607 : memref<!tpu.dma_semaphore, #tpu.memory_space<semaphore_mem>>) {add = true}
        %dma_wait3A_614 = arith.constant 0 : i32
        %dma_wait3A_615 = tpu.memref_slice %arg8[%run_scoped3A_358, %dma_wait3A_614] : memref<8x128xi32, #tpu.memory_space<vmem>> -> memref<1x128xi32, #tpu.memory_space<vmem>>
        %dma_wait3A_616 = tpu.memref_squeeze %dma_wait3A_615 : memref<1x128xi32, #tpu.memory_space<vmem>> -> memref<128xi32, #tpu.memory_space<vmem>>
        %dma_wait3A_617 = arith.constant 0 : i32
        %dma_wait3A_618 = arith.constant 0 : i32
        %dma_wait3A_619 = tpu.memref_slice %arg13[%dma_wait3A_617, %dma_wait3A_618] : memref<10240x128xf32, #tpu.memory_space<vmem_shared>> -> memref<10240x128xf32, #tpu.memory_space<vmem_shared>>
        tpu.wait_indirect_dma semaphore(%run_scoped3A_607 : memref<!tpu.dma_semaphore, #tpu.memory_space<semaphore_mem>>) src(%arg12 : memref<128x128xf32, #tpu.memory_space<vmem>>) dst(%dma_wait3A_619 : memref<10240x128xf32, #tpu.memory_space<vmem_shared>>)
        tpu.yield
      }) : () -> ()
      %dma_wait3A_359 = arith.constant 0 : i32
      %dma_wait3A_360 = arith.constant 0 : i32
      %dma_wait3A_361 = tpu.memref_slice %arg2[%dma_wait3A_359, %dma_wait3A_360] : memref<10240x128xf32, #tpu.memory_space<hbm>> -> memref<128x128xf32, #tpu.memory_space<hbm>>
      %dma_wait3A_362 = arith.constant 0 : i32
      %dma_wait3A_363 = arith.constant 0 : i32
      %dma_wait3A_364 = tpu.memref_slice %arg2[%dma_wait3A_362, %dma_wait3A_363] : memref<10240x128xf32, #tpu.memory_space<hbm>> -> memref<128x128xf32, #tpu.memory_space<hbm>>
      tpu.wait_dma2 semaphore(%arg16 : memref<!tpu.dma_semaphore, #tpu.memory_space<semaphore_mem>>) src(%dma_wait3A_364 : memref<128x128xf32, #tpu.memory_space<hbm>>) dst(%arg11 : memref<128x128xf32, #tpu.memory_space<vmem>>)
      %dma_start3A_365 = arith.constant 5 : i32
      %dma_start3A_366 = arith.constant 0 : i32
      %dma_start3A_367 = tpu.memref_slice %arg7[%dma_start3A_365, %dma_start3A_366] : memref<8x128xi32, #tpu.memory_space<vmem>> -> memref<1x128xi32, #tpu.memory_space<vmem>>
      %dma_start3A_368 = tpu.memref_squeeze %dma_start3A_367 : memref<1x128xi32, #tpu.memory_space<vmem>> -> memref<128xi32, #tpu.memory_space<vmem>>
      %dma_start3A_369 = arith.constant 0 : i32
      %dma_start3A_370 = arith.constant 0 : i32
      %dma_start3A_371 = tpu.memref_slice %arg2[%dma_start3A_369, %dma_start3A_370] : memref<10240x128xf32, #tpu.memory_space<hbm>> -> memref<10240x128xf32, #tpu.memory_space<hbm>>
      tpu.enqueue_indirect_dma source(%dma_start3A_371 : memref<10240x128xf32, #tpu.memory_space<hbm>>) target(%arg12 : memref<128x128xf32, #tpu.memory_space<vmem>>) offsets(%dma_start3A_368 : memref<128xi32, #tpu.memory_space<vmem>>) semaphore(%arg17 : memref<!tpu.dma_semaphore, #tpu.memory_space<semaphore_mem>>)
      %run_scoped3A_372 = arith.constant 4 : i32
      "tpu.region"() ({
        %run_scoped3A_607 = tpu.sem_alloc : memref<!tpu.dma_semaphore, #tpu.memory_space<semaphore_mem>>
        %dma_start3A_608 = arith.constant 0 : i32
        %dma_start3A_609 = tpu.memref_slice %arg8[%run_scoped3A_372, %dma_start3A_608] : memref<8x128xi32, #tpu.memory_space<vmem>> -> memref<1x128xi32, #tpu.memory_space<vmem>>
        %dma_start3A_610 = tpu.memref_squeeze %dma_start3A_609 : memref<1x128xi32, #tpu.memory_space<vmem>> -> memref<128xi32, #tpu.memory_space<vmem>>
        %dma_start3A_611 = arith.constant 0 : i32
        %dma_start3A_612 = arith.constant 0 : i32
        %dma_start3A_613 = tpu.memref_slice %arg13[%dma_start3A_611, %dma_start3A_612] : memref<10240x128xf32, #tpu.memory_space<vmem_shared>> -> memref<10240x128xf32, #tpu.memory_space<vmem_shared>>
        tpu.enqueue_indirect_dma source(%arg11 : memref<128x128xf32, #tpu.memory_space<vmem>>) target(%dma_start3A_613 : memref<10240x128xf32, #tpu.memory_space<vmem_shared>>) offsets(%dma_start3A_610 : memref<128xi32, #tpu.memory_space<vmem>>) semaphore(%run_scoped3A_607 : memref<!tpu.dma_semaphore, #tpu.memory_space<semaphore_mem>>) {add = true}
        %dma_wait3A_614 = arith.constant 0 : i32
        %dma_wait3A_615 = tpu.memref_slice %arg8[%run_scoped3A_372, %dma_wait3A_614] : memref<8x128xi32, #tpu.memory_space<vmem>> -> memref<1x128xi32, #tpu.memory_space<vmem>>
        %dma_wait3A_616 = tpu.memref_squeeze %dma_wait3A_615 : memref<1x128xi32, #tpu.memory_space<vmem>> -> memref<128xi32, #tpu.memory_space<vmem>>
        %dma_wait3A_617 = arith.constant 0 : i32
        %dma_wait3A_618 = arith.constant 0 : i32
        %dma_wait3A_619 = tpu.memref_slice %arg13[%dma_wait3A_617, %dma_wait3A_618] : memref<10240x128xf32, #tpu.memory_space<vmem_shared>> -> memref<10240x128xf32, #tpu.memory_space<vmem_shared>>
        tpu.wait_indirect_dma semaphore(%run_scoped3A_607 : memref<!tpu.dma_semaphore, #tpu.memory_space<semaphore_mem>>) src(%arg11 : memref<128x128xf32, #tpu.memory_space<vmem>>) dst(%dma_wait3A_619 : memref<10240x128xf32, #tpu.memory_space<vmem_shared>>)
        tpu.yield
      }) : () -> ()
      %dma_wait3A_373 = arith.constant 0 : i32
      %dma_wait3A_374 = arith.constant 0 : i32
      %dma_wait3A_375 = tpu.memref_slice %arg2[%dma_wait3A_373, %dma_wait3A_374] : memref<10240x128xf32, #tpu.memory_space<hbm>> -> memref<128x128xf32, #tpu.memory_space<hbm>>
      %dma_wait3A_376 = arith.constant 0 : i32
      %dma_wait3A_377 = arith.constant 0 : i32
      %dma_wait3A_378 = tpu.memref_slice %arg2[%dma_wait3A_376, %dma_wait3A_377] : memref<10240x128xf32, #tpu.memory_space<hbm>> -> memref<128x128xf32, #tpu.memory_space<hbm>>
      tpu.wait_dma2 semaphore(%arg17 : memref<!tpu.dma_semaphore, #tpu.memory_space<semaphore_mem>>) src(%dma_wait3A_378 : memref<128x128xf32, #tpu.memory_space<hbm>>) dst(%arg12 : memref<128x128xf32, #tpu.memory_space<vmem>>)
      %dma_start3A_379 = arith.constant 6 : i32
      %dma_start3A_380 = arith.constant 0 : i32
      %dma_start3A_381 = tpu.memref_slice %arg7[%dma_start3A_379, %dma_start3A_380] : memref<8x128xi32, #tpu.memory_space<vmem>> -> memref<1x128xi32, #tpu.memory_space<vmem>>
      %dma_start3A_382 = tpu.memref_squeeze %dma_start3A_381 : memref<1x128xi32, #tpu.memory_space<vmem>> -> memref<128xi32, #tpu.memory_space<vmem>>
      %dma_start3A_383 = arith.constant 0 : i32
      %dma_start3A_384 = arith.constant 0 : i32
      %dma_start3A_385 = tpu.memref_slice %arg2[%dma_start3A_383, %dma_start3A_384] : memref<10240x128xf32, #tpu.memory_space<hbm>> -> memref<10240x128xf32, #tpu.memory_space<hbm>>
      tpu.enqueue_indirect_dma source(%dma_start3A_385 : memref<10240x128xf32, #tpu.memory_space<hbm>>) target(%arg11 : memref<128x128xf32, #tpu.memory_space<vmem>>) offsets(%dma_start3A_382 : memref<128xi32, #tpu.memory_space<vmem>>) semaphore(%arg16 : memref<!tpu.dma_semaphore, #tpu.memory_space<semaphore_mem>>)
      %run_scoped3A_386 = arith.constant 5 : i32
      "tpu.region"() ({
        %run_scoped3A_607 = tpu.sem_alloc : memref<!tpu.dma_semaphore, #tpu.memory_space<semaphore_mem>>
        %dma_start3A_608 = arith.constant 0 : i32
        %dma_start3A_609 = tpu.memref_slice %arg8[%run_scoped3A_386, %dma_start3A_608] : memref<8x128xi32, #tpu.memory_space<vmem>> -> memref<1x128xi32, #tpu.memory_space<vmem>>
        %dma_start3A_610 = tpu.memref_squeeze %dma_start3A_609 : memref<1x128xi32, #tpu.memory_space<vmem>> -> memref<128xi32, #tpu.memory_space<vmem>>
        %dma_start3A_611 = arith.constant 0 : i32
        %dma_start3A_612 = arith.constant 0 : i32
        %dma_start3A_613 = tpu.memref_slice %arg13[%dma_start3A_611, %dma_start3A_612] : memref<10240x128xf32, #tpu.memory_space<vmem_shared>> -> memref<10240x128xf32, #tpu.memory_space<vmem_shared>>
        tpu.enqueue_indirect_dma source(%arg12 : memref<128x128xf32, #tpu.memory_space<vmem>>) target(%dma_start3A_613 : memref<10240x128xf32, #tpu.memory_space<vmem_shared>>) offsets(%dma_start3A_610 : memref<128xi32, #tpu.memory_space<vmem>>) semaphore(%run_scoped3A_607 : memref<!tpu.dma_semaphore, #tpu.memory_space<semaphore_mem>>) {add = true}
        %dma_wait3A_614 = arith.constant 0 : i32
        %dma_wait3A_615 = tpu.memref_slice %arg8[%run_scoped3A_386, %dma_wait3A_614] : memref<8x128xi32, #tpu.memory_space<vmem>> -> memref<1x128xi32, #tpu.memory_space<vmem>>
        %dma_wait3A_616 = tpu.memref_squeeze %dma_wait3A_615 : memref<1x128xi32, #tpu.memory_space<vmem>> -> memref<128xi32, #tpu.memory_space<vmem>>
        %dma_wait3A_617 = arith.constant 0 : i32
        %dma_wait3A_618 = arith.constant 0 : i32
        %dma_wait3A_619 = tpu.memref_slice %arg13[%dma_wait3A_617, %dma_wait3A_618] : memref<10240x128xf32, #tpu.memory_space<vmem_shared>> -> memref<10240x128xf32, #tpu.memory_space<vmem_shared>>
        tpu.wait_indirect_dma semaphore(%run_scoped3A_607 : memref<!tpu.dma_semaphore, #tpu.memory_space<semaphore_mem>>) src(%arg12 : memref<128x128xf32, #tpu.memory_space<vmem>>) dst(%dma_wait3A_619 : memref<10240x128xf32, #tpu.memory_space<vmem_shared>>)
        tpu.yield
      }) : () -> ()
      %dma_wait3A_387 = arith.constant 0 : i32
      %dma_wait3A_388 = arith.constant 0 : i32
      %dma_wait3A_389 = tpu.memref_slice %arg2[%dma_wait3A_387, %dma_wait3A_388] : memref<10240x128xf32, #tpu.memory_space<hbm>> -> memref<128x128xf32, #tpu.memory_space<hbm>>
      %dma_wait3A_390 = arith.constant 0 : i32
      %dma_wait3A_391 = arith.constant 0 : i32
      %dma_wait3A_392 = tpu.memref_slice %arg2[%dma_wait3A_390, %dma_wait3A_391] : memref<10240x128xf32, #tpu.memory_space<hbm>> -> memref<128x128xf32, #tpu.memory_space<hbm>>
      tpu.wait_dma2 semaphore(%arg16 : memref<!tpu.dma_semaphore, #tpu.memory_space<semaphore_mem>>) src(%dma_wait3A_392 : memref<128x128xf32, #tpu.memory_space<hbm>>) dst(%arg11 : memref<128x128xf32, #tpu.memory_space<vmem>>)
      %dma_start3A_393 = arith.constant 7 : i32
      %dma_start3A_394 = arith.constant 0 : i32
      %dma_start3A_395 = tpu.memref_slice %arg7[%dma_start3A_393, %dma_start3A_394] : memref<8x128xi32, #tpu.memory_space<vmem>> -> memref<1x128xi32, #tpu.memory_space<vmem>>
      %dma_start3A_396 = tpu.memref_squeeze %dma_start3A_395 : memref<1x128xi32, #tpu.memory_space<vmem>> -> memref<128xi32, #tpu.memory_space<vmem>>
      %dma_start3A_397 = arith.constant 0 : i32
      %dma_start3A_398 = arith.constant 0 : i32
      %dma_start3A_399 = tpu.memref_slice %arg2[%dma_start3A_397, %dma_start3A_398] : memref<10240x128xf32, #tpu.memory_space<hbm>> -> memref<10240x128xf32, #tpu.memory_space<hbm>>
      tpu.enqueue_indirect_dma source(%dma_start3A_399 : memref<10240x128xf32, #tpu.memory_space<hbm>>) target(%arg12 : memref<128x128xf32, #tpu.memory_space<vmem>>) offsets(%dma_start3A_396 : memref<128xi32, #tpu.memory_space<vmem>>) semaphore(%arg17 : memref<!tpu.dma_semaphore, #tpu.memory_space<semaphore_mem>>)
      %run_scoped3A_400 = arith.constant 6 : i32
      "tpu.region"() ({
        %run_scoped3A_607 = tpu.sem_alloc : memref<!tpu.dma_semaphore, #tpu.memory_space<semaphore_mem>>
        %dma_start3A_608 = arith.constant 0 : i32
        %dma_start3A_609 = tpu.memref_slice %arg8[%run_scoped3A_400, %dma_start3A_608] : memref<8x128xi32, #tpu.memory_space<vmem>> -> memref<1x128xi32, #tpu.memory_space<vmem>>
        %dma_start3A_610 = tpu.memref_squeeze %dma_start3A_609 : memref<1x128xi32, #tpu.memory_space<vmem>> -> memref<128xi32, #tpu.memory_space<vmem>>
        %dma_start3A_611 = arith.constant 0 : i32
        %dma_start3A_612 = arith.constant 0 : i32
        %dma_start3A_613 = tpu.memref_slice %arg13[%dma_start3A_611, %dma_start3A_612] : memref<10240x128xf32, #tpu.memory_space<vmem_shared>> -> memref<10240x128xf32, #tpu.memory_space<vmem_shared>>
        tpu.enqueue_indirect_dma source(%arg11 : memref<128x128xf32, #tpu.memory_space<vmem>>) target(%dma_start3A_613 : memref<10240x128xf32, #tpu.memory_space<vmem_shared>>) offsets(%dma_start3A_610 : memref<128xi32, #tpu.memory_space<vmem>>) semaphore(%run_scoped3A_607 : memref<!tpu.dma_semaphore, #tpu.memory_space<semaphore_mem>>) {add = true}
        %dma_wait3A_614 = arith.constant 0 : i32
        %dma_wait3A_615 = tpu.memref_slice %arg8[%run_scoped3A_400, %dma_wait3A_614] : memref<8x128xi32, #tpu.memory_space<vmem>> -> memref<1x128xi32, #tpu.memory_space<vmem>>
        %dma_wait3A_616 = tpu.memref_squeeze %dma_wait3A_615 : memref<1x128xi32, #tpu.memory_space<vmem>> -> memref<128xi32, #tpu.memory_space<vmem>>
        %dma_wait3A_617 = arith.constant 0 : i32
        %dma_wait3A_618 = arith.constant 0 : i32
        %dma_wait3A_619 = tpu.memref_slice %arg13[%dma_wait3A_617, %dma_wait3A_618] : memref<10240x128xf32, #tpu.memory_space<vmem_shared>> -> memref<10240x128xf32, #tpu.memory_space<vmem_shared>>
        tpu.wait_indirect_dma semaphore(%run_scoped3A_607 : memref<!tpu.dma_semaphore, #tpu.memory_space<semaphore_mem>>) src(%arg11 : memref<128x128xf32, #tpu.memory_space<vmem>>) dst(%dma_wait3A_619 : memref<10240x128xf32, #tpu.memory_space<vmem_shared>>)
        tpu.yield
      }) : () -> ()
      %dma_wait3A_401 = arith.constant 0 : i32
      %dma_wait3A_402 = arith.constant 0 : i32
      %dma_wait3A_403 = tpu.memref_slice %arg2[%dma_wait3A_401, %dma_wait3A_402] : memref<10240x128xf32, #tpu.memory_space<hbm>> -> memref<128x128xf32, #tpu.memory_space<hbm>>
      %dma_wait3A_404 = arith.constant 0 : i32
      %dma_wait3A_405 = arith.constant 0 : i32
      %dma_wait3A_406 = tpu.memref_slice %arg2[%dma_wait3A_404, %dma_wait3A_405] : memref<10240x128xf32, #tpu.memory_space<hbm>> -> memref<128x128xf32, #tpu.memory_space<hbm>>
      tpu.wait_dma2 semaphore(%arg17 : memref<!tpu.dma_semaphore, #tpu.memory_space<semaphore_mem>>) src(%dma_wait3A_406 : memref<128x128xf32, #tpu.memory_space<hbm>>) dst(%arg12 : memref<128x128xf32, #tpu.memory_space<vmem>>)
      %dma_wait3A_407 = arith.constant 0 : i32
      %dma_wait3A_408 = arith.constant 0 : i32
      %dma_wait3A_409 = arith.constant 0 : i32
      %dma_wait3A_410 = tpu.memref_slice %arg3[%add3A, %dma_wait3A_407, %dma_wait3A_408, %dma_wait3A_409] : memref<32x10x8x128xi32, #tpu.memory_space<hbm>> -> memref<1x1x8x128xi32, #tpu.memory_space<hbm>>
      %dma_wait3A_411 = tpu.memref_squeeze %dma_wait3A_410 : memref<1x1x8x128xi32, #tpu.memory_space<hbm>> -> memref<8x128xi32, #tpu.memory_space<hbm>>
      %dma_wait3A_412 = arith.constant 0 : i32
      %dma_wait3A_413 = arith.constant 0 : i32
      %dma_wait3A_414 = tpu.memref_slice %arg3[%add3A, %dma_wait3A_407, %dma_wait3A_412, %dma_wait3A_413] : memref<32x10x8x128xi32, #tpu.memory_space<hbm>> -> memref<1x1x8x128xi32, #tpu.memory_space<hbm>>
      %dma_wait3A_415 = tpu.memref_squeeze %dma_wait3A_414 : memref<1x1x8x128xi32, #tpu.memory_space<hbm>> -> memref<8x128xi32, #tpu.memory_space<hbm>>
      tpu.wait_dma2 semaphore(%arg15 : memref<!tpu.dma_semaphore, #tpu.memory_space<semaphore_mem>>) src(%dma_wait3A_415 : memref<8x128xi32, #tpu.memory_space<hbm>>) dst(%arg9 : memref<8x128xi32, #tpu.memory_space<vmem>>)
      %dma_wait3A_416 = arith.constant 0 : i32
      %dma_wait3A_417 = arith.constant 0 : i32
      %dma_wait3A_418 = arith.constant 0 : i32
      %dma_wait3A_419 = tpu.memref_slice %arg4[%add3A, %dma_wait3A_416, %dma_wait3A_417, %dma_wait3A_418] : memref<32x10x8x128xi32, #tpu.memory_space<hbm>> -> memref<1x1x8x128xi32, #tpu.memory_space<hbm>>
      %dma_wait3A_420 = tpu.memref_squeeze %dma_wait3A_419 : memref<1x1x8x128xi32, #tpu.memory_space<hbm>> -> memref<8x128xi32, #tpu.memory_space<hbm>>
      %dma_wait3A_421 = arith.constant 0 : i32
      %dma_wait3A_422 = arith.constant 0 : i32
      %dma_wait3A_423 = tpu.memref_slice %arg4[%add3A, %dma_wait3A_416, %dma_wait3A_421, %dma_wait3A_422] : memref<32x10x8x128xi32, #tpu.memory_space<hbm>> -> memref<1x1x8x128xi32, #tpu.memory_space<hbm>>
      %dma_wait3A_424 = tpu.memref_squeeze %dma_wait3A_423 : memref<1x1x8x128xi32, #tpu.memory_space<hbm>> -> memref<8x128xi32, #tpu.memory_space<hbm>>
      tpu.wait_dma2 semaphore(%arg15 : memref<!tpu.dma_semaphore, #tpu.memory_space<semaphore_mem>>) src(%dma_wait3A_424 : memref<8x128xi32, #tpu.memory_space<hbm>>) dst(%arg10 : memref<8x128xi32, #tpu.memory_space<vmem>>)
      %dma_start3A_425 = arith.constant 0 : i32
      %dma_start3A_426 = arith.constant 0 : i32
      %dma_start3A_427 = tpu.memref_slice %arg9[%dma_start3A_425, %dma_start3A_426] : memref<8x128xi32, #tpu.memory_space<vmem>> -> memref<1x128xi32, #tpu.memory_space<vmem>>
      %dma_start3A_428 = tpu.memref_squeeze %dma_start3A_427 : memref<1x128xi32, #tpu.memory_space<vmem>> -> memref<128xi32, #tpu.memory_space<vmem>>
      %dma_start3A_429 = arith.constant 0 : i32
      %dma_start3A_430 = arith.constant 0 : i32
      %dma_start3A_431 = tpu.memref_slice %arg2[%dma_start3A_429, %dma_start3A_430] : memref<10240x128xf32, #tpu.memory_space<hbm>> -> memref<10240x128xf32, #tpu.memory_space<hbm>>
      tpu.enqueue_indirect_dma source(%dma_start3A_431 : memref<10240x128xf32, #tpu.memory_space<hbm>>) target(%arg11 : memref<128x128xf32, #tpu.memory_space<vmem>>) offsets(%dma_start3A_428 : memref<128xi32, #tpu.memory_space<vmem>>) semaphore(%arg16 : memref<!tpu.dma_semaphore, #tpu.memory_space<semaphore_mem>>)
      %run_scoped3A_432 = arith.constant 7 : i32
      "tpu.region"() ({
        %run_scoped3A_607 = tpu.sem_alloc : memref<!tpu.dma_semaphore, #tpu.memory_space<semaphore_mem>>
        %dma_start3A_608 = arith.constant 0 : i32
        %dma_start3A_609 = tpu.memref_slice %arg8[%run_scoped3A_432, %dma_start3A_608] : memref<8x128xi32, #tpu.memory_space<vmem>> -> memref<1x128xi32, #tpu.memory_space<vmem>>
        %dma_start3A_610 = tpu.memref_squeeze %dma_start3A_609 : memref<1x128xi32, #tpu.memory_space<vmem>> -> memref<128xi32, #tpu.memory_space<vmem>>
        %dma_start3A_611 = arith.constant 0 : i32
        %dma_start3A_612 = arith.constant 0 : i32
        %dma_start3A_613 = tpu.memref_slice %arg13[%dma_start3A_611, %dma_start3A_612] : memref<10240x128xf32, #tpu.memory_space<vmem_shared>> -> memref<10240x128xf32, #tpu.memory_space<vmem_shared>>
        tpu.enqueue_indirect_dma source(%arg12 : memref<128x128xf32, #tpu.memory_space<vmem>>) target(%dma_start3A_613 : memref<10240x128xf32, #tpu.memory_space<vmem_shared>>) offsets(%dma_start3A_610 : memref<128xi32, #tpu.memory_space<vmem>>) semaphore(%run_scoped3A_607 : memref<!tpu.dma_semaphore, #tpu.memory_space<semaphore_mem>>) {add = true}
        %dma_wait3A_614 = arith.constant 0 : i32
        %dma_wait3A_615 = tpu.memref_slice %arg8[%run_scoped3A_432, %dma_wait3A_614] : memref<8x128xi32, #tpu.memory_space<vmem>> -> memref<1x128xi32, #tpu.memory_space<vmem>>
        %dma_wait3A_616 = tpu.memref_squeeze %dma_wait3A_615 : memref<1x128xi32, #tpu.memory_space<vmem>> -> memref<128xi32, #tpu.memory_space<vmem>>
        %dma_wait3A_617 = arith.constant 0 : i32
        %dma_wait3A_618 = arith.constant 0 : i32
        %dma_wait3A_619 = tpu.memref_slice %arg13[%dma_wait3A_617, %dma_wait3A_618] : memref<10240x128xf32, #tpu.memory_space<vmem_shared>> -> memref<10240x128xf32, #tpu.memory_space<vmem_shared>>
        tpu.wait_indirect_dma semaphore(%run_scoped3A_607 : memref<!tpu.dma_semaphore, #tpu.memory_space<semaphore_mem>>) src(%arg12 : memref<128x128xf32, #tpu.memory_space<vmem>>) dst(%dma_wait3A_619 : memref<10240x128xf32, #tpu.memory_space<vmem_shared>>)
        tpu.yield
      }) : () -> ()
      %add3A_433 = arith.constant 1 : i32
      %add3A_434 = arith.addi %scan3A_302, %add3A_433 : i32
      %mul3A_435 = arith.constant 2 : i32
      %mul3A_436 = arith.muli %mul3A_435, %add3A_434 : i32
      %add3A_437 = arith.constant 0 : i32
      %add3A_438 = arith.addi %mul3A_436, %add3A_437 : i32
      %dma_start3A_439 = arith.constant 0 : i32
      %dma_start3A_440 = arith.constant 0 : i32
      %dma_start3A_441 = tpu.memref_slice %arg3[%add3A, %add3A_438, %dma_start3A_439, %dma_start3A_440] : memref<32x10x8x128xi32, #tpu.memory_space<hbm>> -> memref<1x1x8x128xi32, #tpu.memory_space<hbm>>
      %dma_start3A_442 = tpu.memref_squeeze %dma_start3A_441 : memref<1x1x8x128xi32, #tpu.memory_space<hbm>> -> memref<8x128xi32, #tpu.memory_space<hbm>>
      %dma_start3A_443 = arith.constant 0 : i32
      %dma_start3A_444 = arith.constant 0 : i32
      %dma_start3A_445 = tpu.memref_slice %arg3[%add3A, %add3A_438, %dma_start3A_443, %dma_start3A_444] : memref<32x10x8x128xi32, #tpu.memory_space<hbm>> -> memref<1x1x8x128xi32, #tpu.memory_space<hbm>>
      %dma_start3A_446 = tpu.memref_squeeze %dma_start3A_445 : memref<1x1x8x128xi32, #tpu.memory_space<hbm>> -> memref<8x128xi32, #tpu.memory_space<hbm>>
      tpu.enqueue_dma source(%dma_start3A_446 : memref<8x128xi32, #tpu.memory_space<hbm>>) target(%arg7 : memref<8x128xi32, #tpu.memory_space<vmem>>) target_semaphore(%arg14 : memref<!tpu.dma_semaphore, #tpu.memory_space<semaphore_mem>>)
      %dma_start3A_447 = arith.constant 0 : i32
      %dma_start3A_448 = arith.constant 0 : i32
      %dma_start3A_449 = tpu.memref_slice %arg4[%add3A, %add3A_438, %dma_start3A_447, %dma_start3A_448] : memref<32x10x8x128xi32, #tpu.memory_space<hbm>> -> memref<1x1x8x128xi32, #tpu.memory_space<hbm>>
      %dma_start3A_450 = tpu.memref_squeeze %dma_start3A_449 : memref<1x1x8x128xi32, #tpu.memory_space<hbm>> -> memref<8x128xi32, #tpu.memory_space<hbm>>
      %dma_start3A_451 = arith.constant 0 : i32
      %dma_start3A_452 = arith.constant 0 : i32
      %dma_start3A_453 = tpu.memref_slice %arg4[%add3A, %add3A_438, %dma_start3A_451, %dma_start3A_452] : memref<32x10x8x128xi32, #tpu.memory_space<hbm>> -> memref<1x1x8x128xi32, #tpu.memory_space<hbm>>
      %dma_start3A_454 = tpu.memref_squeeze %dma_start3A_453 : memref<1x1x8x128xi32, #tpu.memory_space<hbm>> -> memref<8x128xi32, #tpu.memory_space<hbm>>
      tpu.enqueue_dma source(%dma_start3A_454 : memref<8x128xi32, #tpu.memory_space<hbm>>) target(%arg8 : memref<8x128xi32, #tpu.memory_space<vmem>>) target_semaphore(%arg14 : memref<!tpu.dma_semaphore, #tpu.memory_space<semaphore_mem>>)
      %dma_wait3A_455 = arith.constant 0 : i32
      %dma_wait3A_456 = arith.constant 0 : i32
      %dma_wait3A_457 = tpu.memref_slice %arg2[%dma_wait3A_455, %dma_wait3A_456] : memref<10240x128xf32, #tpu.memory_space<hbm>> -> memref<128x128xf32, #tpu.memory_space<hbm>>
      %dma_wait3A_458 = arith.constant 0 : i32
      %dma_wait3A_459 = arith.constant 0 : i32
      %dma_wait3A_460 = tpu.memref_slice %arg2[%dma_wait3A_458, %dma_wait3A_459] : memref<10240x128xf32, #tpu.memory_space<hbm>> -> memref<128x128xf32, #tpu.memory_space<hbm>>
      tpu.wait_dma2 semaphore(%arg16 : memref<!tpu.dma_semaphore, #tpu.memory_space<semaphore_mem>>) src(%dma_wait3A_460 : memref<128x128xf32, #tpu.memory_space<hbm>>) dst(%arg11 : memref<128x128xf32, #tpu.memory_space<vmem>>)
      %dma_start3A_461 = arith.constant 1 : i32
      %dma_start3A_462 = arith.constant 0 : i32
      %dma_start3A_463 = tpu.memref_slice %arg9[%dma_start3A_461, %dma_start3A_462] : memref<8x128xi32, #tpu.memory_space<vmem>> -> memref<1x128xi32, #tpu.memory_space<vmem>>
      %dma_start3A_464 = tpu.memref_squeeze %dma_start3A_463 : memref<1x128xi32, #tpu.memory_space<vmem>> -> memref<128xi32, #tpu.memory_space<vmem>>
      %dma_start3A_465 = arith.constant 0 : i32
      %dma_start3A_466 = arith.constant 0 : i32
      %dma_start3A_467 = tpu.memref_slice %arg2[%dma_start3A_465, %dma_start3A_466] : memref<10240x128xf32, #tpu.memory_space<hbm>> -> memref<10240x128xf32, #tpu.memory_space<hbm>>
      tpu.enqueue_indirect_dma source(%dma_start3A_467 : memref<10240x128xf32, #tpu.memory_space<hbm>>) target(%arg12 : memref<128x128xf32, #tpu.memory_space<vmem>>) offsets(%dma_start3A_464 : memref<128xi32, #tpu.memory_space<vmem>>) semaphore(%arg17 : memref<!tpu.dma_semaphore, #tpu.memory_space<semaphore_mem>>)
      %run_scoped3A_468 = arith.constant 0 : i32
      "tpu.region"() ({
        %run_scoped3A_607 = tpu.sem_alloc : memref<!tpu.dma_semaphore, #tpu.memory_space<semaphore_mem>>
        %dma_start3A_608 = arith.constant 0 : i32
        %dma_start3A_609 = tpu.memref_slice %arg10[%run_scoped3A_468, %dma_start3A_608] : memref<8x128xi32, #tpu.memory_space<vmem>> -> memref<1x128xi32, #tpu.memory_space<vmem>>
        %dma_start3A_610 = tpu.memref_squeeze %dma_start3A_609 : memref<1x128xi32, #tpu.memory_space<vmem>> -> memref<128xi32, #tpu.memory_space<vmem>>
        %dma_start3A_611 = arith.constant 0 : i32
        %dma_start3A_612 = arith.constant 0 : i32
        %dma_start3A_613 = tpu.memref_slice %arg13[%dma_start3A_611, %dma_start3A_612] : memref<10240x128xf32, #tpu.memory_space<vmem_shared>> -> memref<10240x128xf32, #tpu.memory_space<vmem_shared>>
        tpu.enqueue_indirect_dma source(%arg11 : memref<128x128xf32, #tpu.memory_space<vmem>>) target(%dma_start3A_613 : memref<10240x128xf32, #tpu.memory_space<vmem_shared>>) offsets(%dma_start3A_610 : memref<128xi32, #tpu.memory_space<vmem>>) semaphore(%run_scoped3A_607 : memref<!tpu.dma_semaphore, #tpu.memory_space<semaphore_mem>>) {add = true}
        %dma_wait3A_614 = arith.constant 0 : i32
        %dma_wait3A_615 = tpu.memref_slice %arg10[%run_scoped3A_468, %dma_wait3A_614] : memref<8x128xi32, #tpu.memory_space<vmem>> -> memref<1x128xi32, #tpu.memory_space<vmem>>
        %dma_wait3A_616 = tpu.memref_squeeze %dma_wait3A_615 : memref<1x128xi32, #tpu.memory_space<vmem>> -> memref<128xi32, #tpu.memory_space<vmem>>
        %dma_wait3A_617 = arith.constant 0 : i32
        %dma_wait3A_618 = arith.constant 0 : i32
        %dma_wait3A_619 = tpu.memref_slice %arg13[%dma_wait3A_617, %dma_wait3A_618] : memref<10240x128xf32, #tpu.memory_space<vmem_shared>> -> memref<10240x128xf32, #tpu.memory_space<vmem_shared>>
        tpu.wait_indirect_dma semaphore(%run_scoped3A_607 : memref<!tpu.dma_semaphore, #tpu.memory_space<semaphore_mem>>) src(%arg11 : memref<128x128xf32, #tpu.memory_space<vmem>>) dst(%dma_wait3A_619 : memref<10240x128xf32, #tpu.memory_space<vmem_shared>>)
        tpu.yield
      }) : () -> ()
      %dma_wait3A_469 = arith.constant 0 : i32
      %dma_wait3A_470 = arith.constant 0 : i32
      %dma_wait3A_471 = tpu.memref_slice %arg2[%dma_wait3A_469, %dma_wait3A_470] : memref<10240x128xf32, #tpu.memory_space<hbm>> -> memref<128x128xf32, #tpu.memory_space<hbm>>
      %dma_wait3A_472 = arith.constant 0 : i32
      %dma_wait3A_473 = arith.constant 0 : i32
      %dma_wait3A_474 = tpu.memref_slice %arg2[%dma_wait3A_472, %dma_wait3A_473] : memref<10240x128xf32, #tpu.memory_space<hbm>> -> memref<128x128xf32, #tpu.memory_space<hbm>>
      tpu.wait_dma2 semaphore(%arg17 : memref<!tpu.dma_semaphore, #tpu.memory_space<semaphore_mem>>) src(%dma_wait3A_474 : memref<128x128xf32, #tpu.memory_space<hbm>>) dst(%arg12 : memref<128x128xf32, #tpu.memory_space<vmem>>)
      %dma_start3A_475 = arith.constant 2 : i32
      %dma_start3A_476 = arith.constant 0 : i32
      %dma_start3A_477 = tpu.memref_slice %arg9[%dma_start3A_475, %dma_start3A_476] : memref<8x128xi32, #tpu.memory_space<vmem>> -> memref<1x128xi32, #tpu.memory_space<vmem>>
      %dma_start3A_478 = tpu.memref_squeeze %dma_start3A_477 : memref<1x128xi32, #tpu.memory_space<vmem>> -> memref<128xi32, #tpu.memory_space<vmem>>
      %dma_start3A_479 = arith.constant 0 : i32
      %dma_start3A_480 = arith.constant 0 : i32
      %dma_start3A_481 = tpu.memref_slice %arg2[%dma_start3A_479, %dma_start3A_480] : memref<10240x128xf32, #tpu.memory_space<hbm>> -> memref<10240x128xf32, #tpu.memory_space<hbm>>
      tpu.enqueue_indirect_dma source(%dma_start3A_481 : memref<10240x128xf32, #tpu.memory_space<hbm>>) target(%arg11 : memref<128x128xf32, #tpu.memory_space<vmem>>) offsets(%dma_start3A_478 : memref<128xi32, #tpu.memory_space<vmem>>) semaphore(%arg16 : memref<!tpu.dma_semaphore, #tpu.memory_space<semaphore_mem>>)
      %run_scoped3A_482 = arith.constant 1 : i32
      "tpu.region"() ({
        %run_scoped3A_607 = tpu.sem_alloc : memref<!tpu.dma_semaphore, #tpu.memory_space<semaphore_mem>>
        %dma_start3A_608 = arith.constant 0 : i32
        %dma_start3A_609 = tpu.memref_slice %arg10[%run_scoped3A_482, %dma_start3A_608] : memref<8x128xi32, #tpu.memory_space<vmem>> -> memref<1x128xi32, #tpu.memory_space<vmem>>
        %dma_start3A_610 = tpu.memref_squeeze %dma_start3A_609 : memref<1x128xi32, #tpu.memory_space<vmem>> -> memref<128xi32, #tpu.memory_space<vmem>>
        %dma_start3A_611 = arith.constant 0 : i32
        %dma_start3A_612 = arith.constant 0 : i32
        %dma_start3A_613 = tpu.memref_slice %arg13[%dma_start3A_611, %dma_start3A_612] : memref<10240x128xf32, #tpu.memory_space<vmem_shared>> -> memref<10240x128xf32, #tpu.memory_space<vmem_shared>>
        tpu.enqueue_indirect_dma source(%arg12 : memref<128x128xf32, #tpu.memory_space<vmem>>) target(%dma_start3A_613 : memref<10240x128xf32, #tpu.memory_space<vmem_shared>>) offsets(%dma_start3A_610 : memref<128xi32, #tpu.memory_space<vmem>>) semaphore(%run_scoped3A_607 : memref<!tpu.dma_semaphore, #tpu.memory_space<semaphore_mem>>) {add = true}
        %dma_wait3A_614 = arith.constant 0 : i32
        %dma_wait3A_615 = tpu.memref_slice %arg10[%run_scoped3A_482, %dma_wait3A_614] : memref<8x128xi32, #tpu.memory_space<vmem>> -> memref<1x128xi32, #tpu.memory_space<vmem>>
        %dma_wait3A_616 = tpu.memref_squeeze %dma_wait3A_615 : memref<1x128xi32, #tpu.memory_space<vmem>> -> memref<128xi32, #tpu.memory_space<vmem>>
        %dma_wait3A_617 = arith.constant 0 : i32
        %dma_wait3A_618 = arith.constant 0 : i32
        %dma_wait3A_619 = tpu.memref_slice %arg13[%dma_wait3A_617, %dma_wait3A_618] : memref<10240x128xf32, #tpu.memory_space<vmem_shared>> -> memref<10240x128xf32, #tpu.memory_space<vmem_shared>>
        tpu.wait_indirect_dma semaphore(%run_scoped3A_607 : memref<!tpu.dma_semaphore, #tpu.memory_space<semaphore_mem>>) src(%arg12 : memref<128x128xf32, #tpu.memory_space<vmem>>) dst(%dma_wait3A_619 : memref<10240x128xf32, #tpu.memory_space<vmem_shared>>)
        tpu.yield
      }) : () -> ()
      %dma_wait3A_483 = arith.constant 0 : i32
      %dma_wait3A_484 = arith.constant 0 : i32
      %dma_wait3A_485 = tpu.memref_slice %arg2[%dma_wait3A_483, %dma_wait3A_484] : memref<10240x128xf32, #tpu.memory_space<hbm>> -> memref<128x128xf32, #tpu.memory_space<hbm>>
      %dma_wait3A_486 = arith.constant 0 : i32
      %dma_wait3A_487 = arith.constant 0 : i32
      %dma_wait3A_488 = tpu.memref_slice %arg2[%dma_wait3A_486, %dma_wait3A_487] : memref<10240x128xf32, #tpu.memory_space<hbm>> -> memref<128x128xf32, #tpu.memory_space<hbm>>
      tpu.wait_dma2 semaphore(%arg16 : memref<!tpu.dma_semaphore, #tpu.memory_space<semaphore_mem>>) src(%dma_wait3A_488 : memref<128x128xf32, #tpu.memory_space<hbm>>) dst(%arg11 : memref<128x128xf32, #tpu.memory_space<vmem>>)
      %dma_start3A_489 = arith.constant 3 : i32
      %dma_start3A_490 = arith.constant 0 : i32
      %dma_start3A_491 = tpu.memref_slice %arg9[%dma_start3A_489, %dma_start3A_490] : memref<8x128xi32, #tpu.memory_space<vmem>> -> memref<1x128xi32, #tpu.memory_space<vmem>>
      %dma_start3A_492 = tpu.memref_squeeze %dma_start3A_491 : memref<1x128xi32, #tpu.memory_space<vmem>> -> memref<128xi32, #tpu.memory_space<vmem>>
      %dma_start3A_493 = arith.constant 0 : i32
      %dma_start3A_494 = arith.constant 0 : i32
      %dma_start3A_495 = tpu.memref_slice %arg2[%dma_start3A_493, %dma_start3A_494] : memref<10240x128xf32, #tpu.memory_space<hbm>> -> memref<10240x128xf32, #tpu.memory_space<hbm>>
      tpu.enqueue_indirect_dma source(%dma_start3A_495 : memref<10240x128xf32, #tpu.memory_space<hbm>>) target(%arg12 : memref<128x128xf32, #tpu.memory_space<vmem>>) offsets(%dma_start3A_492 : memref<128xi32, #tpu.memory_space<vmem>>) semaphore(%arg17 : memref<!tpu.dma_semaphore, #tpu.memory_space<semaphore_mem>>)
      %run_scoped3A_496 = arith.constant 2 : i32
      "tpu.region"() ({
        %run_scoped3A_607 = tpu.sem_alloc : memref<!tpu.dma_semaphore, #tpu.memory_space<semaphore_mem>>
        %dma_start3A_608 = arith.constant 0 : i32
        %dma_start3A_609 = tpu.memref_slice %arg10[%run_scoped3A_496, %dma_start3A_608] : memref<8x128xi32, #tpu.memory_space<vmem>> -> memref<1x128xi32, #tpu.memory_space<vmem>>
        %dma_start3A_610 = tpu.memref_squeeze %dma_start3A_609 : memref<1x128xi32, #tpu.memory_space<vmem>> -> memref<128xi32, #tpu.memory_space<vmem>>
        %dma_start3A_611 = arith.constant 0 : i32
        %dma_start3A_612 = arith.constant 0 : i32
        %dma_start3A_613 = tpu.memref_slice %arg13[%dma_start3A_611, %dma_start3A_612] : memref<10240x128xf32, #tpu.memory_space<vmem_shared>> -> memref<10240x128xf32, #tpu.memory_space<vmem_shared>>
        tpu.enqueue_indirect_dma source(%arg11 : memref<128x128xf32, #tpu.memory_space<vmem>>) target(%dma_start3A_613 : memref<10240x128xf32, #tpu.memory_space<vmem_shared>>) offsets(%dma_start3A_610 : memref<128xi32, #tpu.memory_space<vmem>>) semaphore(%run_scoped3A_607 : memref<!tpu.dma_semaphore, #tpu.memory_space<semaphore_mem>>) {add = true}
        %dma_wait3A_614 = arith.constant 0 : i32
        %dma_wait3A_615 = tpu.memref_slice %arg10[%run_scoped3A_496, %dma_wait3A_614] : memref<8x128xi32, #tpu.memory_space<vmem>> -> memref<1x128xi32, #tpu.memory_space<vmem>>
        %dma_wait3A_616 = tpu.memref_squeeze %dma_wait3A_615 : memref<1x128xi32, #tpu.memory_space<vmem>> -> memref<128xi32, #tpu.memory_space<vmem>>
        %dma_wait3A_617 = arith.constant 0 : i32
        %dma_wait3A_618 = arith.constant 0 : i32
        %dma_wait3A_619 = tpu.memref_slice %arg13[%dma_wait3A_617, %dma_wait3A_618] : memref<10240x128xf32, #tpu.memory_space<vmem_shared>> -> memref<10240x128xf32, #tpu.memory_space<vmem_shared>>
        tpu.wait_indirect_dma semaphore(%run_scoped3A_607 : memref<!tpu.dma_semaphore, #tpu.memory_space<semaphore_mem>>) src(%arg11 : memref<128x128xf32, #tpu.memory_space<vmem>>) dst(%dma_wait3A_619 : memref<10240x128xf32, #tpu.memory_space<vmem_shared>>)
        tpu.yield
      }) : () -> ()
      %dma_wait3A_497 = arith.constant 0 : i32
      %dma_wait3A_498 = arith.constant 0 : i32
      %dma_wait3A_499 = tpu.memref_slice %arg2[%dma_wait3A_497, %dma_wait3A_498] : memref<10240x128xf32, #tpu.memory_space<hbm>> -> memref<128x128xf32, #tpu.memory_space<hbm>>
      %dma_wait3A_500 = arith.constant 0 : i32
      %dma_wait3A_501 = arith.constant 0 : i32
      %dma_wait3A_502 = tpu.memref_slice %arg2[%dma_wait3A_500, %dma_wait3A_501] : memref<10240x128xf32, #tpu.memory_space<hbm>> -> memref<128x128xf32, #tpu.memory_space<hbm>>
      tpu.wait_dma2 semaphore(%arg17 : memref<!tpu.dma_semaphore, #tpu.memory_space<semaphore_mem>>) src(%dma_wait3A_502 : memref<128x128xf32, #tpu.memory_space<hbm>>) dst(%arg12 : memref<128x128xf32, #tpu.memory_space<vmem>>)
      %dma_start3A_503 = arith.constant 4 : i32
      %dma_start3A_504 = arith.constant 0 : i32
      %dma_start3A_505 = tpu.memref_slice %arg9[%dma_start3A_503, %dma_start3A_504] : memref<8x128xi32, #tpu.memory_space<vmem>> -> memref<1x128xi32, #tpu.memory_space<vmem>>
      %dma_start3A_506 = tpu.memref_squeeze %dma_start3A_505 : memref<1x128xi32, #tpu.memory_space<vmem>> -> memref<128xi32, #tpu.memory_space<vmem>>
      %dma_start3A_507 = arith.constant 0 : i32
      %dma_start3A_508 = arith.constant 0 : i32
      %dma_start3A_509 = tpu.memref_slice %arg2[%dma_start3A_507, %dma_start3A_508] : memref<10240x128xf32, #tpu.memory_space<hbm>> -> memref<10240x128xf32, #tpu.memory_space<hbm>>
      tpu.enqueue_indirect_dma source(%dma_start3A_509 : memref<10240x128xf32, #tpu.memory_space<hbm>>) target(%arg11 : memref<128x128xf32, #tpu.memory_space<vmem>>) offsets(%dma_start3A_506 : memref<128xi32, #tpu.memory_space<vmem>>) semaphore(%arg16 : memref<!tpu.dma_semaphore, #tpu.memory_space<semaphore_mem>>)
      %run_scoped3A_510 = arith.constant 3 : i32
      "tpu.region"() ({
        %run_scoped3A_607 = tpu.sem_alloc : memref<!tpu.dma_semaphore, #tpu.memory_space<semaphore_mem>>
        %dma_start3A_608 = arith.constant 0 : i32
        %dma_start3A_609 = tpu.memref_slice %arg10[%run_scoped3A_510, %dma_start3A_608] : memref<8x128xi32, #tpu.memory_space<vmem>> -> memref<1x128xi32, #tpu.memory_space<vmem>>
        %dma_start3A_610 = tpu.memref_squeeze %dma_start3A_609 : memref<1x128xi32, #tpu.memory_space<vmem>> -> memref<128xi32, #tpu.memory_space<vmem>>
        %dma_start3A_611 = arith.constant 0 : i32
        %dma_start3A_612 = arith.constant 0 : i32
        %dma_start3A_613 = tpu.memref_slice %arg13[%dma_start3A_611, %dma_start3A_612] : memref<10240x128xf32, #tpu.memory_space<vmem_shared>> -> memref<10240x128xf32, #tpu.memory_space<vmem_shared>>
        tpu.enqueue_indirect_dma source(%arg12 : memref<128x128xf32, #tpu.memory_space<vmem>>) target(%dma_start3A_613 : memref<10240x128xf32, #tpu.memory_space<vmem_shared>>) offsets(%dma_start3A_610 : memref<128xi32, #tpu.memory_space<vmem>>) semaphore(%run_scoped3A_607 : memref<!tpu.dma_semaphore, #tpu.memory_space<semaphore_mem>>) {add = true}
        %dma_wait3A_614 = arith.constant 0 : i32
        %dma_wait3A_615 = tpu.memref_slice %arg10[%run_scoped3A_510, %dma_wait3A_614] : memref<8x128xi32, #tpu.memory_space<vmem>> -> memref<1x128xi32, #tpu.memory_space<vmem>>
        %dma_wait3A_616 = tpu.memref_squeeze %dma_wait3A_615 : memref<1x128xi32, #tpu.memory_space<vmem>> -> memref<128xi32, #tpu.memory_space<vmem>>
        %dma_wait3A_617 = arith.constant 0 : i32
        %dma_wait3A_618 = arith.constant 0 : i32
        %dma_wait3A_619 = tpu.memref_slice %arg13[%dma_wait3A_617, %dma_wait3A_618] : memref<10240x128xf32, #tpu.memory_space<vmem_shared>> -> memref<10240x128xf32, #tpu.memory_space<vmem_shared>>
        tpu.wait_indirect_dma semaphore(%run_scoped3A_607 : memref<!tpu.dma_semaphore, #tpu.memory_space<semaphore_mem>>) src(%arg12 : memref<128x128xf32, #tpu.memory_space<vmem>>) dst(%dma_wait3A_619 : memref<10240x128xf32, #tpu.memory_space<vmem_shared>>)
        tpu.yield
      }) : () -> ()
      %dma_wait3A_511 = arith.constant 0 : i32
      %dma_wait3A_512 = arith.constant 0 : i32
      %dma_wait3A_513 = tpu.memref_slice %arg2[%dma_wait3A_511, %dma_wait3A_512] : memref<10240x128xf32, #tpu.memory_space<hbm>> -> memref<128x128xf32, #tpu.memory_space<hbm>>
      %dma_wait3A_514 = arith.constant 0 : i32
      %dma_wait3A_515 = arith.constant 0 : i32
      %dma_wait3A_516 = tpu.memref_slice %arg2[%dma_wait3A_514, %dma_wait3A_515] : memref<10240x128xf32, #tpu.memory_space<hbm>> -> memref<128x128xf32, #tpu.memory_space<hbm>>
      tpu.wait_dma2 semaphore(%arg16 : memref<!tpu.dma_semaphore, #tpu.memory_space<semaphore_mem>>) src(%dma_wait3A_516 : memref<128x128xf32, #tpu.memory_space<hbm>>) dst(%arg11 : memref<128x128xf32, #tpu.memory_space<vmem>>)
      %dma_start3A_517 = arith.constant 5 : i32
      %dma_start3A_518 = arith.constant 0 : i32
      %dma_start3A_519 = tpu.memref_slice %arg9[%dma_start3A_517, %dma_start3A_518] : memref<8x128xi32, #tpu.memory_space<vmem>> -> memref<1x128xi32, #tpu.memory_space<vmem>>
      %dma_start3A_520 = tpu.memref_squeeze %dma_start3A_519 : memref<1x128xi32, #tpu.memory_space<vmem>> -> memref<128xi32, #tpu.memory_space<vmem>>
      %dma_start3A_521 = arith.constant 0 : i32
      %dma_start3A_522 = arith.constant 0 : i32
      %dma_start3A_523 = tpu.memref_slice %arg2[%dma_start3A_521, %dma_start3A_522] : memref<10240x128xf32, #tpu.memory_space<hbm>> -> memref<10240x128xf32, #tpu.memory_space<hbm>>
      tpu.enqueue_indirect_dma source(%dma_start3A_523 : memref<10240x128xf32, #tpu.memory_space<hbm>>) target(%arg12 : memref<128x128xf32, #tpu.memory_space<vmem>>) offsets(%dma_start3A_520 : memref<128xi32, #tpu.memory_space<vmem>>) semaphore(%arg17 : memref<!tpu.dma_semaphore, #tpu.memory_space<semaphore_mem>>)
      %run_scoped3A_524 = arith.constant 4 : i32
      "tpu.region"() ({
        %run_scoped3A_607 = tpu.sem_alloc : memref<!tpu.dma_semaphore, #tpu.memory_space<semaphore_mem>>
        %dma_start3A_608 = arith.constant 0 : i32
        %dma_start3A_609 = tpu.memref_slice %arg10[%run_scoped3A_524, %dma_start3A_608] : memref<8x128xi32, #tpu.memory_space<vmem>> -> memref<1x128xi32, #tpu.memory_space<vmem>>
        %dma_start3A_610 = tpu.memref_squeeze %dma_start3A_609 : memref<1x128xi32, #tpu.memory_space<vmem>> -> memref<128xi32, #tpu.memory_space<vmem>>
        %dma_start3A_611 = arith.constant 0 : i32
        %dma_start3A_612 = arith.constant 0 : i32
        %dma_start3A_613 = tpu.memref_slice %arg13[%dma_start3A_611, %dma_start3A_612] : memref<10240x128xf32, #tpu.memory_space<vmem_shared>> -> memref<10240x128xf32, #tpu.memory_space<vmem_shared>>
        tpu.enqueue_indirect_dma source(%arg11 : memref<128x128xf32, #tpu.memory_space<vmem>>) target(%dma_start3A_613 : memref<10240x128xf32, #tpu.memory_space<vmem_shared>>) offsets(%dma_start3A_610 : memref<128xi32, #tpu.memory_space<vmem>>) semaphore(%run_scoped3A_607 : memref<!tpu.dma_semaphore, #tpu.memory_space<semaphore_mem>>) {add = true}
        %dma_wait3A_614 = arith.constant 0 : i32
        %dma_wait3A_615 = tpu.memref_slice %arg10[%run_scoped3A_524, %dma_wait3A_614] : memref<8x128xi32, #tpu.memory_space<vmem>> -> memref<1x128xi32, #tpu.memory_space<vmem>>
        %dma_wait3A_616 = tpu.memref_squeeze %dma_wait3A_615 : memref<1x128xi32, #tpu.memory_space<vmem>> -> memref<128xi32, #tpu.memory_space<vmem>>
        %dma_wait3A_617 = arith.constant 0 : i32
        %dma_wait3A_618 = arith.constant 0 : i32
        %dma_wait3A_619 = tpu.memref_slice %arg13[%dma_wait3A_617, %dma_wait3A_618] : memref<10240x128xf32, #tpu.memory_space<vmem_shared>> -> memref<10240x128xf32, #tpu.memory_space<vmem_shared>>
        tpu.wait_indirect_dma semaphore(%run_scoped3A_607 : memref<!tpu.dma_semaphore, #tpu.memory_space<semaphore_mem>>) src(%arg11 : memref<128x128xf32, #tpu.memory_space<vmem>>) dst(%dma_wait3A_619 : memref<10240x128xf32, #tpu.memory_space<vmem_shared>>)
        tpu.yield
      }) : () -> ()
      %dma_wait3A_525 = arith.constant 0 : i32
      %dma_wait3A_526 = arith.constant 0 : i32
      %dma_wait3A_527 = tpu.memref_slice %arg2[%dma_wait3A_525, %dma_wait3A_526] : memref<10240x128xf32, #tpu.memory_space<hbm>> -> memref<128x128xf32, #tpu.memory_space<hbm>>
      %dma_wait3A_528 = arith.constant 0 : i32
      %dma_wait3A_529 = arith.constant 0 : i32
      %dma_wait3A_530 = tpu.memref_slice %arg2[%dma_wait3A_528, %dma_wait3A_529] : memref<10240x128xf32, #tpu.memory_space<hbm>> -> memref<128x128xf32, #tpu.memory_space<hbm>>
      tpu.wait_dma2 semaphore(%arg17 : memref<!tpu.dma_semaphore, #tpu.memory_space<semaphore_mem>>) src(%dma_wait3A_530 : memref<128x128xf32, #tpu.memory_space<hbm>>) dst(%arg12 : memref<128x128xf32, #tpu.memory_space<vmem>>)
      %dma_start3A_531 = arith.constant 6 : i32
      %dma_start3A_532 = arith.constant 0 : i32
      %dma_start3A_533 = tpu.memref_slice %arg9[%dma_start3A_531, %dma_start3A_532] : memref<8x128xi32, #tpu.memory_space<vmem>> -> memref<1x128xi32, #tpu.memory_space<vmem>>
      %dma_start3A_534 = tpu.memref_squeeze %dma_start3A_533 : memref<1x128xi32, #tpu.memory_space<vmem>> -> memref<128xi32, #tpu.memory_space<vmem>>
      %dma_start3A_535 = arith.constant 0 : i32
      %dma_start3A_536 = arith.constant 0 : i32
      %dma_start3A_537 = tpu.memref_slice %arg2[%dma_start3A_535, %dma_start3A_536] : memref<10240x128xf32, #tpu.memory_space<hbm>> -> memref<10240x128xf32, #tpu.memory_space<hbm>>
      tpu.enqueue_indirect_dma source(%dma_start3A_537 : memref<10240x128xf32, #tpu.memory_space<hbm>>) target(%arg11 : memref<128x128xf32, #tpu.memory_space<vmem>>) offsets(%dma_start3A_534 : memref<128xi32, #tpu.memory_space<vmem>>) semaphore(%arg16 : memref<!tpu.dma_semaphore, #tpu.memory_space<semaphore_mem>>)
      %run_scoped3A_538 = arith.constant 5 : i32
      "tpu.region"() ({
        %run_scoped3A_607 = tpu.sem_alloc : memref<!tpu.dma_semaphore, #tpu.memory_space<semaphore_mem>>
        %dma_start3A_608 = arith.constant 0 : i32
        %dma_start3A_609 = tpu.memref_slice %arg10[%run_scoped3A_538, %dma_start3A_608] : memref<8x128xi32, #tpu.memory_space<vmem>> -> memref<1x128xi32, #tpu.memory_space<vmem>>
        %dma_start3A_610 = tpu.memref_squeeze %dma_start3A_609 : memref<1x128xi32, #tpu.memory_space<vmem>> -> memref<128xi32, #tpu.memory_space<vmem>>
        %dma_start3A_611 = arith.constant 0 : i32
        %dma_start3A_612 = arith.constant 0 : i32
        %dma_start3A_613 = tpu.memref_slice %arg13[%dma_start3A_611, %dma_start3A_612] : memref<10240x128xf32, #tpu.memory_space<vmem_shared>> -> memref<10240x128xf32, #tpu.memory_space<vmem_shared>>
        tpu.enqueue_indirect_dma source(%arg12 : memref<128x128xf32, #tpu.memory_space<vmem>>) target(%dma_start3A_613 : memref<10240x128xf32, #tpu.memory_space<vmem_shared>>) offsets(%dma_start3A_610 : memref<128xi32, #tpu.memory_space<vmem>>) semaphore(%run_scoped3A_607 : memref<!tpu.dma_semaphore, #tpu.memory_space<semaphore_mem>>) {add = true}
        %dma_wait3A_614 = arith.constant 0 : i32
        %dma_wait3A_615 = tpu.memref_slice %arg10[%run_scoped3A_538, %dma_wait3A_614] : memref<8x128xi32, #tpu.memory_space<vmem>> -> memref<1x128xi32, #tpu.memory_space<vmem>>
        %dma_wait3A_616 = tpu.memref_squeeze %dma_wait3A_615 : memref<1x128xi32, #tpu.memory_space<vmem>> -> memref<128xi32, #tpu.memory_space<vmem>>
        %dma_wait3A_617 = arith.constant 0 : i32
        %dma_wait3A_618 = arith.constant 0 : i32
        %dma_wait3A_619 = tpu.memref_slice %arg13[%dma_wait3A_617, %dma_wait3A_618] : memref<10240x128xf32, #tpu.memory_space<vmem_shared>> -> memref<10240x128xf32, #tpu.memory_space<vmem_shared>>
        tpu.wait_indirect_dma semaphore(%run_scoped3A_607 : memref<!tpu.dma_semaphore, #tpu.memory_space<semaphore_mem>>) src(%arg12 : memref<128x128xf32, #tpu.memory_space<vmem>>) dst(%dma_wait3A_619 : memref<10240x128xf32, #tpu.memory_space<vmem_shared>>)
        tpu.yield
      }) : () -> ()
      %dma_wait3A_539 = arith.constant 0 : i32
      %dma_wait3A_540 = arith.constant 0 : i32
      %dma_wait3A_541 = tpu.memref_slice %arg2[%dma_wait3A_539, %dma_wait3A_540] : memref<10240x128xf32, #tpu.memory_space<hbm>> -> memref<128x128xf32, #tpu.memory_space<hbm>>
      %dma_wait3A_542 = arith.constant 0 : i32
      %dma_wait3A_543 = arith.constant 0 : i32
      %dma_wait3A_544 = tpu.memref_slice %arg2[%dma_wait3A_542, %dma_wait3A_543] : memref<10240x128xf32, #tpu.memory_space<hbm>> -> memref<128x128xf32, #tpu.memory_space<hbm>>
      tpu.wait_dma2 semaphore(%arg16 : memref<!tpu.dma_semaphore, #tpu.memory_space<semaphore_mem>>) src(%dma_wait3A_544 : memref<128x128xf32, #tpu.memory_space<hbm>>) dst(%arg11 : memref<128x128xf32, #tpu.memory_space<vmem>>)
      %dma_start3A_545 = arith.constant 7 : i32
      %dma_start3A_546 = arith.constant 0 : i32
      %dma_start3A_547 = tpu.memref_slice %arg9[%dma_start3A_545, %dma_start3A_546] : memref<8x128xi32, #tpu.memory_space<vmem>> -> memref<1x128xi32, #tpu.memory_space<vmem>>
      %dma_start3A_548 = tpu.memref_squeeze %dma_start3A_547 : memref<1x128xi32, #tpu.memory_space<vmem>> -> memref<128xi32, #tpu.memory_space<vmem>>
      %dma_start3A_549 = arith.constant 0 : i32
      %dma_start3A_550 = arith.constant 0 : i32
      %dma_start3A_551 = tpu.memref_slice %arg2[%dma_start3A_549, %dma_start3A_550] : memref<10240x128xf32, #tpu.memory_space<hbm>> -> memref<10240x128xf32, #tpu.memory_space<hbm>>
      tpu.enqueue_indirect_dma source(%dma_start3A_551 : memref<10240x128xf32, #tpu.memory_space<hbm>>) target(%arg12 : memref<128x128xf32, #tpu.memory_space<vmem>>) offsets(%dma_start3A_548 : memref<128xi32, #tpu.memory_space<vmem>>) semaphore(%arg17 : memref<!tpu.dma_semaphore, #tpu.memory_space<semaphore_mem>>)
      %run_scoped3A_552 = arith.constant 6 : i32
      "tpu.region"() ({
        %run_scoped3A_607 = tpu.sem_alloc : memref<!tpu.dma_semaphore, #tpu.memory_space<semaphore_mem>>
        %dma_start3A_608 = arith.constant 0 : i32
        %dma_start3A_609 = tpu.memref_slice %arg10[%run_scoped3A_552, %dma_start3A_608] : memref<8x128xi32, #tpu.memory_space<vmem>> -> memref<1x128xi32, #tpu.memory_space<vmem>>
        %dma_start3A_610 = tpu.memref_squeeze %dma_start3A_609 : memref<1x128xi32, #tpu.memory_space<vmem>> -> memref<128xi32, #tpu.memory_space<vmem>>
        %dma_start3A_611 = arith.constant 0 : i32
        %dma_start3A_612 = arith.constant 0 : i32
        %dma_start3A_613 = tpu.memref_slice %arg13[%dma_start3A_611, %dma_start3A_612] : memref<10240x128xf32, #tpu.memory_space<vmem_shared>> -> memref<10240x128xf32, #tpu.memory_space<vmem_shared>>
        tpu.enqueue_indirect_dma source(%arg11 : memref<128x128xf32, #tpu.memory_space<vmem>>) target(%dma_start3A_613 : memref<10240x128xf32, #tpu.memory_space<vmem_shared>>) offsets(%dma_start3A_610 : memref<128xi32, #tpu.memory_space<vmem>>) semaphore(%run_scoped3A_607 : memref<!tpu.dma_semaphore, #tpu.memory_space<semaphore_mem>>) {add = true}
        %dma_wait3A_614 = arith.constant 0 : i32
        %dma_wait3A_615 = tpu.memref_slice %arg10[%run_scoped3A_552, %dma_wait3A_614] : memref<8x128xi32, #tpu.memory_space<vmem>> -> memref<1x128xi32, #tpu.memory_space<vmem>>
        %dma_wait3A_616 = tpu.memref_squeeze %dma_wait3A_615 : memref<1x128xi32, #tpu.memory_space<vmem>> -> memref<128xi32, #tpu.memory_space<vmem>>
        %dma_wait3A_617 = arith.constant 0 : i32
        %dma_wait3A_618 = arith.constant 0 : i32
        %dma_wait3A_619 = tpu.memref_slice %arg13[%dma_wait3A_617, %dma_wait3A_618] : memref<10240x128xf32, #tpu.memory_space<vmem_shared>> -> memref<10240x128xf32, #tpu.memory_space<vmem_shared>>
        tpu.wait_indirect_dma semaphore(%run_scoped3A_607 : memref<!tpu.dma_semaphore, #tpu.memory_space<semaphore_mem>>) src(%arg11 : memref<128x128xf32, #tpu.memory_space<vmem>>) dst(%dma_wait3A_619 : memref<10240x128xf32, #tpu.memory_space<vmem_shared>>)
        tpu.yield
      }) : () -> ()
      %dma_wait3A_553 = arith.constant 0 : i32
      %dma_wait3A_554 = arith.constant 0 : i32
      %dma_wait3A_555 = tpu.memref_slice %arg2[%dma_wait3A_553, %dma_wait3A_554] : memref<10240x128xf32, #tpu.memory_space<hbm>> -> memref<128x128xf32, #tpu.memory_space<hbm>>
      %dma_wait3A_556 = arith.constant 0 : i32
      %dma_wait3A_557 = arith.constant 0 : i32
      %dma_wait3A_558 = tpu.memref_slice %arg2[%dma_wait3A_556, %dma_wait3A_557] : memref<10240x128xf32, #tpu.memory_space<hbm>> -> memref<128x128xf32, #tpu.memory_space<hbm>>
      tpu.wait_dma2 semaphore(%arg17 : memref<!tpu.dma_semaphore, #tpu.memory_space<semaphore_mem>>) src(%dma_wait3A_558 : memref<128x128xf32, #tpu.memory_space<hbm>>) dst(%arg12 : memref<128x128xf32, #tpu.memory_space<vmem>>)
      %dma_wait3A_559 = arith.constant 0 : i32
      %dma_wait3A_560 = arith.constant 0 : i32
      %dma_wait3A_561 = arith.constant 0 : i32
      %dma_wait3A_562 = tpu.memref_slice %arg3[%add3A, %dma_wait3A_559, %dma_wait3A_560, %dma_wait3A_561] : memref<32x10x8x128xi32, #tpu.memory_space<hbm>> -> memref<1x1x8x128xi32, #tpu.memory_space<hbm>>
      %dma_wait3A_563 = tpu.memref_squeeze %dma_wait3A_562 : memref<1x1x8x128xi32, #tpu.memory_space<hbm>> -> memref<8x128xi32, #tpu.memory_space<hbm>>
      %dma_wait3A_564 = arith.constant 0 : i32
      %dma_wait3A_565 = arith.constant 0 : i32
      %dma_wait3A_566 = tpu.memref_slice %arg3[%add3A, %dma_wait3A_559, %dma_wait3A_564, %dma_wait3A_565] : memref<32x10x8x128xi32, #tpu.memory_space<hbm>> -> memref<1x1x8x128xi32, #tpu.memory_space<hbm>>
      %dma_wait3A_567 = tpu.memref_squeeze %dma_wait3A_566 : memref<1x1x8x128xi32, #tpu.memory_space<hbm>> -> memref<8x128xi32, #tpu.memory_space<hbm>>
      tpu.wait_dma2 semaphore(%arg14 : memref<!tpu.dma_semaphore, #tpu.memory_space<semaphore_mem>>) src(%dma_wait3A_567 : memref<8x128xi32, #tpu.memory_space<hbm>>) dst(%arg7 : memref<8x128xi32, #tpu.memory_space<vmem>>)
      %dma_wait3A_568 = arith.constant 0 : i32
      %dma_wait3A_569 = arith.constant 0 : i32
      %dma_wait3A_570 = arith.constant 0 : i32
      %dma_wait3A_571 = tpu.memref_slice %arg4[%add3A, %dma_wait3A_568, %dma_wait3A_569, %dma_wait3A_570] : memref<32x10x8x128xi32, #tpu.memory_space<hbm>> -> memref<1x1x8x128xi32, #tpu.memory_space<hbm>>
      %dma_wait3A_572 = tpu.memref_squeeze %dma_wait3A_571 : memref<1x1x8x128xi32, #tpu.memory_space<hbm>> -> memref<8x128xi32, #tpu.memory_space<hbm>>
      %dma_wait3A_573 = arith.constant 0 : i32
      %dma_wait3A_574 = arith.constant 0 : i32
      %dma_wait3A_575 = tpu.memref_slice %arg4[%add3A, %dma_wait3A_568, %dma_wait3A_573, %dma_wait3A_574] : memref<32x10x8x128xi32, #tpu.memory_space<hbm>> -> memref<1x1x8x128xi32, #tpu.memory_space<hbm>>
      %dma_wait3A_576 = tpu.memref_squeeze %dma_wait3A_575 : memref<1x1x8x128xi32, #tpu.memory_space<hbm>> -> memref<8x128xi32, #tpu.memory_space<hbm>>
      tpu.wait_dma2 semaphore(%arg14 : memref<!tpu.dma_semaphore, #tpu.memory_space<semaphore_mem>>) src(%dma_wait3A_576 : memref<8x128xi32, #tpu.memory_space<hbm>>) dst(%arg8 : memref<8x128xi32, #tpu.memory_space<vmem>>)
      %dma_start3A_577 = arith.constant 0 : i32
      %dma_start3A_578 = arith.constant 0 : i32
      %dma_start3A_579 = tpu.memref_slice %arg7[%dma_start3A_577, %dma_start3A_578] : memref<8x128xi32, #tpu.memory_space<vmem>> -> memref<1x128xi32, #tpu.memory_space<vmem>>
      %dma_start3A_580 = tpu.memref_squeeze %dma_start3A_579 : memref<1x128xi32, #tpu.memory_space<vmem>> -> memref<128xi32, #tpu.memory_space<vmem>>
      %dma_start3A_581 = arith.constant 0 : i32
      %dma_start3A_582 = arith.constant 0 : i32
      %dma_start3A_583 = tpu.memref_slice %arg2[%dma_start3A_581, %dma_start3A_582] : memref<10240x128xf32, #tpu.memory_space<hbm>> -> memref<10240x128xf32, #tpu.memory_space<hbm>>
      tpu.enqueue_indirect_dma source(%dma_start3A_583 : memref<10240x128xf32, #tpu.memory_space<hbm>>) target(%arg11 : memref<128x128xf32, #tpu.memory_space<vmem>>) offsets(%dma_start3A_580 : memref<128xi32, #tpu.memory_space<vmem>>) semaphore(%arg16 : memref<!tpu.dma_semaphore, #tpu.memory_space<semaphore_mem>>)
      %run_scoped3A_584 = arith.constant 7 : i32
      "tpu.region"() ({
        %run_scoped3A_607 = tpu.sem_alloc : memref<!tpu.dma_semaphore, #tpu.memory_space<semaphore_mem>>
        %dma_start3A_608 = arith.constant 0 : i32
        %dma_start3A_609 = tpu.memref_slice %arg10[%run_scoped3A_584, %dma_start3A_608] : memref<8x128xi32, #tpu.memory_space<vmem>> -> memref<1x128xi32, #tpu.memory_space<vmem>>
        %dma_start3A_610 = tpu.memref_squeeze %dma_start3A_609 : memref<1x128xi32, #tpu.memory_space<vmem>> -> memref<128xi32, #tpu.memory_space<vmem>>
        %dma_start3A_611 = arith.constant 0 : i32
        %dma_start3A_612 = arith.constant 0 : i32
        %dma_start3A_613 = tpu.memref_slice %arg13[%dma_start3A_611, %dma_start3A_612] : memref<10240x128xf32, #tpu.memory_space<vmem_shared>> -> memref<10240x128xf32, #tpu.memory_space<vmem_shared>>
        tpu.enqueue_indirect_dma source(%arg12 : memref<128x128xf32, #tpu.memory_space<vmem>>) target(%dma_start3A_613 : memref<10240x128xf32, #tpu.memory_space<vmem_shared>>) offsets(%dma_start3A_610 : memref<128xi32, #tpu.memory_space<vmem>>) semaphore(%run_scoped3A_607 : memref<!tpu.dma_semaphore, #tpu.memory_space<semaphore_mem>>) {add = true}
        %dma_wait3A_614 = arith.constant 0 : i32
        %dma_wait3A_615 = tpu.memref_slice %arg10[%run_scoped3A_584, %dma_wait3A_614] : memref<8x128xi32, #tpu.memory_space<vmem>> -> memref<1x128xi32, #tpu.memory_space<vmem>>
        %dma_wait3A_616 = tpu.memref_squeeze %dma_wait3A_615 : memref<1x128xi32, #tpu.memory_space<vmem>> -> memref<128xi32, #tpu.memory_space<vmem>>
        %dma_wait3A_617 = arith.constant 0 : i32
        %dma_wait3A_618 = arith.constant 0 : i32
        %dma_wait3A_619 = tpu.memref_slice %arg13[%dma_wait3A_617, %dma_wait3A_618] : memref<10240x128xf32, #tpu.memory_space<vmem_shared>> -> memref<10240x128xf32, #tpu.memory_space<vmem_shared>>
        tpu.wait_indirect_dma semaphore(%run_scoped3A_607 : memref<!tpu.dma_semaphore, #tpu.memory_space<semaphore_mem>>) src(%arg12 : memref<128x128xf32, #tpu.memory_space<vmem>>) dst(%dma_wait3A_619 : memref<10240x128xf32, #tpu.memory_space<vmem_shared>>)
        tpu.yield
      }) : () -> ()
      %add3A_585 = arith.constant 1 : i32
      %add3A_586 = arith.addi %scan3A_302, %add3A_585 : i32
      %mul3A_587 = arith.constant 2 : i32
      %mul3A_588 = arith.muli %mul3A_587, %add3A_586 : i32
      %add3A_589 = arith.constant 1 : i32
      %add3A_590 = arith.addi %mul3A_588, %add3A_589 : i32
      %dma_start3A_591 = arith.constant 0 : i32
      %dma_start3A_592 = arith.constant 0 : i32
      %dma_start3A_593 = tpu.memref_slice %arg3[%add3A, %add3A_590, %dma_start3A_591, %dma_start3A_592] : memref<32x10x8x128xi32, #tpu.memory_space<hbm>> -> memref<1x1x8x128xi32, #tpu.memory_space<hbm>>
      %dma_start3A_594 = tpu.memref_squeeze %dma_start3A_593 : memref<1x1x8x128xi32, #tpu.memory_space<hbm>> -> memref<8x128xi32, #tpu.memory_space<hbm>>
      %dma_start3A_595 = arith.constant 0 : i32
      %dma_start3A_596 = arith.constant 0 : i32
      %dma_start3A_597 = tpu.memref_slice %arg3[%add3A, %add3A_590, %dma_start3A_595, %dma_start3A_596] : memref<32x10x8x128xi32, #tpu.memory_space<hbm>> -> memref<1x1x8x128xi32, #tpu.memory_space<hbm>>
      %dma_start3A_598 = tpu.memref_squeeze %dma_start3A_597 : memref<1x1x8x128xi32, #tpu.memory_space<hbm>> -> memref<8x128xi32, #tpu.memory_space<hbm>>
      tpu.enqueue_dma source(%dma_start3A_598 : memref<8x128xi32, #tpu.memory_space<hbm>>) target(%arg9 : memref<8x128xi32, #tpu.memory_space<vmem>>) target_semaphore(%arg15 : memref<!tpu.dma_semaphore, #tpu.memory_space<semaphore_mem>>)
      %dma_start3A_599 = arith.constant 0 : i32
      %dma_start3A_600 = arith.constant 0 : i32
      %dma_start3A_601 = tpu.memref_slice %arg4[%add3A, %add3A_590, %dma_start3A_599, %dma_start3A_600] : memref<32x10x8x128xi32, #tpu.memory_space<hbm>> -> memref<1x1x8x128xi32, #tpu.memory_space<hbm>>
      %dma_start3A_602 = tpu.memref_squeeze %dma_start3A_601 : memref<1x1x8x128xi32, #tpu.memory_space<hbm>> -> memref<8x128xi32, #tpu.memory_space<hbm>>
      %dma_start3A_603 = arith.constant 0 : i32
      %dma_start3A_604 = arith.constant 0 : i32
      %dma_start3A_605 = tpu.memref_slice %arg4[%add3A, %add3A_590, %dma_start3A_603, %dma_start3A_604] : memref<32x10x8x128xi32, #tpu.memory_space<hbm>> -> memref<1x1x8x128xi32, #tpu.memory_space<hbm>>
      %dma_start3A_606 = tpu.memref_squeeze %dma_start3A_605 : memref<1x1x8x128xi32, #tpu.memory_space<hbm>> -> memref<8x128xi32, #tpu.memory_space<hbm>>
      tpu.enqueue_dma source(%dma_start3A_606 : memref<8x128xi32, #tpu.memory_space<hbm>>) target(%arg10 : memref<8x128xi32, #tpu.memory_space<vmem>>) target_semaphore(%arg15 : memref<!tpu.dma_semaphore, #tpu.memory_space<semaphore_mem>>)
    }
    %scan3A_66 = arith.constant 4 : i32
    %dma_wait3A_67 = arith.constant 0 : i32
    %dma_wait3A_68 = arith.constant 0 : i32
    %dma_wait3A_69 = tpu.memref_slice %arg2[%dma_wait3A_67, %dma_wait3A_68] : memref<10240x128xf32, #tpu.memory_space<hbm>> -> memref<128x128xf32, #tpu.memory_space<hbm>>
    %dma_wait3A_70 = arith.constant 0 : i32
    %dma_wait3A_71 = arith.constant 0 : i32
    %dma_wait3A_72 = tpu.memref_slice %arg2[%dma_wait3A_70, %dma_wait3A_71] : memref<10240x128xf32, #tpu.memory_space<hbm>> -> memref<128x128xf32, #tpu.memory_space<hbm>>
    tpu.wait_dma2 semaphore(%arg16 : memref<!tpu.dma_semaphore, #tpu.memory_space<semaphore_mem>>) src(%dma_wait3A_72 : memref<128x128xf32, #tpu.memory_space<hbm>>) dst(%arg11 : memref<128x128xf32, #tpu.memory_space<vmem>>)
    %dma_start3A_73 = arith.constant 1 : i32
    %dma_start3A_74 = arith.constant 0 : i32
    %dma_start3A_75 = tpu.memref_slice %arg7[%dma_start3A_73, %dma_start3A_74] : memref<8x128xi32, #tpu.memory_space<vmem>> -> memref<1x128xi32, #tpu.memory_space<vmem>>
    %dma_start3A_76 = tpu.memref_squeeze %dma_start3A_75 : memref<1x128xi32, #tpu.memory_space<vmem>> -> memref<128xi32, #tpu.memory_space<vmem>>
    %dma_start3A_77 = arith.constant 0 : i32
    %dma_start3A_78 = arith.constant 0 : i32
    %dma_start3A_79 = tpu.memref_slice %arg2[%dma_start3A_77, %dma_start3A_78] : memref<10240x128xf32, #tpu.memory_space<hbm>> -> memref<10240x128xf32, #tpu.memory_space<hbm>>
    tpu.enqueue_indirect_dma source(%dma_start3A_79 : memref<10240x128xf32, #tpu.memory_space<hbm>>) target(%arg12 : memref<128x128xf32, #tpu.memory_space<vmem>>) offsets(%dma_start3A_76 : memref<128xi32, #tpu.memory_space<vmem>>) semaphore(%arg17 : memref<!tpu.dma_semaphore, #tpu.memory_space<semaphore_mem>>)
    %run_scoped3A = arith.constant 0 : i32
    "tpu.region"() ({
      %run_scoped3A_302 = tpu.sem_alloc : memref<!tpu.dma_semaphore, #tpu.memory_space<semaphore_mem>>
      %dma_start3A_303 = arith.constant 0 : i32
      %dma_start3A_304 = tpu.memref_slice %arg8[%run_scoped3A, %dma_start3A_303] : memref<8x128xi32, #tpu.memory_space<vmem>> -> memref<1x128xi32, #tpu.memory_space<vmem>>
      %dma_start3A_305 = tpu.memref_squeeze %dma_start3A_304 : memref<1x128xi32, #tpu.memory_space<vmem>> -> memref<128xi32, #tpu.memory_space<vmem>>
      %dma_start3A_306 = arith.constant 0 : i32
      %dma_start3A_307 = arith.constant 0 : i32
      %dma_start3A_308 = tpu.memref_slice %arg13[%dma_start3A_306, %dma_start3A_307] : memref<10240x128xf32, #tpu.memory_space<vmem_shared>> -> memref<10240x128xf32, #tpu.memory_space<vmem_shared>>
      tpu.enqueue_indirect_dma source(%arg11 : memref<128x128xf32, #tpu.memory_space<vmem>>) target(%dma_start3A_308 : memref<10240x128xf32, #tpu.memory_space<vmem_shared>>) offsets(%dma_start3A_305 : memref<128xi32, #tpu.memory_space<vmem>>) semaphore(%run_scoped3A_302 : memref<!tpu.dma_semaphore, #tpu.memory_space<semaphore_mem>>) {add = true}
      %dma_wait3A_309 = arith.constant 0 : i32
      %dma_wait3A_310 = tpu.memref_slice %arg8[%run_scoped3A, %dma_wait3A_309] : memref<8x128xi32, #tpu.memory_space<vmem>> -> memref<1x128xi32, #tpu.memory_space<vmem>>
      %dma_wait3A_311 = tpu.memref_squeeze %dma_wait3A_310 : memref<1x128xi32, #tpu.memory_space<vmem>> -> memref<128xi32, #tpu.memory_space<vmem>>
      %dma_wait3A_312 = arith.constant 0 : i32
      %dma_wait3A_313 = arith.constant 0 : i32
      %dma_wait3A_314 = tpu.memref_slice %arg13[%dma_wait3A_312, %dma_wait3A_313] : memref<10240x128xf32, #tpu.memory_space<vmem_shared>> -> memref<10240x128xf32, #tpu.memory_space<vmem_shared>>
      tpu.wait_indirect_dma semaphore(%run_scoped3A_302 : memref<!tpu.dma_semaphore, #tpu.memory_space<semaphore_mem>>) src(%arg11 : memref<128x128xf32, #tpu.memory_space<vmem>>) dst(%dma_wait3A_314 : memref<10240x128xf32, #tpu.memory_space<vmem_shared>>)
      tpu.yield
    }) : () -> ()
    %dma_wait3A_80 = arith.constant 0 : i32
    %dma_wait3A_81 = arith.constant 0 : i32
    %dma_wait3A_82 = tpu.memref_slice %arg2[%dma_wait3A_80, %dma_wait3A_81] : memref<10240x128xf32, #tpu.memory_space<hbm>> -> memref<128x128xf32, #tpu.memory_space<hbm>>
    %dma_wait3A_83 = arith.constant 0 : i32
    %dma_wait3A_84 = arith.constant 0 : i32
    %dma_wait3A_85 = tpu.memref_slice %arg2[%dma_wait3A_83, %dma_wait3A_84] : memref<10240x128xf32, #tpu.memory_space<hbm>> -> memref<128x128xf32, #tpu.memory_space<hbm>>
    tpu.wait_dma2 semaphore(%arg17 : memref<!tpu.dma_semaphore, #tpu.memory_space<semaphore_mem>>) src(%dma_wait3A_85 : memref<128x128xf32, #tpu.memory_space<hbm>>) dst(%arg12 : memref<128x128xf32, #tpu.memory_space<vmem>>)
    %dma_start3A_86 = arith.constant 2 : i32
    %dma_start3A_87 = arith.constant 0 : i32
    %dma_start3A_88 = tpu.memref_slice %arg7[%dma_start3A_86, %dma_start3A_87] : memref<8x128xi32, #tpu.memory_space<vmem>> -> memref<1x128xi32, #tpu.memory_space<vmem>>
    %dma_start3A_89 = tpu.memref_squeeze %dma_start3A_88 : memref<1x128xi32, #tpu.memory_space<vmem>> -> memref<128xi32, #tpu.memory_space<vmem>>
    %dma_start3A_90 = arith.constant 0 : i32
    %dma_start3A_91 = arith.constant 0 : i32
    %dma_start3A_92 = tpu.memref_slice %arg2[%dma_start3A_90, %dma_start3A_91] : memref<10240x128xf32, #tpu.memory_space<hbm>> -> memref<10240x128xf32, #tpu.memory_space<hbm>>
    tpu.enqueue_indirect_dma source(%dma_start3A_92 : memref<10240x128xf32, #tpu.memory_space<hbm>>) target(%arg11 : memref<128x128xf32, #tpu.memory_space<vmem>>) offsets(%dma_start3A_89 : memref<128xi32, #tpu.memory_space<vmem>>) semaphore(%arg16 : memref<!tpu.dma_semaphore, #tpu.memory_space<semaphore_mem>>)
    %run_scoped3A_93 = arith.constant 1 : i32
    "tpu.region"() ({
      %run_scoped3A_302 = tpu.sem_alloc : memref<!tpu.dma_semaphore, #tpu.memory_space<semaphore_mem>>
      %dma_start3A_303 = arith.constant 0 : i32
      %dma_start3A_304 = tpu.memref_slice %arg8[%run_scoped3A_93, %dma_start3A_303] : memref<8x128xi32, #tpu.memory_space<vmem>> -> memref<1x128xi32, #tpu.memory_space<vmem>>
      %dma_start3A_305 = tpu.memref_squeeze %dma_start3A_304 : memref<1x128xi32, #tpu.memory_space<vmem>> -> memref<128xi32, #tpu.memory_space<vmem>>
      %dma_start3A_306 = arith.constant 0 : i32
      %dma_start3A_307 = arith.constant 0 : i32
      %dma_start3A_308 = tpu.memref_slice %arg13[%dma_start3A_306, %dma_start3A_307] : memref<10240x128xf32, #tpu.memory_space<vmem_shared>> -> memref<10240x128xf32, #tpu.memory_space<vmem_shared>>
      tpu.enqueue_indirect_dma source(%arg12 : memref<128x128xf32, #tpu.memory_space<vmem>>) target(%dma_start3A_308 : memref<10240x128xf32, #tpu.memory_space<vmem_shared>>) offsets(%dma_start3A_305 : memref<128xi32, #tpu.memory_space<vmem>>) semaphore(%run_scoped3A_302 : memref<!tpu.dma_semaphore, #tpu.memory_space<semaphore_mem>>) {add = true}
      %dma_wait3A_309 = arith.constant 0 : i32
      %dma_wait3A_310 = tpu.memref_slice %arg8[%run_scoped3A_93, %dma_wait3A_309] : memref<8x128xi32, #tpu.memory_space<vmem>> -> memref<1x128xi32, #tpu.memory_space<vmem>>
      %dma_wait3A_311 = tpu.memref_squeeze %dma_wait3A_310 : memref<1x128xi32, #tpu.memory_space<vmem>> -> memref<128xi32, #tpu.memory_space<vmem>>
      %dma_wait3A_312 = arith.constant 0 : i32
      %dma_wait3A_313 = arith.constant 0 : i32
      %dma_wait3A_314 = tpu.memref_slice %arg13[%dma_wait3A_312, %dma_wait3A_313] : memref<10240x128xf32, #tpu.memory_space<vmem_shared>> -> memref<10240x128xf32, #tpu.memory_space<vmem_shared>>
      tpu.wait_indirect_dma semaphore(%run_scoped3A_302 : memref<!tpu.dma_semaphore, #tpu.memory_space<semaphore_mem>>) src(%arg12 : memref<128x128xf32, #tpu.memory_space<vmem>>) dst(%dma_wait3A_314 : memref<10240x128xf32, #tpu.memory_space<vmem_shared>>)
      tpu.yield
    }) : () -> ()
    %dma_wait3A_94 = arith.constant 0 : i32
    %dma_wait3A_95 = arith.constant 0 : i32
    %dma_wait3A_96 = tpu.memref_slice %arg2[%dma_wait3A_94, %dma_wait3A_95] : memref<10240x128xf32, #tpu.memory_space<hbm>> -> memref<128x128xf32, #tpu.memory_space<hbm>>
    %dma_wait3A_97 = arith.constant 0 : i32
    %dma_wait3A_98 = arith.constant 0 : i32
    %dma_wait3A_99 = tpu.memref_slice %arg2[%dma_wait3A_97, %dma_wait3A_98] : memref<10240x128xf32, #tpu.memory_space<hbm>> -> memref<128x128xf32, #tpu.memory_space<hbm>>
    tpu.wait_dma2 semaphore(%arg16 : memref<!tpu.dma_semaphore, #tpu.memory_space<semaphore_mem>>) src(%dma_wait3A_99 : memref<128x128xf32, #tpu.memory_space<hbm>>) dst(%arg11 : memref<128x128xf32, #tpu.memory_space<vmem>>)
    %dma_start3A_100 = arith.constant 3 : i32
    %dma_start3A_101 = arith.constant 0 : i32
    %dma_start3A_102 = tpu.memref_slice %arg7[%dma_start3A_100, %dma_start3A_101] : memref<8x128xi32, #tpu.memory_space<vmem>> -> memref<1x128xi32, #tpu.memory_space<vmem>>
    %dma_start3A_103 = tpu.memref_squeeze %dma_start3A_102 : memref<1x128xi32, #tpu.memory_space<vmem>> -> memref<128xi32, #tpu.memory_space<vmem>>
    %dma_start3A_104 = arith.constant 0 : i32
    %dma_start3A_105 = arith.constant 0 : i32
    %dma_start3A_106 = tpu.memref_slice %arg2[%dma_start3A_104, %dma_start3A_105] : memref<10240x128xf32, #tpu.memory_space<hbm>> -> memref<10240x128xf32, #tpu.memory_space<hbm>>
    tpu.enqueue_indirect_dma source(%dma_start3A_106 : memref<10240x128xf32, #tpu.memory_space<hbm>>) target(%arg12 : memref<128x128xf32, #tpu.memory_space<vmem>>) offsets(%dma_start3A_103 : memref<128xi32, #tpu.memory_space<vmem>>) semaphore(%arg17 : memref<!tpu.dma_semaphore, #tpu.memory_space<semaphore_mem>>)
    %run_scoped3A_107 = arith.constant 2 : i32
    "tpu.region"() ({
      %run_scoped3A_302 = tpu.sem_alloc : memref<!tpu.dma_semaphore, #tpu.memory_space<semaphore_mem>>
      %dma_start3A_303 = arith.constant 0 : i32
      %dma_start3A_304 = tpu.memref_slice %arg8[%run_scoped3A_107, %dma_start3A_303] : memref<8x128xi32, #tpu.memory_space<vmem>> -> memref<1x128xi32, #tpu.memory_space<vmem>>
      %dma_start3A_305 = tpu.memref_squeeze %dma_start3A_304 : memref<1x128xi32, #tpu.memory_space<vmem>> -> memref<128xi32, #tpu.memory_space<vmem>>
      %dma_start3A_306 = arith.constant 0 : i32
      %dma_start3A_307 = arith.constant 0 : i32
      %dma_start3A_308 = tpu.memref_slice %arg13[%dma_start3A_306, %dma_start3A_307] : memref<10240x128xf32, #tpu.memory_space<vmem_shared>> -> memref<10240x128xf32, #tpu.memory_space<vmem_shared>>
      tpu.enqueue_indirect_dma source(%arg11 : memref<128x128xf32, #tpu.memory_space<vmem>>) target(%dma_start3A_308 : memref<10240x128xf32, #tpu.memory_space<vmem_shared>>) offsets(%dma_start3A_305 : memref<128xi32, #tpu.memory_space<vmem>>) semaphore(%run_scoped3A_302 : memref<!tpu.dma_semaphore, #tpu.memory_space<semaphore_mem>>) {add = true}
      %dma_wait3A_309 = arith.constant 0 : i32
      %dma_wait3A_310 = tpu.memref_slice %arg8[%run_scoped3A_107, %dma_wait3A_309] : memref<8x128xi32, #tpu.memory_space<vmem>> -> memref<1x128xi32, #tpu.memory_space<vmem>>
      %dma_wait3A_311 = tpu.memref_squeeze %dma_wait3A_310 : memref<1x128xi32, #tpu.memory_space<vmem>> -> memref<128xi32, #tpu.memory_space<vmem>>
      %dma_wait3A_312 = arith.constant 0 : i32
      %dma_wait3A_313 = arith.constant 0 : i32
      %dma_wait3A_314 = tpu.memref_slice %arg13[%dma_wait3A_312, %dma_wait3A_313] : memref<10240x128xf32, #tpu.memory_space<vmem_shared>> -> memref<10240x128xf32, #tpu.memory_space<vmem_shared>>
      tpu.wait_indirect_dma semaphore(%run_scoped3A_302 : memref<!tpu.dma_semaphore, #tpu.memory_space<semaphore_mem>>) src(%arg11 : memref<128x128xf32, #tpu.memory_space<vmem>>) dst(%dma_wait3A_314 : memref<10240x128xf32, #tpu.memory_space<vmem_shared>>)
      tpu.yield
    }) : () -> ()
    %dma_wait3A_108 = arith.constant 0 : i32
    %dma_wait3A_109 = arith.constant 0 : i32
    %dma_wait3A_110 = tpu.memref_slice %arg2[%dma_wait3A_108, %dma_wait3A_109] : memref<10240x128xf32, #tpu.memory_space<hbm>> -> memref<128x128xf32, #tpu.memory_space<hbm>>
    %dma_wait3A_111 = arith.constant 0 : i32
    %dma_wait3A_112 = arith.constant 0 : i32
    %dma_wait3A_113 = tpu.memref_slice %arg2[%dma_wait3A_111, %dma_wait3A_112] : memref<10240x128xf32, #tpu.memory_space<hbm>> -> memref<128x128xf32, #tpu.memory_space<hbm>>
    tpu.wait_dma2 semaphore(%arg17 : memref<!tpu.dma_semaphore, #tpu.memory_space<semaphore_mem>>) src(%dma_wait3A_113 : memref<128x128xf32, #tpu.memory_space<hbm>>) dst(%arg12 : memref<128x128xf32, #tpu.memory_space<vmem>>)
    %dma_start3A_114 = arith.constant 4 : i32
    %dma_start3A_115 = arith.constant 0 : i32
    %dma_start3A_116 = tpu.memref_slice %arg7[%dma_start3A_114, %dma_start3A_115] : memref<8x128xi32, #tpu.memory_space<vmem>> -> memref<1x128xi32, #tpu.memory_space<vmem>>
    %dma_start3A_117 = tpu.memref_squeeze %dma_start3A_116 : memref<1x128xi32, #tpu.memory_space<vmem>> -> memref<128xi32, #tpu.memory_space<vmem>>
    %dma_start3A_118 = arith.constant 0 : i32
    %dma_start3A_119 = arith.constant 0 : i32
    %dma_start3A_120 = tpu.memref_slice %arg2[%dma_start3A_118, %dma_start3A_119] : memref<10240x128xf32, #tpu.memory_space<hbm>> -> memref<10240x128xf32, #tpu.memory_space<hbm>>
    tpu.enqueue_indirect_dma source(%dma_start3A_120 : memref<10240x128xf32, #tpu.memory_space<hbm>>) target(%arg11 : memref<128x128xf32, #tpu.memory_space<vmem>>) offsets(%dma_start3A_117 : memref<128xi32, #tpu.memory_space<vmem>>) semaphore(%arg16 : memref<!tpu.dma_semaphore, #tpu.memory_space<semaphore_mem>>)
    %run_scoped3A_121 = arith.constant 3 : i32
    "tpu.region"() ({
      %run_scoped3A_302 = tpu.sem_alloc : memref<!tpu.dma_semaphore, #tpu.memory_space<semaphore_mem>>
      %dma_start3A_303 = arith.constant 0 : i32
      %dma_start3A_304 = tpu.memref_slice %arg8[%run_scoped3A_121, %dma_start3A_303] : memref<8x128xi32, #tpu.memory_space<vmem>> -> memref<1x128xi32, #tpu.memory_space<vmem>>
      %dma_start3A_305 = tpu.memref_squeeze %dma_start3A_304 : memref<1x128xi32, #tpu.memory_space<vmem>> -> memref<128xi32, #tpu.memory_space<vmem>>
      %dma_start3A_306 = arith.constant 0 : i32
      %dma_start3A_307 = arith.constant 0 : i32
      %dma_start3A_308 = tpu.memref_slice %arg13[%dma_start3A_306, %dma_start3A_307] : memref<10240x128xf32, #tpu.memory_space<vmem_shared>> -> memref<10240x128xf32, #tpu.memory_space<vmem_shared>>
      tpu.enqueue_indirect_dma source(%arg12 : memref<128x128xf32, #tpu.memory_space<vmem>>) target(%dma_start3A_308 : memref<10240x128xf32, #tpu.memory_space<vmem_shared>>) offsets(%dma_start3A_305 : memref<128xi32, #tpu.memory_space<vmem>>) semaphore(%run_scoped3A_302 : memref<!tpu.dma_semaphore, #tpu.memory_space<semaphore_mem>>) {add = true}
      %dma_wait3A_309 = arith.constant 0 : i32
      %dma_wait3A_310 = tpu.memref_slice %arg8[%run_scoped3A_121, %dma_wait3A_309] : memref<8x128xi32, #tpu.memory_space<vmem>> -> memref<1x128xi32, #tpu.memory_space<vmem>>
      %dma_wait3A_311 = tpu.memref_squeeze %dma_wait3A_310 : memref<1x128xi32, #tpu.memory_space<vmem>> -> memref<128xi32, #tpu.memory_space<vmem>>
      %dma_wait3A_312 = arith.constant 0 : i32
      %dma_wait3A_313 = arith.constant 0 : i32
      %dma_wait3A_314 = tpu.memref_slice %arg13[%dma_wait3A_312, %dma_wait3A_313] : memref<10240x128xf32, #tpu.memory_space<vmem_shared>> -> memref<10240x128xf32, #tpu.memory_space<vmem_shared>>
      tpu.wait_indirect_dma semaphore(%run_scoped3A_302 : memref<!tpu.dma_semaphore, #tpu.memory_space<semaphore_mem>>) src(%arg12 : memref<128x128xf32, #tpu.memory_space<vmem>>) dst(%dma_wait3A_314 : memref<10240x128xf32, #tpu.memory_space<vmem_shared>>)
      tpu.yield
    }) : () -> ()
    %dma_wait3A_122 = arith.constant 0 : i32
    %dma_wait3A_123 = arith.constant 0 : i32
    %dma_wait3A_124 = tpu.memref_slice %arg2[%dma_wait3A_122, %dma_wait3A_123] : memref<10240x128xf32, #tpu.memory_space<hbm>> -> memref<128x128xf32, #tpu.memory_space<hbm>>
    %dma_wait3A_125 = arith.constant 0 : i32
    %dma_wait3A_126 = arith.constant 0 : i32
    %dma_wait3A_127 = tpu.memref_slice %arg2[%dma_wait3A_125, %dma_wait3A_126] : memref<10240x128xf32, #tpu.memory_space<hbm>> -> memref<128x128xf32, #tpu.memory_space<hbm>>
    tpu.wait_dma2 semaphore(%arg16 : memref<!tpu.dma_semaphore, #tpu.memory_space<semaphore_mem>>) src(%dma_wait3A_127 : memref<128x128xf32, #tpu.memory_space<hbm>>) dst(%arg11 : memref<128x128xf32, #tpu.memory_space<vmem>>)
    %dma_start3A_128 = arith.constant 5 : i32
    %dma_start3A_129 = arith.constant 0 : i32
    %dma_start3A_130 = tpu.memref_slice %arg7[%dma_start3A_128, %dma_start3A_129] : memref<8x128xi32, #tpu.memory_space<vmem>> -> memref<1x128xi32, #tpu.memory_space<vmem>>
    %dma_start3A_131 = tpu.memref_squeeze %dma_start3A_130 : memref<1x128xi32, #tpu.memory_space<vmem>> -> memref<128xi32, #tpu.memory_space<vmem>>
    %dma_start3A_132 = arith.constant 0 : i32
    %dma_start3A_133 = arith.constant 0 : i32
    %dma_start3A_134 = tpu.memref_slice %arg2[%dma_start3A_132, %dma_start3A_133] : memref<10240x128xf32, #tpu.memory_space<hbm>> -> memref<10240x128xf32, #tpu.memory_space<hbm>>
    tpu.enqueue_indirect_dma source(%dma_start3A_134 : memref<10240x128xf32, #tpu.memory_space<hbm>>) target(%arg12 : memref<128x128xf32, #tpu.memory_space<vmem>>) offsets(%dma_start3A_131 : memref<128xi32, #tpu.memory_space<vmem>>) semaphore(%arg17 : memref<!tpu.dma_semaphore, #tpu.memory_space<semaphore_mem>>)
    %run_scoped3A_135 = arith.constant 4 : i32
    "tpu.region"() ({
      %run_scoped3A_302 = tpu.sem_alloc : memref<!tpu.dma_semaphore, #tpu.memory_space<semaphore_mem>>
      %dma_start3A_303 = arith.constant 0 : i32
      %dma_start3A_304 = tpu.memref_slice %arg8[%run_scoped3A_135, %dma_start3A_303] : memref<8x128xi32, #tpu.memory_space<vmem>> -> memref<1x128xi32, #tpu.memory_space<vmem>>
      %dma_start3A_305 = tpu.memref_squeeze %dma_start3A_304 : memref<1x128xi32, #tpu.memory_space<vmem>> -> memref<128xi32, #tpu.memory_space<vmem>>
      %dma_start3A_306 = arith.constant 0 : i32
      %dma_start3A_307 = arith.constant 0 : i32
      %dma_start3A_308 = tpu.memref_slice %arg13[%dma_start3A_306, %dma_start3A_307] : memref<10240x128xf32, #tpu.memory_space<vmem_shared>> -> memref<10240x128xf32, #tpu.memory_space<vmem_shared>>
      tpu.enqueue_indirect_dma source(%arg11 : memref<128x128xf32, #tpu.memory_space<vmem>>) target(%dma_start3A_308 : memref<10240x128xf32, #tpu.memory_space<vmem_shared>>) offsets(%dma_start3A_305 : memref<128xi32, #tpu.memory_space<vmem>>) semaphore(%run_scoped3A_302 : memref<!tpu.dma_semaphore, #tpu.memory_space<semaphore_mem>>) {add = true}
      %dma_wait3A_309 = arith.constant 0 : i32
      %dma_wait3A_310 = tpu.memref_slice %arg8[%run_scoped3A_135, %dma_wait3A_309] : memref<8x128xi32, #tpu.memory_space<vmem>> -> memref<1x128xi32, #tpu.memory_space<vmem>>
      %dma_wait3A_311 = tpu.memref_squeeze %dma_wait3A_310 : memref<1x128xi32, #tpu.memory_space<vmem>> -> memref<128xi32, #tpu.memory_space<vmem>>
      %dma_wait3A_312 = arith.constant 0 : i32
      %dma_wait3A_313 = arith.constant 0 : i32
      %dma_wait3A_314 = tpu.memref_slice %arg13[%dma_wait3A_312, %dma_wait3A_313] : memref<10240x128xf32, #tpu.memory_space<vmem_shared>> -> memref<10240x128xf32, #tpu.memory_space<vmem_shared>>
      tpu.wait_indirect_dma semaphore(%run_scoped3A_302 : memref<!tpu.dma_semaphore, #tpu.memory_space<semaphore_mem>>) src(%arg11 : memref<128x128xf32, #tpu.memory_space<vmem>>) dst(%dma_wait3A_314 : memref<10240x128xf32, #tpu.memory_space<vmem_shared>>)
      tpu.yield
    }) : () -> ()
    %dma_wait3A_136 = arith.constant 0 : i32
    %dma_wait3A_137 = arith.constant 0 : i32
    %dma_wait3A_138 = tpu.memref_slice %arg2[%dma_wait3A_136, %dma_wait3A_137] : memref<10240x128xf32, #tpu.memory_space<hbm>> -> memref<128x128xf32, #tpu.memory_space<hbm>>
    %dma_wait3A_139 = arith.constant 0 : i32
    %dma_wait3A_140 = arith.constant 0 : i32
    %dma_wait3A_141 = tpu.memref_slice %arg2[%dma_wait3A_139, %dma_wait3A_140] : memref<10240x128xf32, #tpu.memory_space<hbm>> -> memref<128x128xf32, #tpu.memory_space<hbm>>
    tpu.wait_dma2 semaphore(%arg17 : memref<!tpu.dma_semaphore, #tpu.memory_space<semaphore_mem>>) src(%dma_wait3A_141 : memref<128x128xf32, #tpu.memory_space<hbm>>) dst(%arg12 : memref<128x128xf32, #tpu.memory_space<vmem>>)
    %dma_start3A_142 = arith.constant 6 : i32
    %dma_start3A_143 = arith.constant 0 : i32
    %dma_start3A_144 = tpu.memref_slice %arg7[%dma_start3A_142, %dma_start3A_143] : memref<8x128xi32, #tpu.memory_space<vmem>> -> memref<1x128xi32, #tpu.memory_space<vmem>>
    %dma_start3A_145 = tpu.memref_squeeze %dma_start3A_144 : memref<1x128xi32, #tpu.memory_space<vmem>> -> memref<128xi32, #tpu.memory_space<vmem>>
    %dma_start3A_146 = arith.constant 0 : i32
    %dma_start3A_147 = arith.constant 0 : i32
    %dma_start3A_148 = tpu.memref_slice %arg2[%dma_start3A_146, %dma_start3A_147] : memref<10240x128xf32, #tpu.memory_space<hbm>> -> memref<10240x128xf32, #tpu.memory_space<hbm>>
    tpu.enqueue_indirect_dma source(%dma_start3A_148 : memref<10240x128xf32, #tpu.memory_space<hbm>>) target(%arg11 : memref<128x128xf32, #tpu.memory_space<vmem>>) offsets(%dma_start3A_145 : memref<128xi32, #tpu.memory_space<vmem>>) semaphore(%arg16 : memref<!tpu.dma_semaphore, #tpu.memory_space<semaphore_mem>>)
    %run_scoped3A_149 = arith.constant 5 : i32
    "tpu.region"() ({
      %run_scoped3A_302 = tpu.sem_alloc : memref<!tpu.dma_semaphore, #tpu.memory_space<semaphore_mem>>
      %dma_start3A_303 = arith.constant 0 : i32
      %dma_start3A_304 = tpu.memref_slice %arg8[%run_scoped3A_149, %dma_start3A_303] : memref<8x128xi32, #tpu.memory_space<vmem>> -> memref<1x128xi32, #tpu.memory_space<vmem>>
      %dma_start3A_305 = tpu.memref_squeeze %dma_start3A_304 : memref<1x128xi32, #tpu.memory_space<vmem>> -> memref<128xi32, #tpu.memory_space<vmem>>
      %dma_start3A_306 = arith.constant 0 : i32
      %dma_start3A_307 = arith.constant 0 : i32
      %dma_start3A_308 = tpu.memref_slice %arg13[%dma_start3A_306, %dma_start3A_307] : memref<10240x128xf32, #tpu.memory_space<vmem_shared>> -> memref<10240x128xf32, #tpu.memory_space<vmem_shared>>
      tpu.enqueue_indirect_dma source(%arg12 : memref<128x128xf32, #tpu.memory_space<vmem>>) target(%dma_start3A_308 : memref<10240x128xf32, #tpu.memory_space<vmem_shared>>) offsets(%dma_start3A_305 : memref<128xi32, #tpu.memory_space<vmem>>) semaphore(%run_scoped3A_302 : memref<!tpu.dma_semaphore, #tpu.memory_space<semaphore_mem>>) {add = true}
      %dma_wait3A_309 = arith.constant 0 : i32
      %dma_wait3A_310 = tpu.memref_slice %arg8[%run_scoped3A_149, %dma_wait3A_309] : memref<8x128xi32, #tpu.memory_space<vmem>> -> memref<1x128xi32, #tpu.memory_space<vmem>>
      %dma_wait3A_311 = tpu.memref_squeeze %dma_wait3A_310 : memref<1x128xi32, #tpu.memory_space<vmem>> -> memref<128xi32, #tpu.memory_space<vmem>>
      %dma_wait3A_312 = arith.constant 0 : i32
      %dma_wait3A_313 = arith.constant 0 : i32
      %dma_wait3A_314 = tpu.memref_slice %arg13[%dma_wait3A_312, %dma_wait3A_313] : memref<10240x128xf32, #tpu.memory_space<vmem_shared>> -> memref<10240x128xf32, #tpu.memory_space<vmem_shared>>
      tpu.wait_indirect_dma semaphore(%run_scoped3A_302 : memref<!tpu.dma_semaphore, #tpu.memory_space<semaphore_mem>>) src(%arg12 : memref<128x128xf32, #tpu.memory_space<vmem>>) dst(%dma_wait3A_314 : memref<10240x128xf32, #tpu.memory_space<vmem_shared>>)
      tpu.yield
    }) : () -> ()
    %dma_wait3A_150 = arith.constant 0 : i32
    %dma_wait3A_151 = arith.constant 0 : i32
    %dma_wait3A_152 = tpu.memref_slice %arg2[%dma_wait3A_150, %dma_wait3A_151] : memref<10240x128xf32, #tpu.memory_space<hbm>> -> memref<128x128xf32, #tpu.memory_space<hbm>>
    %dma_wait3A_153 = arith.constant 0 : i32
    %dma_wait3A_154 = arith.constant 0 : i32
    %dma_wait3A_155 = tpu.memref_slice %arg2[%dma_wait3A_153, %dma_wait3A_154] : memref<10240x128xf32, #tpu.memory_space<hbm>> -> memref<128x128xf32, #tpu.memory_space<hbm>>
    tpu.wait_dma2 semaphore(%arg16 : memref<!tpu.dma_semaphore, #tpu.memory_space<semaphore_mem>>) src(%dma_wait3A_155 : memref<128x128xf32, #tpu.memory_space<hbm>>) dst(%arg11 : memref<128x128xf32, #tpu.memory_space<vmem>>)
    %dma_start3A_156 = arith.constant 7 : i32
    %dma_start3A_157 = arith.constant 0 : i32
    %dma_start3A_158 = tpu.memref_slice %arg7[%dma_start3A_156, %dma_start3A_157] : memref<8x128xi32, #tpu.memory_space<vmem>> -> memref<1x128xi32, #tpu.memory_space<vmem>>
    %dma_start3A_159 = tpu.memref_squeeze %dma_start3A_158 : memref<1x128xi32, #tpu.memory_space<vmem>> -> memref<128xi32, #tpu.memory_space<vmem>>
    %dma_start3A_160 = arith.constant 0 : i32
    %dma_start3A_161 = arith.constant 0 : i32
    %dma_start3A_162 = tpu.memref_slice %arg2[%dma_start3A_160, %dma_start3A_161] : memref<10240x128xf32, #tpu.memory_space<hbm>> -> memref<10240x128xf32, #tpu.memory_space<hbm>>
    tpu.enqueue_indirect_dma source(%dma_start3A_162 : memref<10240x128xf32, #tpu.memory_space<hbm>>) target(%arg12 : memref<128x128xf32, #tpu.memory_space<vmem>>) offsets(%dma_start3A_159 : memref<128xi32, #tpu.memory_space<vmem>>) semaphore(%arg17 : memref<!tpu.dma_semaphore, #tpu.memory_space<semaphore_mem>>)
    %run_scoped3A_163 = arith.constant 6 : i32
    "tpu.region"() ({
      %run_scoped3A_302 = tpu.sem_alloc : memref<!tpu.dma_semaphore, #tpu.memory_space<semaphore_mem>>
      %dma_start3A_303 = arith.constant 0 : i32
      %dma_start3A_304 = tpu.memref_slice %arg8[%run_scoped3A_163, %dma_start3A_303] : memref<8x128xi32, #tpu.memory_space<vmem>> -> memref<1x128xi32, #tpu.memory_space<vmem>>
      %dma_start3A_305 = tpu.memref_squeeze %dma_start3A_304 : memref<1x128xi32, #tpu.memory_space<vmem>> -> memref<128xi32, #tpu.memory_space<vmem>>
      %dma_start3A_306 = arith.constant 0 : i32
      %dma_start3A_307 = arith.constant 0 : i32
      %dma_start3A_308 = tpu.memref_slice %arg13[%dma_start3A_306, %dma_start3A_307] : memref<10240x128xf32, #tpu.memory_space<vmem_shared>> -> memref<10240x128xf32, #tpu.memory_space<vmem_shared>>
      tpu.enqueue_indirect_dma source(%arg11 : memref<128x128xf32, #tpu.memory_space<vmem>>) target(%dma_start3A_308 : memref<10240x128xf32, #tpu.memory_space<vmem_shared>>) offsets(%dma_start3A_305 : memref<128xi32, #tpu.memory_space<vmem>>) semaphore(%run_scoped3A_302 : memref<!tpu.dma_semaphore, #tpu.memory_space<semaphore_mem>>) {add = true}
      %dma_wait3A_309 = arith.constant 0 : i32
      %dma_wait3A_310 = tpu.memref_slice %arg8[%run_scoped3A_163, %dma_wait3A_309] : memref<8x128xi32, #tpu.memory_space<vmem>> -> memref<1x128xi32, #tpu.memory_space<vmem>>
      %dma_wait3A_311 = tpu.memref_squeeze %dma_wait3A_310 : memref<1x128xi32, #tpu.memory_space<vmem>> -> memref<128xi32, #tpu.memory_space<vmem>>
      %dma_wait3A_312 = arith.constant 0 : i32
      %dma_wait3A_313 = arith.constant 0 : i32
      %dma_wait3A_314 = tpu.memref_slice %arg13[%dma_wait3A_312, %dma_wait3A_313] : memref<10240x128xf32, #tpu.memory_space<vmem_shared>> -> memref<10240x128xf32, #tpu.memory_space<vmem_shared>>
      tpu.wait_indirect_dma semaphore(%run_scoped3A_302 : memref<!tpu.dma_semaphore, #tpu.memory_space<semaphore_mem>>) src(%arg11 : memref<128x128xf32, #tpu.memory_space<vmem>>) dst(%dma_wait3A_314 : memref<10240x128xf32, #tpu.memory_space<vmem_shared>>)
      tpu.yield
    }) : () -> ()
    %dma_wait3A_164 = arith.constant 0 : i32
    %dma_wait3A_165 = arith.constant 0 : i32
    %dma_wait3A_166 = tpu.memref_slice %arg2[%dma_wait3A_164, %dma_wait3A_165] : memref<10240x128xf32, #tpu.memory_space<hbm>> -> memref<128x128xf32, #tpu.memory_space<hbm>>
    %dma_wait3A_167 = arith.constant 0 : i32
    %dma_wait3A_168 = arith.constant 0 : i32
    %dma_wait3A_169 = tpu.memref_slice %arg2[%dma_wait3A_167, %dma_wait3A_168] : memref<10240x128xf32, #tpu.memory_space<hbm>> -> memref<128x128xf32, #tpu.memory_space<hbm>>
    tpu.wait_dma2 semaphore(%arg17 : memref<!tpu.dma_semaphore, #tpu.memory_space<semaphore_mem>>) src(%dma_wait3A_169 : memref<128x128xf32, #tpu.memory_space<hbm>>) dst(%arg12 : memref<128x128xf32, #tpu.memory_space<vmem>>)
    %dma_wait3A_170 = arith.constant 0 : i32
    %dma_wait3A_171 = arith.constant 0 : i32
    %dma_wait3A_172 = arith.constant 0 : i32
    %dma_wait3A_173 = tpu.memref_slice %arg3[%add3A, %dma_wait3A_170, %dma_wait3A_171, %dma_wait3A_172] : memref<32x10x8x128xi32, #tpu.memory_space<hbm>> -> memref<1x1x8x128xi32, #tpu.memory_space<hbm>>
    %dma_wait3A_174 = tpu.memref_squeeze %dma_wait3A_173 : memref<1x1x8x128xi32, #tpu.memory_space<hbm>> -> memref<8x128xi32, #tpu.memory_space<hbm>>
    %dma_wait3A_175 = arith.constant 0 : i32
    %dma_wait3A_176 = arith.constant 0 : i32
    %dma_wait3A_177 = tpu.memref_slice %arg3[%add3A, %dma_wait3A_170, %dma_wait3A_175, %dma_wait3A_176] : memref<32x10x8x128xi32, #tpu.memory_space<hbm>> -> memref<1x1x8x128xi32, #tpu.memory_space<hbm>>
    %dma_wait3A_178 = tpu.memref_squeeze %dma_wait3A_177 : memref<1x1x8x128xi32, #tpu.memory_space<hbm>> -> memref<8x128xi32, #tpu.memory_space<hbm>>
    tpu.wait_dma2 semaphore(%arg15 : memref<!tpu.dma_semaphore, #tpu.memory_space<semaphore_mem>>) src(%dma_wait3A_178 : memref<8x128xi32, #tpu.memory_space<hbm>>) dst(%arg9 : memref<8x128xi32, #tpu.memory_space<vmem>>)
    %dma_wait3A_179 = arith.constant 0 : i32
    %dma_wait3A_180 = arith.constant 0 : i32
    %dma_wait3A_181 = arith.constant 0 : i32
    %dma_wait3A_182 = tpu.memref_slice %arg4[%add3A, %dma_wait3A_179, %dma_wait3A_180, %dma_wait3A_181] : memref<32x10x8x128xi32, #tpu.memory_space<hbm>> -> memref<1x1x8x128xi32, #tpu.memory_space<hbm>>
    %dma_wait3A_183 = tpu.memref_squeeze %dma_wait3A_182 : memref<1x1x8x128xi32, #tpu.memory_space<hbm>> -> memref<8x128xi32, #tpu.memory_space<hbm>>
    %dma_wait3A_184 = arith.constant 0 : i32
    %dma_wait3A_185 = arith.constant 0 : i32
    %dma_wait3A_186 = tpu.memref_slice %arg4[%add3A, %dma_wait3A_179, %dma_wait3A_184, %dma_wait3A_185] : memref<32x10x8x128xi32, #tpu.memory_space<hbm>> -> memref<1x1x8x128xi32, #tpu.memory_space<hbm>>
    %dma_wait3A_187 = tpu.memref_squeeze %dma_wait3A_186 : memref<1x1x8x128xi32, #tpu.memory_space<hbm>> -> memref<8x128xi32, #tpu.memory_space<hbm>>
    tpu.wait_dma2 semaphore(%arg15 : memref<!tpu.dma_semaphore, #tpu.memory_space<semaphore_mem>>) src(%dma_wait3A_187 : memref<8x128xi32, #tpu.memory_space<hbm>>) dst(%arg10 : memref<8x128xi32, #tpu.memory_space<vmem>>)
    %dma_start3A_188 = arith.constant 0 : i32
    %dma_start3A_189 = arith.constant 0 : i32
    %dma_start3A_190 = tpu.memref_slice %arg9[%dma_start3A_188, %dma_start3A_189] : memref<8x128xi32, #tpu.memory_space<vmem>> -> memref<1x128xi32, #tpu.memory_space<vmem>>
    %dma_start3A_191 = tpu.memref_squeeze %dma_start3A_190 : memref<1x128xi32, #tpu.memory_space<vmem>> -> memref<128xi32, #tpu.memory_space<vmem>>
    %dma_start3A_192 = arith.constant 0 : i32
    %dma_start3A_193 = arith.constant 0 : i32
    %dma_start3A_194 = tpu.memref_slice %arg2[%dma_start3A_192, %dma_start3A_193] : memref<10240x128xf32, #tpu.memory_space<hbm>> -> memref<10240x128xf32, #tpu.memory_space<hbm>>
    tpu.enqueue_indirect_dma source(%dma_start3A_194 : memref<10240x128xf32, #tpu.memory_space<hbm>>) target(%arg11 : memref<128x128xf32, #tpu.memory_space<vmem>>) offsets(%dma_start3A_191 : memref<128xi32, #tpu.memory_space<vmem>>) semaphore(%arg16 : memref<!tpu.dma_semaphore, #tpu.memory_space<semaphore_mem>>)
    %run_scoped3A_195 = arith.constant 7 : i32
    "tpu.region"() ({
      %run_scoped3A_302 = tpu.sem_alloc : memref<!tpu.dma_semaphore, #tpu.memory_space<semaphore_mem>>
      %dma_start3A_303 = arith.constant 0 : i32
      %dma_start3A_304 = tpu.memref_slice %arg8[%run_scoped3A_195, %dma_start3A_303] : memref<8x128xi32, #tpu.memory_space<vmem>> -> memref<1x128xi32, #tpu.memory_space<vmem>>
      %dma_start3A_305 = tpu.memref_squeeze %dma_start3A_304 : memref<1x128xi32, #tpu.memory_space<vmem>> -> memref<128xi32, #tpu.memory_space<vmem>>
      %dma_start3A_306 = arith.constant 0 : i32
      %dma_start3A_307 = arith.constant 0 : i32
      %dma_start3A_308 = tpu.memref_slice %arg13[%dma_start3A_306, %dma_start3A_307] : memref<10240x128xf32, #tpu.memory_space<vmem_shared>> -> memref<10240x128xf32, #tpu.memory_space<vmem_shared>>
      tpu.enqueue_indirect_dma source(%arg12 : memref<128x128xf32, #tpu.memory_space<vmem>>) target(%dma_start3A_308 : memref<10240x128xf32, #tpu.memory_space<vmem_shared>>) offsets(%dma_start3A_305 : memref<128xi32, #tpu.memory_space<vmem>>) semaphore(%run_scoped3A_302 : memref<!tpu.dma_semaphore, #tpu.memory_space<semaphore_mem>>) {add = true}
      %dma_wait3A_309 = arith.constant 0 : i32
      %dma_wait3A_310 = tpu.memref_slice %arg8[%run_scoped3A_195, %dma_wait3A_309] : memref<8x128xi32, #tpu.memory_space<vmem>> -> memref<1x128xi32, #tpu.memory_space<vmem>>
      %dma_wait3A_311 = tpu.memref_squeeze %dma_wait3A_310 : memref<1x128xi32, #tpu.memory_space<vmem>> -> memref<128xi32, #tpu.memory_space<vmem>>
      %dma_wait3A_312 = arith.constant 0 : i32
      %dma_wait3A_313 = arith.constant 0 : i32
      %dma_wait3A_314 = tpu.memref_slice %arg13[%dma_wait3A_312, %dma_wait3A_313] : memref<10240x128xf32, #tpu.memory_space<vmem_shared>> -> memref<10240x128xf32, #tpu.memory_space<vmem_shared>>
      tpu.wait_indirect_dma semaphore(%run_scoped3A_302 : memref<!tpu.dma_semaphore, #tpu.memory_space<semaphore_mem>>) src(%arg12 : memref<128x128xf32, #tpu.memory_space<vmem>>) dst(%dma_wait3A_314 : memref<10240x128xf32, #tpu.memory_space<vmem_shared>>)
      tpu.yield
    }) : () -> ()
    %dma_wait3A_196 = arith.constant 0 : i32
    %dma_wait3A_197 = arith.constant 0 : i32
    %dma_wait3A_198 = tpu.memref_slice %arg2[%dma_wait3A_196, %dma_wait3A_197] : memref<10240x128xf32, #tpu.memory_space<hbm>> -> memref<128x128xf32, #tpu.memory_space<hbm>>
    %dma_wait3A_199 = arith.constant 0 : i32
    %dma_wait3A_200 = arith.constant 0 : i32
    %dma_wait3A_201 = tpu.memref_slice %arg2[%dma_wait3A_199, %dma_wait3A_200] : memref<10240x128xf32, #tpu.memory_space<hbm>> -> memref<128x128xf32, #tpu.memory_space<hbm>>
    tpu.wait_dma2 semaphore(%arg16 : memref<!tpu.dma_semaphore, #tpu.memory_space<semaphore_mem>>) src(%dma_wait3A_201 : memref<128x128xf32, #tpu.memory_space<hbm>>) dst(%arg11 : memref<128x128xf32, #tpu.memory_space<vmem>>)
    %dma_start3A_202 = arith.constant 1 : i32
    %dma_start3A_203 = arith.constant 0 : i32
    %dma_start3A_204 = tpu.memref_slice %arg9[%dma_start3A_202, %dma_start3A_203] : memref<8x128xi32, #tpu.memory_space<vmem>> -> memref<1x128xi32, #tpu.memory_space<vmem>>
    %dma_start3A_205 = tpu.memref_squeeze %dma_start3A_204 : memref<1x128xi32, #tpu.memory_space<vmem>> -> memref<128xi32, #tpu.memory_space<vmem>>
    %dma_start3A_206 = arith.constant 0 : i32
    %dma_start3A_207 = arith.constant 0 : i32
    %dma_start3A_208 = tpu.memref_slice %arg2[%dma_start3A_206, %dma_start3A_207] : memref<10240x128xf32, #tpu.memory_space<hbm>> -> memref<10240x128xf32, #tpu.memory_space<hbm>>
    tpu.enqueue_indirect_dma source(%dma_start3A_208 : memref<10240x128xf32, #tpu.memory_space<hbm>>) target(%arg12 : memref<128x128xf32, #tpu.memory_space<vmem>>) offsets(%dma_start3A_205 : memref<128xi32, #tpu.memory_space<vmem>>) semaphore(%arg17 : memref<!tpu.dma_semaphore, #tpu.memory_space<semaphore_mem>>)
    %run_scoped3A_209 = arith.constant 0 : i32
    "tpu.region"() ({
      %run_scoped3A_302 = tpu.sem_alloc : memref<!tpu.dma_semaphore, #tpu.memory_space<semaphore_mem>>
      %dma_start3A_303 = arith.constant 0 : i32
      %dma_start3A_304 = tpu.memref_slice %arg10[%run_scoped3A_209, %dma_start3A_303] : memref<8x128xi32, #tpu.memory_space<vmem>> -> memref<1x128xi32, #tpu.memory_space<vmem>>
      %dma_start3A_305 = tpu.memref_squeeze %dma_start3A_304 : memref<1x128xi32, #tpu.memory_space<vmem>> -> memref<128xi32, #tpu.memory_space<vmem>>
      %dma_start3A_306 = arith.constant 0 : i32
      %dma_start3A_307 = arith.constant 0 : i32
      %dma_start3A_308 = tpu.memref_slice %arg13[%dma_start3A_306, %dma_start3A_307] : memref<10240x128xf32, #tpu.memory_space<vmem_shared>> -> memref<10240x128xf32, #tpu.memory_space<vmem_shared>>
      tpu.enqueue_indirect_dma source(%arg11 : memref<128x128xf32, #tpu.memory_space<vmem>>) target(%dma_start3A_308 : memref<10240x128xf32, #tpu.memory_space<vmem_shared>>) offsets(%dma_start3A_305 : memref<128xi32, #tpu.memory_space<vmem>>) semaphore(%run_scoped3A_302 : memref<!tpu.dma_semaphore, #tpu.memory_space<semaphore_mem>>) {add = true}
      %dma_wait3A_309 = arith.constant 0 : i32
      %dma_wait3A_310 = tpu.memref_slice %arg10[%run_scoped3A_209, %dma_wait3A_309] : memref<8x128xi32, #tpu.memory_space<vmem>> -> memref<1x128xi32, #tpu.memory_space<vmem>>
      %dma_wait3A_311 = tpu.memref_squeeze %dma_wait3A_310 : memref<1x128xi32, #tpu.memory_space<vmem>> -> memref<128xi32, #tpu.memory_space<vmem>>
      %dma_wait3A_312 = arith.constant 0 : i32
      %dma_wait3A_313 = arith.constant 0 : i32
      %dma_wait3A_314 = tpu.memref_slice %arg13[%dma_wait3A_312, %dma_wait3A_313] : memref<10240x128xf32, #tpu.memory_space<vmem_shared>> -> memref<10240x128xf32, #tpu.memory_space<vmem_shared>>
      tpu.wait_indirect_dma semaphore(%run_scoped3A_302 : memref<!tpu.dma_semaphore, #tpu.memory_space<semaphore_mem>>) src(%arg11 : memref<128x128xf32, #tpu.memory_space<vmem>>) dst(%dma_wait3A_314 : memref<10240x128xf32, #tpu.memory_space<vmem_shared>>)
      tpu.yield
    }) : () -> ()
    %dma_wait3A_210 = arith.constant 0 : i32
    %dma_wait3A_211 = arith.constant 0 : i32
    %dma_wait3A_212 = tpu.memref_slice %arg2[%dma_wait3A_210, %dma_wait3A_211] : memref<10240x128xf32, #tpu.memory_space<hbm>> -> memref<128x128xf32, #tpu.memory_space<hbm>>
    %dma_wait3A_213 = arith.constant 0 : i32
    %dma_wait3A_214 = arith.constant 0 : i32
    %dma_wait3A_215 = tpu.memref_slice %arg2[%dma_wait3A_213, %dma_wait3A_214] : memref<10240x128xf32, #tpu.memory_space<hbm>> -> memref<128x128xf32, #tpu.memory_space<hbm>>
    tpu.wait_dma2 semaphore(%arg17 : memref<!tpu.dma_semaphore, #tpu.memory_space<semaphore_mem>>) src(%dma_wait3A_215 : memref<128x128xf32, #tpu.memory_space<hbm>>) dst(%arg12 : memref<128x128xf32, #tpu.memory_space<vmem>>)
    %dma_start3A_216 = arith.constant 2 : i32
    %dma_start3A_217 = arith.constant 0 : i32
    %dma_start3A_218 = tpu.memref_slice %arg9[%dma_start3A_216, %dma_start3A_217] : memref<8x128xi32, #tpu.memory_space<vmem>> -> memref<1x128xi32, #tpu.memory_space<vmem>>
    %dma_start3A_219 = tpu.memref_squeeze %dma_start3A_218 : memref<1x128xi32, #tpu.memory_space<vmem>> -> memref<128xi32, #tpu.memory_space<vmem>>
    %dma_start3A_220 = arith.constant 0 : i32
    %dma_start3A_221 = arith.constant 0 : i32
    %dma_start3A_222 = tpu.memref_slice %arg2[%dma_start3A_220, %dma_start3A_221] : memref<10240x128xf32, #tpu.memory_space<hbm>> -> memref<10240x128xf32, #tpu.memory_space<hbm>>
    tpu.enqueue_indirect_dma source(%dma_start3A_222 : memref<10240x128xf32, #tpu.memory_space<hbm>>) target(%arg11 : memref<128x128xf32, #tpu.memory_space<vmem>>) offsets(%dma_start3A_219 : memref<128xi32, #tpu.memory_space<vmem>>) semaphore(%arg16 : memref<!tpu.dma_semaphore, #tpu.memory_space<semaphore_mem>>)
    %run_scoped3A_223 = arith.constant 1 : i32
    "tpu.region"() ({
      %run_scoped3A_302 = tpu.sem_alloc : memref<!tpu.dma_semaphore, #tpu.memory_space<semaphore_mem>>
      %dma_start3A_303 = arith.constant 0 : i32
      %dma_start3A_304 = tpu.memref_slice %arg10[%run_scoped3A_223, %dma_start3A_303] : memref<8x128xi32, #tpu.memory_space<vmem>> -> memref<1x128xi32, #tpu.memory_space<vmem>>
      %dma_start3A_305 = tpu.memref_squeeze %dma_start3A_304 : memref<1x128xi32, #tpu.memory_space<vmem>> -> memref<128xi32, #tpu.memory_space<vmem>>
      %dma_start3A_306 = arith.constant 0 : i32
      %dma_start3A_307 = arith.constant 0 : i32
      %dma_start3A_308 = tpu.memref_slice %arg13[%dma_start3A_306, %dma_start3A_307] : memref<10240x128xf32, #tpu.memory_space<vmem_shared>> -> memref<10240x128xf32, #tpu.memory_space<vmem_shared>>
      tpu.enqueue_indirect_dma source(%arg12 : memref<128x128xf32, #tpu.memory_space<vmem>>) target(%dma_start3A_308 : memref<10240x128xf32, #tpu.memory_space<vmem_shared>>) offsets(%dma_start3A_305 : memref<128xi32, #tpu.memory_space<vmem>>) semaphore(%run_scoped3A_302 : memref<!tpu.dma_semaphore, #tpu.memory_space<semaphore_mem>>) {add = true}
      %dma_wait3A_309 = arith.constant 0 : i32
      %dma_wait3A_310 = tpu.memref_slice %arg10[%run_scoped3A_223, %dma_wait3A_309] : memref<8x128xi32, #tpu.memory_space<vmem>> -> memref<1x128xi32, #tpu.memory_space<vmem>>
      %dma_wait3A_311 = tpu.memref_squeeze %dma_wait3A_310 : memref<1x128xi32, #tpu.memory_space<vmem>> -> memref<128xi32, #tpu.memory_space<vmem>>
      %dma_wait3A_312 = arith.constant 0 : i32
      %dma_wait3A_313 = arith.constant 0 : i32
      %dma_wait3A_314 = tpu.memref_slice %arg13[%dma_wait3A_312, %dma_wait3A_313] : memref<10240x128xf32, #tpu.memory_space<vmem_shared>> -> memref<10240x128xf32, #tpu.memory_space<vmem_shared>>
      tpu.wait_indirect_dma semaphore(%run_scoped3A_302 : memref<!tpu.dma_semaphore, #tpu.memory_space<semaphore_mem>>) src(%arg12 : memref<128x128xf32, #tpu.memory_space<vmem>>) dst(%dma_wait3A_314 : memref<10240x128xf32, #tpu.memory_space<vmem_shared>>)
      tpu.yield
    }) : () -> ()
    %dma_wait3A_224 = arith.constant 0 : i32
    %dma_wait3A_225 = arith.constant 0 : i32
    %dma_wait3A_226 = tpu.memref_slice %arg2[%dma_wait3A_224, %dma_wait3A_225] : memref<10240x128xf32, #tpu.memory_space<hbm>> -> memref<128x128xf32, #tpu.memory_space<hbm>>
    %dma_wait3A_227 = arith.constant 0 : i32
    %dma_wait3A_228 = arith.constant 0 : i32
    %dma_wait3A_229 = tpu.memref_slice %arg2[%dma_wait3A_227, %dma_wait3A_228] : memref<10240x128xf32, #tpu.memory_space<hbm>> -> memref<128x128xf32, #tpu.memory_space<hbm>>
    tpu.wait_dma2 semaphore(%arg16 : memref<!tpu.dma_semaphore, #tpu.memory_space<semaphore_mem>>) src(%dma_wait3A_229 : memref<128x128xf32, #tpu.memory_space<hbm>>) dst(%arg11 : memref<128x128xf32, #tpu.memory_space<vmem>>)
    %dma_start3A_230 = arith.constant 3 : i32
    %dma_start3A_231 = arith.constant 0 : i32
    %dma_start3A_232 = tpu.memref_slice %arg9[%dma_start3A_230, %dma_start3A_231] : memref<8x128xi32, #tpu.memory_space<vmem>> -> memref<1x128xi32, #tpu.memory_space<vmem>>
    %dma_start3A_233 = tpu.memref_squeeze %dma_start3A_232 : memref<1x128xi32, #tpu.memory_space<vmem>> -> memref<128xi32, #tpu.memory_space<vmem>>
    %dma_start3A_234 = arith.constant 0 : i32
    %dma_start3A_235 = arith.constant 0 : i32
    %dma_start3A_236 = tpu.memref_slice %arg2[%dma_start3A_234, %dma_start3A_235] : memref<10240x128xf32, #tpu.memory_space<hbm>> -> memref<10240x128xf32, #tpu.memory_space<hbm>>
    tpu.enqueue_indirect_dma source(%dma_start3A_236 : memref<10240x128xf32, #tpu.memory_space<hbm>>) target(%arg12 : memref<128x128xf32, #tpu.memory_space<vmem>>) offsets(%dma_start3A_233 : memref<128xi32, #tpu.memory_space<vmem>>) semaphore(%arg17 : memref<!tpu.dma_semaphore, #tpu.memory_space<semaphore_mem>>)
    %run_scoped3A_237 = arith.constant 2 : i32
    "tpu.region"() ({
      %run_scoped3A_302 = tpu.sem_alloc : memref<!tpu.dma_semaphore, #tpu.memory_space<semaphore_mem>>
      %dma_start3A_303 = arith.constant 0 : i32
      %dma_start3A_304 = tpu.memref_slice %arg10[%run_scoped3A_237, %dma_start3A_303] : memref<8x128xi32, #tpu.memory_space<vmem>> -> memref<1x128xi32, #tpu.memory_space<vmem>>
      %dma_start3A_305 = tpu.memref_squeeze %dma_start3A_304 : memref<1x128xi32, #tpu.memory_space<vmem>> -> memref<128xi32, #tpu.memory_space<vmem>>
      %dma_start3A_306 = arith.constant 0 : i32
      %dma_start3A_307 = arith.constant 0 : i32
      %dma_start3A_308 = tpu.memref_slice %arg13[%dma_start3A_306, %dma_start3A_307] : memref<10240x128xf32, #tpu.memory_space<vmem_shared>> -> memref<10240x128xf32, #tpu.memory_space<vmem_shared>>
      tpu.enqueue_indirect_dma source(%arg11 : memref<128x128xf32, #tpu.memory_space<vmem>>) target(%dma_start3A_308 : memref<10240x128xf32, #tpu.memory_space<vmem_shared>>) offsets(%dma_start3A_305 : memref<128xi32, #tpu.memory_space<vmem>>) semaphore(%run_scoped3A_302 : memref<!tpu.dma_semaphore, #tpu.memory_space<semaphore_mem>>) {add = true}
      %dma_wait3A_309 = arith.constant 0 : i32
      %dma_wait3A_310 = tpu.memref_slice %arg10[%run_scoped3A_237, %dma_wait3A_309] : memref<8x128xi32, #tpu.memory_space<vmem>> -> memref<1x128xi32, #tpu.memory_space<vmem>>
      %dma_wait3A_311 = tpu.memref_squeeze %dma_wait3A_310 : memref<1x128xi32, #tpu.memory_space<vmem>> -> memref<128xi32, #tpu.memory_space<vmem>>
      %dma_wait3A_312 = arith.constant 0 : i32
      %dma_wait3A_313 = arith.constant 0 : i32
      %dma_wait3A_314 = tpu.memref_slice %arg13[%dma_wait3A_312, %dma_wait3A_313] : memref<10240x128xf32, #tpu.memory_space<vmem_shared>> -> memref<10240x128xf32, #tpu.memory_space<vmem_shared>>
      tpu.wait_indirect_dma semaphore(%run_scoped3A_302 : memref<!tpu.dma_semaphore, #tpu.memory_space<semaphore_mem>>) src(%arg11 : memref<128x128xf32, #tpu.memory_space<vmem>>) dst(%dma_wait3A_314 : memref<10240x128xf32, #tpu.memory_space<vmem_shared>>)
      tpu.yield
    }) : () -> ()
    %dma_wait3A_238 = arith.constant 0 : i32
    %dma_wait3A_239 = arith.constant 0 : i32
    %dma_wait3A_240 = tpu.memref_slice %arg2[%dma_wait3A_238, %dma_wait3A_239] : memref<10240x128xf32, #tpu.memory_space<hbm>> -> memref<128x128xf32, #tpu.memory_space<hbm>>
    %dma_wait3A_241 = arith.constant 0 : i32
    %dma_wait3A_242 = arith.constant 0 : i32
    %dma_wait3A_243 = tpu.memref_slice %arg2[%dma_wait3A_241, %dma_wait3A_242] : memref<10240x128xf32, #tpu.memory_space<hbm>> -> memref<128x128xf32, #tpu.memory_space<hbm>>
    tpu.wait_dma2 semaphore(%arg17 : memref<!tpu.dma_semaphore, #tpu.memory_space<semaphore_mem>>) src(%dma_wait3A_243 : memref<128x128xf32, #tpu.memory_space<hbm>>) dst(%arg12 : memref<128x128xf32, #tpu.memory_space<vmem>>)
    %dma_start3A_244 = arith.constant 4 : i32
    %dma_start3A_245 = arith.constant 0 : i32
    %dma_start3A_246 = tpu.memref_slice %arg9[%dma_start3A_244, %dma_start3A_245] : memref<8x128xi32, #tpu.memory_space<vmem>> -> memref<1x128xi32, #tpu.memory_space<vmem>>
    %dma_start3A_247 = tpu.memref_squeeze %dma_start3A_246 : memref<1x128xi32, #tpu.memory_space<vmem>> -> memref<128xi32, #tpu.memory_space<vmem>>
    %dma_start3A_248 = arith.constant 0 : i32
    %dma_start3A_249 = arith.constant 0 : i32
    %dma_start3A_250 = tpu.memref_slice %arg2[%dma_start3A_248, %dma_start3A_249] : memref<10240x128xf32, #tpu.memory_space<hbm>> -> memref<10240x128xf32, #tpu.memory_space<hbm>>
    tpu.enqueue_indirect_dma source(%dma_start3A_250 : memref<10240x128xf32, #tpu.memory_space<hbm>>) target(%arg11 : memref<128x128xf32, #tpu.memory_space<vmem>>) offsets(%dma_start3A_247 : memref<128xi32, #tpu.memory_space<vmem>>) semaphore(%arg16 : memref<!tpu.dma_semaphore, #tpu.memory_space<semaphore_mem>>)
    %run_scoped3A_251 = arith.constant 3 : i32
    "tpu.region"() ({
      %run_scoped3A_302 = tpu.sem_alloc : memref<!tpu.dma_semaphore, #tpu.memory_space<semaphore_mem>>
      %dma_start3A_303 = arith.constant 0 : i32
      %dma_start3A_304 = tpu.memref_slice %arg10[%run_scoped3A_251, %dma_start3A_303] : memref<8x128xi32, #tpu.memory_space<vmem>> -> memref<1x128xi32, #tpu.memory_space<vmem>>
      %dma_start3A_305 = tpu.memref_squeeze %dma_start3A_304 : memref<1x128xi32, #tpu.memory_space<vmem>> -> memref<128xi32, #tpu.memory_space<vmem>>
      %dma_start3A_306 = arith.constant 0 : i32
      %dma_start3A_307 = arith.constant 0 : i32
      %dma_start3A_308 = tpu.memref_slice %arg13[%dma_start3A_306, %dma_start3A_307] : memref<10240x128xf32, #tpu.memory_space<vmem_shared>> -> memref<10240x128xf32, #tpu.memory_space<vmem_shared>>
      tpu.enqueue_indirect_dma source(%arg12 : memref<128x128xf32, #tpu.memory_space<vmem>>) target(%dma_start3A_308 : memref<10240x128xf32, #tpu.memory_space<vmem_shared>>) offsets(%dma_start3A_305 : memref<128xi32, #tpu.memory_space<vmem>>) semaphore(%run_scoped3A_302 : memref<!tpu.dma_semaphore, #tpu.memory_space<semaphore_mem>>) {add = true}
      %dma_wait3A_309 = arith.constant 0 : i32
      %dma_wait3A_310 = tpu.memref_slice %arg10[%run_scoped3A_251, %dma_wait3A_309] : memref<8x128xi32, #tpu.memory_space<vmem>> -> memref<1x128xi32, #tpu.memory_space<vmem>>
      %dma_wait3A_311 = tpu.memref_squeeze %dma_wait3A_310 : memref<1x128xi32, #tpu.memory_space<vmem>> -> memref<128xi32, #tpu.memory_space<vmem>>
      %dma_wait3A_312 = arith.constant 0 : i32
      %dma_wait3A_313 = arith.constant 0 : i32
      %dma_wait3A_314 = tpu.memref_slice %arg13[%dma_wait3A_312, %dma_wait3A_313] : memref<10240x128xf32, #tpu.memory_space<vmem_shared>> -> memref<10240x128xf32, #tpu.memory_space<vmem_shared>>
      tpu.wait_indirect_dma semaphore(%run_scoped3A_302 : memref<!tpu.dma_semaphore, #tpu.memory_space<semaphore_mem>>) src(%arg12 : memref<128x128xf32, #tpu.memory_space<vmem>>) dst(%dma_wait3A_314 : memref<10240x128xf32, #tpu.memory_space<vmem_shared>>)
      tpu.yield
    }) : () -> ()
    %dma_wait3A_252 = arith.constant 0 : i32
    %dma_wait3A_253 = arith.constant 0 : i32
    %dma_wait3A_254 = tpu.memref_slice %arg2[%dma_wait3A_252, %dma_wait3A_253] : memref<10240x128xf32, #tpu.memory_space<hbm>> -> memref<128x128xf32, #tpu.memory_space<hbm>>
    %dma_wait3A_255 = arith.constant 0 : i32
    %dma_wait3A_256 = arith.constant 0 : i32
    %dma_wait3A_257 = tpu.memref_slice %arg2[%dma_wait3A_255, %dma_wait3A_256] : memref<10240x128xf32, #tpu.memory_space<hbm>> -> memref<128x128xf32, #tpu.memory_space<hbm>>
    tpu.wait_dma2 semaphore(%arg16 : memref<!tpu.dma_semaphore, #tpu.memory_space<semaphore_mem>>) src(%dma_wait3A_257 : memref<128x128xf32, #tpu.memory_space<hbm>>) dst(%arg11 : memref<128x128xf32, #tpu.memory_space<vmem>>)
    %dma_start3A_258 = arith.constant 5 : i32
    %dma_start3A_259 = arith.constant 0 : i32
    %dma_start3A_260 = tpu.memref_slice %arg9[%dma_start3A_258, %dma_start3A_259] : memref<8x128xi32, #tpu.memory_space<vmem>> -> memref<1x128xi32, #tpu.memory_space<vmem>>
    %dma_start3A_261 = tpu.memref_squeeze %dma_start3A_260 : memref<1x128xi32, #tpu.memory_space<vmem>> -> memref<128xi32, #tpu.memory_space<vmem>>
    %dma_start3A_262 = arith.constant 0 : i32
    %dma_start3A_263 = arith.constant 0 : i32
    %dma_start3A_264 = tpu.memref_slice %arg2[%dma_start3A_262, %dma_start3A_263] : memref<10240x128xf32, #tpu.memory_space<hbm>> -> memref<10240x128xf32, #tpu.memory_space<hbm>>
    tpu.enqueue_indirect_dma source(%dma_start3A_264 : memref<10240x128xf32, #tpu.memory_space<hbm>>) target(%arg12 : memref<128x128xf32, #tpu.memory_space<vmem>>) offsets(%dma_start3A_261 : memref<128xi32, #tpu.memory_space<vmem>>) semaphore(%arg17 : memref<!tpu.dma_semaphore, #tpu.memory_space<semaphore_mem>>)
    %run_scoped3A_265 = arith.constant 4 : i32
    "tpu.region"() ({
      %run_scoped3A_302 = tpu.sem_alloc : memref<!tpu.dma_semaphore, #tpu.memory_space<semaphore_mem>>
      %dma_start3A_303 = arith.constant 0 : i32
      %dma_start3A_304 = tpu.memref_slice %arg10[%run_scoped3A_265, %dma_start3A_303] : memref<8x128xi32, #tpu.memory_space<vmem>> -> memref<1x128xi32, #tpu.memory_space<vmem>>
      %dma_start3A_305 = tpu.memref_squeeze %dma_start3A_304 : memref<1x128xi32, #tpu.memory_space<vmem>> -> memref<128xi32, #tpu.memory_space<vmem>>
      %dma_start3A_306 = arith.constant 0 : i32
      %dma_start3A_307 = arith.constant 0 : i32
      %dma_start3A_308 = tpu.memref_slice %arg13[%dma_start3A_306, %dma_start3A_307] : memref<10240x128xf32, #tpu.memory_space<vmem_shared>> -> memref<10240x128xf32, #tpu.memory_space<vmem_shared>>
      tpu.enqueue_indirect_dma source(%arg11 : memref<128x128xf32, #tpu.memory_space<vmem>>) target(%dma_start3A_308 : memref<10240x128xf32, #tpu.memory_space<vmem_shared>>) offsets(%dma_start3A_305 : memref<128xi32, #tpu.memory_space<vmem>>) semaphore(%run_scoped3A_302 : memref<!tpu.dma_semaphore, #tpu.memory_space<semaphore_mem>>) {add = true}
      %dma_wait3A_309 = arith.constant 0 : i32
      %dma_wait3A_310 = tpu.memref_slice %arg10[%run_scoped3A_265, %dma_wait3A_309] : memref<8x128xi32, #tpu.memory_space<vmem>> -> memref<1x128xi32, #tpu.memory_space<vmem>>
      %dma_wait3A_311 = tpu.memref_squeeze %dma_wait3A_310 : memref<1x128xi32, #tpu.memory_space<vmem>> -> memref<128xi32, #tpu.memory_space<vmem>>
      %dma_wait3A_312 = arith.constant 0 : i32
      %dma_wait3A_313 = arith.constant 0 : i32
      %dma_wait3A_314 = tpu.memref_slice %arg13[%dma_wait3A_312, %dma_wait3A_313] : memref<10240x128xf32, #tpu.memory_space<vmem_shared>> -> memref<10240x128xf32, #tpu.memory_space<vmem_shared>>
      tpu.wait_indirect_dma semaphore(%run_scoped3A_302 : memref<!tpu.dma_semaphore, #tpu.memory_space<semaphore_mem>>) src(%arg11 : memref<128x128xf32, #tpu.memory_space<vmem>>) dst(%dma_wait3A_314 : memref<10240x128xf32, #tpu.memory_space<vmem_shared>>)
      tpu.yield
    }) : () -> ()
    %dma_wait3A_266 = arith.constant 0 : i32
    %dma_wait3A_267 = arith.constant 0 : i32
    %dma_wait3A_268 = tpu.memref_slice %arg2[%dma_wait3A_266, %dma_wait3A_267] : memref<10240x128xf32, #tpu.memory_space<hbm>> -> memref<128x128xf32, #tpu.memory_space<hbm>>
    %dma_wait3A_269 = arith.constant 0 : i32
    %dma_wait3A_270 = arith.constant 0 : i32
    %dma_wait3A_271 = tpu.memref_slice %arg2[%dma_wait3A_269, %dma_wait3A_270] : memref<10240x128xf32, #tpu.memory_space<hbm>> -> memref<128x128xf32, #tpu.memory_space<hbm>>
    tpu.wait_dma2 semaphore(%arg17 : memref<!tpu.dma_semaphore, #tpu.memory_space<semaphore_mem>>) src(%dma_wait3A_271 : memref<128x128xf32, #tpu.memory_space<hbm>>) dst(%arg12 : memref<128x128xf32, #tpu.memory_space<vmem>>)
    %dma_start3A_272 = arith.constant 6 : i32
    %dma_start3A_273 = arith.constant 0 : i32
    %dma_start3A_274 = tpu.memref_slice %arg9[%dma_start3A_272, %dma_start3A_273] : memref<8x128xi32, #tpu.memory_space<vmem>> -> memref<1x128xi32, #tpu.memory_space<vmem>>
    %dma_start3A_275 = tpu.memref_squeeze %dma_start3A_274 : memref<1x128xi32, #tpu.memory_space<vmem>> -> memref<128xi32, #tpu.memory_space<vmem>>
    %dma_start3A_276 = arith.constant 0 : i32
    %dma_start3A_277 = arith.constant 0 : i32
    %dma_start3A_278 = tpu.memref_slice %arg2[%dma_start3A_276, %dma_start3A_277] : memref<10240x128xf32, #tpu.memory_space<hbm>> -> memref<10240x128xf32, #tpu.memory_space<hbm>>
    tpu.enqueue_indirect_dma source(%dma_start3A_278 : memref<10240x128xf32, #tpu.memory_space<hbm>>) target(%arg11 : memref<128x128xf32, #tpu.memory_space<vmem>>) offsets(%dma_start3A_275 : memref<128xi32, #tpu.memory_space<vmem>>) semaphore(%arg16 : memref<!tpu.dma_semaphore, #tpu.memory_space<semaphore_mem>>)
    %run_scoped3A_279 = arith.constant 5 : i32
    "tpu.region"() ({
      %run_scoped3A_302 = tpu.sem_alloc : memref<!tpu.dma_semaphore, #tpu.memory_space<semaphore_mem>>
      %dma_start3A_303 = arith.constant 0 : i32
      %dma_start3A_304 = tpu.memref_slice %arg10[%run_scoped3A_279, %dma_start3A_303] : memref<8x128xi32, #tpu.memory_space<vmem>> -> memref<1x128xi32, #tpu.memory_space<vmem>>
      %dma_start3A_305 = tpu.memref_squeeze %dma_start3A_304 : memref<1x128xi32, #tpu.memory_space<vmem>> -> memref<128xi32, #tpu.memory_space<vmem>>
      %dma_start3A_306 = arith.constant 0 : i32
      %dma_start3A_307 = arith.constant 0 : i32
      %dma_start3A_308 = tpu.memref_slice %arg13[%dma_start3A_306, %dma_start3A_307] : memref<10240x128xf32, #tpu.memory_space<vmem_shared>> -> memref<10240x128xf32, #tpu.memory_space<vmem_shared>>
      tpu.enqueue_indirect_dma source(%arg12 : memref<128x128xf32, #tpu.memory_space<vmem>>) target(%dma_start3A_308 : memref<10240x128xf32, #tpu.memory_space<vmem_shared>>) offsets(%dma_start3A_305 : memref<128xi32, #tpu.memory_space<vmem>>) semaphore(%run_scoped3A_302 : memref<!tpu.dma_semaphore, #tpu.memory_space<semaphore_mem>>) {add = true}
      %dma_wait3A_309 = arith.constant 0 : i32
      %dma_wait3A_310 = tpu.memref_slice %arg10[%run_scoped3A_279, %dma_wait3A_309] : memref<8x128xi32, #tpu.memory_space<vmem>> -> memref<1x128xi32, #tpu.memory_space<vmem>>
      %dma_wait3A_311 = tpu.memref_squeeze %dma_wait3A_310 : memref<1x128xi32, #tpu.memory_space<vmem>> -> memref<128xi32, #tpu.memory_space<vmem>>
      %dma_wait3A_312 = arith.constant 0 : i32
      %dma_wait3A_313 = arith.constant 0 : i32
      %dma_wait3A_314 = tpu.memref_slice %arg13[%dma_wait3A_312, %dma_wait3A_313] : memref<10240x128xf32, #tpu.memory_space<vmem_shared>> -> memref<10240x128xf32, #tpu.memory_space<vmem_shared>>
      tpu.wait_indirect_dma semaphore(%run_scoped3A_302 : memref<!tpu.dma_semaphore, #tpu.memory_space<semaphore_mem>>) src(%arg12 : memref<128x128xf32, #tpu.memory_space<vmem>>) dst(%dma_wait3A_314 : memref<10240x128xf32, #tpu.memory_space<vmem_shared>>)
      tpu.yield
    }) : () -> ()
    %dma_wait3A_280 = arith.constant 0 : i32
    %dma_wait3A_281 = arith.constant 0 : i32
    %dma_wait3A_282 = tpu.memref_slice %arg2[%dma_wait3A_280, %dma_wait3A_281] : memref<10240x128xf32, #tpu.memory_space<hbm>> -> memref<128x128xf32, #tpu.memory_space<hbm>>
    %dma_wait3A_283 = arith.constant 0 : i32
    %dma_wait3A_284 = arith.constant 0 : i32
    %dma_wait3A_285 = tpu.memref_slice %arg2[%dma_wait3A_283, %dma_wait3A_284] : memref<10240x128xf32, #tpu.memory_space<hbm>> -> memref<128x128xf32, #tpu.memory_space<hbm>>
    tpu.wait_dma2 semaphore(%arg16 : memref<!tpu.dma_semaphore, #tpu.memory_space<semaphore_mem>>) src(%dma_wait3A_285 : memref<128x128xf32, #tpu.memory_space<hbm>>) dst(%arg11 : memref<128x128xf32, #tpu.memory_space<vmem>>)
    %dma_start3A_286 = arith.constant 7 : i32
    %dma_start3A_287 = arith.constant 0 : i32
    %dma_start3A_288 = tpu.memref_slice %arg9[%dma_start3A_286, %dma_start3A_287] : memref<8x128xi32, #tpu.memory_space<vmem>> -> memref<1x128xi32, #tpu.memory_space<vmem>>
    %dma_start3A_289 = tpu.memref_squeeze %dma_start3A_288 : memref<1x128xi32, #tpu.memory_space<vmem>> -> memref<128xi32, #tpu.memory_space<vmem>>
    %dma_start3A_290 = arith.constant 0 : i32
    %dma_start3A_291 = arith.constant 0 : i32
    %dma_start3A_292 = tpu.memref_slice %arg2[%dma_start3A_290, %dma_start3A_291] : memref<10240x128xf32, #tpu.memory_space<hbm>> -> memref<10240x128xf32, #tpu.memory_space<hbm>>
    tpu.enqueue_indirect_dma source(%dma_start3A_292 : memref<10240x128xf32, #tpu.memory_space<hbm>>) target(%arg12 : memref<128x128xf32, #tpu.memory_space<vmem>>) offsets(%dma_start3A_289 : memref<128xi32, #tpu.memory_space<vmem>>) semaphore(%arg17 : memref<!tpu.dma_semaphore, #tpu.memory_space<semaphore_mem>>)
    %run_scoped3A_293 = arith.constant 6 : i32
    "tpu.region"() ({
      %run_scoped3A_302 = tpu.sem_alloc : memref<!tpu.dma_semaphore, #tpu.memory_space<semaphore_mem>>
      %dma_start3A_303 = arith.constant 0 : i32
      %dma_start3A_304 = tpu.memref_slice %arg10[%run_scoped3A_293, %dma_start3A_303] : memref<8x128xi32, #tpu.memory_space<vmem>> -> memref<1x128xi32, #tpu.memory_space<vmem>>
      %dma_start3A_305 = tpu.memref_squeeze %dma_start3A_304 : memref<1x128xi32, #tpu.memory_space<vmem>> -> memref<128xi32, #tpu.memory_space<vmem>>
      %dma_start3A_306 = arith.constant 0 : i32
      %dma_start3A_307 = arith.constant 0 : i32
      %dma_start3A_308 = tpu.memref_slice %arg13[%dma_start3A_306, %dma_start3A_307] : memref<10240x128xf32, #tpu.memory_space<vmem_shared>> -> memref<10240x128xf32, #tpu.memory_space<vmem_shared>>
      tpu.enqueue_indirect_dma source(%arg11 : memref<128x128xf32, #tpu.memory_space<vmem>>) target(%dma_start3A_308 : memref<10240x128xf32, #tpu.memory_space<vmem_shared>>) offsets(%dma_start3A_305 : memref<128xi32, #tpu.memory_space<vmem>>) semaphore(%run_scoped3A_302 : memref<!tpu.dma_semaphore, #tpu.memory_space<semaphore_mem>>) {add = true}
      %dma_wait3A_309 = arith.constant 0 : i32
      %dma_wait3A_310 = tpu.memref_slice %arg10[%run_scoped3A_293, %dma_wait3A_309] : memref<8x128xi32, #tpu.memory_space<vmem>> -> memref<1x128xi32, #tpu.memory_space<vmem>>
      %dma_wait3A_311 = tpu.memref_squeeze %dma_wait3A_310 : memref<1x128xi32, #tpu.memory_space<vmem>> -> memref<128xi32, #tpu.memory_space<vmem>>
      %dma_wait3A_312 = arith.constant 0 : i32
      %dma_wait3A_313 = arith.constant 0 : i32
      %dma_wait3A_314 = tpu.memref_slice %arg13[%dma_wait3A_312, %dma_wait3A_313] : memref<10240x128xf32, #tpu.memory_space<vmem_shared>> -> memref<10240x128xf32, #tpu.memory_space<vmem_shared>>
      tpu.wait_indirect_dma semaphore(%run_scoped3A_302 : memref<!tpu.dma_semaphore, #tpu.memory_space<semaphore_mem>>) src(%arg11 : memref<128x128xf32, #tpu.memory_space<vmem>>) dst(%dma_wait3A_314 : memref<10240x128xf32, #tpu.memory_space<vmem_shared>>)
      tpu.yield
    }) : () -> ()
    %dma_wait3A_294 = arith.constant 0 : i32
    %dma_wait3A_295 = arith.constant 0 : i32
    %dma_wait3A_296 = tpu.memref_slice %arg2[%dma_wait3A_294, %dma_wait3A_295] : memref<10240x128xf32, #tpu.memory_space<hbm>> -> memref<128x128xf32, #tpu.memory_space<hbm>>
    %dma_wait3A_297 = arith.constant 0 : i32
    %dma_wait3A_298 = arith.constant 0 : i32
    %dma_wait3A_299 = tpu.memref_slice %arg2[%dma_wait3A_297, %dma_wait3A_298] : memref<10240x128xf32, #tpu.memory_space<hbm>> -> memref<128x128xf32, #tpu.memory_space<hbm>>
    tpu.wait_dma2 semaphore(%arg17 : memref<!tpu.dma_semaphore, #tpu.memory_space<semaphore_mem>>) src(%dma_wait3A_299 : memref<128x128xf32, #tpu.memory_space<hbm>>) dst(%arg12 : memref<128x128xf32, #tpu.memory_space<vmem>>)
    %run_scoped3A_300 = arith.constant 7 : i32
    "tpu.region"() ({
      %run_scoped3A_302 = tpu.sem_alloc : memref<!tpu.dma_semaphore, #tpu.memory_space<semaphore_mem>>
      %dma_start3A_303 = arith.constant 0 : i32
      %dma_start3A_304 = tpu.memref_slice %arg10[%run_scoped3A_300, %dma_start3A_303] : memref<8x128xi32, #tpu.memory_space<vmem>> -> memref<1x128xi32, #tpu.memory_space<vmem>>
      %dma_start3A_305 = tpu.memref_squeeze %dma_start3A_304 : memref<1x128xi32, #tpu.memory_space<vmem>> -> memref<128xi32, #tpu.memory_space<vmem>>
      %dma_start3A_306 = arith.constant 0 : i32
      %dma_start3A_307 = arith.constant 0 : i32
      %dma_start3A_308 = tpu.memref_slice %arg13[%dma_start3A_306, %dma_start3A_307] : memref<10240x128xf32, #tpu.memory_space<vmem_shared>> -> memref<10240x128xf32, #tpu.memory_space<vmem_shared>>
      tpu.enqueue_indirect_dma source(%arg12 : memref<128x128xf32, #tpu.memory_space<vmem>>) target(%dma_start3A_308 : memref<10240x128xf32, #tpu.memory_space<vmem_shared>>) offsets(%dma_start3A_305 : memref<128xi32, #tpu.memory_space<vmem>>) semaphore(%run_scoped3A_302 : memref<!tpu.dma_semaphore, #tpu.memory_space<semaphore_mem>>) {add = true}
      %dma_wait3A_309 = arith.constant 0 : i32
      %dma_wait3A_310 = tpu.memref_slice %arg10[%run_scoped3A_300, %dma_wait3A_309] : memref<8x128xi32, #tpu.memory_space<vmem>> -> memref<1x128xi32, #tpu.memory_space<vmem>>
      %dma_wait3A_311 = tpu.memref_squeeze %dma_wait3A_310 : memref<1x128xi32, #tpu.memory_space<vmem>> -> memref<128xi32, #tpu.memory_space<vmem>>
      %dma_wait3A_312 = arith.constant 0 : i32
      %dma_wait3A_313 = arith.constant 0 : i32
      %dma_wait3A_314 = tpu.memref_slice %arg13[%dma_wait3A_312, %dma_wait3A_313] : memref<10240x128xf32, #tpu.memory_space<vmem_shared>> -> memref<10240x128xf32, #tpu.memory_space<vmem_shared>>
      tpu.wait_indirect_dma semaphore(%run_scoped3A_302 : memref<!tpu.dma_semaphore, #tpu.memory_space<semaphore_mem>>) src(%arg12 : memref<128x128xf32, #tpu.memory_space<vmem>>) dst(%dma_wait3A_314 : memref<10240x128xf32, #tpu.memory_space<vmem_shared>>)
      tpu.yield
    }) : () -> ()
    %barrier3A_301 = arith.constant 0 : index
    tpu.barrier barrier_id(%barrier3A_301)
    "tpu.region"() ({
      %run_scoped3A_302 = tpu.sem_alloc : memref<!tpu.dma_semaphore, #tpu.memory_space<semaphore_mem>>
      %dma_start3A_303 = arith.constant 0 : i32
      %dma_start3A_304 = tpu.memref_slice %arg6[%arg0, %mul3A_2, %dma_start3A_303] : memref<2x10240x128xf32, #tpu.memory_space<hbm>> -> memref<1x640x128xf32, #tpu.memory_space<hbm>>
      %dma_start3A_305 = tpu.memref_squeeze %dma_start3A_304 : memref<1x640x128xf32, #tpu.memory_space<hbm>> -> memref<640x128xf32, #tpu.memory_space<hbm>>
      %dma_start3A_306 = arith.constant 0 : i32
      %dma_start3A_307 = tpu.memref_slice %arg13[%mul3A_2, %dma_start3A_306] : memref<10240x128xf32, #tpu.memory_space<vmem_shared>> -> memref<640x128xf32, #tpu.memory_space<vmem_shared>>
      tpu.enqueue_dma source(%dma_start3A_307 : memref<640x128xf32, #tpu.memory_space<vmem_shared>>) target(%dma_start3A_305 : memref<640x128xf32, #tpu.memory_space<hbm>>) target_semaphore(%run_scoped3A_302 : memref<!tpu.dma_semaphore, #tpu.memory_space<semaphore_mem>>)
      %dma_wait3A_308 = arith.constant 0 : i32
      %dma_wait3A_309 = tpu.memref_slice %arg6[%arg0, %mul3A_2, %dma_wait3A_308] : memref<2x10240x128xf32, #tpu.memory_space<hbm>> -> memref<1x640x128xf32, #tpu.memory_space<hbm>>
      %dma_wait3A_310 = tpu.memref_squeeze %dma_wait3A_309 : memref<1x640x128xf32, #tpu.memory_space<hbm>> -> memref<640x128xf32, #tpu.memory_space<hbm>>
      %dma_wait3A_311 = arith.constant 0 : i32
      %dma_wait3A_312 = tpu.memref_slice %arg13[%mul3A_2, %dma_wait3A_311] : memref<10240x128xf32, #tpu.memory_space<vmem_shared>> -> memref<640x128xf32, #tpu.memory_space<vmem_shared>>
      tpu.wait_dma2 semaphore(%run_scoped3A_302 : memref<!tpu.dma_semaphore, #tpu.memory_space<semaphore_mem>>) src(%dma_wait3A_312 : memref<640x128xf32, #tpu.memory_space<vmem_shared>>) dst(%dma_wait3A_310 : memref<640x128xf32, #tpu.memory_space<hbm>>)
      tpu.yield
    }) : () -> ()
    return
  }
}

module attributes {stable_mosaic.version = 14 : i64} {
  func.func @_mm1_body(%arg0: i32, %arg1: memref<2048x128xf32, #tpu.memory_space<vmem>>, %arg2: memref<128x128xf32, #tpu.memory_space<vmem>>, %arg3: memref<2x2048x1xf32, #tpu.memory_space<vmem>>, %arg4: memref<2048x128xf32, #tpu.memory_space<vmem>>) attributes {dimension_semantics = [#tpu.dimension_semantics<arbitrary>], iteration_bounds = array<i64: 5>, scalar_prefetch = 0 : i64, scratch_operands = 0 : i64, tpu.core_type = #tpu.core_type<tc>, window_params = [{transform_indices = @transform_0, window_bounds = array<i64: 2048, 128>}, {pipeline_mode = #tpu.pipeline_mode<synchronous>, transform_indices = @transform_1, window_bounds = array<i64: 128, 128>}, {transform_indices = @transform_2, window_bounds = array<i64: 2, 2048, 1>}, {transform_indices = @transform_3, window_bounds = array<i64: 2048, 128>}]} {
    %get3A = arith.constant 0 : index
    %get3A_0 = arith.constant 0 : index
    %get3A_1 = arith.constant 0 : index
    %get3A_2 = vector.load %arg3[%get3A, %get3A_0, %get3A_1] : memref<2x2048x1xf32, #tpu.memory_space<vmem>>, vector<1x2048x1xf32>
    %get3A_3 = vector.shape_cast %get3A_2 : vector<1x2048x1xf32> to vector<2048x1xf32>
    %get3A_4 = arith.constant 1 : index
    %get3A_5 = arith.constant 0 : index
    %get3A_6 = arith.constant 0 : index
    %get3A_7 = vector.load %arg3[%get3A_4, %get3A_5, %get3A_6] : memref<2x2048x1xf32, #tpu.memory_space<vmem>>, vector<1x2048x1xf32>
    %get3A_8 = vector.shape_cast %get3A_7 : vector<1x2048x1xf32> to vector<2048x1xf32>
    %add3A = arith.addf %get3A_3, %get3A_8 : vector<2048x1xf32>
    %gt3A = arith.constant 0.000000e+00 : f32
    %gt3A_9 = vector.broadcast %gt3A : f32 to vector<2048x1xf32>
    %gt3A_10 = arith.cmpf ogt, %add3A, %gt3A_9 : vector<2048x1xf32>
    %max3A = arith.constant 9.99999996E-13 : f32
    %max3A_11 = vector.broadcast %max3A : f32 to vector<2048x1xf32>
    %max3A_12 = arith.maximumf %add3A, %max3A_11 : vector<2048x1xf32>
    %rsqrt3A = math.rsqrt %max3A_12 : vector<2048x1xf32>
    %jit3A = arith.constant 0.000000e+00 : f32
    %broadcast_in_dim3A = vector.broadcast %jit3A : f32 to vector<2048x1xf32>
    %select_n3A = arith.select %gt3A_10, %rsqrt3A, %broadcast_in_dim3A : vector<2048x1xi1>, vector<2048x1xf32>
    %get3A_13 = arith.constant 0 : index
    %get3A_14 = arith.constant 0 : index
    %get3A_15 = vector.load %arg1[%get3A_13, %get3A_14] : memref<2048x128xf32, #tpu.memory_space<vmem>>, vector<2048x128xf32>
    %get3A_16 = arith.constant 0 : index
    %get3A_17 = arith.constant 0 : index
    %get3A_18 = vector.load %arg2[%get3A_16, %get3A_17] : memref<128x128xf32, #tpu.memory_space<vmem>>, vector<128x128xf32>
    %dot_general3A = arith.constant dense<0.000000e+00> : vector<2048x128xf32>
    %dot_general3A_19 = tpu.matmul %get3A_15, %get3A_18, %dot_general3A {dimension_numbers = #tpu.dot_dimension_numbers<[1], [0], [0], [1], [0, 0, 1, 1], [], []>, transpose_lhs_hint = false} : vector<2048x128xf32>, vector<128x128xf32>, vector<2048x128xf32> -> vector<2048x128xf32>
    %mul3A = vector.broadcast %select_n3A : vector<2048x1xf32> to vector<2048x128xf32>
    %mul3A_20 = arith.mulf %dot_general3A_19, %mul3A : vector<2048x128xf32>
    %swap3A = arith.constant 0 : index
    %swap3A_21 = arith.constant 0 : index
    %swap3A_22 = vector.load %arg4[%swap3A, %swap3A_21] : memref<2048x128xf32, #tpu.memory_space<vmem>>, vector<2048x128xf32>
    tpu.vector_store %arg4[%swap3A, %swap3A_21], %mul3A_20 {strides = array<i32>} : memref<2048x128xf32, #tpu.memory_space<vmem>>, vector<2048x128xf32>,
    return
  }
  func.func @transform_0(%arg0: i32) -> (i32, i32) {
    %c0_i32 = arith.constant 0 : i32
    %c0_i32_0 = arith.constant 0 : i32
    return %arg0, %c0_i32 : i32, i32
  }
  func.func @transform_1(%arg0: i32) -> (i32, i32) {
    %c0_i32 = arith.constant 0 : i32
    %c0_i32_0 = arith.constant 0 : i32
    %c0_i32_1 = arith.constant 0 : i32
    return %c0_i32, %c0_i32_0 : i32, i32
  }
  func.func @transform_2(%arg0: i32) -> (i32, i32, i32) {
    %c0_i32 = arith.constant 0 : i32
    %c0_i32_0 = arith.constant 0 : i32
    %c0_i32_1 = arith.constant 0 : i32
    return %c0_i32, %arg0, %c0_i32_0 : i32, i32, i32
  }
  func.func @transform_3(%arg0: i32) -> (i32, i32) {
    %c0_i32 = arith.constant 0 : i32
    %c0_i32_0 = arith.constant 0 : i32
    return %arg0, %c0_i32 : i32, i32
  }
}

module attributes {stable_mosaic.version = 14 : i64} {
  func.func @_fin_body(%arg0: i32, %arg1: memref<2x2048x128xf32, #tpu.memory_space<vmem>>, %arg2: memref<2x2048x1xf32, #tpu.memory_space<vmem>>, %arg3: memref<1x128xf32, #tpu.memory_space<vmem>>, %arg4: memref<2048x128xf32, #tpu.memory_space<vmem>>) attributes {dimension_semantics = [#tpu.dimension_semantics<arbitrary>], iteration_bounds = array<i64: 5>, scalar_prefetch = 0 : i64, scratch_operands = 0 : i64, tpu.core_type = #tpu.core_type<tc>, window_params = [{transform_indices = @transform_0, window_bounds = array<i64: 2, 2048, 128>}, {transform_indices = @transform_1, window_bounds = array<i64: 2, 2048, 1>}, {pipeline_mode = #tpu.pipeline_mode<synchronous>, transform_indices = @transform_2, window_bounds = array<i64: 1, 128>}, {transform_indices = @transform_3, window_bounds = array<i64: 2048, 128>}]} {
    %get3A = arith.constant 0 : index
    %get3A_0 = arith.constant 0 : index
    %get3A_1 = arith.constant 0 : index
    %get3A_2 = vector.load %arg2[%get3A, %get3A_0, %get3A_1] : memref<2x2048x1xf32, #tpu.memory_space<vmem>>, vector<1x2048x1xf32>
    %get3A_3 = vector.shape_cast %get3A_2 : vector<1x2048x1xf32> to vector<2048x1xf32>
    %get3A_4 = arith.constant 1 : index
    %get3A_5 = arith.constant 0 : index
    %get3A_6 = arith.constant 0 : index
    %get3A_7 = vector.load %arg2[%get3A_4, %get3A_5, %get3A_6] : memref<2x2048x1xf32, #tpu.memory_space<vmem>>, vector<1x2048x1xf32>
    %get3A_8 = vector.shape_cast %get3A_7 : vector<1x2048x1xf32> to vector<2048x1xf32>
    %add3A = arith.addf %get3A_3, %get3A_8 : vector<2048x1xf32>
    %gt3A = arith.constant 0.000000e+00 : f32
    %gt3A_9 = vector.broadcast %gt3A : f32 to vector<2048x1xf32>
    %gt3A_10 = arith.cmpf ogt, %add3A, %gt3A_9 : vector<2048x1xf32>
    %max3A = arith.constant 9.99999996E-13 : f32
    %max3A_11 = vector.broadcast %max3A : f32 to vector<2048x1xf32>
    %max3A_12 = arith.maximumf %add3A, %max3A_11 : vector<2048x1xf32>
    %rsqrt3A = math.rsqrt %max3A_12 : vector<2048x1xf32>
    %jit3A = arith.constant 0.000000e+00 : f32
    %broadcast_in_dim3A = vector.broadcast %jit3A : f32 to vector<2048x1xf32>
    %select_n3A = arith.select %gt3A_10, %rsqrt3A, %broadcast_in_dim3A : vector<2048x1xi1>, vector<2048x1xf32>
    %get3A_13 = arith.constant 0 : index
    %get3A_14 = arith.constant 0 : index
    %get3A_15 = arith.constant 0 : index
    %get3A_16 = vector.load %arg1[%get3A_13, %get3A_14, %get3A_15] : memref<2x2048x128xf32, #tpu.memory_space<vmem>>, vector<1x2048x128xf32>
    %get3A_17 = vector.shape_cast %get3A_16 : vector<1x2048x128xf32> to vector<2048x128xf32>
    %get3A_18 = arith.constant 1 : index
    %get3A_19 = arith.constant 0 : index
    %get3A_20 = arith.constant 0 : index
    %get3A_21 = vector.load %arg1[%get3A_18, %get3A_19, %get3A_20] : memref<2x2048x128xf32, #tpu.memory_space<vmem>>, vector<1x2048x128xf32>
    %get3A_22 = vector.shape_cast %get3A_21 : vector<1x2048x128xf32> to vector<2048x128xf32>
    %add3A_23 = arith.addf %get3A_17, %get3A_22 : vector<2048x128xf32>
    %mul3A = vector.broadcast %select_n3A : vector<2048x1xf32> to vector<2048x128xf32>
    %mul3A_24 = arith.mulf %add3A_23, %mul3A : vector<2048x128xf32>
    %get3A_25 = arith.constant 0 : index
    %get3A_26 = arith.constant 0 : index
    %get3A_27 = vector.load %arg3[%get3A_25, %get3A_26] : memref<1x128xf32, #tpu.memory_space<vmem>>, vector<1x128xf32>
    %add3A_28 = vector.broadcast %get3A_27 : vector<1x128xf32> to vector<2048x128xf32>
    %add3A_29 = arith.addf %mul3A_24, %add3A_28 : vector<2048x128xf32>
    %swap3A = arith.constant 0 : index
    %swap3A_30 = arith.constant 0 : index
    %swap3A_31 = vector.load %arg4[%swap3A, %swap3A_30] : memref<2048x128xf32, #tpu.memory_space<vmem>>, vector<2048x128xf32>
    tpu.vector_store %arg4[%swap3A, %swap3A_30], %add3A_29 {strides = array<i32>} : memref<2048x128xf32, #tpu.memory_space<vmem>>, vector<2048x128xf32>,
    return
  }
  func.func @transform_0(%arg0: i32) -> (i32, i32, i32) {
    %c0_i32 = arith.constant 0 : i32
    %c0_i32_0 = arith.constant 0 : i32
    %c0_i32_1 = arith.constant 0 : i32
    return %c0_i32, %arg0, %c0_i32_0 : i32, i32, i32
  }
  func.func @transform_1(%arg0: i32) -> (i32, i32, i32) {
    %c0_i32 = arith.constant 0 : i32
    %c0_i32_0 = arith.constant 0 : i32
    %c0_i32_1 = arith.constant 0 : i32
    return %c0_i32, %arg0, %c0_i32_0 : i32, i32, i32
  }
  func.func @transform_2(%arg0: i32) -> (i32, i32) {
    %c0_i32 = arith.constant 0 : i32
    %c0_i32_0 = arith.constant 0 : i32
    %c0_i32_1 = arith.constant 0 : i32
    return %c0_i32, %c0_i32_0 : i32, i32
  }
  func.func @transform_3(%arg0: i32) -> (i32, i32) {
    %c0_i32 = arith.constant 0 : i32
    %c0_i32_0 = arith.constant 0 : i32
    return %arg0, %c0_i32 : i32, i32
  }
}

module attributes {stable_mosaic.version = 14 : i64} {
  func.func @_mid_body(%arg0: i32, %arg1: memref<2x2048x128xf32, #tpu.memory_space<vmem>>, %arg2: memref<2x2048x1xf32, #tpu.memory_space<vmem>>, %arg3: memref<1x128xf32, #tpu.memory_space<vmem>>, %arg4: memref<128x128xf32, #tpu.memory_space<vmem>>, %arg5: memref<2048x128xf32, #tpu.memory_space<vmem>>) attributes {dimension_semantics = [#tpu.dimension_semantics<arbitrary>], iteration_bounds = array<i64: 5>, scalar_prefetch = 0 : i64, scratch_operands = 0 : i64, tpu.core_type = #tpu.core_type<tc>, window_params = [{transform_indices = @transform_0, window_bounds = array<i64: 2, 2048, 128>}, {transform_indices = @transform_1, window_bounds = array<i64: 2, 2048, 1>}, {pipeline_mode = #tpu.pipeline_mode<synchronous>, transform_indices = @transform_2, window_bounds = array<i64: 1, 128>}, {pipeline_mode = #tpu.pipeline_mode<synchronous>, transform_indices = @transform_3, window_bounds = array<i64: 128, 128>}, {transform_indices = @transform_4, window_bounds = array<i64: 2048, 128>}]} {
    %get3A = arith.constant 0 : index
    %get3A_0 = arith.constant 0 : index
    %get3A_1 = arith.constant 0 : index
    %get3A_2 = vector.load %arg2[%get3A, %get3A_0, %get3A_1] : memref<2x2048x1xf32, #tpu.memory_space<vmem>>, vector<1x2048x1xf32>
    %get3A_3 = vector.shape_cast %get3A_2 : vector<1x2048x1xf32> to vector<2048x1xf32>
    %get3A_4 = arith.constant 1 : index
    %get3A_5 = arith.constant 0 : index
    %get3A_6 = arith.constant 0 : index
    %get3A_7 = vector.load %arg2[%get3A_4, %get3A_5, %get3A_6] : memref<2x2048x1xf32, #tpu.memory_space<vmem>>, vector<1x2048x1xf32>
    %get3A_8 = vector.shape_cast %get3A_7 : vector<1x2048x1xf32> to vector<2048x1xf32>
    %add3A = arith.addf %get3A_3, %get3A_8 : vector<2048x1xf32>
    %gt3A = arith.constant 0.000000e+00 : f32
    %gt3A_9 = vector.broadcast %gt3A : f32 to vector<2048x1xf32>
    %gt3A_10 = arith.cmpf ogt, %add3A, %gt3A_9 : vector<2048x1xf32>
    %max3A = arith.constant 9.99999996E-13 : f32
    %max3A_11 = vector.broadcast %max3A : f32 to vector<2048x1xf32>
    %max3A_12 = arith.maximumf %add3A, %max3A_11 : vector<2048x1xf32>
    %rsqrt3A = math.rsqrt %max3A_12 : vector<2048x1xf32>
    %jit3A = arith.constant 0.000000e+00 : f32
    %broadcast_in_dim3A = vector.broadcast %jit3A : f32 to vector<2048x1xf32>
    %select_n3A = arith.select %gt3A_10, %rsqrt3A, %broadcast_in_dim3A : vector<2048x1xi1>, vector<2048x1xf32>
    %get3A_13 = arith.constant 0 : index
    %get3A_14 = arith.constant 0 : index
    %get3A_15 = arith.constant 0 : index
    %get3A_16 = vector.load %arg1[%get3A_13, %get3A_14, %get3A_15] : memref<2x2048x128xf32, #tpu.memory_space<vmem>>, vector<1x2048x128xf32>
    %get3A_17 = vector.shape_cast %get3A_16 : vector<1x2048x128xf32> to vector<2048x128xf32>
    %get3A_18 = arith.constant 1 : index
    %get3A_19 = arith.constant 0 : index
    %get3A_20 = arith.constant 0 : index
    %get3A_21 = vector.load %arg1[%get3A_18, %get3A_19, %get3A_20] : memref<2x2048x128xf32, #tpu.memory_space<vmem>>, vector<1x2048x128xf32>
    %get3A_22 = vector.shape_cast %get3A_21 : vector<1x2048x128xf32> to vector<2048x128xf32>
    %add3A_23 = arith.addf %get3A_17, %get3A_22 : vector<2048x128xf32>
    %mul3A = vector.broadcast %select_n3A : vector<2048x1xf32> to vector<2048x128xf32>
    %mul3A_24 = arith.mulf %add3A_23, %mul3A : vector<2048x128xf32>
    %get3A_25 = arith.constant 0 : index
    %get3A_26 = arith.constant 0 : index
    %get3A_27 = vector.load %arg3[%get3A_25, %get3A_26] : memref<1x128xf32, #tpu.memory_space<vmem>>, vector<1x128xf32>
    %add3A_28 = vector.broadcast %get3A_27 : vector<1x128xf32> to vector<2048x128xf32>
    %add3A_29 = arith.addf %mul3A_24, %add3A_28 : vector<2048x128xf32>
    %max3A_30 = arith.constant 0.000000e+00 : f32
    %max3A_31 = vector.broadcast %max3A_30 : f32 to vector<2048x128xf32>
    %max3A_32 = arith.maximumf %add3A_29, %max3A_31 : vector<2048x128xf32>
    %get3A_33 = arith.constant 0 : index
    %get3A_34 = arith.constant 0 : index
    %get3A_35 = vector.load %arg4[%get3A_33, %get3A_34] : memref<128x128xf32, #tpu.memory_space<vmem>>, vector<128x128xf32>
    %dot_general3A = arith.constant dense<0.000000e+00> : vector<2048x128xf32>
    %dot_general3A_36 = tpu.matmul %max3A_32, %get3A_35, %dot_general3A {dimension_numbers = #tpu.dot_dimension_numbers<[1], [0], [0], [1], [0, 0, 1, 1], [], []>, transpose_lhs_hint = false} : vector<2048x128xf32>, vector<128x128xf32>, vector<2048x128xf32> -> vector<2048x128xf32>
    %mul3A_37 = vector.broadcast %select_n3A : vector<2048x1xf32> to vector<2048x128xf32>
    %mul3A_38 = arith.mulf %dot_general3A_36, %mul3A_37 : vector<2048x128xf32>
    %swap3A = arith.constant 0 : index
    %swap3A_39 = arith.constant 0 : index
    %swap3A_40 = vector.load %arg5[%swap3A, %swap3A_39] : memref<2048x128xf32, #tpu.memory_space<vmem>>, vector<2048x128xf32>
    tpu.vector_store %arg5[%swap3A, %swap3A_39], %mul3A_38 {strides = array<i32>} : memref<2048x128xf32, #tpu.memory_space<vmem>>, vector<2048x128xf32>,
    return
  }
  func.func @transform_0(%arg0: i32) -> (i32, i32, i32) {
    %c0_i32 = arith.constant 0 : i32
    %c0_i32_0 = arith.constant 0 : i32
    %c0_i32_1 = arith.constant 0 : i32
    return %c0_i32, %arg0, %c0_i32_0 : i32, i32, i32
  }
  func.func @transform_1(%arg0: i32) -> (i32, i32, i32) {
    %c0_i32 = arith.constant 0 : i32
    %c0_i32_0 = arith.constant 0 : i32
    %c0_i32_1 = arith.constant 0 : i32
    return %c0_i32, %arg0, %c0_i32_0 : i32, i32, i32
  }
  func.func @transform_2(%arg0: i32) -> (i32, i32) {
    %c0_i32 = arith.constant 0 : i32
    %c0_i32_0 = arith.constant 0 : i32
    %c0_i32_1 = arith.constant 0 : i32
    return %c0_i32, %c0_i32_0 : i32, i32
  }
  func.func @transform_3(%arg0: i32) -> (i32, i32) {
    %c0_i32 = arith.constant 0 : i32
    %c0_i32_0 = arith.constant 0 : i32
    %c0_i32_1 = arith.constant 0 : i32
    return %c0_i32, %c0_i32_0 : i32, i32
  }
  func.func @transform_4(%arg0: i32) -> (i32, i32) {
    %c0_i32 = arith.constant 0 : i32
    %c0_i32_0 = arith.constant 0 : i32
    return %arg0, %c0_i32 : i32, i32
  }
}

</mosaic_0001>

<sc_bundles>
// kernel: kernel.11.cloned.1.call-start
scs
__scs_entry_jumppad:
0x0: {  	(pc) =	sbr.rel $0x88, $3  }
0x1: {  	(tag) =	ssettag $0x0;
	lr =	simm.s32 $0x1  }
0x2: {  	[smem:$0x3F9B] =	sst lr;
	_ =	strace $0xD0000000  }
0x3: {  	_ = 	snop  }
0x4: {  	_ = 	snop  }
0x5: {  	_ = 	snop  }
0x6: {  	_ = 	snop  }
0x7: {  	_ = 	snop  }
__scs_overlays_trampoline_lowered:
0x8: {  	[smem:$0x3FAA] =	sst s0  }
0x9: {  	[smem:$0x3FAB] =	sst s1  }
0xa: {  	[smem:$0x3FAC] =	sst s2  }
0xb: {  	[smem:$0x3FAD] =	sst s3  }
0xc: {  	[smem:$0x3FAE] =	sst s4  }
0xd: {  	[smem:$0x3FAF] =	sst s5  }
0xe: {  	[smem:$0x3FB0] =	sst s6  }
0xf: {  	[smem:$0x3FB1] =	sst s7  }
0x10: {  	[smem:$0x3FB2] =	sst s8  }
0x11: {  	[smem:$0x3FB3] =	sst s9;
	s0 =	simm.s32 @!p0 $0x0  }
0x12: {  	s1 =	sld [smem:$0x3F99];
	s0 =	simm.s32 @p0 $0x1  }
0x13: {  	[smem:$0x3FB4] =	sst s0;
	s0 =	simm.s32 @!p1 $0x0  }
0x14: {  	s2 =	sld [smem:$0x3F98];
	s0 =	simm.s32 @p1 $0x1  }
0x15: {  	[smem:$0x3FB5] =	sst s0;
	s0 =	simm.s32 @!p2 $0x0  }
0x16: {  	s3 =	sld [smem:$0x3FDB];
	s0 =	simm.s32 @p2 $0x1  }
0x17: {  	s4 =	simm.s32 $0x1BF5;
	[smem:$0x3FB7] =	sst s0  }
0x18: {  	s0 =	sld [smem:$0x3F9A];
	_ =	swait.ge [sflag:s4], $0x0  }
0x19: {  	s7 =	sld [smem:$0x3F9B]  }
0x1a: {  	s8 =	sadd.s32 $0xFFFFE003, lr  }
0x1b: {  	s9 =	sadd.s32 $0xFFFFFEF7, lr;
	s5 =	simm.s32 $0xFFFFFFFF;
	p2 =	slt.u32 s8, $0xFFFFF086  }
0x1c: {  	p1 =	slt.u32 s9, $0xF7A;
	s5 =	simm.s32 @!p2 $0x0  }
0x1d: {  	s5 =	simm.s32 @p1 $0x1;
	p0 =	seq.s32 s7, s2  }
0x1e: {  	s7 =	smul.u32 @!p0 $0xF7A, s2;
	p2 =	seq.s32 @!p0 s5, $0x0  }
0x1f: {  	s9 =	smul.u32 $0xF7A, s1;
	s8 =	simm.s32 @!p0 $0x1BF5;
	p2 =	por !p2, p0  }
0x20: {  	[sflag:s8] =	ssyncset.s32 @!p0 $0xFFFFF086;
	s6 =	sadd.s32 @!p0 s3, s7;
	s7 =	simm.s32 @!p0 $0x108  }
0x21: {  	s3 =	sadd.s32 s3, s9;
	s6 =	sadd.s32 @!p0 $0x88, s6;
	s7 =	simm.s32 @p2 $0x1082  }
0x22: {  	[simem:s7], [sflag:s8] =	dma.local @!p0 [hbm:s6], $0xF7A  }
0x23: {  	s9 =	sor.u32 $0xD0000000, s2;
	s6 =	simm.s32 $0x108;
	_ =	swait.ge @!p0 [sflag:s8], $0x0  }
0x24: {  	s3 =	sadd.s32 $0x88, s3;
	s6 =	simm.s32 @!p1 $0x1082;
	[sflag:s4] =	ssyncset.s32 $0xFFFFF086  }
0x25: {  	[simem:s6], [sflag:s4] =	dma.local [hbm:s3], $0xF7A  }
0x26: {  	[smem:$0x3F9B] =	sst s1;
	(tag) =	ssettag s2;
	_ =	strace s9  }
0x27: {  	s1 =	sld [smem:$0x3FAB]  }
0x28: {  	s2 =	sld [smem:$0x3FAC]  }
0x29: {  	s4 =	sld [smem:$0x3FAE]  }
0x2a: {  	p0 =	seq.s32 s5, $0x0;
	s5 =	sld [smem:$0x3FAF]  }
0x2b: {  	s6 =	sld [smem:$0x3FB0]  }
0x2c: {  	s7 =	sld [smem:$0x3FB1]  }
0x2d: {  	s3 =	simm.s32 $0x108;
	s8 =	sld [smem:$0x3FB2]  }
0x2e: {  	s3 =	simm.s32 @!p0 $0x1082;
	s9 =	sld [smem:$0x3FB3]  }
0x2f: {  	lr =	sadd.s32 s0, s3;
	s0 =	sld [smem:$0x3FAA]  }
0x30: {  	s3 =	sld [smem:$0x3FAD]  }
0x31: {  	[smem:$0x3FB6] =	sst s10  }
0x32: {  	s10 =	sld [smem:$0x3FB4];
	_ =	sdelay $0x3  }
0x33: {  	p0 =	seq.s32 s10, $0x1;
	s10 =	sld [smem:$0x3FB6];
	_ =	sdelay $0x3  }
0x34: {  	[smem:$0x3FB6] =	sst s10  }
0x35: {  	s10 =	sld [smem:$0x3FB5];
	_ =	sdelay $0x3  }
0x36: {  	p1 =	seq.s32 s10, $0x1;
	s10 =	sld [smem:$0x3FB6];
	_ =	sdelay $0x3  }
0x37: {  	[smem:$0x3FB6] =	sst s10  }
0x38: {  	s10 =	sld [smem:$0x3FB7]  }
0x39: {  	_ = 	snop;
	(pc) =	sbr.ind lr, $3  }
0x3a: {  	_ = 	snop  }
0x3b: {  	_ = 	snop  }
0x3c: {  	p2 =	seq.s32 s10, $0x1;
	s10 =	sld [smem:$0x3FB6]  }
0x3d: {  	_ =	shalt  }
0x3e: {  	_ =	shalt  }
0x3f: {  	_ =	shalt  }
0x40: {  	_ =	shalt  }
0x41: {  	_ =	shalt  }
0x42: {  	_ =	shalt  }
0x43: {  	_ =	shalt  }
0x44: {  	_ =	shalt  }
0x45: {  	_ =	shalt  }
0x46: {  	_ =	shalt  }
0x47: {  	_ =	shalt  }
0x48: {  	_ =	shalt  }
0x49: {  	_ =	shalt  }
0x4a: {  	_ =	shalt  }
0x4b: {  	_ =	shalt  }
0x4c: {  	_ =	shalt  }
0x4d: {  	_ =	shalt  }
0x4e: {  	_ =	shalt  }
0x4f: {  	_ =	shalt  }
0x50: {  	_ =	shalt  }
0x51: {  	_ =	shalt  }
0x52: {  	_ =	shalt  }
0x53: {  	_ =	shalt  }
0x54: {  	_ =	shalt  }
0x55: {  	_ =	shalt  }
0x56: {  	_ =	shalt  }
0x57: {  	_ =	shalt  }
0x58: {  	_ =	shalt  }
0x59: {  	_ =	shalt  }
0x5a: {  	_ =	shalt  }
0x5b: {  	_ =	shalt  }
0x5c: {  	_ =	shalt  }
0x5d: {  	_ =	shalt  }
0x5e: {  	_ =	shalt  }
0x5f: {  	_ =	shalt  }
0x60: {  	_ =	shalt  }
0x61: {  	_ =	shalt  }
0x62: {  	_ =	shalt  }
0x63: {  	_ =	shalt  }
0x64: {  	_ =	shalt  }
0x65: {  	_ =	shalt  }
0x66: {  	_ =	shalt  }
0x67: {  	_ =	shalt  }
0x68: {  	_ =	shalt  }
0x69: {  	_ =	shalt  }
0x6a: {  	_ =	shalt  }
0x6b: {  	_ =	shalt  }
0x6c: {  	_ =	shalt  }
0x6d: {  	_ =	shalt  }
0x6e: {  	_ =	shalt  }
0x6f: {  	_ =	shalt  }
0x70: {  	_ =	shalt  }
0x71: {  	_ =	shalt  }
0x72: {  	_ =	shalt  }
0x73: {  	_ =	shalt  }
0x74: {  	_ =	shalt  }
0x75: {  	_ =	shalt  }
0x76: {  	_ =	shalt  }
0x77: {  	_ =	shalt  }
0x78: {  	_ =	shalt  }
0x79: {  	_ =	shalt  }
0x7a: {  	_ =	shalt  }
0x7b: {  	_ =	shalt  }
0x7c: {  	_ =	shalt  }
0x7d: {  	_ =	shalt  }
0x7e: {  	_ =	shalt  }
0x7f: {  	_ =	shalt  }
0x80: {  	_ =	shalt  }
0x81: {  	_ =	shalt  }
0x82: {  	_ =	shalt  }
0x83: {  	_ =	shalt  }
0x84: {  	_ =	shalt  }
0x85: {  	_ =	shalt  }
0x86: {  	_ =	shalt  }
0x87: {  	_ =	shalt  }
.Lfunc_end0:
.L_simem_size_0:
called_computation.1_lowered:
.L_overlay_start_0:
0x88: {  	s2 =	sld [smem:$0x3FD9]  }
0x89: {  	s3 =	sld [smem:$0x3FFE];
	_ =	sdelay $0x1  }
0x8a: {  	s1 =	srdreg.scid  }
0x8b: {  	s0 =	sand.u32 $0x1, s1  }
0x8c: {  	s17 =	sshll.u32 s0, $0xA;
	s2 =	sadd.s32 s3, s2  }
0x8d: {  	s2 =	sadd.s32 s2, s17  }
0x8e: {  	[smem:$0x3FC2] =	sst s2  }
0x8f: {  	_ = 	snop  }
0x90: {  	s2 =	sld [smem:$0x3FD0];
	(tm) =	ssettm $0x1  }
0x91: {  	s18 =	sld [smem:$0x3FFB];
	_ =	sdelay $0x3  }
0x92: {  	_ =	strace s18  }
0x93: {  	s3 =	sld [smem:$0x3FFC];
	_ =	sdelay $0x3  }
0x94: {  	_ =	strace s3  }
0x95: {  	s3 =	sld [smem:$0x3FFD];
	_ =	sdelay $0x3  }
0x96: {  	_ =	strace s3  }
0x97: {  	_ =	strace $0x8FFFFFFF  }
0x98: {  	s19 =	sld [smem:$0x3FDB];
	_ =	sdelay $0x1  }
0x99: {  	s4 =	simm.s32 $_scs_section_size  }
0x9a: {  	s5 =	simm.s32 $_size__tile_overlayer_lowered;
	s6 =	simm.s32 $_tile_overlayer_lowered  }
0x9b: {  	s22 =	simm.s32 $0x1BFF;
	s21 =	sshll.u32 s6, $0x1;
	s3 =	sadd.s32 s4, s19  }
0x9c: {  	s7 =	simm.s32 $0x0;
	s20 =	sshll.u32 s5, $0x1;
	s5 =	sadd.s32 s21, s3  }
0x9d: {  	[timem:s7], [sflag:s22] =	dma.local [hbm:s5], s20  }
0x9e: {  	_ =	swait.ge [sflag:s22], s20  }
0x9f: {  	s4 =	ssub.s32 $0x0, s20;
	[sflag:s22] =	ssyncset.done $0x0  }
0xa0: {  	[sflag:s22] =	ssyncadd.s32 s4;
	_ =	sdelay $0x1  }
0xa1: {  	s23 =	simm.s32 $0x1B8B  }
0xa2: {  	_ =	swait.ge [sflag:s23], $0x1  }
0xa3: {  	[sflag:s23] =	ssyncset.done $0x0  }
0xa4: {  	s25 =	simm.s32 $0x1B8E;
	s24 =	sld [smem:$0x3FFE];
	[sflag:s23] =	ssyncadd.s32 $0xFFFFFFFF  }
0xa5: {  	s26 =	simm.s32 $execute0_lowered;
	[smem:$0x3FD2] =	sst s25  }
0xa6: {  	s5 =	sshll.u32 s26, $0x1;
	_ =	strace $0x80000049;
	[dreg:$0x1] =	wrdreg $0xFFFFFFFF  }
0xa7: {  	s28 =	simm.s32 $_size_execute0_lowered;
	s3 =	sadd.s32 s3, s5;
	[dreg:$0x0] =	wrdreg $0x0  }
0xa8: {  	s5 =	sshll.u32 s28, $0x1;
	[dreg:$0x2] =	wrdreg s3  }
0xa9: {  	[dreg:$0x3] =	wrdreg s5  }
0xaa: {  	[dreg:$0x4] =	wrdreg $0xC0  }
0xab: {  	_ =	task [dreg:s7], $0x5FFFF  }
0xac: {  	[dreg:$0x1] =	wrdreg $0xFFFFFFFF  }
0xad: {  	[dreg:$0x0] =	wrdreg $0x60  }
0xae: {  	[dreg:$0x2] =	wrdreg s24  }
0xaf: {  	[dreg:$0x3] =	wrdreg s2  }
0xb0: {  	[dreg:$0x4] =	wrdreg $0x90000  }
0xb1: {  	[dreg:$0x5] =	wrdreg $0x9  }
0xb2: {  	_ =	task.clear_ibuf [dreg:s7], $0x6FFFF;
	_ =	strace $0x90000049  }
0xb3: {  	s29 =	simm.s32 $0x9;
	_ =	strace $0x8000004B  }
0xb4: {  	_ =	swait.ge [sflag:s29], $0x1  }
0xb5: {  	[sflag:s29] =	ssyncadd.s32 $0xFFFFFFFF  }
0xb6: {  	_ =	strace $0x9000004B  }
0xb7: {  	_ =	sfence  }
0xb8: {  	s30 =	sld [smem:$0x0];
	_ =	sdelay $0x2  }
0xb9: {  	s31 =	sshll.u32 s1, $0xD;
	s1 =	sshrl.u32 s1, $0x2  }
0xba: {  	s3 =	sand.u32 $0x4000, s31;
	s1 =	sadd.s32 s1, s30  }
0xbb: {  	s0 =	sor.u32 s3, s0;
	s1 =	sshll.u32 s1, $0x11  }
0xbc: {  	s0 =	sor.u32 s1, s0  }
0xbd: {  	s0 =	sadd.s32 $0x8F2B, s0  }
0xbe: {  	[sflag:s0] =	ssyncadd.remote.s32 $0x1  }
0xbf: {  	_ =	sfence.sel $0xFFFF  }
0xc0: {  	[dreg:$0x0] =	wrdreg $0xFFFFFFFF;
	(pc) =	sbr.abs _section_cstart, $3  }
0xc1: {  	[dreg:$0x1] =	wrdreg $0xFFFFFFFF  }
0xc2: {  	_ =	task.clear_ibuf [dreg:s7], $0x2FFFF;
	_ =	strace $0x9FFFFFFF  }
0xc3: {  	(tm) =	ssettm $0x7FFFFFFF  }
tec
execute0_lowered:
.L_overlay_start_1:
0x0: {  	(tag) =	ssettag $0x1  }
0x1: {  	s0 =	rddreg [dreg:$0x0]  }
0x2: {  	s28 =	rddreg [dreg:$0x1]  }
0x3: {  	s3 =	rddreg [dreg:$0x2]  }
0x4: {  	s4 =	simm.s32 $0x0;
	s12 =	stileid.u32;
	s1 =	srdreg.scid  }
0x5: {  	s29 =	simm.s32 $0xD00;
	s30 =	simm.s32 $0xA00;
	s31 =	simm.s32 $0xD80  }
0x6: {  	[smem:$0x7FF] =	sst s4;
	s2 =	smul.u32 $0x14000, s12;
	s1 =	sand.u32 $0x1, s1  }
0x7: {  	s5 =	sadd.s32 $0x5C800, s0;
	s8 =	sshll.u32 s12, $0x1;
	s10 =	smul.u32 $0x50000, s12  }
0x8: {  	s6 =	sadd.s32 $0x2800, s0;
	s11 =	smul.u32 $0x5000, s12;
	s23 =	sshll.u32 s12, $0x6  }
0x9: {  	_ =	strace $0x8000004A;
	s7 =	smul.u32 $0x140000, s1;
	s8 =	sor.u32 s1, s8  }
0xa: {  	s15 =	ssub.s32 $0x2, s1;
	s1 =	smul.u32 $0x2800, s1;
	s12 =	sor.u32 $0x1C05, s23  }
0xb: {  	s23 =	simm.s32 $0x1000;
	s9 =	sshrl.u32 s2, $0x3;
	s14 =	smul.u32 $0x2800, s8  }
0xc: {  	s16 =	sshrl.u32 s15, $0x1;
	s20 =	sshrl.u32 s10, $0x2;
	s10 =	simm.s32 $0xF00  }
0xd: {  	[dreg:$0xb] =	wrdreg s12;
	s9 =	sadd.s32 s9, s0;
	s2 =	sadd.s32 s2, s7  }
0xe: {  	s1 =	sadd.s32 s1, s11;
	s21 =	sadd.s32 s20, s3;
	s20 =	simm.s32 $0x5  }
0xf: {  	s11 =	simm.s32 $0xF80;
	s2 =	sshrl.u32 s2, $0x3;
	s7 =	sshrl.u32 s14, $0x3  }
0x10: {  	s22 =	sadd.s32 $0xC00, s1;
	s9 =	sadd.s32 $0x84800, s9;
	s26 =	sadd.s32 $0x800, s1  }
0x11: {  	s13 =	sshrl.u32 s21, $0x3;
	s21 =	simm.s32 $0x1;
	s14 =	simm.s32 $0x2  }
0x12: {  	s0 =	sadd.s32 s2, s0;
	s2 =	ssub.s32 s15, s16;
	[dreg:$0xa] =	wrdreg s9  }
0x13: {  	s17 =	sadd.s32 s6, s7;
	s18 =	sadd.s32 s28, s7;
	[dreg:$0xe] =	wrdreg s26  }
0x14: {  	s7 =	sor.u32 $0x80, s7;
	s8 =	sshrl.u32 s22, $0x3;
	[dreg:$0xf] =	wrdreg s13  }
0x15: {  	s16 =	simm.s32 $0x400;
	s22 =	simm.s32 $0x80;
	[dreg:$0x6] =	wrdreg s17  }
0x16: {  	s26 =	simm.s32 $0x4;
	[dreg:$0x7] =	wrdreg s18;
	s19 =	sadd.s32 s6, s7  }
0x17: {  	s9 =	simm.s32 $0xB80;
	s7 =	sadd.s32 s28, s7;
	[dreg:$0x8] =	wrdreg s19  }
0x18: {  	s15 =	simm.s32 $0x0;
	s0 =	sadd.s32 $0xAC800, s0;
	[dreg:$0x9] =	wrdreg s7  }
0x19: {  	s24 =	sadd.s32 s8, s28;
	s2 =	smax.u32 s2, $0x1;
	[dreg:$0xc] =	wrdreg s0  }
0x1a: {  	s25 =	sadd.s32 s8, s6;
	s17 =	simm.s32 $0x800;
	[dreg:$0xd] =	wrdreg s2  }
0x1b: {  	s18 =	simm.s32 $0xC00;
	s8 =	simm.s32 $0xE80;
	[dreg:$0x4] =	wrdreg s24  }
0x1c: {  	[dreg:$0x5] =	wrdreg s25;
	s24 =	simm.s32 $0x3;
	s25 =	simm.s32 $0x5000  }
0x1d: {  	s0 =	simm.s32 $0xA80;
	s2 =	simm.s32 $0xE00;
	s7 =	simm.s32 $0xB00  }
.LBB2_1:
0x1e: {  	[dreg:$0x10] =	wrdreg s15  }
0x1f: {  	s1 =	rddreg [dreg:$0x6]  }
0x20: {  	s15 =	rddreg [dreg:$0x7]  }
0x21: {  	[tilespmem:s4], [sflag:$0x1] =	stream.linear.gather [hbm4b:s1+s4], $0x400, $0x38;
	[tilespmem:$0x1D000] =	vst v63  }
0x22: {  	s19 =	rddreg [dreg:$0x8]  }
0x23: {  	[tilespmem:s16], [sflag:$0x1] =	stream.linear.gather [hbm4b:s15+s4], $0x400, $0x38;
	[tilespmem:$0x1D000] =	vst v63  }
0x24: {  	s15 =	rddreg [dreg:$0x9]  }
0x25: {  	[tilespmem:s17], [sflag:$0x2] =	stream.linear.gather [hbm4b:s19+s4], $0x400, $0x38;
	[tilespmem:$0x1D000] =	vst v63  }
0x26: {  	s19 =	rddreg [dreg:$0xa]  }
0x27: {  	[tilespmem:s18], [sflag:$0x2] =	stream.linear.gather [hbm4b:s15+s4], $0x400, $0x38;
	[tilespmem:$0x1D000] =	vst v63  }
0x28: {  	[spmem:s13], [sflag:s12] =	dma.local [hbm:s19], $0x2800  }
0x29: {  	_ =	swait.ge [sflag:s20], $0x2800  }
0x2a: {  	[sflag:s20] =	ssyncset.done $0x0  }
0x2b: {  	[sflag:s20] =	ssyncadd.s32 $0xFFFFD800  }
0x2c: {  	[bflag:$0x0] =	sbarrier.arrive $0xFFFF  }
0x2d: {  	_ =	swait.ge [sflag:s21], $0x400  }
0x2e: {  	[sflag:s21] =	ssyncset.done $0x0  }
0x2f: {  	[sflag:s21] =	ssyncadd.s32 $0xFFFFFC00  }
0x30: {  	_ =	swait.ge [sflag:s21], $0x400  }
0x31: {  	[sflag:s21] =	ssyncset.done $0x0  }
0x32: {  	[sflag:s21] =	ssyncadd.s32 $0xFFFFFC00  }
0x33: {  	[tilespmem:s23], [sflag:$0x3] =	stream.indirect.gather [hbm4b:s5+s22], $0x80, s4, s22, $0xb8;
	[tilespmem:$0x1D000] =	vst v63  }
0x34: {  	_ =	swait.ge [sflag:s24], $0x4000  }
0x35: {  	[sflag:s24] =	ssyncset.done $0x0  }
0x36: {  	[sflag:s24] =	ssyncadd.s32 $0xFFFFC000  }
0x37: {  	[tilespmem:s25], [sflag:$0x4] =	stream.indirect.gather [hbm4b:s5+s22], $0x80, s22, s22, $0xb8;
	[tilespmem:$0x1D000] =	vst v63  }
0x38: {  	_ = 	snop  }
0x39: {  	[spmem:s3] =	stream.indirect.scatter.add.f32 [tilespmem:s23], [sflag:$0x5], $0x80, s16, s22, $0xb8;
	[tilespmem:$0x1D000] =	vst v63  }
0x3a: {  	_ =	swait.ge [sflag:s20], $0x4000  }
0x3b: {  	[sflag:s20] =	ssyncset.done $0x0  }
0x3c: {  	[sflag:s20] =	ssyncadd.s32 $0xFFFFC000  }
0x3d: {  	_ =	swait.ge [sflag:s26], $0x4000  }
0x3e: {  	[sflag:s26] =	ssyncset.done $0x0  }
0x3f: {  	s13 =	simm.s32 $0x100;
	[sflag:s26] =	ssyncadd.s32 $0xFFFFC000  }
0x40: {  	[tilespmem:s23], [sflag:$0x3] =	stream.indirect.gather [hbm4b:s5+s22], $0x80, s13, s22, $0xb8;
	[tilespmem:$0x1D000] =	vst v63  }
0x41: {  	s15 =	simm.s32 $0x480  }
0x42: {  	[spmem:s3] =	stream.indirect.scatter.add.f32 [tilespmem:s25], [sflag:$0x5], $0x80, s15, s22, $0xb8;
	[tilespmem:$0x1D000] =	vst v63  }
0x43: {  	_ =	swait.ge [sflag:s20], $0x4000  }
0x44: {  	[sflag:s20] =	ssyncset.done $0x0  }
0x45: {  	[sflag:s20] =	ssyncadd.s32 $0xFFFFC000  }
0x46: {  	_ =	swait.ge [sflag:s24], $0x4000  }
0x47: {  	[sflag:s24] =	ssyncset.done $0x0  }
0x48: {  	s19 =	simm.s32 $0x180;
	[sflag:s24] =	ssyncadd.s32 $0xFFFFC000  }
0x49: {  	[tilespmem:s25], [sflag:$0x4] =	stream.indirect.gather [hbm4b:s5+s22], $0x80, s19, s22, $0xb8;
	[tilespmem:$0x1D000] =	vst v63  }
0x4a: {  	s12 =	simm.s32 $0x500  }
0x4b: {  	[spmem:s3] =	stream.indirect.scatter.add.f32 [tilespmem:s23], [sflag:$0x5], $0x80, s12, s22, $0xb8;
	[tilespmem:$0x1D000] =	vst v63  }
0x4c: {  	_ =	swait.ge [sflag:s20], $0x4000  }
0x4d: {  	[sflag:s20] =	ssyncset.done $0x0  }
0x4e: {  	[sflag:s20] =	ssyncadd.s32 $0xFFFFC000  }
0x4f: {  	_ =	swait.ge [sflag:s26], $0x4000  }
0x50: {  	[sflag:s26] =	ssyncset.done $0x0  }
0x51: {  	s13 =	simm.s32 $0x200;
	[sflag:s26] =	ssyncadd.s32 $0xFFFFC000  }
0x52: {  	[tilespmem:s23], [sflag:$0x3] =	stream.indirect.gather [hbm4b:s5+s22], $0x80, s13, s22, $0xb8;
	[tilespmem:$0x1D000] =	vst v63  }
0x53: {  	s15 =	simm.s32 $0x580  }
0x54: {  	[spmem:s3] =	stream.indirect.scatter.add.f32 [tilespmem:s25], [sflag:$0x5], $0x80, s15, s22, $0xb8;
	[tilespmem:$0x1D000] =	vst v63  }
0x55: {  	_ =	swait.ge [sflag:s20], $0x4000  }
0x56: {  	[sflag:s20] =	ssyncset.done $0x0  }
0x57: {  	[sflag:s20] =	ssyncadd.s32 $0xFFFFC000  }
0x58: {  	_ =	swait.ge [sflag:s24], $0x4000  }
0x59: {  	[sflag:s24] =	ssyncset.done $0x0  }
0x5a: {  	s19 =	simm.s32 $0x280;
	[sflag:s24] =	ssyncadd.s32 $0xFFFFC000  }
0x5b: {  	[tilespmem:s25], [sflag:$0x4] =	stream.indirect.gather [hbm4b:s5+s22], $0x80, s19, s22, $0xb8;
	[tilespmem:$0x1D000] =	vst v63  }
0x5c: {  	s12 =	simm.s32 $0x600  }
0x5d: {  	[spmem:s3] =	stream.indirect.scatter.add.f32 [tilespmem:s23], [sflag:$0x5], $0x80, s12, s22, $0xb8;
	[tilespmem:$0x1D000] =	vst v63  }
0x5e: {  	_ =	swait.ge [sflag:s20], $0x4000  }
0x5f: {  	[sflag:s20] =	ssyncset.done $0x0  }
0x60: {  	[sflag:s20] =	ssyncadd.s32 $0xFFFFC000  }
0x61: {  	_ =	swait.ge [sflag:s26], $0x4000  }
0x62: {  	[sflag:s26] =	ssyncset.done $0x0  }
0x63: {  	s13 =	simm.s32 $0x300;
	[sflag:s26] =	ssyncadd.s32 $0xFFFFC000  }
0x64: {  	[tilespmem:s23], [sflag:$0x3] =	stream.indirect.gather [hbm4b:s5+s22], $0x80, s13, s22, $0xb8;
	[tilespmem:$0x1D000] =	vst v63  }
0x65: {  	s15 =	simm.s32 $0x680  }
0x66: {  	[spmem:s3] =	stream.indirect.scatter.add.f32 [tilespmem:s25], [sflag:$0x5], $0x80, s15, s22, $0xb8;
	[tilespmem:$0x1D000] =	vst v63  }
0x67: {  	_ =	swait.ge [sflag:s20], $0x4000  }
0x68: {  	[sflag:s20] =	ssyncset.done $0x0  }
0x69: {  	[sflag:s20] =	ssyncadd.s32 $0xFFFFC000  }
0x6a: {  	_ =	swait.ge [sflag:s24], $0x4000  }
0x6b: {  	[sflag:s24] =	ssyncset.done $0x0  }
0x6c: {  	s19 =	simm.s32 $0x380;
	[sflag:s24] =	ssyncadd.s32 $0xFFFFC000  }
0x6d: {  	[tilespmem:s25], [sflag:$0x4] =	stream.indirect.gather [hbm4b:s5+s22], $0x80, s19, s22, $0xb8;
	[tilespmem:$0x1D000] =	vst v63  }
0x6e: {  	s12 =	simm.s32 $0x700  }
0x6f: {  	[spmem:s3] =	stream.indirect.scatter.add.f32 [tilespmem:s23], [sflag:$0x5], $0x80, s12, s22, $0xb8;
	[tilespmem:$0x1D000] =	vst v63  }
0x70: {  	_ =	swait.ge [sflag:s20], $0x4000  }
0x71: {  	[sflag:s20] =	ssyncset.done $0x0  }
0x72: {  	[sflag:s20] =	ssyncadd.s32 $0xFFFFC000  }
0x73: {  	_ =	swait.ge [sflag:s26], $0x4000  }
0x74: {  	[sflag:s26] =	ssyncset.done $0x0  }
0x75: {  	[sflag:s26] =	ssyncadd.s32 $0xFFFFC000  }
0x76: {  	_ =	swait.ge [sflag:s14], $0x400  }
0x77: {  	[sflag:s14] =	ssyncset.done $0x0  }
0x78: {  	[sflag:s14] =	ssyncadd.s32 $0xFFFFFC00  }
0x79: {  	_ =	swait.ge [sflag:s14], $0x400  }
0x7a: {  	[sflag:s14] =	ssyncset.done $0x0  }
0x7b: {  	[sflag:s14] =	ssyncadd.s32 $0xFFFFFC00  }
0x7c: {  	[tilespmem:s23], [sflag:$0x3] =	stream.indirect.gather [hbm4b:s5+s22], $0x80, s17, s22, $0xb8;
	[tilespmem:$0x1D000] =	vst v63  }
0x7d: {  	s13 =	simm.s32 $0x780  }
0x7e: {  	[spmem:s3] =	stream.indirect.scatter.add.f32 [tilespmem:s25], [sflag:$0x5], $0x80, s13, s22, $0xb8;
	[tilespmem:$0x1D000] =	vst v63  }
0x7f: {  	_ =	swait.ge [sflag:s20], $0x4000  }
0x80: {  	s1 =	rddreg [dreg:$0xe]  }
0x81: {  	[sflag:s20] =	ssyncset.done $0x0;
	s15 =	sshrl.u32 s1, $0x3  }
0x82: {  	[sflag:s20] =	ssyncadd.s32 $0xFFFFC000;
	s19 =	sadd.s32 s6, s15  }
0x83: {  	[tilespmem:s4], [sflag:$0x1] =	stream.linear.gather [hbm4b:s19+s4], $0x400, $0x38;
	[tilespmem:$0x1D000] =	vst v63  }
0x84: {  	s12 =	sadd.s32 s28, s15  }
0x85: {  	[tilespmem:s16], [sflag:$0x1] =	stream.linear.gather [hbm4b:s12+s4], $0x400, $0x38;
	[tilespmem:$0x1D000] =	vst v63  }
0x86: {  	_ =	swait.ge [sflag:s24], $0x4000  }
0x87: {  	[sflag:s24] =	ssyncset.done $0x0  }
0x88: {  	s13 =	simm.s32 $0x880;
	[sflag:s24] =	ssyncadd.s32 $0xFFFFC000  }
0x89: {  	[tilespmem:s25], [sflag:$0x4] =	stream.indirect.gather [hbm4b:s5+s22], $0x80, s13, s22, $0xb8;
	[tilespmem:$0x1D000] =	vst v63  }
0x8a: {  	_ = 	snop  }
0x8b: {  	[spmem:s3] =	stream.indirect.scatter.add.f32 [tilespmem:s23], [sflag:$0x5], $0x80, s18, s22, $0xb8;
	[tilespmem:$0x1D000] =	vst v63  }
0x8c: {  	_ =	swait.ge [sflag:s20], $0x4000  }
0x8d: {  	[sflag:s20] =	ssyncset.done $0x0  }
0x8e: {  	[sflag:s20] =	ssyncadd.s32 $0xFFFFC000  }
0x8f: {  	_ =	swait.ge [sflag:s26], $0x4000  }
0x90: {  	[sflag:s26] =	ssyncset.done $0x0  }
0x91: {  	s15 =	simm.s32 $0x900;
	[sflag:s26] =	ssyncadd.s32 $0xFFFFC000  }
0x92: {  	[tilespmem:s23], [sflag:$0x3] =	stream.indirect.gather [hbm4b:s5+s22], $0x80, s15, s22, $0xb8;
	[tilespmem:$0x1D000] =	vst v63  }
0x93: {  	s19 =	simm.s32 $0xC80  }
0x94: {  	[spmem:s3] =	stream.indirect.scatter.add.f32 [tilespmem:s25], [sflag:$0x5], $0x80, s19, s22, $0xb8;
	[tilespmem:$0x1D000] =	vst v63  }
0x95: {  	_ =	swait.ge [sflag:s20], $0x4000  }
0x96: {  	[sflag:s20] =	ssyncset.done $0x0  }
0x97: {  	[sflag:s20] =	ssyncadd.s32 $0xFFFFC000  }
0x98: {  	_ =	swait.ge [sflag:s24], $0x4000  }
0x99: {  	[sflag:s24] =	ssyncset.done $0x0  }
0x9a: {  	s13 =	simm.s32 $0x980;
	[sflag:s24] =	ssyncadd.s32 $0xFFFFC000  }
0x9b: {  	[tilespmem:s25], [sflag:$0x4] =	stream.indirect.gather [hbm4b:s5+s22], $0x80, s13, s22, $0xb8;
	[tilespmem:$0x1D000] =	vst v63  }
0x9c: {  	_ = 	snop  }
0x9d: {  	[spmem:s3] =	stream.indirect.scatter.add.f32 [tilespmem:s23], [sflag:$0x5], $0x80, s29, s22, $0xb8;
	[tilespmem:$0x1D000] =	vst v63  }
0x9e: {  	_ =	swait.ge [sflag:s20], $0x4000  }
0x9f: {  	[sflag:s20] =	ssyncset.done $0x0  }
0xa0: {  	[sflag:s20] =	ssyncadd.s32 $0xFFFFC000  }
0xa1: {  	_ =	swait.ge [sflag:s26], $0x4000  }
0xa2: {  	[sflag:s26] =	ssyncset.done $0x0  }
0xa3: {  	[sflag:s26] =	ssyncadd.s32 $0xFFFFC000  }
0xa4: {  	[tilespmem:s23], [sflag:$0x3] =	stream.indirect.gather [hbm4b:s5+s22], $0x80, s30, s22, $0xb8;
	[tilespmem:$0x1D000] =	vst v63  }
0xa5: {  	_ = 	snop  }
0xa6: {  	[spmem:s3] =	stream.indirect.scatter.add.f32 [tilespmem:s25], [sflag:$0x5], $0x80, s31, s22, $0xb8;
	[tilespmem:$0x1D000] =	vst v63  }
0xa7: {  	_ =	swait.ge [sflag:s20], $0x4000  }
0xa8: {  	[sflag:s20] =	ssyncset.done $0x0  }
0xa9: {  	[sflag:s20] =	ssyncadd.s32 $0xFFFFC000  }
0xaa: {  	_ =	swait.ge [sflag:s24], $0x4000  }
0xab: {  	[sflag:s24] =	ssyncset.done $0x0  }
0xac: {  	[sflag:s24] =	ssyncadd.s32 $0xFFFFC000  }
0xad: {  	[tilespmem:s25], [sflag:$0x4] =	stream.indirect.gather [hbm4b:s5+s22], $0x80, s0, s22, $0xb8;
	[tilespmem:$0x1D000] =	vst v63  }
0xae: {  	_ = 	snop  }
0xaf: {  	[spmem:s3] =	stream.indirect.scatter.add.f32 [tilespmem:s23], [sflag:$0x5], $0x80, s2, s22, $0xb8;
	[tilespmem:$0x1D000] =	vst v63  }
0xb0: {  	_ =	swait.ge [sflag:s20], $0x4000  }
0xb1: {  	[sflag:s20] =	ssyncset.done $0x0  }
0xb2: {  	[sflag:s20] =	ssyncadd.s32 $0xFFFFC000  }
0xb3: {  	_ =	swait.ge [sflag:s26], $0x4000  }
0xb4: {  	[sflag:s26] =	ssyncset.done $0x0  }
0xb5: {  	[sflag:s26] =	ssyncadd.s32 $0xFFFFC000  }
0xb6: {  	[tilespmem:s23], [sflag:$0x3] =	stream.indirect.gather [hbm4b:s5+s22], $0x80, s7, s22, $0xb8;
	[tilespmem:$0x1D000] =	vst v63  }
0xb7: {  	_ = 	snop  }
0xb8: {  	[spmem:s3] =	stream.indirect.scatter.add.f32 [tilespmem:s25], [sflag:$0x5], $0x80, s8, s22, $0xb8;
	[tilespmem:$0x1D000] =	vst v63  }
0xb9: {  	_ =	swait.ge [sflag:s20], $0x4000  }
0xba: {  	[sflag:s20] =	ssyncset.done $0x0  }
0xbb: {  	[sflag:s20] =	ssyncadd.s32 $0xFFFFC000  }
0xbc: {  	_ =	swait.ge [sflag:s24], $0x4000  }
0xbd: {  	[sflag:s24] =	ssyncset.done $0x0  }
0xbe: {  	[sflag:s24] =	ssyncadd.s32 $0xFFFFC000  }
0xbf: {  	[tilespmem:s25], [sflag:$0x4] =	stream.indirect.gather [hbm4b:s5+s22], $0x80, s9, s22, $0xb8;
	[tilespmem:$0x1D000] =	vst v63  }
0xc0: {  	_ = 	snop  }
0xc1: {  	[spmem:s3] =	stream.indirect.scatter.add.f32 [tilespmem:s23], [sflag:$0x5], $0x80, s10, s22, $0xb8;
	[tilespmem:$0x1D000] =	vst v63  }
0xc2: {  	_ =	swait.ge [sflag:s20], $0x4000  }
0xc3: {  	[sflag:s20] =	ssyncset.done $0x0  }
0xc4: {  	[sflag:s20] =	ssyncadd.s32 $0xFFFFC000  }
0xc5: {  	_ =	swait.ge [sflag:s26], $0x4000  }
0xc6: {  	[sflag:s26] =	ssyncset.done $0x0  }
0xc7: {  	[sflag:s26] =	ssyncadd.s32 $0xFFFFC000  }
0xc8: {  	_ =	swait.ge [sflag:s21], $0x400  }
0xc9: {  	[sflag:s21] =	ssyncset.done $0x0  }
0xca: {  	[sflag:s21] =	ssyncadd.s32 $0xFFFFFC00  }
0xcb: {  	_ =	swait.ge [sflag:s21], $0x400  }
0xcc: {  	[sflag:s21] =	ssyncset.done $0x0  }
0xcd: {  	[sflag:s21] =	ssyncadd.s32 $0xFFFFFC00  }
0xce: {  	[tilespmem:s23], [sflag:$0x3] =	stream.indirect.gather [hbm4b:s5+s22], $0x80, s4, s22, $0xb8;
	[tilespmem:$0x1D000] =	vst v63  }
0xcf: {  	_ = 	snop  }
0xd0: {  	[spmem:s3] =	stream.indirect.scatter.add.f32 [tilespmem:s25], [sflag:$0x5], $0x80, s11, s22, $0xb8;
	[tilespmem:$0x1D000] =	vst v63  }
0xd1: {  	_ =	swait.ge [sflag:s20], $0x4000  }
0xd2: {  	s15 =	rddreg [dreg:$0x5];
	[sflag:s20] =	ssyncset.done $0x0  }
0xd3: {  	s19 =	rddreg [dreg:$0x4];
	[sflag:s20] =	ssyncadd.s32 $0xFFFFC000;
	s12 =	sadd.s32 $0x0, s15  }
0xd4: {  	[tilespmem:s17], [sflag:$0x2] =	stream.linear.gather [hbm4b:s12+s4], $0x400, $0x38;
	[tilespmem:$0x1D000] =	vst v63  }
0xd5: {  	s13 =	simm.s32 $0x100;
	s15 =	sadd.s32 $0x0, s19;
	s12 =	sadd.s32 $0x800, s1  }
.LBB2_2:
0xd6: {  	[tilespmem:s18], [sflag:$0x2] =	stream.linear.gather [hbm4b:s15+s4], $0x400, $0x38;
	[tilespmem:$0x1D000] =	vst v63  }
0xd7: {  	_ =	swait.ge [sflag:s24], $0x4000  }
0xd8: {  	[sflag:s24] =	ssyncset.done $0x0  }
0xd9: {  	[sflag:s24] =	ssyncadd.s32 $0xFFFFC000  }
0xda: {  	[tilespmem:s25], [sflag:$0x4] =	stream.indirect.gather [hbm4b:s5+s22], $0x80, s22, s22, $0xb8;
	[tilespmem:$0x1D000] =	vst v63  }
0xdb: {  	_ = 	snop  }
0xdc: {  	[spmem:s3] =	stream.indirect.scatter.add.f32 [tilespmem:s23], [sflag:$0x5], $0x80, s16, s22, $0xb8;
	[tilespmem:$0x1D000] =	vst v63  }
0xdd: {  	_ =	swait.ge [sflag:s20], $0x4000  }
0xde: {  	[sflag:s20] =	ssyncset.done $0x0  }
0xdf: {  	[sflag:s20] =	ssyncadd.s32 $0xFFFFC000  }
0xe0: {  	_ =	swait.ge [sflag:s26], $0x4000  }
0xe1: {  	[sflag:s26] =	ssyncset.done $0x0  }
0xe2: {  	s1 =	simm.s32 $0x100;
	[sflag:s26] =	ssyncadd.s32 $0xFFFFC000  }
0xe3: {  	[tilespmem:s23], [sflag:$0x3] =	stream.indirect.gather [hbm4b:s5+s22], $0x80, s1, s22, $0xb8;
	[tilespmem:$0x1D000] =	vst v63  }
0xe4: {  	s19 =	simm.s32 $0x480  }
0xe5: {  	[spmem:s3] =	stream.indirect.scatter.add.f32 [tilespmem:s25], [sflag:$0x5], $0x80, s19, s22, $0xb8;
	[tilespmem:$0x1D000] =	vst v63  }
0xe6: {  	_ =	swait.ge [sflag:s20], $0x4000  }
0xe7: {  	[sflag:s20] =	ssyncset.done $0x0  }
0xe8: {  	[sflag:s20] =	ssyncadd.s32 $0xFFFFC000  }
0xe9: {  	_ =	swait.ge [sflag:s24], $0x4000  }
0xea: {  	[sflag:s24] =	ssyncset.done $0x0  }
0xeb: {  	s19 =	simm.s32 $0x180;
	[sflag:s24] =	ssyncadd.s32 $0xFFFFC000  }
0xec: {  	[tilespmem:s25], [sflag:$0x4] =	stream.indirect.gather [hbm4b:s5+s22], $0x80, s19, s22, $0xb8;
	[tilespmem:$0x1D000] =	vst v63  }
0xed: {  	s19 =	simm.s32 $0x500  }
0xee: {  	[spmem:s3] =	stream.indirect.scatter.add.f32 [tilespmem:s23], [sflag:$0x5], $0x80, s19, s22, $0xb8;
	[tilespmem:$0x1D000] =	vst v63  }
0xef: {  	_ =	swait.ge [sflag:s20], $0x4000  }
0xf0: {  	[sflag:s20] =	ssyncset.done $0x0  }
0xf1: {  	[sflag:s20] =	ssyncadd.s32 $0xFFFFC000  }
0xf2: {  	_ =	swait.ge [sflag:s26], $0x4000  }
0xf3: {  	[sflag:s26] =	ssyncset.done $0x0  }
0xf4: {  	s19 =	simm.s32 $0x200;
	[sflag:s26] =	ssyncadd.s32 $0xFFFFC000  }
0xf5: {  	[tilespmem:s23], [sflag:$0x3] =	stream.indirect.gather [hbm4b:s5+s22], $0x80, s19, s22, $0xb8;
	[tilespmem:$0x1D000] =	vst v63  }
0xf6: {  	s19 =	simm.s32 $0x580  }
0xf7: {  	[spmem:s3] =	stream.indirect.scatter.add.f32 [tilespmem:s25], [sflag:$0x5], $0x80, s19, s22, $0xb8;
	[tilespmem:$0x1D000] =	vst v63  }
0xf8: {  	_ =	swait.ge [sflag:s20], $0x4000  }
0xf9: {  	[sflag:s20] =	ssyncset.done $0x0  }
0xfa: {  	[sflag:s20] =	ssyncadd.s32 $0xFFFFC000  }
0xfb: {  	_ =	swait.ge [sflag:s24], $0x4000  }
0xfc: {  	[sflag:s24] =	ssyncset.done $0x0  }
0xfd: {  	s19 =	simm.s32 $0x280;
	[sflag:s24] =	ssyncadd.s32 $0xFFFFC000  }
0xfe: {  	[tilespmem:s25], [sflag:$0x4] =	stream.indirect.gather [hbm4b:s5+s22], $0x80, s19, s22, $0xb8;
	[tilespmem:$0x1D000] =	vst v63  }
0xff: {  	s19 =	simm.s32 $0x600  }
0x100: {  	[spmem:s3] =	stream.indirect.scatter.add.f32 [tilespmem:s23], [sflag:$0x5], $0x80, s19, s22, $0xb8;
	[tilespmem:$0x1D000] =	vst v63  }
0x101: {  	_ =	swait.ge [sflag:s20], $0x4000  }
0x102: {  	[sflag:s20] =	ssyncset.done $0x0  }
0x103: {  	[sflag:s20] =	ssyncadd.s32 $0xFFFFC000  }
0x104: {  	_ =	swait.ge [sflag:s26], $0x4000  }
0x105: {  	[sflag:s26] =	ssyncset.done $0x0  }
0x106: {  	s19 =	simm.s32 $0x300;
	[sflag:s26] =	ssyncadd.s32 $0xFFFFC000  }
0x107: {  	[tilespmem:s23], [sflag:$0x3] =	stream.indirect.gather [hbm4b:s5+s22], $0x80, s19, s22, $0xb8;
	[tilespmem:$0x1D000] =	vst v63  }
0x108: {  	s19 =	simm.s32 $0x680  }
0x109: {  	[spmem:s3] =	stream.indirect.scatter.add.f32 [tilespmem:s25], [sflag:$0x5], $0x80, s19, s22, $0xb8;
	[tilespmem:$0x1D000] =	vst v63  }
0x10a: {  	_ =	swait.ge [sflag:s20], $0x4000  }
0x10b: {  	[sflag:s20] =	ssyncset.done $0x0  }
0x10c: {  	[sflag:s20] =	ssyncadd.s32 $0xFFFFC000  }
0x10d: {  	_ =	swait.ge [sflag:s24], $0x4000  }
0x10e: {  	[sflag:s24] =	ssyncset.done $0x0  }
0x10f: {  	s19 =	simm.s32 $0x380;
	[sflag:s24] =	ssyncadd.s32 $0xFFFFC000  }
0x110: {  	[tilespmem:s25], [sflag:$0x4] =	stream.indirect.gather [hbm4b:s5+s22], $0x80, s19, s22, $0xb8;
	[tilespmem:$0x1D000] =	vst v63  }
0x111: {  	s19 =	simm.s32 $0x700  }
0x112: {  	[spmem:s3] =	stream.indirect.scatter.add.f32 [tilespmem:s23], [sflag:$0x5], $0x80, s19, s22, $0xb8;
	[tilespmem:$0x1D000] =	vst v63  }
0x113: {  	_ =	swait.ge [sflag:s20], $0x4000  }
0x114: {  	[sflag:s20] =	ssyncset.done $0x0  }
0x115: {  	[sflag:s20] =	ssyncadd.s32 $0xFFFFC000  }
0x116: {  	_ =	swait.ge [sflag:s26], $0x4000  }
0x117: {  	[sflag:s26] =	ssyncset.done $0x0  }
0x118: {  	[sflag:s26] =	ssyncadd.s32 $0xFFFFC000  }
0x119: {  	_ =	swait.ge [sflag:s14], $0x400  }
0x11a: {  	[sflag:s14] =	ssyncset.done $0x0  }
0x11b: {  	[sflag:s14] =	ssyncadd.s32 $0xFFFFFC00  }
0x11c: {  	_ =	swait.ge [sflag:s14], $0x400  }
0x11d: {  	[sflag:s14] =	ssyncset.done $0x0  }
0x11e: {  	[sflag:s14] =	ssyncadd.s32 $0xFFFFFC00  }
0x11f: {  	[tilespmem:s23], [sflag:$0x3] =	stream.indirect.gather [hbm4b:s5+s22], $0x80, s17, s22, $0xb8;
	[tilespmem:$0x1D000] =	vst v63  }
0x120: {  	s19 =	simm.s32 $0x780  }
0x121: {  	[spmem:s3] =	stream.indirect.scatter.add.f32 [tilespmem:s25], [sflag:$0x5], $0x80, s19, s22, $0xb8;
	[tilespmem:$0x1D000] =	vst v63  }
0x122: {  	_ =	swait.ge [sflag:s20], $0x4000  }
0x123: {  	s19 =	sshrl.u32 s12, $0x3;
	[sflag:s20] =	ssyncset.done $0x0  }
0x124: {  	s1 =	sadd.s32 s6, s19;
	[sflag:s20] =	ssyncadd.s32 $0xFFFFC000  }
0x125: {  	[tilespmem:s4], [sflag:$0x1] =	stream.linear.gather [hbm4b:s1+s4], $0x400, $0x38;
	[tilespmem:$0x1D000] =	vst v63  }
0x126: {  	s19 =	sadd.s32 s28, s19  }
0x127: {  	[tilespmem:s16], [sflag:$0x1] =	stream.linear.gather [hbm4b:s19+s4], $0x400, $0x38;
	[tilespmem:$0x1D000] =	vst v63  }
0x128: {  	_ =	swait.ge [sflag:s24], $0x4000  }
0x129: {  	[sflag:s24] =	ssyncset.done $0x0  }
0x12a: {  	s19 =	simm.s32 $0x880;
	[sflag:s24] =	ssyncadd.s32 $0xFFFFC000  }
0x12b: {  	[tilespmem:s25], [sflag:$0x4] =	stream.indirect.gather [hbm4b:s5+s22], $0x80, s19, s22, $0xb8;
	[tilespmem:$0x1D000] =	vst v63  }
0x12c: {  	_ = 	snop  }
0x12d: {  	[spmem:s3] =	stream.indirect.scatter.add.f32 [tilespmem:s23], [sflag:$0x5], $0x80, s18, s22, $0xb8;
	[tilespmem:$0x1D000] =	vst v63  }
0x12e: {  	_ =	swait.ge [sflag:s20], $0x4000  }
0x12f: {  	[sflag:s20] =	ssyncset.done $0x0  }
0x130: {  	[sflag:s20] =	ssyncadd.s32 $0xFFFFC000  }
0x131: {  	_ =	swait.ge [sflag:s26], $0x4000  }
0x132: {  	[sflag:s26] =	ssyncset.done $0x0  }
0x133: {  	s19 =	simm.s32 $0x900;
	[sflag:s26] =	ssyncadd.s32 $0xFFFFC000  }
0x134: {  	[tilespmem:s23], [sflag:$0x3] =	stream.indirect.gather [hbm4b:s5+s22], $0x80, s19, s22, $0xb8;
	[tilespmem:$0x1D000] =	vst v63  }
0x135: {  	s19 =	simm.s32 $0xC80  }
0x136: {  	[spmem:s3] =	stream.indirect.scatter.add.f32 [tilespmem:s25], [sflag:$0x5], $0x80, s19, s22, $0xb8;
	[tilespmem:$0x1D000] =	vst v63  }
0x137: {  	_ =	swait.ge [sflag:s20], $0x4000  }
0x138: {  	[sflag:s20] =	ssyncset.done $0x0  }
0x139: {  	[sflag:s20] =	ssyncadd.s32 $0xFFFFC000  }
0x13a: {  	_ =	swait.ge [sflag:s24], $0x4000  }
0x13b: {  	[sflag:s24] =	ssyncset.done $0x0  }
0x13c: {  	s19 =	simm.s32 $0x980;
	[sflag:s24] =	ssyncadd.s32 $0xFFFFC000  }
0x13d: {  	[tilespmem:s25], [sflag:$0x4] =	stream.indirect.gather [hbm4b:s5+s22], $0x80, s19, s22, $0xb8;
	[tilespmem:$0x1D000] =	vst v63  }
0x13e: {  	_ = 	snop  }
0x13f: {  	[spmem:s3] =	stream.indirect.scatter.add.f32 [tilespmem:s23], [sflag:$0x5], $0x80, s29, s22, $0xb8;
	[tilespmem:$0x1D000] =	vst v63  }
0x140: {  	_ =	swait.ge [sflag:s20], $0x4000  }
0x141: {  	[sflag:s20] =	ssyncset.done $0x0  }
0x142: {  	[sflag:s20] =	ssyncadd.s32 $0xFFFFC000  }
0x143: {  	_ =	swait.ge [sflag:s26], $0x4000  }
0x144: {  	[sflag:s26] =	ssyncset.done $0x0  }
0x145: {  	[sflag:s26] =	ssyncadd.s32 $0xFFFFC000  }
0x146: {  	[tilespmem:s23], [sflag:$0x3] =	stream.indirect.gather [hbm4b:s5+s22], $0x80, s30, s22, $0xb8;
	[tilespmem:$0x1D000] =	vst v63  }
0x147: {  	_ = 	snop  }
0x148: {  	[spmem:s3] =	stream.indirect.scatter.add.f32 [tilespmem:s25], [sflag:$0x5], $0x80, s31, s22, $0xb8;
	[tilespmem:$0x1D000] =	vst v63  }
0x149: {  	_ =	swait.ge [sflag:s20], $0x4000  }
0x14a: {  	[sflag:s20] =	ssyncset.done $0x0  }
0x14b: {  	[sflag:s20] =	ssyncadd.s32 $0xFFFFC000  }
0x14c: {  	_ =	swait.ge [sflag:s24], $0x4000  }
0x14d: {  	[sflag:s24] =	ssyncset.done $0x0  }
0x14e: {  	[sflag:s24] =	ssyncadd.s32 $0xFFFFC000  }
0x14f: {  	[tilespmem:s25], [sflag:$0x4] =	stream.indirect.gather [hbm4b:s5+s22], $0x80, s0, s22, $0xb8;
	[tilespmem:$0x1D000] =	vst v63  }
0x150: {  	_ = 	snop  }
0x151: {  	[spmem:s3] =	stream.indirect.scatter.add.f32 [tilespmem:s23], [sflag:$0x5], $0x80, s2, s22, $0xb8;
	[tilespmem:$0x1D000] =	vst v63  }
0x152: {  	_ =	swait.ge [sflag:s20], $0x4000  }
0x153: {  	[sflag:s20] =	ssyncset.done $0x0  }
0x154: {  	[sflag:s20] =	ssyncadd.s32 $0xFFFFC000  }
0x155: {  	_ =	swait.ge [sflag:s26], $0x4000  }
0x156: {  	[sflag:s26] =	ssyncset.done $0x0  }
0x157: {  	[sflag:s26] =	ssyncadd.s32 $0xFFFFC000  }
0x158: {  	[tilespmem:s23], [sflag:$0x3] =	stream.indirect.gather [hbm4b:s5+s22], $0x80, s7, s22, $0xb8;
	[tilespmem:$0x1D000] =	vst v63  }
0x159: {  	_ = 	snop  }
0x15a: {  	[spmem:s3] =	stream.indirect.scatter.add.f32 [tilespmem:s25], [sflag:$0x5], $0x80, s8, s22, $0xb8;
	[tilespmem:$0x1D000] =	vst v63  }
0x15b: {  	_ =	swait.ge [sflag:s20], $0x4000  }
0x15c: {  	[sflag:s20] =	ssyncset.done $0x0  }
0x15d: {  	[sflag:s20] =	ssyncadd.s32 $0xFFFFC000  }
0x15e: {  	_ =	swait.ge [sflag:s24], $0x4000  }
0x15f: {  	[sflag:s24] =	ssyncset.done $0x0  }
0x160: {  	[sflag:s24] =	ssyncadd.s32 $0xFFFFC000  }
0x161: {  	[tilespmem:s25], [sflag:$0x4] =	stream.indirect.gather [hbm4b:s5+s22], $0x80, s9, s22, $0xb8;
	[tilespmem:$0x1D000] =	vst v63  }
0x162: {  	_ = 	snop  }
0x163: {  	[spmem:s3] =	stream.indirect.scatter.add.f32 [tilespmem:s23], [sflag:$0x5], $0x80, s10, s22, $0xb8;
	[tilespmem:$0x1D000] =	vst v63  }
0x164: {  	_ =	swait.ge [sflag:s20], $0x4000  }
0x165: {  	[sflag:s20] =	ssyncset.done $0x0  }
0x166: {  	[sflag:s20] =	ssyncadd.s32 $0xFFFFC000  }
0x167: {  	_ =	swait.ge [sflag:s26], $0x4000  }
0x168: {  	[sflag:s26] =	ssyncset.done $0x0  }
0x169: {  	[sflag:s26] =	ssyncadd.s32 $0xFFFFC000  }
0x16a: {  	_ =	swait.ge [sflag:s21], $0x400  }
0x16b: {  	[sflag:s21] =	ssyncset.done $0x0  }
0x16c: {  	[sflag:s21] =	ssyncadd.s32 $0xFFFFFC00  }
0x16d: {  	_ =	swait.ge [sflag:s21], $0x400  }
0x16e: {  	[sflag:s21] =	ssyncset.done $0x0  }
0x16f: {  	[sflag:s21] =	ssyncadd.s32 $0xFFFFFC00  }
0x170: {  	[tilespmem:s23], [sflag:$0x3] =	stream.indirect.gather [hbm4b:s5+s22], $0x80, s4, s22, $0xb8;
	[tilespmem:$0x1D000] =	vst v63  }
0x171: {  	p0 =	sne.s32 s13, $0x300  }
0x172: {  	[spmem:s3] =	stream.indirect.scatter.add.f32 [tilespmem:s25], [sflag:$0x5], $0x80, s11, s22, $0xb8;
	[tilespmem:$0x1D000] =	vst v63  }
.Ltmp0:
0x173: {  	_ =	swait.ge [sflag:s20], $0x4000;
	(pc) =	sbr.rel @p0 .LBB2_2-.Ltmp0, $4  }
0x174: {  	s15 =	smov.u32 s13;
	s13 =	sadd.s32 $0x100, s13;
	s1 =	rddreg [dreg:$0x5]  }
0x175: {  	s12 =	sadd.s32 $0x800, s12;
	s19 =	rddreg [dreg:$0x4];
	[sflag:s20] =	ssyncset.done $0x0  }
0x176: {  	[sflag:s20] =	ssyncadd.s32 $0xFFFFC000;
	s1 =	sadd.s32 s15, s1;
	s15 =	sadd.s32 s15, s19  }
0x177: {  	[tilespmem:s17], [sflag:$0x2] =	stream.linear.gather [hbm4b:s1+s4], $0x400, $0x38;
	[tilespmem:$0x1D000] =	vst v63  }
0x178: {  	[tilespmem:s18], [sflag:$0x2] =	stream.linear.gather [hbm4b:s15+s4], $0x400, $0x38;
	[tilespmem:$0x1D000] =	vst v63  }
0x179: {  	_ =	swait.ge [sflag:s24], $0x4000  }
0x17a: {  	[sflag:s24] =	ssyncset.done $0x0  }
0x17b: {  	[sflag:s24] =	ssyncadd.s32 $0xFFFFC000  }
0x17c: {  	[tilespmem:s25], [sflag:$0x4] =	stream.indirect.gather [hbm4b:s5+s22], $0x80, s22, s22, $0xb8;
	[tilespmem:$0x1D000] =	vst v63  }
0x17d: {  	_ = 	snop  }
0x17e: {  	[spmem:s3] =	stream.indirect.scatter.add.f32 [tilespmem:s23], [sflag:$0x5], $0x80, s16, s22, $0xb8;
	[tilespmem:$0x1D000] =	vst v63  }
0x17f: {  	_ =	swait.ge [sflag:s20], $0x4000  }
0x180: {  	[sflag:s20] =	ssyncset.done $0x0  }
0x181: {  	[sflag:s20] =	ssyncadd.s32 $0xFFFFC000  }
0x182: {  	_ =	swait.ge [sflag:s26], $0x4000  }
0x183: {  	[sflag:s26] =	ssyncset.done $0x0  }
0x184: {  	s1 =	simm.s32 $0x100;
	[sflag:s26] =	ssyncadd.s32 $0xFFFFC000  }
0x185: {  	[tilespmem:s23], [sflag:$0x3] =	stream.indirect.gather [hbm4b:s5+s22], $0x80, s1, s22, $0xb8;
	[tilespmem:$0x1D000] =	vst v63  }
0x186: {  	s19 =	simm.s32 $0x480  }
0x187: {  	[spmem:s3] =	stream.indirect.scatter.add.f32 [tilespmem:s25], [sflag:$0x5], $0x80, s19, s22, $0xb8;
	[tilespmem:$0x1D000] =	vst v63  }
0x188: {  	_ =	swait.ge [sflag:s20], $0x4000  }
0x189: {  	[sflag:s20] =	ssyncset.done $0x0  }
0x18a: {  	[sflag:s20] =	ssyncadd.s32 $0xFFFFC000  }
0x18b: {  	_ =	swait.ge [sflag:s24], $0x4000  }
0x18c: {  	[sflag:s24] =	ssyncset.done $0x0  }
0x18d: {  	s12 =	simm.s32 $0x180;
	[sflag:s24] =	ssyncadd.s32 $0xFFFFC000  }
0x18e: {  	[tilespmem:s25], [sflag:$0x4] =	stream.indirect.gather [hbm4b:s5+s22], $0x80, s12, s22, $0xb8;
	[tilespmem:$0x1D000] =	vst v63  }
0x18f: {  	s13 =	simm.s32 $0x500  }
0x190: {  	[spmem:s3] =	stream.indirect.scatter.add.f32 [tilespmem:s23], [sflag:$0x5], $0x80, s13, s22, $0xb8;
	[tilespmem:$0x1D000] =	vst v63  }
0x191: {  	_ =	swait.ge [sflag:s20], $0x4000  }
0x192: {  	[sflag:s20] =	ssyncset.done $0x0  }
0x193: {  	[sflag:s20] =	ssyncadd.s32 $0xFFFFC000  }
0x194: {  	_ =	swait.ge [sflag:s26], $0x4000  }
0x195: {  	[sflag:s26] =	ssyncset.done $0x0  }
0x196: {  	s15 =	simm.s32 $0x200;
	[sflag:s26] =	ssyncadd.s32 $0xFFFFC000  }
0x197: {  	[tilespmem:s23], [sflag:$0x3] =	stream.indirect.gather [hbm4b:s5+s22], $0x80, s15, s22, $0xb8;
	[tilespmem:$0x1D000] =	vst v63  }
0x198: {  	s19 =	simm.s32 $0x580  }
0x199: {  	[spmem:s3] =	stream.indirect.scatter.add.f32 [tilespmem:s25], [sflag:$0x5], $0x80, s19, s22, $0xb8;
	[tilespmem:$0x1D000] =	vst v63  }
0x19a: {  	_ =	swait.ge [sflag:s20], $0x4000  }
0x19b: {  	[sflag:s20] =	ssyncset.done $0x0  }
0x19c: {  	[sflag:s20] =	ssyncadd.s32 $0xFFFFC000  }
0x19d: {  	_ =	swait.ge [sflag:s24], $0x4000  }
0x19e: {  	[sflag:s24] =	ssyncset.done $0x0  }
0x19f: {  	s12 =	simm.s32 $0x280;
	[sflag:s24] =	ssyncadd.s32 $0xFFFFC000  }
0x1a0: {  	[tilespmem:s25], [sflag:$0x4] =	stream.indirect.gather [hbm4b:s5+s22], $0x80, s12, s22, $0xb8;
	[tilespmem:$0x1D000] =	vst v63  }
0x1a1: {  	s13 =	simm.s32 $0x600  }
0x1a2: {  	[spmem:s3] =	stream.indirect.scatter.add.f32 [tilespmem:s23], [sflag:$0x5], $0x80, s13, s22, $0xb8;
	[tilespmem:$0x1D000] =	vst v63  }
0x1a3: {  	_ =	swait.ge [sflag:s20], $0x4000  }
0x1a4: {  	[sflag:s20] =	ssyncset.done $0x0  }
0x1a5: {  	[sflag:s20] =	ssyncadd.s32 $0xFFFFC000  }
0x1a6: {  	_ =	swait.ge [sflag:s26], $0x4000  }
0x1a7: {  	[sflag:s26] =	ssyncset.done $0x0  }
0x1a8: {  	s15 =	simm.s32 $0x300;
	[sflag:s26] =	ssyncadd.s32 $0xFFFFC000  }
0x1a9: {  	[tilespmem:s23], [sflag:$0x3] =	stream.indirect.gather [hbm4b:s5+s22], $0x80, s15, s22, $0xb8;
	[tilespmem:$0x1D000] =	vst v63  }
0x1aa: {  	s19 =	simm.s32 $0x680  }
0x1ab: {  	[spmem:s3] =	stream.indirect.scatter.add.f32 [tilespmem:s25], [sflag:$0x5], $0x80, s19, s22, $0xb8;
	[tilespmem:$0x1D000] =	vst v63  }
0x1ac: {  	_ =	swait.ge [sflag:s20], $0x4000  }
0x1ad: {  	[sflag:s20] =	ssyncset.done $0x0  }
0x1ae: {  	[sflag:s20] =	ssyncadd.s32 $0xFFFFC000  }
0x1af: {  	_ =	swait.ge [sflag:s24], $0x4000  }
0x1b0: {  	[sflag:s24] =	ssyncset.done $0x0  }
0x1b1: {  	s12 =	simm.s32 $0x380;
	[sflag:s24] =	ssyncadd.s32 $0xFFFFC000  }
0x1b2: {  	[tilespmem:s25], [sflag:$0x4] =	stream.indirect.gather [hbm4b:s5+s22], $0x80, s12, s22, $0xb8;
	[tilespmem:$0x1D000] =	vst v63  }
0x1b3: {  	s13 =	simm.s32 $0x700  }
0x1b4: {  	[spmem:s3] =	stream.indirect.scatter.add.f32 [tilespmem:s23], [sflag:$0x5], $0x80, s13, s22, $0xb8;
	[tilespmem:$0x1D000] =	vst v63  }
0x1b5: {  	_ =	swait.ge [sflag:s20], $0x4000  }
0x1b6: {  	[sflag:s20] =	ssyncset.done $0x0  }
0x1b7: {  	[sflag:s20] =	ssyncadd.s32 $0xFFFFC000  }
0x1b8: {  	_ =	swait.ge [sflag:s26], $0x4000  }
0x1b9: {  	[sflag:s26] =	ssyncset.done $0x0  }
0x1ba: {  	[sflag:s26] =	ssyncadd.s32 $0xFFFFC000  }
0x1bb: {  	_ =	swait.ge [sflag:s14], $0x400  }
0x1bc: {  	[sflag:s14] =	ssyncset.done $0x0  }
0x1bd: {  	[sflag:s14] =	ssyncadd.s32 $0xFFFFFC00  }
0x1be: {  	_ =	swait.ge [sflag:s14], $0x400  }
0x1bf: {  	[sflag:s14] =	ssyncset.done $0x0  }
0x1c0: {  	[sflag:s14] =	ssyncadd.s32 $0xFFFFFC00  }
0x1c1: {  	[tilespmem:s23], [sflag:$0x3] =	stream.indirect.gather [hbm4b:s5+s22], $0x80, s17, s22, $0xb8;
	[tilespmem:$0x1D000] =	vst v63  }
0x1c2: {  	s15 =	simm.s32 $0x780  }
0x1c3: {  	[spmem:s3] =	stream.indirect.scatter.add.f32 [tilespmem:s25], [sflag:$0x5], $0x80, s15, s22, $0xb8;
	[tilespmem:$0x1D000] =	vst v63  }
0x1c4: {  	_ =	swait.ge [sflag:s20], $0x4000  }
0x1c5: {  	[sflag:s20] =	ssyncset.done $0x0  }
0x1c6: {  	[sflag:s20] =	ssyncadd.s32 $0xFFFFC000  }
0x1c7: {  	_ =	swait.ge [sflag:s24], $0x4000  }
0x1c8: {  	[sflag:s24] =	ssyncset.done $0x0  }
0x1c9: {  	s19 =	simm.s32 $0x880;
	[sflag:s24] =	ssyncadd.s32 $0xFFFFC000  }
0x1ca: {  	[tilespmem:s25], [sflag:$0x4] =	stream.indirect.gather [hbm4b:s5+s22], $0x80, s19, s22, $0xb8;
	[tilespmem:$0x1D000] =	vst v63  }
0x1cb: {  	_ = 	snop  }
0x1cc: {  	[spmem:s3] =	stream.indirect.scatter.add.f32 [tilespmem:s23], [sflag:$0x5], $0x80, s18, s22, $0xb8;
	[tilespmem:$0x1D000] =	vst v63  }
0x1cd: {  	_ =	swait.ge [sflag:s20], $0x4000  }
0x1ce: {  	[sflag:s20] =	ssyncset.done $0x0  }
0x1cf: {  	[sflag:s20] =	ssyncadd.s32 $0xFFFFC000  }
0x1d0: {  	_ =	swait.ge [sflag:s26], $0x4000  }
0x1d1: {  	[sflag:s26] =	ssyncset.done $0x0  }
0x1d2: {  	s12 =	simm.s32 $0x900;
	[sflag:s26] =	ssyncadd.s32 $0xFFFFC000  }
0x1d3: {  	[tilespmem:s23], [sflag:$0x3] =	stream.indirect.gather [hbm4b:s5+s22], $0x80, s12, s22, $0xb8;
	[tilespmem:$0x1D000] =	vst v63  }
0x1d4: {  	s13 =	simm.s32 $0xC80  }
0x1d5: {  	[spmem:s3] =	stream.indirect.scatter.add.f32 [tilespmem:s25], [sflag:$0x5], $0x80, s13, s22, $0xb8;
	[tilespmem:$0x1D000] =	vst v63  }
0x1d6: {  	_ =	swait.ge [sflag:s20], $0x4000  }
0x1d7: {  	[sflag:s20] =	ssyncset.done $0x0  }
0x1d8: {  	[sflag:s20] =	ssyncadd.s32 $0xFFFFC000  }
0x1d9: {  	_ =	swait.ge [sflag:s24], $0x4000  }
0x1da: {  	[sflag:s24] =	ssyncset.done $0x0  }
0x1db: {  	s15 =	simm.s32 $0x980;
	[sflag:s24] =	ssyncadd.s32 $0xFFFFC000  }
0x1dc: {  	[tilespmem:s25], [sflag:$0x4] =	stream.indirect.gather [hbm4b:s5+s22], $0x80, s15, s22, $0xb8;
	[tilespmem:$0x1D000] =	vst v63  }
0x1dd: {  	_ = 	snop  }
0x1de: {  	[spmem:s3] =	stream.indirect.scatter.add.f32 [tilespmem:s23], [sflag:$0x5], $0x80, s29, s22, $0xb8;
	[tilespmem:$0x1D000] =	vst v63  }
0x1df: {  	_ =	swait.ge [sflag:s20], $0x4000  }
0x1e0: {  	[sflag:s20] =	ssyncset.done $0x0  }
0x1e1: {  	[sflag:s20] =	ssyncadd.s32 $0xFFFFC000  }
0x1e2: {  	_ =	swait.ge [sflag:s26], $0x4000  }
0x1e3: {  	[sflag:s26] =	ssyncset.done $0x0  }
0x1e4: {  	[sflag:s26] =	ssyncadd.s32 $0xFFFFC000  }
0x1e5: {  	[tilespmem:s23], [sflag:$0x3] =	stream.indirect.gather [hbm4b:s5+s22], $0x80, s30, s22, $0xb8;
	[tilespmem:$0x1D000] =	vst v63  }
0x1e6: {  	_ = 	snop  }
0x1e7: {  	[spmem:s3] =	stream.indirect.scatter.add.f32 [tilespmem:s25], [sflag:$0x5], $0x80, s31, s22, $0xb8;
	[tilespmem:$0x1D000] =	vst v63  }
0x1e8: {  	_ =	swait.ge [sflag:s20], $0x4000  }
0x1e9: {  	[sflag:s20] =	ssyncset.done $0x0  }
0x1ea: {  	[sflag:s20] =	ssyncadd.s32 $0xFFFFC000  }
0x1eb: {  	_ =	swait.ge [sflag:s24], $0x4000  }
0x1ec: {  	[sflag:s24] =	ssyncset.done $0x0  }
0x1ed: {  	[sflag:s24] =	ssyncadd.s32 $0xFFFFC000  }
0x1ee: {  	[tilespmem:s25], [sflag:$0x4] =	stream.indirect.gather [hbm4b:s5+s22], $0x80, s0, s22, $0xb8;
	[tilespmem:$0x1D000] =	vst v63  }
0x1ef: {  	_ = 	snop  }
0x1f0: {  	[spmem:s3] =	stream.indirect.scatter.add.f32 [tilespmem:s23], [sflag:$0x5], $0x80, s2, s22, $0xb8;
	[tilespmem:$0x1D000] =	vst v63  }
0x1f1: {  	_ =	swait.ge [sflag:s20], $0x4000  }
0x1f2: {  	[sflag:s20] =	ssyncset.done $0x0  }
0x1f3: {  	[sflag:s20] =	ssyncadd.s32 $0xFFFFC000  }
0x1f4: {  	_ =	swait.ge [sflag:s26], $0x4000  }
0x1f5: {  	[sflag:s26] =	ssyncset.done $0x0  }
0x1f6: {  	[sflag:s26] =	ssyncadd.s32 $0xFFFFC000  }
0x1f7: {  	[tilespmem:s23], [sflag:$0x3] =	stream.indirect.gather [hbm4b:s5+s22], $0x80, s7, s22, $0xb8;
	[tilespmem:$0x1D000] =	vst v63  }
0x1f8: {  	_ = 	snop  }
0x1f9: {  	[spmem:s3] =	stream.indirect.scatter.add.f32 [tilespmem:s25], [sflag:$0x5], $0x80, s8, s22, $0xb8;
	[tilespmem:$0x1D000] =	vst v63  }
0x1fa: {  	_ =	swait.ge [sflag:s20], $0x4000  }
0x1fb: {  	[sflag:s20] =	ssyncset.done $0x0  }
0x1fc: {  	[sflag:s20] =	ssyncadd.s32 $0xFFFFC000  }
0x1fd: {  	_ =	swait.ge [sflag:s24], $0x4000  }
0x1fe: {  	[sflag:s24] =	ssyncset.done $0x0  }
0x1ff: {  	[sflag:s24] =	ssyncadd.s32 $0xFFFFC000  }
0x200: {  	[tilespmem:s25], [sflag:$0x4] =	stream.indirect.gather [hbm4b:s5+s22], $0x80, s9, s22, $0xb8;
	[tilespmem:$0x1D000] =	vst v63  }
0x201: {  	_ = 	snop  }
0x202: {  	[spmem:s3] =	stream.indirect.scatter.add.f32 [tilespmem:s23], [sflag:$0x5], $0x80, s10, s22, $0xb8;
	[tilespmem:$0x1D000] =	vst v63  }
0x203: {  	_ =	swait.ge [sflag:s20], $0x4000  }
0x204: {  	[sflag:s20] =	ssyncset.done $0x0  }
0x205: {  	[sflag:s20] =	ssyncadd.s32 $0xFFFFC000  }
0x206: {  	_ =	swait.ge [sflag:s26], $0x4000  }
0x207: {  	[sflag:s26] =	ssyncset.done $0x0  }
0x208: {  	[sflag:s26] =	ssyncadd.s32 $0xFFFFC000  }
0x209: {  	[spmem:s3] =	stream.indirect.scatter.add.f32 [tilespmem:s25], [sflag:$0x5], $0x80, s11, s22, $0xb8;
	[tilespmem:$0x1D000] =	vst v63  }
0x20a: {  	_ =	swait.ge [sflag:s20], $0x4000  }
0x20b: {  	[sflag:s20] =	ssyncset.done $0x0  }
0x20c: {  	[sflag:s20] =	ssyncadd.s32 $0xFFFFC000  }
0x20d: {  	[bflag:$0x0] =	sbarrier.arrive $0xFFFF  }
0x20e: {  	s12 =	rddreg [dreg:$0xb]  }
0x20f: {  	s19 =	rddreg [dreg:$0xc]  }
0x210: {  	s13 =	rddreg [dreg:$0xf]  }
0x211: {  	[hbm:s19], [sflag:s12] =	dma.local [spmem:s13], $0x2800  }
0x212: {  	_ =	swait.ge [sflag:s20], $0x2800  }
0x213: {  	s1 =	rddreg [dreg:$0x10]  }
0x214: {  	s19 =	rddreg [dreg:$0xd];
	s15 =	sadd.s32 $0x1, s1  }
0x215: {  	p0 =	sne.s32 s15, s19  }
.Ltmp1:
0x216: {  	_ = 	snop;
	(pc) =	sbr.rel @p0 .LBB2_1-.Ltmp1, $3  }
0x217: {  	_ =	sdelay $0x1  }
0x218: {  	[sflag:s20] =	ssyncset.done $0x0  }
0x219: {  	[sflag:s20] =	ssyncadd.s32 $0xFFFFD800  }
0x21a: {  	_ =	sfence.sel $0x180000  }
0x21b: {  	[bflag:$0x0] =	sbarrier.arrive $0xFFFF  }
0x21c: {  	_ =	strace $0x9000004A  }
0x21d: {  	s0 =	stileid.u32;
	[bflag:$0x2] =	sbarrier.arrive $0xFFFF  }
0x21e: {  	p0 =	sne.s32 s0, $0x0;
	s0 =	rddreg [dreg:$0x3]  }
0x21f: {  	s0 =	sadd.s32 @!p0 $0x100000, s0  }
0x220: {  	[sflag:s0] =	ssyncadd.tile.s32 @!p0 $0x1;
	_ =	shalt  }
.Lfunc_end2:
_tile_overlayer_lowered:
.L_overlay_start_2:
0x221: {  	(tag) =	ssettag $0x2  }
0x222: {  	s0 =	rddreg [dreg:$0x0];
	s2 =	stileid.u32  }
0x223: {  	s1 =	rddreg [dreg:$0x1];
	p0 =	sne.s32 s2, $0x0  }
0x224: {  	s3 =	rddreg [dreg:$0x2];
	[bflag:$0x3] =	sbarrier.arrive $0xFFFF;
	s2 =	simm.s32 @!p0 $0x1C05  }
0x225: {  	[timem:s3], [sflag:s2] =	dma.local @!p0 [hbm:s0], s1  }
0x226: {  	s0 =	simm.s32 @!p0 $0x5  }
0x227: {  	_ =	swait.ge @!p0 [sflag:s0], s1  }
0x228: {  	s1 =	ssub.s32 @!p0 $0x0, s1;
	[sflag:s0] =	ssyncset.done @!p0 $0x0  }
0x229: {  	[sflag:s0] =	ssyncadd.s32 @!p0 s1  }
0x22a: {  	[bflag:$0x3] =	sbarrier.arrive $0xFFFF  }
0x22b: {  	_ =	shalt  }

// kernel: kernel.14.cloned.1.call-start
scs
__scs_entry_jumppad:
0x0: {  	(pc) =	sbr.rel $0x88, $3  }
0x1: {  	(tag) =	ssettag $0x0;
	lr =	simm.s32 $0x1  }
0x2: {  	[smem:$0x3F9B] =	sst lr;
	_ =	strace $0xD0000000  }
0x3: {  	_ = 	snop  }
0x4: {  	_ = 	snop  }
0x5: {  	_ = 	snop  }
0x6: {  	_ = 	snop  }
0x7: {  	_ = 	snop  }
__scs_overlays_trampoline_lowered:
0x8: {  	[smem:$0x3FAA] =	sst s0  }
0x9: {  	[smem:$0x3FAB] =	sst s1  }
0xa: {  	[smem:$0x3FAC] =	sst s2  }
0xb: {  	[smem:$0x3FAD] =	sst s3  }
0xc: {  	[smem:$0x3FAE] =	sst s4  }
0xd: {  	[smem:$0x3FAF] =	sst s5  }
0xe: {  	[smem:$0x3FB0] =	sst s6  }
0xf: {  	[smem:$0x3FB1] =	sst s7  }
0x10: {  	[smem:$0x3FB2] =	sst s8  }
0x11: {  	[smem:$0x3FB3] =	sst s9;
	s0 =	simm.s32 @!p0 $0x0  }
0x12: {  	s1 =	sld [smem:$0x3F99];
	s0 =	simm.s32 @p0 $0x1  }
0x13: {  	[smem:$0x3FB4] =	sst s0;
	s0 =	simm.s32 @!p1 $0x0  }
0x14: {  	s2 =	sld [smem:$0x3F98];
	s0 =	simm.s32 @p1 $0x1  }
0x15: {  	[smem:$0x3FB5] =	sst s0;
	s0 =	simm.s32 @!p2 $0x0  }
0x16: {  	s3 =	sld [smem:$0x3FDB];
	s0 =	simm.s32 @p2 $0x1  }
0x17: {  	s4 =	simm.s32 $0x1BF5;
	[smem:$0x3FB7] =	sst s0  }
0x18: {  	s0 =	sld [smem:$0x3F9A];
	_ =	swait.ge [sflag:s4], $0x0  }
0x19: {  	s7 =	sld [smem:$0x3F9B]  }
0x1a: {  	s8 =	sadd.s32 $0xFFFFE003, lr  }
0x1b: {  	s9 =	sadd.s32 $0xFFFFFEF7, lr;
	s5 =	simm.s32 $0xFFFFFFFF;
	p2 =	slt.u32 s8, $0xFFFFF086  }
0x1c: {  	p1 =	slt.u32 s9, $0xF7A;
	s5 =	simm.s32 @!p2 $0x0  }
0x1d: {  	s5 =	simm.s32 @p1 $0x1;
	p0 =	seq.s32 s7, s2  }
0x1e: {  	s7 =	smul.u32 @!p0 $0xF7A, s2;
	p2 =	seq.s32 @!p0 s5, $0x0  }
0x1f: {  	s9 =	smul.u32 $0xF7A, s1;
	s8 =	simm.s32 @!p0 $0x1BF5;
	p2 =	por !p2, p0  }
0x20: {  	[sflag:s8] =	ssyncset.s32 @!p0 $0xFFFFF086;
	s6 =	sadd.s32 @!p0 s3, s7;
	s7 =	simm.s32 @!p0 $0x108  }
0x21: {  	s3 =	sadd.s32 s3, s9;
	s6 =	sadd.s32 @!p0 $0x88, s6;
	s7 =	simm.s32 @p2 $0x1082  }
0x22: {  	[simem:s7], [sflag:s8] =	dma.local @!p0 [hbm:s6], $0xF7A  }
0x23: {  	s9 =	sor.u32 $0xD0000000, s2;
	s6 =	simm.s32 $0x108;
	_ =	swait.ge @!p0 [sflag:s8], $0x0  }
0x24: {  	s3 =	sadd.s32 $0x88, s3;
	s6 =	simm.s32 @!p1 $0x1082;
	[sflag:s4] =	ssyncset.s32 $0xFFFFF086  }
0x25: {  	[simem:s6], [sflag:s4] =	dma.local [hbm:s3], $0xF7A  }
0x26: {  	[smem:$0x3F9B] =	sst s1;
	(tag) =	ssettag s2;
	_ =	strace s9  }
0x27: {  	s1 =	sld [smem:$0x3FAB]  }
0x28: {  	s2 =	sld [smem:$0x3FAC]  }
0x29: {  	s4 =	sld [smem:$0x3FAE]  }
0x2a: {  	p0 =	seq.s32 s5, $0x0;
	s5 =	sld [smem:$0x3FAF]  }
0x2b: {  	s6 =	sld [smem:$0x3FB0]  }
0x2c: {  	s7 =	sld [smem:$0x3FB1]  }
0x2d: {  	s3 =	simm.s32 $0x108;
	s8 =	sld [smem:$0x3FB2]  }
0x2e: {  	s3 =	simm.s32 @!p0 $0x1082;
	s9 =	sld [smem:$0x3FB3]  }
0x2f: {  	lr =	sadd.s32 s0, s3;
	s0 =	sld [smem:$0x3FAA]  }
0x30: {  	s3 =	sld [smem:$0x3FAD]  }
0x31: {  	[smem:$0x3FB6] =	sst s10  }
0x32: {  	s10 =	sld [smem:$0x3FB4];
	_ =	sdelay $0x3  }
0x33: {  	p0 =	seq.s32 s10, $0x1;
	s10 =	sld [smem:$0x3FB6];
	_ =	sdelay $0x3  }
0x34: {  	[smem:$0x3FB6] =	sst s10  }
0x35: {  	s10 =	sld [smem:$0x3FB5];
	_ =	sdelay $0x3  }
0x36: {  	p1 =	seq.s32 s10, $0x1;
	s10 =	sld [smem:$0x3FB6];
	_ =	sdelay $0x3  }
0x37: {  	[smem:$0x3FB6] =	sst s10  }
0x38: {  	s10 =	sld [smem:$0x3FB7]  }
0x39: {  	_ = 	snop;
	(pc) =	sbr.ind lr, $3  }
0x3a: {  	_ = 	snop  }
0x3b: {  	_ = 	snop  }
0x3c: {  	p2 =	seq.s32 s10, $0x1;
	s10 =	sld [smem:$0x3FB6]  }
0x3d: {  	_ =	shalt  }
0x3e: {  	_ =	shalt  }
0x3f: {  	_ =	shalt  }
0x40: {  	_ =	shalt  }
0x41: {  	_ =	shalt  }
0x42: {  	_ =	shalt  }
0x43: {  	_ =	shalt  }
0x44: {  	_ =	shalt  }
0x45: {  	_ =	shalt  }
0x46: {  	_ =	shalt  }
0x47: {  	_ =	shalt  }
0x48: {  	_ =	shalt  }
0x49: {  	_ =	shalt  }
0x4a: {  	_ =	shalt  }
0x4b: {  	_ =	shalt  }
0x4c: {  	_ =	shalt  }
0x4d: {  	_ =	shalt  }
0x4e: {  	_ =	shalt  }
0x4f: {  	_ =	shalt  }
0x50: {  	_ =	shalt  }
0x51: {  	_ =	shalt  }
0x52: {  	_ =	shalt  }
0x53: {  	_ =	shalt  }
0x54: {  	_ =	shalt  }
0x55: {  	_ =	shalt  }
0x56: {  	_ =	shalt  }
0x57: {  	_ =	shalt  }
0x58: {  	_ =	shalt  }
0x59: {  	_ =	shalt  }
0x5a: {  	_ =	shalt  }
0x5b: {  	_ =	shalt  }
0x5c: {  	_ =	shalt  }
0x5d: {  	_ =	shalt  }
0x5e: {  	_ =	shalt  }
0x5f: {  	_ =	shalt  }
0x60: {  	_ =	shalt  }
0x61: {  	_ =	shalt  }
0x62: {  	_ =	shalt  }
0x63: {  	_ =	shalt  }
0x64: {  	_ =	shalt  }
0x65: {  	_ =	shalt  }
0x66: {  	_ =	shalt  }
0x67: {  	_ =	shalt  }
0x68: {  	_ =	shalt  }
0x69: {  	_ =	shalt  }
0x6a: {  	_ =	shalt  }
0x6b: {  	_ =	shalt  }
0x6c: {  	_ =	shalt  }
0x6d: {  	_ =	shalt  }
0x6e: {  	_ =	shalt  }
0x6f: {  	_ =	shalt  }
0x70: {  	_ =	shalt  }
0x71: {  	_ =	shalt  }
0x72: {  	_ =	shalt  }
0x73: {  	_ =	shalt  }
0x74: {  	_ =	shalt  }
0x75: {  	_ =	shalt  }
0x76: {  	_ =	shalt  }
0x77: {  	_ =	shalt  }
0x78: {  	_ =	shalt  }
0x79: {  	_ =	shalt  }
0x7a: {  	_ =	shalt  }
0x7b: {  	_ =	shalt  }
0x7c: {  	_ =	shalt  }
0x7d: {  	_ =	shalt  }
0x7e: {  	_ =	shalt  }
0x7f: {  	_ =	shalt  }
0x80: {  	_ =	shalt  }
0x81: {  	_ =	shalt  }
0x82: {  	_ =	shalt  }
0x83: {  	_ =	shalt  }
0x84: {  	_ =	shalt  }
0x85: {  	_ =	shalt  }
0x86: {  	_ =	shalt  }
0x87: {  	_ =	shalt  }
.Lfunc_end0:
.L_simem_size_0:
called_computation.2_lowered:
.L_overlay_start_0:
0x88: {  	s2 =	sld [smem:$0x3FD9]  }
0x89: {  	s3 =	sld [smem:$0x3FFE];
	_ =	sdelay $0x1  }
0x8a: {  	s1 =	srdreg.scid  }
0x8b: {  	s0 =	sand.u32 $0x1, s1  }
0x8c: {  	s17 =	sshll.u32 s0, $0xA;
	s2 =	sadd.s32 s3, s2  }
0x8d: {  	s2 =	sadd.s32 s2, s17  }
0x8e: {  	[smem:$0x3FC2] =	sst s2  }
0x8f: {  	_ = 	snop  }
0x90: {  	s2 =	sld [smem:$0x3FD0];
	(tm) =	ssettm $0x1  }
0x91: {  	s18 =	sld [smem:$0x3FFB];
	_ =	sdelay $0x3  }
0x92: {  	_ =	strace s18  }
0x93: {  	s3 =	sld [smem:$0x3FFC];
	_ =	sdelay $0x3  }
0x94: {  	_ =	strace s3  }
0x95: {  	s3 =	sld [smem:$0x3FFD];
	_ =	sdelay $0x3  }
0x96: {  	_ =	strace s3  }
0x97: {  	_ =	strace $0x8FFFFFFF  }
0x98: {  	s19 =	sld [smem:$0x3FDB];
	_ =	sdelay $0x1  }
0x99: {  	s4 =	simm.s32 $_scs_section_size  }
0x9a: {  	s5 =	simm.s32 $_size__tile_overlayer_lowered;
	s6 =	simm.s32 $_tile_overlayer_lowered  }
0x9b: {  	s22 =	simm.s32 $0x1BFF;
	s21 =	sshll.u32 s6, $0x1;
	s3 =	sadd.s32 s4, s19  }
0x9c: {  	s7 =	simm.s32 $0x0;
	s20 =	sshll.u32 s5, $0x1;
	s5 =	sadd.s32 s21, s3  }
0x9d: {  	[timem:s7], [sflag:s22] =	dma.local [hbm:s5], s20  }
0x9e: {  	_ =	swait.ge [sflag:s22], s20  }
0x9f: {  	s4 =	ssub.s32 $0x0, s20;
	[sflag:s22] =	ssyncset.done $0x0  }
0xa0: {  	[sflag:s22] =	ssyncadd.s32 s4;
	_ =	sdelay $0x1  }
0xa1: {  	s23 =	simm.s32 $0x1B8B  }
0xa2: {  	_ =	swait.ge [sflag:s23], $0x1  }
0xa3: {  	[sflag:s23] =	ssyncset.done $0x0  }
0xa4: {  	s25 =	simm.s32 $0x1B8E;
	s24 =	sld [smem:$0x3FFE];
	[sflag:s23] =	ssyncadd.s32 $0xFFFFFFFF  }
0xa5: {  	s26 =	simm.s32 $execute0_lowered;
	[smem:$0x3FD2] =	sst s25  }
0xa6: {  	s5 =	sshll.u32 s26, $0x1;
	_ =	strace $0x8000004C;
	[dreg:$0x1] =	wrdreg $0xFFFFFFFF  }
0xa7: {  	s28 =	simm.s32 $_size_execute0_lowered;
	s3 =	sadd.s32 s3, s5;
	[dreg:$0x0] =	wrdreg $0x0  }
0xa8: {  	s5 =	sshll.u32 s28, $0x1;
	[dreg:$0x2] =	wrdreg s3  }
0xa9: {  	[dreg:$0x3] =	wrdreg s5  }
0xaa: {  	[dreg:$0x4] =	wrdreg $0xC0  }
0xab: {  	_ =	task [dreg:s7], $0x5FFFF  }
0xac: {  	[dreg:$0x1] =	wrdreg $0xFFFFFFFF  }
0xad: {  	[dreg:$0x0] =	wrdreg $0x60  }
0xae: {  	[dreg:$0x2] =	wrdreg s24  }
0xaf: {  	[dreg:$0x3] =	wrdreg s2  }
0xb0: {  	[dreg:$0x4] =	wrdreg $0x90000  }
0xb1: {  	[dreg:$0x5] =	wrdreg $0x9  }
0xb2: {  	_ =	task.clear_ibuf [dreg:s7], $0x6FFFF;
	_ =	strace $0x9000004C  }
0xb3: {  	s29 =	simm.s32 $0x9;
	_ =	strace $0x8000004E  }
0xb4: {  	_ =	swait.ge [sflag:s29], $0x1  }
0xb5: {  	[sflag:s29] =	ssyncadd.s32 $0xFFFFFFFF  }
0xb6: {  	_ =	strace $0x9000004E  }
0xb7: {  	_ =	sfence  }
0xb8: {  	s30 =	sld [smem:$0x0];
	_ =	sdelay $0x2  }
0xb9: {  	s31 =	sshll.u32 s1, $0xD;
	s1 =	sshrl.u32 s1, $0x2  }
0xba: {  	s3 =	sand.u32 $0x4000, s31;
	s1 =	sadd.s32 s1, s30  }
0xbb: {  	s0 =	sor.u32 s3, s0;
	s1 =	sshll.u32 s1, $0x11  }
0xbc: {  	s0 =	sor.u32 s1, s0  }
0xbd: {  	s0 =	sadd.s32 $0x8F2B, s0  }
0xbe: {  	[sflag:s0] =	ssyncadd.remote.s32 $0x1  }
0xbf: {  	_ =	sfence.sel $0xFFFF  }
0xc0: {  	[dreg:$0x0] =	wrdreg $0xFFFFFFFF;
	(pc) =	sbr.abs _section_cstart, $3  }
0xc1: {  	[dreg:$0x1] =	wrdreg $0xFFFFFFFF  }
0xc2: {  	_ =	task.clear_ibuf [dreg:s7], $0x2FFFF;
	_ =	strace $0x9FFFFFFF  }
0xc3: {  	(tm) =	ssettm $0x7FFFFFFF  }
tec
execute0_lowered:
.L_overlay_start_1:
0x0: {  	(tag) =	ssettag $0x1  }
0x1: {  	s0 =	rddreg [dreg:$0x0]  }
0x2: {  	s28 =	rddreg [dreg:$0x1]  }
0x3: {  	s3 =	rddreg [dreg:$0x2]  }
0x4: {  	s4 =	simm.s32 $0x0;
	s12 =	stileid.u32;
	s1 =	srdreg.scid  }
0x5: {  	s29 =	simm.s32 $0xD00;
	s30 =	simm.s32 $0xA00;
	s31 =	simm.s32 $0xD80  }
0x6: {  	[smem:$0x7FF] =	sst s4;
	s2 =	smul.u32 $0x14000, s12;
	s1 =	sand.u32 $0x1, s1  }
0x7: {  	s5 =	sadd.s32 $0x5C800, s0;
	s8 =	sshll.u32 s12, $0x1;
	s10 =	smul.u32 $0x50000, s12  }
0x8: {  	s6 =	sadd.s32 $0x2800, s0;
	s11 =	smul.u32 $0x5000, s12;
	s23 =	sshll.u32 s12, $0x6  }
0x9: {  	_ =	strace $0x8000004D;
	s7 =	smul.u32 $0x140000, s1;
	s8 =	sor.u32 s1, s8  }
0xa: {  	s15 =	ssub.s32 $0x2, s1;
	s1 =	smul.u32 $0x2800, s1;
	s12 =	sor.u32 $0x1C05, s23  }
0xb: {  	s23 =	simm.s32 $0x1000;
	s9 =	sshrl.u32 s2, $0x3;
	s14 =	smul.u32 $0x2800, s8  }
0xc: {  	s16 =	sshrl.u32 s15, $0x1;
	s20 =	sshrl.u32 s10, $0x2;
	s10 =	simm.s32 $0xF00  }
0xd: {  	[dreg:$0xb] =	wrdreg s12;
	s9 =	sadd.s32 s9, s0;
	s2 =	sadd.s32 s2, s7  }
0xe: {  	s1 =	sadd.s32 s1, s11;
	s21 =	sadd.s32 s20, s3;
	s20 =	simm.s32 $0x5  }
0xf: {  	s11 =	simm.s32 $0xF80;
	s2 =	sshrl.u32 s2, $0x3;
	s7 =	sshrl.u32 s14, $0x3  }
0x10: {  	s22 =	sadd.s32 $0xC00, s1;
	s9 =	sadd.s32 $0x84800, s9;
	s26 =	sadd.s32 $0x800, s1  }
0x11: {  	s13 =	sshrl.u32 s21, $0x3;
	s21 =	simm.s32 $0x1;
	s14 =	simm.s32 $0x2  }
0x12: {  	s0 =	sadd.s32 s2, s0;
	s2 =	ssub.s32 s15, s16;
	[dreg:$0xa] =	wrdreg s9  }
0x13: {  	s17 =	sadd.s32 s6, s7;
	s18 =	sadd.s32 s28, s7;
	[dreg:$0xe] =	wrdreg s26  }
0x14: {  	s7 =	sor.u32 $0x80, s7;
	s8 =	sshrl.u32 s22, $0x3;
	[dreg:$0xf] =	wrdreg s13  }
0x15: {  	s16 =	simm.s32 $0x400;
	s22 =	simm.s32 $0x80;
	[dreg:$0x6] =	wrdreg s17  }
0x16: {  	s26 =	simm.s32 $0x4;
	[dreg:$0x7] =	wrdreg s18;
	s19 =	sadd.s32 s6, s7  }
0x17: {  	s9 =	simm.s32 $0xB80;
	s7 =	sadd.s32 s28, s7;
	[dreg:$0x8] =	wrdreg s19  }
0x18: {  	s15 =	simm.s32 $0x0;
	s0 =	sadd.s32 $0xAC800, s0;
	[dreg:$0x9] =	wrdreg s7  }
0x19: {  	s24 =	sadd.s32 s8, s28;
	s2 =	smax.u32 s2, $0x1;
	[dreg:$0xc] =	wrdreg s0  }
0x1a: {  	s25 =	sadd.s32 s8, s6;
	s17 =	simm.s32 $0x800;
	[dreg:$0xd] =	wrdreg s2  }
0x1b: {  	s18 =	simm.s32 $0xC00;
	s8 =	simm.s32 $0xE80;
	[dreg:$0x4] =	wrdreg s24  }
0x1c: {  	[dreg:$0x5] =	wrdreg s25;
	s24 =	simm.s32 $0x3;
	s25 =	simm.s32 $0x5000  }
0x1d: {  	s0 =	simm.s32 $0xA80;
	s2 =	simm.s32 $0xE00;
	s7 =	simm.s32 $0xB00  }
.LBB2_1:
0x1e: {  	[dreg:$0x10] =	wrdreg s15  }
0x1f: {  	s1 =	rddreg [dreg:$0x6]  }
0x20: {  	s15 =	rddreg [dreg:$0x7]  }
0x21: {  	[tilespmem:s4], [sflag:$0x1] =	stream.linear.gather [hbm4b:s1+s4], $0x400, $0x38;
	[tilespmem:$0x1D000] =	vst v63  }
0x22: {  	s19 =	rddreg [dreg:$0x8]  }
0x23: {  	[tilespmem:s16], [sflag:$0x1] =	stream.linear.gather [hbm4b:s15+s4], $0x400, $0x38;
	[tilespmem:$0x1D000] =	vst v63  }
0x24: {  	s15 =	rddreg [dreg:$0x9]  }
0x25: {  	[tilespmem:s17], [sflag:$0x2] =	stream.linear.gather [hbm4b:s19+s4], $0x400, $0x38;
	[tilespmem:$0x1D000] =	vst v63  }
0x26: {  	s19 =	rddreg [dreg:$0xa]  }
0x27: {  	[tilespmem:s18], [sflag:$0x2] =	stream.linear.gather [hbm4b:s15+s4], $0x400, $0x38;
	[tilespmem:$0x1D000] =	vst v63  }
0x28: {  	[spmem:s13], [sflag:s12] =	dma.local [hbm:s19], $0x2800  }
0x29: {  	_ =	swait.ge [sflag:s20], $0x2800  }
0x2a: {  	[sflag:s20] =	ssyncset.done $0x0  }
0x2b: {  	[sflag:s20] =	ssyncadd.s32 $0xFFFFD800  }
0x2c: {  	[bflag:$0x0] =	sbarrier.arrive $0xFFFF  }
0x2d: {  	_ =	swait.ge [sflag:s21], $0x400  }
0x2e: {  	[sflag:s21] =	ssyncset.done $0x0  }
0x2f: {  	[sflag:s21] =	ssyncadd.s32 $0xFFFFFC00  }
0x30: {  	_ =	swait.ge [sflag:s21], $0x400  }
0x31: {  	[sflag:s21] =	ssyncset.done $0x0  }
0x32: {  	[sflag:s21] =	ssyncadd.s32 $0xFFFFFC00  }
0x33: {  	[tilespmem:s23], [sflag:$0x3] =	stream.indirect.gather [hbm4b:s5+s22], $0x80, s4, s22, $0xb8;
	[tilespmem:$0x1D000] =	vst v63  }
0x34: {  	_ =	swait.ge [sflag:s24], $0x4000  }
0x35: {  	[sflag:s24] =	ssyncset.done $0x0  }
0x36: {  	[sflag:s24] =	ssyncadd.s32 $0xFFFFC000  }
0x37: {  	[tilespmem:s25], [sflag:$0x4] =	stream.indirect.gather [hbm4b:s5+s22], $0x80, s22, s22, $0xb8;
	[tilespmem:$0x1D000] =	vst v63  }
0x38: {  	_ = 	snop  }
0x39: {  	[spmem:s3] =	stream.indirect.scatter.add.f32 [tilespmem:s23], [sflag:$0x5], $0x80, s16, s22, $0xb8;
	[tilespmem:$0x1D000] =	vst v63  }
0x3a: {  	_ =	swait.ge [sflag:s20], $0x4000  }
0x3b: {  	[sflag:s20] =	ssyncset.done $0x0  }
0x3c: {  	[sflag:s20] =	ssyncadd.s32 $0xFFFFC000  }
0x3d: {  	_ =	swait.ge [sflag:s26], $0x4000  }
0x3e: {  	[sflag:s26] =	ssyncset.done $0x0  }
0x3f: {  	s13 =	simm.s32 $0x100;
	[sflag:s26] =	ssyncadd.s32 $0xFFFFC000  }
0x40: {  	[tilespmem:s23], [sflag:$0x3] =	stream.indirect.gather [hbm4b:s5+s22], $0x80, s13, s22, $0xb8;
	[tilespmem:$0x1D000] =	vst v63  }
0x41: {  	s15 =	simm.s32 $0x480  }
0x42: {  	[spmem:s3] =	stream.indirect.scatter.add.f32 [tilespmem:s25], [sflag:$0x5], $0x80, s15, s22, $0xb8;
	[tilespmem:$0x1D000] =	vst v63  }
0x43: {  	_ =	swait.ge [sflag:s20], $0x4000  }
0x44: {  	[sflag:s20] =	ssyncset.done $0x0  }
0x45: {  	[sflag:s20] =	ssyncadd.s32 $0xFFFFC000  }
0x46: {  	_ =	swait.ge [sflag:s24], $0x4000  }
0x47: {  	[sflag:s24] =	ssyncset.done $0x0  }
0x48: {  	s19 =	simm.s32 $0x180;
	[sflag:s24] =	ssyncadd.s32 $0xFFFFC000  }
0x49: {  	[tilespmem:s25], [sflag:$0x4] =	stream.indirect.gather [hbm4b:s5+s22], $0x80, s19, s22, $0xb8;
	[tilespmem:$0x1D000] =	vst v63  }
0x4a: {  	s12 =	simm.s32 $0x500  }
0x4b: {  	[spmem:s3] =	stream.indirect.scatter.add.f32 [tilespmem:s23], [sflag:$0x5], $0x80, s12, s22, $0xb8;
	[tilespmem:$0x1D000] =	vst v63  }
0x4c: {  	_ =	swait.ge [sflag:s20], $0x4000  }
0x4d: {  	[sflag:s20] =	ssyncset.done $0x0  }
0x4e: {  	[sflag:s20] =	ssyncadd.s32 $0xFFFFC000  }
0x4f: {  	_ =	swait.ge [sflag:s26], $0x4000  }
0x50: {  	[sflag:s26] =	ssyncset.done $0x0  }
0x51: {  	s13 =	simm.s32 $0x200;
	[sflag:s26] =	ssyncadd.s32 $0xFFFFC000  }
0x52: {  	[tilespmem:s23], [sflag:$0x3] =	stream.indirect.gather [hbm4b:s5+s22], $0x80, s13, s22, $0xb8;
	[tilespmem:$0x1D000] =	vst v63  }
0x53: {  	s15 =	simm.s32 $0x580  }
0x54: {  	[spmem:s3] =	stream.indirect.scatter.add.f32 [tilespmem:s25], [sflag:$0x5], $0x80, s15, s22, $0xb8;
	[tilespmem:$0x1D000] =	vst v63  }
0x55: {  	_ =	swait.ge [sflag:s20], $0x4000  }
0x56: {  	[sflag:s20] =	ssyncset.done $0x0  }
0x57: {  	[sflag:s20] =	ssyncadd.s32 $0xFFFFC000  }
0x58: {  	_ =	swait.ge [sflag:s24], $0x4000  }
0x59: {  	[sflag:s24] =	ssyncset.done $0x0  }
0x5a: {  	s19 =	simm.s32 $0x280;
	[sflag:s24] =	ssyncadd.s32 $0xFFFFC000  }
0x5b: {  	[tilespmem:s25], [sflag:$0x4] =	stream.indirect.gather [hbm4b:s5+s22], $0x80, s19, s22, $0xb8;
	[tilespmem:$0x1D000] =	vst v63  }
0x5c: {  	s12 =	simm.s32 $0x600  }
0x5d: {  	[spmem:s3] =	stream.indirect.scatter.add.f32 [tilespmem:s23], [sflag:$0x5], $0x80, s12, s22, $0xb8;
	[tilespmem:$0x1D000] =	vst v63  }
0x5e: {  	_ =	swait.ge [sflag:s20], $0x4000  }
0x5f: {  	[sflag:s20] =	ssyncset.done $0x0  }
0x60: {  	[sflag:s20] =	ssyncadd.s32 $0xFFFFC000  }
0x61: {  	_ =	swait.ge [sflag:s26], $0x4000  }
0x62: {  	[sflag:s26] =	ssyncset.done $0x0  }
0x63: {  	s13 =	simm.s32 $0x300;
	[sflag:s26] =	ssyncadd.s32 $0xFFFFC000  }
0x64: {  	[tilespmem:s23], [sflag:$0x3] =	stream.indirect.gather [hbm4b:s5+s22], $0x80, s13, s22, $0xb8;
	[tilespmem:$0x1D000] =	vst v63  }
0x65: {  	s15 =	simm.s32 $0x680  }
0x66: {  	[spmem:s3] =	stream.indirect.scatter.add.f32 [tilespmem:s25], [sflag:$0x5], $0x80, s15, s22, $0xb8;
	[tilespmem:$0x1D000] =	vst v63  }
0x67: {  	_ =	swait.ge [sflag:s20], $0x4000  }
0x68: {  	[sflag:s20] =	ssyncset.done $0x0  }
0x69: {  	[sflag:s20] =	ssyncadd.s32 $0xFFFFC000  }
0x6a: {  	_ =	swait.ge [sflag:s24], $0x4000  }
0x6b: {  	[sflag:s24] =	ssyncset.done $0x0  }
0x6c: {  	s19 =	simm.s32 $0x380;
	[sflag:s24] =	ssyncadd.s32 $0xFFFFC000  }
0x6d: {  	[tilespmem:s25], [sflag:$0x4] =	stream.indirect.gather [hbm4b:s5+s22], $0x80, s19, s22, $0xb8;
	[tilespmem:$0x1D000] =	vst v63  }
0x6e: {  	s12 =	simm.s32 $0x700  }
0x6f: {  	[spmem:s3] =	stream.indirect.scatter.add.f32 [tilespmem:s23], [sflag:$0x5], $0x80, s12, s22, $0xb8;
	[tilespmem:$0x1D000] =	vst v63  }
0x70: {  	_ =	swait.ge [sflag:s20], $0x4000  }
0x71: {  	[sflag:s20] =	ssyncset.done $0x0  }
0x72: {  	[sflag:s20] =	ssyncadd.s32 $0xFFFFC000  }
0x73: {  	_ =	swait.ge [sflag:s26], $0x4000  }
0x74: {  	[sflag:s26] =	ssyncset.done $0x0  }
0x75: {  	[sflag:s26] =	ssyncadd.s32 $0xFFFFC000  }
0x76: {  	_ =	swait.ge [sflag:s14], $0x400  }
0x77: {  	[sflag:s14] =	ssyncset.done $0x0  }
0x78: {  	[sflag:s14] =	ssyncadd.s32 $0xFFFFFC00  }
0x79: {  	_ =	swait.ge [sflag:s14], $0x400  }
0x7a: {  	[sflag:s14] =	ssyncset.done $0x0  }
0x7b: {  	[sflag:s14] =	ssyncadd.s32 $0xFFFFFC00  }
0x7c: {  	[tilespmem:s23], [sflag:$0x3] =	stream.indirect.gather [hbm4b:s5+s22], $0x80, s17, s22, $0xb8;
	[tilespmem:$0x1D000] =	vst v63  }
0x7d: {  	s13 =	simm.s32 $0x780  }
0x7e: {  	[spmem:s3] =	stream.indirect.scatter.add.f32 [tilespmem:s25], [sflag:$0x5], $0x80, s13, s22, $0xb8;
	[tilespmem:$0x1D000] =	vst v63  }
0x7f: {  	_ =	swait.ge [sflag:s20], $0x4000  }
0x80: {  	s1 =	rddreg [dreg:$0xe]  }
0x81: {  	[sflag:s20] =	ssyncset.done $0x0;
	s15 =	sshrl.u32 s1, $0x3  }
0x82: {  	[sflag:s20] =	ssyncadd.s32 $0xFFFFC000;
	s19 =	sadd.s32 s6, s15  }
0x83: {  	[tilespmem:s4], [sflag:$0x1] =	stream.linear.gather [hbm4b:s19+s4], $0x400, $0x38;
	[tilespmem:$0x1D000] =	vst v63  }
0x84: {  	s12 =	sadd.s32 s28, s15  }
0x85: {  	[tilespmem:s16], [sflag:$0x1] =	stream.linear.gather [hbm4b:s12+s4], $0x400, $0x38;
	[tilespmem:$0x1D000] =	vst v63  }
0x86: {  	_ =	swait.ge [sflag:s24], $0x4000  }
0x87: {  	[sflag:s24] =	ssyncset.done $0x0  }
0x88: {  	s13 =	simm.s32 $0x880;
	[sflag:s24] =	ssyncadd.s32 $0xFFFFC000  }
0x89: {  	[tilespmem:s25], [sflag:$0x4] =	stream.indirect.gather [hbm4b:s5+s22], $0x80, s13, s22, $0xb8;
	[tilespmem:$0x1D000] =	vst v63  }
0x8a: {  	_ = 	snop  }
0x8b: {  	[spmem:s3] =	stream.indirect.scatter.add.f32 [tilespmem:s23], [sflag:$0x5], $0x80, s18, s22, $0xb8;
	[tilespmem:$0x1D000] =	vst v63  }
0x8c: {  	_ =	swait.ge [sflag:s20], $0x4000  }
0x8d: {  	[sflag:s20] =	ssyncset.done $0x0  }
0x8e: {  	[sflag:s20] =	ssyncadd.s32 $0xFFFFC000  }
0x8f: {  	_ =	swait.ge [sflag:s26], $0x4000  }
0x90: {  	[sflag:s26] =	ssyncset.done $0x0  }
0x91: {  	s15 =	simm.s32 $0x900;
	[sflag:s26] =	ssyncadd.s32 $0xFFFFC000  }
0x92: {  	[tilespmem:s23], [sflag:$0x3] =	stream.indirect.gather [hbm4b:s5+s22], $0x80, s15, s22, $0xb8;
	[tilespmem:$0x1D000] =	vst v63  }
0x93: {  	s19 =	simm.s32 $0xC80  }
0x94: {  	[spmem:s3] =	stream.indirect.scatter.add.f32 [tilespmem:s25], [sflag:$0x5], $0x80, s19, s22, $0xb8;
	[tilespmem:$0x1D000] =	vst v63  }
0x95: {  	_ =	swait.ge [sflag:s20], $0x4000  }
0x96: {  	[sflag:s20] =	ssyncset.done $0x0  }
0x97: {  	[sflag:s20] =	ssyncadd.s32 $0xFFFFC000  }
0x98: {  	_ =	swait.ge [sflag:s24], $0x4000  }
0x99: {  	[sflag:s24] =	ssyncset.done $0x0  }
0x9a: {  	s13 =	simm.s32 $0x980;
	[sflag:s24] =	ssyncadd.s32 $0xFFFFC000  }
0x9b: {  	[tilespmem:s25], [sflag:$0x4] =	stream.indirect.gather [hbm4b:s5+s22], $0x80, s13, s22, $0xb8;
	[tilespmem:$0x1D000] =	vst v63  }
0x9c: {  	_ = 	snop  }
0x9d: {  	[spmem:s3] =	stream.indirect.scatter.add.f32 [tilespmem:s23], [sflag:$0x5], $0x80, s29, s22, $0xb8;
	[tilespmem:$0x1D000] =	vst v63  }
0x9e: {  	_ =	swait.ge [sflag:s20], $0x4000  }
0x9f: {  	[sflag:s20] =	ssyncset.done $0x0  }
0xa0: {  	[sflag:s20] =	ssyncadd.s32 $0xFFFFC000  }
0xa1: {  	_ =	swait.ge [sflag:s26], $0x4000  }
0xa2: {  	[sflag:s26] =	ssyncset.done $0x0  }
0xa3: {  	[sflag:s26] =	ssyncadd.s32 $0xFFFFC000  }
0xa4: {  	[tilespmem:s23], [sflag:$0x3] =	stream.indirect.gather [hbm4b:s5+s22], $0x80, s30, s22, $0xb8;
	[tilespmem:$0x1D000] =	vst v63  }
0xa5: {  	_ = 	snop  }
0xa6: {  	[spmem:s3] =	stream.indirect.scatter.add.f32 [tilespmem:s25], [sflag:$0x5], $0x80, s31, s22, $0xb8;
	[tilespmem:$0x1D000] =	vst v63  }
0xa7: {  	_ =	swait.ge [sflag:s20], $0x4000  }
0xa8: {  	[sflag:s20] =	ssyncset.done $0x0  }
0xa9: {  	[sflag:s20] =	ssyncadd.s32 $0xFFFFC000  }
0xaa: {  	_ =	swait.ge [sflag:s24], $0x4000  }
0xab: {  	[sflag:s24] =	ssyncset.done $0x0  }
0xac: {  	[sflag:s24] =	ssyncadd.s32 $0xFFFFC000  }
0xad: {  	[tilespmem:s25], [sflag:$0x4] =	stream.indirect.gather [hbm4b:s5+s22], $0x80, s0, s22, $0xb8;
	[tilespmem:$0x1D000] =	vst v63  }
0xae: {  	_ = 	snop  }
0xaf: {  	[spmem:s3] =	stream.indirect.scatter.add.f32 [tilespmem:s23], [sflag:$0x5], $0x80, s2, s22, $0xb8;
	[tilespmem:$0x1D000] =	vst v63  }
0xb0: {  	_ =	swait.ge [sflag:s20], $0x4000  }
0xb1: {  	[sflag:s20] =	ssyncset.done $0x0  }
0xb2: {  	[sflag:s20] =	ssyncadd.s32 $0xFFFFC000  }
0xb3: {  	_ =	swait.ge [sflag:s26], $0x4000  }
0xb4: {  	[sflag:s26] =	ssyncset.done $0x0  }
0xb5: {  	[sflag:s26] =	ssyncadd.s32 $0xFFFFC000  }
0xb6: {  	[tilespmem:s23], [sflag:$0x3] =	stream.indirect.gather [hbm4b:s5+s22], $0x80, s7, s22, $0xb8;
	[tilespmem:$0x1D000] =	vst v63  }
0xb7: {  	_ = 	snop  }
0xb8: {  	[spmem:s3] =	stream.indirect.scatter.add.f32 [tilespmem:s25], [sflag:$0x5], $0x80, s8, s22, $0xb8;
	[tilespmem:$0x1D000] =	vst v63  }
0xb9: {  	_ =	swait.ge [sflag:s20], $0x4000  }
0xba: {  	[sflag:s20] =	ssyncset.done $0x0  }
0xbb: {  	[sflag:s20] =	ssyncadd.s32 $0xFFFFC000  }
0xbc: {  	_ =	swait.ge [sflag:s24], $0x4000  }
0xbd: {  	[sflag:s24] =	ssyncset.done $0x0  }
0xbe: {  	[sflag:s24] =	ssyncadd.s32 $0xFFFFC000  }
0xbf: {  	[tilespmem:s25], [sflag:$0x4] =	stream.indirect.gather [hbm4b:s5+s22], $0x80, s9, s22, $0xb8;
	[tilespmem:$0x1D000] =	vst v63  }
0xc0: {  	_ = 	snop  }
0xc1: {  	[spmem:s3] =	stream.indirect.scatter.add.f32 [tilespmem:s23], [sflag:$0x5], $0x80, s10, s22, $0xb8;
	[tilespmem:$0x1D000] =	vst v63  }
0xc2: {  	_ =	swait.ge [sflag:s20], $0x4000  }
0xc3: {  	[sflag:s20] =	ssyncset.done $0x0  }
0xc4: {  	[sflag:s20] =	ssyncadd.s32 $0xFFFFC000  }
0xc5: {  	_ =	swait.ge [sflag:s26], $0x4000  }
0xc6: {  	[sflag:s26] =	ssyncset.done $0x0  }
0xc7: {  	[sflag:s26] =	ssyncadd.s32 $0xFFFFC000  }
0xc8: {  	_ =	swait.ge [sflag:s21], $0x400  }
0xc9: {  	[sflag:s21] =	ssyncset.done $0x0  }
0xca: {  	[sflag:s21] =	ssyncadd.s32 $0xFFFFFC00  }
0xcb: {  	_ =	swait.ge [sflag:s21], $0x400  }
0xcc: {  	[sflag:s21] =	ssyncset.done $0x0  }
0xcd: {  	[sflag:s21] =	ssyncadd.s32 $0xFFFFFC00  }
0xce: {  	[tilespmem:s23], [sflag:$0x3] =	stream.indirect.gather [hbm4b:s5+s22], $0x80, s4, s22, $0xb8;
	[tilespmem:$0x1D000] =	vst v63  }
0xcf: {  	_ = 	snop  }
0xd0: {  	[spmem:s3] =	stream.indirect.scatter.add.f32 [tilespmem:s25], [sflag:$0x5], $0x80, s11, s22, $0xb8;
	[tilespmem:$0x1D000] =	vst v63  }
0xd1: {  	_ =	swait.ge [sflag:s20], $0x4000  }
0xd2: {  	s15 =	rddreg [dreg:$0x5];
	[sflag:s20] =	ssyncset.done $0x0  }
0xd3: {  	s19 =	rddreg [dreg:$0x4];
	[sflag:s20] =	ssyncadd.s32 $0xFFFFC000;
	s12 =	sadd.s32 $0x0, s15  }
0xd4: {  	[tilespmem:s17], [sflag:$0x2] =	stream.linear.gather [hbm4b:s12+s4], $0x400, $0x38;
	[tilespmem:$0x1D000] =	vst v63  }
0xd5: {  	s13 =	simm.s32 $0x100;
	s15 =	sadd.s32 $0x0, s19;
	s12 =	sadd.s32 $0x800, s1  }
.LBB2_2:
0xd6: {  	[tilespmem:s18], [sflag:$0x2] =	stream.linear.gather [hbm4b:s15+s4], $0x400, $0x38;
	[tilespmem:$0x1D000] =	vst v63  }
0xd7: {  	_ =	swait.ge [sflag:s24], $0x4000  }
0xd8: {  	[sflag:s24] =	ssyncset.done $0x0  }
0xd9: {  	[sflag:s24] =	ssyncadd.s32 $0xFFFFC000  }
0xda: {  	[tilespmem:s25], [sflag:$0x4] =	stream.indirect.gather [hbm4b:s5+s22], $0x80, s22, s22, $0xb8;
	[tilespmem:$0x1D000] =	vst v63  }
0xdb: {  	_ = 	snop  }
0xdc: {  	[spmem:s3] =	stream.indirect.scatter.add.f32 [tilespmem:s23], [sflag:$0x5], $0x80, s16, s22, $0xb8;
	[tilespmem:$0x1D000] =	vst v63  }
0xdd: {  	_ =	swait.ge [sflag:s20], $0x4000  }
0xde: {  	[sflag:s20] =	ssyncset.done $0x0  }
0xdf: {  	[sflag:s20] =	ssyncadd.s32 $0xFFFFC000  }
0xe0: {  	_ =	swait.ge [sflag:s26], $0x4000  }
0xe1: {  	[sflag:s26] =	ssyncset.done $0x0  }
0xe2: {  	s1 =	simm.s32 $0x100;
	[sflag:s26] =	ssyncadd.s32 $0xFFFFC000  }
0xe3: {  	[tilespmem:s23], [sflag:$0x3] =	stream.indirect.gather [hbm4b:s5+s22], $0x80, s1, s22, $0xb8;
	[tilespmem:$0x1D000] =	vst v63  }
0xe4: {  	s19 =	simm.s32 $0x480  }
0xe5: {  	[spmem:s3] =	stream.indirect.scatter.add.f32 [tilespmem:s25], [sflag:$0x5], $0x80, s19, s22, $0xb8;
	[tilespmem:$0x1D000] =	vst v63  }
0xe6: {  	_ =	swait.ge [sflag:s20], $0x4000  }
0xe7: {  	[sflag:s20] =	ssyncset.done $0x0  }
0xe8: {  	[sflag:s20] =	ssyncadd.s32 $0xFFFFC000  }
0xe9: {  	_ =	swait.ge [sflag:s24], $0x4000  }
0xea: {  	[sflag:s24] =	ssyncset.done $0x0  }
0xeb: {  	s19 =	simm.s32 $0x180;
	[sflag:s24] =	ssyncadd.s32 $0xFFFFC000  }
0xec: {  	[tilespmem:s25], [sflag:$0x4] =	stream.indirect.gather [hbm4b:s5+s22], $0x80, s19, s22, $0xb8;
	[tilespmem:$0x1D000] =	vst v63  }
0xed: {  	s19 =	simm.s32 $0x500  }
0xee: {  	[spmem:s3] =	stream.indirect.scatter.add.f32 [tilespmem:s23], [sflag:$0x5], $0x80, s19, s22, $0xb8;
	[tilespmem:$0x1D000] =	vst v63  }
0xef: {  	_ =	swait.ge [sflag:s20], $0x4000  }
0xf0: {  	[sflag:s20] =	ssyncset.done $0x0  }
0xf1: {  	[sflag:s20] =	ssyncadd.s32 $0xFFFFC000  }
0xf2: {  	_ =	swait.ge [sflag:s26], $0x4000  }
0xf3: {  	[sflag:s26] =	ssyncset.done $0x0  }
0xf4: {  	s19 =	simm.s32 $0x200;
	[sflag:s26] =	ssyncadd.s32 $0xFFFFC000  }
0xf5: {  	[tilespmem:s23], [sflag:$0x3] =	stream.indirect.gather [hbm4b:s5+s22], $0x80, s19, s22, $0xb8;
	[tilespmem:$0x1D000] =	vst v63  }
0xf6: {  	s19 =	simm.s32 $0x580  }
0xf7: {  	[spmem:s3] =	stream.indirect.scatter.add.f32 [tilespmem:s25], [sflag:$0x5], $0x80, s19, s22, $0xb8;
	[tilespmem:$0x1D000] =	vst v63  }
0xf8: {  	_ =	swait.ge [sflag:s20], $0x4000  }
0xf9: {  	[sflag:s20] =	ssyncset.done $0x0  }
0xfa: {  	[sflag:s20] =	ssyncadd.s32 $0xFFFFC000  }
0xfb: {  	_ =	swait.ge [sflag:s24], $0x4000  }
0xfc: {  	[sflag:s24] =	ssyncset.done $0x0  }
0xfd: {  	s19 =	simm.s32 $0x280;
	[sflag:s24] =	ssyncadd.s32 $0xFFFFC000  }
0xfe: {  	[tilespmem:s25], [sflag:$0x4] =	stream.indirect.gather [hbm4b:s5+s22], $0x80, s19, s22, $0xb8;
	[tilespmem:$0x1D000] =	vst v63  }
0xff: {  	s19 =	simm.s32 $0x600  }
0x100: {  	[spmem:s3] =	stream.indirect.scatter.add.f32 [tilespmem:s23], [sflag:$0x5], $0x80, s19, s22, $0xb8;
	[tilespmem:$0x1D000] =	vst v63  }
0x101: {  	_ =	swait.ge [sflag:s20], $0x4000  }
0x102: {  	[sflag:s20] =	ssyncset.done $0x0  }
0x103: {  	[sflag:s20] =	ssyncadd.s32 $0xFFFFC000  }
0x104: {  	_ =	swait.ge [sflag:s26], $0x4000  }
0x105: {  	[sflag:s26] =	ssyncset.done $0x0  }
0x106: {  	s19 =	simm.s32 $0x300;
	[sflag:s26] =	ssyncadd.s32 $0xFFFFC000  }
0x107: {  	[tilespmem:s23], [sflag:$0x3] =	stream.indirect.gather [hbm4b:s5+s22], $0x80, s19, s22, $0xb8;
	[tilespmem:$0x1D000] =	vst v63  }
0x108: {  	s19 =	simm.s32 $0x680  }
0x109: {  	[spmem:s3] =	stream.indirect.scatter.add.f32 [tilespmem:s25], [sflag:$0x5], $0x80, s19, s22, $0xb8;
	[tilespmem:$0x1D000] =	vst v63  }
0x10a: {  	_ =	swait.ge [sflag:s20], $0x4000  }
0x10b: {  	[sflag:s20] =	ssyncset.done $0x0  }
0x10c: {  	[sflag:s20] =	ssyncadd.s32 $0xFFFFC000  }
0x10d: {  	_ =	swait.ge [sflag:s24], $0x4000  }
0x10e: {  	[sflag:s24] =	ssyncset.done $0x0  }
0x10f: {  	s19 =	simm.s32 $0x380;
	[sflag:s24] =	ssyncadd.s32 $0xFFFFC000  }
0x110: {  	[tilespmem:s25], [sflag:$0x4] =	stream.indirect.gather [hbm4b:s5+s22], $0x80, s19, s22, $0xb8;
	[tilespmem:$0x1D000] =	vst v63  }
0x111: {  	s19 =	simm.s32 $0x700  }
0x112: {  	[spmem:s3] =	stream.indirect.scatter.add.f32 [tilespmem:s23], [sflag:$0x5], $0x80, s19, s22, $0xb8;
	[tilespmem:$0x1D000] =	vst v63  }
0x113: {  	_ =	swait.ge [sflag:s20], $0x4000  }
0x114: {  	[sflag:s20] =	ssyncset.done $0x0  }
0x115: {  	[sflag:s20] =	ssyncadd.s32 $0xFFFFC000  }
0x116: {  	_ =	swait.ge [sflag:s26], $0x4000  }
0x117: {  	[sflag:s26] =	ssyncset.done $0x0  }
0x118: {  	[sflag:s26] =	ssyncadd.s32 $0xFFFFC000  }
0x119: {  	_ =	swait.ge [sflag:s14], $0x400  }
0x11a: {  	[sflag:s14] =	ssyncset.done $0x0  }
0x11b: {  	[sflag:s14] =	ssyncadd.s32 $0xFFFFFC00  }
0x11c: {  	_ =	swait.ge [sflag:s14], $0x400  }
0x11d: {  	[sflag:s14] =	ssyncset.done $0x0  }
0x11e: {  	[sflag:s14] =	ssyncadd.s32 $0xFFFFFC00  }
0x11f: {  	[tilespmem:s23], [sflag:$0x3] =	stream.indirect.gather [hbm4b:s5+s22], $0x80, s17, s22, $0xb8;
	[tilespmem:$0x1D000] =	vst v63  }
0x120: {  	s19 =	simm.s32 $0x780  }
0x121: {  	[spmem:s3] =	stream.indirect.scatter.add.f32 [tilespmem:s25], [sflag:$0x5], $0x80, s19, s22, $0xb8;
	[tilespmem:$0x1D000] =	vst v63  }
0x122: {  	_ =	swait.ge [sflag:s20], $0x4000  }
0x123: {  	s19 =	sshrl.u32 s12, $0x3;
	[sflag:s20] =	ssyncset.done $0x0  }
0x124: {  	s1 =	sadd.s32 s6, s19;
	[sflag:s20] =	ssyncadd.s32 $0xFFFFC000  }
0x125: {  	[tilespmem:s4], [sflag:$0x1] =	stream.linear.gather [hbm4b:s1+s4], $0x400, $0x38;
	[tilespmem:$0x1D000] =	vst v63  }
0x126: {  	s19 =	sadd.s32 s28, s19  }
0x127: {  	[tilespmem:s16], [sflag:$0x1] =	stream.linear.gather [hbm4b:s19+s4], $0x400, $0x38;
	[tilespmem:$0x1D000] =	vst v63  }
0x128: {  	_ =	swait.ge [sflag:s24], $0x4000  }
0x129: {  	[sflag:s24] =	ssyncset.done $0x0  }
0x12a: {  	s19 =	simm.s32 $0x880;
	[sflag:s24] =	ssyncadd.s32 $0xFFFFC000  }
0x12b: {  	[tilespmem:s25], [sflag:$0x4] =	stream.indirect.gather [hbm4b:s5+s22], $0x80, s19, s22, $0xb8;
	[tilespmem:$0x1D000] =	vst v63  }
0x12c: {  	_ = 	snop  }
0x12d: {  	[spmem:s3] =	stream.indirect.scatter.add.f32 [tilespmem:s23], [sflag:$0x5], $0x80, s18, s22, $0xb8;
	[tilespmem:$0x1D000] =	vst v63  }
0x12e: {  	_ =	swait.ge [sflag:s20], $0x4000  }
0x12f: {  	[sflag:s20] =	ssyncset.done $0x0  }
0x130: {  	[sflag:s20] =	ssyncadd.s32 $0xFFFFC000  }
0x131: {  	_ =	swait.ge [sflag:s26], $0x4000  }
0x132: {  	[sflag:s26] =	ssyncset.done $0x0  }
0x133: {  	s19 =	simm.s32 $0x900;
	[sflag:s26] =	ssyncadd.s32 $0xFFFFC000  }
0x134: {  	[tilespmem:s23], [sflag:$0x3] =	stream.indirect.gather [hbm4b:s5+s22], $0x80, s19, s22, $0xb8;
	[tilespmem:$0x1D000] =	vst v63  }
0x135: {  	s19 =	simm.s32 $0xC80  }
0x136: {  	[spmem:s3] =	stream.indirect.scatter.add.f32 [tilespmem:s25], [sflag:$0x5], $0x80, s19, s22, $0xb8;
	[tilespmem:$0x1D000] =	vst v63  }
0x137: {  	_ =	swait.ge [sflag:s20], $0x4000  }
0x138: {  	[sflag:s20] =	ssyncset.done $0x0  }
0x139: {  	[sflag:s20] =	ssyncadd.s32 $0xFFFFC000  }
0x13a: {  	_ =	swait.ge [sflag:s24], $0x4000  }
0x13b: {  	[sflag:s24] =	ssyncset.done $0x0  }
0x13c: {  	s19 =	simm.s32 $0x980;
	[sflag:s24] =	ssyncadd.s32 $0xFFFFC000  }
0x13d: {  	[tilespmem:s25], [sflag:$0x4] =	stream.indirect.gather [hbm4b:s5+s22], $0x80, s19, s22, $0xb8;
	[tilespmem:$0x1D000] =	vst v63  }
0x13e: {  	_ = 	snop  }
0x13f: {  	[spmem:s3] =	stream.indirect.scatter.add.f32 [tilespmem:s23], [sflag:$0x5], $0x80, s29, s22, $0xb8;
	[tilespmem:$0x1D000] =	vst v63  }
0x140: {  	_ =	swait.ge [sflag:s20], $0x4000  }
0x141: {  	[sflag:s20] =	ssyncset.done $0x0  }
0x142: {  	[sflag:s20] =	ssyncadd.s32 $0xFFFFC000  }
0x143: {  	_ =	swait.ge [sflag:s26], $0x4000  }
0x144: {  	[sflag:s26] =	ssyncset.done $0x0  }
0x145: {  	[sflag:s26] =	ssyncadd.s32 $0xFFFFC000  }
0x146: {  	[tilespmem:s23], [sflag:$0x3] =	stream.indirect.gather [hbm4b:s5+s22], $0x80, s30, s22, $0xb8;
	[tilespmem:$0x1D000] =	vst v63  }
0x147: {  	_ = 	snop  }
0x148: {  	[spmem:s3] =	stream.indirect.scatter.add.f32 [tilespmem:s25], [sflag:$0x5], $0x80, s31, s22, $0xb8;
	[tilespmem:$0x1D000] =	vst v63  }
0x149: {  	_ =	swait.ge [sflag:s20], $0x4000  }
0x14a: {  	[sflag:s20] =	ssyncset.done $0x0  }
0x14b: {  	[sflag:s20] =	ssyncadd.s32 $0xFFFFC000  }
0x14c: {  	_ =	swait.ge [sflag:s24], $0x4000  }
0x14d: {  	[sflag:s24] =	ssyncset.done $0x0  }
0x14e: {  	[sflag:s24] =	ssyncadd.s32 $0xFFFFC000  }
0x14f: {  	[tilespmem:s25], [sflag:$0x4] =	stream.indirect.gather [hbm4b:s5+s22], $0x80, s0, s22, $0xb8;
	[tilespmem:$0x1D000] =	vst v63  }
0x150: {  	_ = 	snop  }
0x151: {  	[spmem:s3] =	stream.indirect.scatter.add.f32 [tilespmem:s23], [sflag:$0x5], $0x80, s2, s22, $0xb8;
	[tilespmem:$0x1D000] =	vst v63  }
0x152: {  	_ =	swait.ge [sflag:s20], $0x4000  }
0x153: {  	[sflag:s20] =	ssyncset.done $0x0  }
0x154: {  	[sflag:s20] =	ssyncadd.s32 $0xFFFFC000  }
0x155: {  	_ =	swait.ge [sflag:s26], $0x4000  }
0x156: {  	[sflag:s26] =	ssyncset.done $0x0  }
0x157: {  	[sflag:s26] =	ssyncadd.s32 $0xFFFFC000  }
0x158: {  	[tilespmem:s23], [sflag:$0x3] =	stream.indirect.gather [hbm4b:s5+s22], $0x80, s7, s22, $0xb8;
	[tilespmem:$0x1D000] =	vst v63  }
0x159: {  	_ = 	snop  }
0x15a: {  	[spmem:s3] =	stream.indirect.scatter.add.f32 [tilespmem:s25], [sflag:$0x5], $0x80, s8, s22, $0xb8;
	[tilespmem:$0x1D000] =	vst v63  }
0x15b: {  	_ =	swait.ge [sflag:s20], $0x4000  }
0x15c: {  	[sflag:s20] =	ssyncset.done $0x0  }
0x15d: {  	[sflag:s20] =	ssyncadd.s32 $0xFFFFC000  }
0x15e: {  	_ =	swait.ge [sflag:s24], $0x4000  }
0x15f: {  	[sflag:s24] =	ssyncset.done $0x0  }
0x160: {  	[sflag:s24] =	ssyncadd.s32 $0xFFFFC000  }
0x161: {  	[tilespmem:s25], [sflag:$0x4] =	stream.indirect.gather [hbm4b:s5+s22], $0x80, s9, s22, $0xb8;
	[tilespmem:$0x1D000] =	vst v63  }
0x162: {  	_ = 	snop  }
0x163: {  	[spmem:s3] =	stream.indirect.scatter.add.f32 [tilespmem:s23], [sflag:$0x5], $0x80, s10, s22, $0xb8;
	[tilespmem:$0x1D000] =	vst v63  }
0x164: {  	_ =	swait.ge [sflag:s20], $0x4000  }
0x165: {  	[sflag:s20] =	ssyncset.done $0x0  }
0x166: {  	[sflag:s20] =	ssyncadd.s32 $0xFFFFC000  }
0x167: {  	_ =	swait.ge [sflag:s26], $0x4000  }
0x168: {  	[sflag:s26] =	ssyncset.done $0x0  }
0x169: {  	[sflag:s26] =	ssyncadd.s32 $0xFFFFC000  }
0x16a: {  	_ =	swait.ge [sflag:s21], $0x400  }
0x16b: {  	[sflag:s21] =	ssyncset.done $0x0  }
0x16c: {  	[sflag:s21] =	ssyncadd.s32 $0xFFFFFC00  }
0x16d: {  	_ =	swait.ge [sflag:s21], $0x400  }
0x16e: {  	[sflag:s21] =	ssyncset.done $0x0  }
0x16f: {  	[sflag:s21] =	ssyncadd.s32 $0xFFFFFC00  }
0x170: {  	[tilespmem:s23], [sflag:$0x3] =	stream.indirect.gather [hbm4b:s5+s22], $0x80, s4, s22, $0xb8;
	[tilespmem:$0x1D000] =	vst v63  }
0x171: {  	p0 =	sne.s32 s13, $0x300  }
0x172: {  	[spmem:s3] =	stream.indirect.scatter.add.f32 [tilespmem:s25], [sflag:$0x5], $0x80, s11, s22, $0xb8;
	[tilespmem:$0x1D000] =	vst v63  }
.Ltmp0:
0x173: {  	_ =	swait.ge [sflag:s20], $0x4000;
	(pc) =	sbr.rel @p0 .LBB2_2-.Ltmp0, $4  }
0x174: {  	s15 =	smov.u32 s13;
	s13 =	sadd.s32 $0x100, s13;
	s1 =	rddreg [dreg:$0x5]  }
0x175: {  	s12 =	sadd.s32 $0x800, s12;
	s19 =	rddreg [dreg:$0x4];
	[sflag:s20] =	ssyncset.done $0x0  }
0x176: {  	[sflag:s20] =	ssyncadd.s32 $0xFFFFC000;
	s1 =	sadd.s32 s15, s1;
	s15 =	sadd.s32 s15, s19  }
0x177: {  	[tilespmem:s17], [sflag:$0x2] =	stream.linear.gather [hbm4b:s1+s4], $0x400, $0x38;
	[tilespmem:$0x1D000] =	vst v63  }
0x178: {  	[tilespmem:s18], [sflag:$0x2] =	stream.linear.gather [hbm4b:s15+s4], $0x400, $0x38;
	[tilespmem:$0x1D000] =	vst v63  }
0x179: {  	_ =	swait.ge [sflag:s24], $0x4000  }
0x17a: {  	[sflag:s24] =	ssyncset.done $0x0  }
0x17b: {  	[sflag:s24] =	ssyncadd.s32 $0xFFFFC000  }
0x17c: {  	[tilespmem:s25], [sflag:$0x4] =	stream.indirect.gather [hbm4b:s5+s22], $0x80, s22, s22, $0xb8;
	[tilespmem:$0x1D000] =	vst v63  }
0x17d: {  	_ = 	snop  }
0x17e: {  	[spmem:s3] =	stream.indirect.scatter.add.f32 [tilespmem:s23], [sflag:$0x5], $0x80, s16, s22, $0xb8;
	[tilespmem:$0x1D000] =	vst v63  }
0x17f: {  	_ =	swait.ge [sflag:s20], $0x4000  }
0x180: {  	[sflag:s20] =	ssyncset.done $0x0  }
0x181: {  	[sflag:s20] =	ssyncadd.s32 $0xFFFFC000  }
0x182: {  	_ =	swait.ge [sflag:s26], $0x4000  }
0x183: {  	[sflag:s26] =	ssyncset.done $0x0  }
0x184: {  	s1 =	simm.s32 $0x100;
	[sflag:s26] =	ssyncadd.s32 $0xFFFFC000  }
0x185: {  	[tilespmem:s23], [sflag:$0x3] =	stream.indirect.gather [hbm4b:s5+s22], $0x80, s1, s22, $0xb8;
	[tilespmem:$0x1D000] =	vst v63  }
0x186: {  	s19 =	simm.s32 $0x480  }
0x187: {  	[spmem:s3] =	stream.indirect.scatter.add.f32 [tilespmem:s25], [sflag:$0x5], $0x80, s19, s22, $0xb8;
	[tilespmem:$0x1D000] =	vst v63  }
0x188: {  	_ =	swait.ge [sflag:s20], $0x4000  }
0x189: {  	[sflag:s20] =	ssyncset.done $0x0  }
0x18a: {  	[sflag:s20] =	ssyncadd.s32 $0xFFFFC000  }
0x18b: {  	_ =	swait.ge [sflag:s24], $0x4000  }
0x18c: {  	[sflag:s24] =	ssyncset.done $0x0  }
0x18d: {  	s12 =	simm.s32 $0x180;
	[sflag:s24] =	ssyncadd.s32 $0xFFFFC000  }
0x18e: {  	[tilespmem:s25], [sflag:$0x4] =	stream.indirect.gather [hbm4b:s5+s22], $0x80, s12, s22, $0xb8;
	[tilespmem:$0x1D000] =	vst v63  }
0x18f: {  	s13 =	simm.s32 $0x500  }
0x190: {  	[spmem:s3] =	stream.indirect.scatter.add.f32 [tilespmem:s23], [sflag:$0x5], $0x80, s13, s22, $0xb8;
	[tilespmem:$0x1D000] =	vst v63  }
0x191: {  	_ =	swait.ge [sflag:s20], $0x4000  }
0x192: {  	[sflag:s20] =	ssyncset.done $0x0  }
0x193: {  	[sflag:s20] =	ssyncadd.s32 $0xFFFFC000  }
0x194: {  	_ =	swait.ge [sflag:s26], $0x4000  }
0x195: {  	[sflag:s26] =	ssyncset.done $0x0  }
0x196: {  	s15 =	simm.s32 $0x200;
	[sflag:s26] =	ssyncadd.s32 $0xFFFFC000  }
0x197: {  	[tilespmem:s23], [sflag:$0x3] =	stream.indirect.gather [hbm4b:s5+s22], $0x80, s15, s22, $0xb8;
	[tilespmem:$0x1D000] =	vst v63  }
0x198: {  	s19 =	simm.s32 $0x580  }
0x199: {  	[spmem:s3] =	stream.indirect.scatter.add.f32 [tilespmem:s25], [sflag:$0x5], $0x80, s19, s22, $0xb8;
	[tilespmem:$0x1D000] =	vst v63  }
0x19a: {  	_ =	swait.ge [sflag:s20], $0x4000  }
0x19b: {  	[sflag:s20] =	ssyncset.done $0x0  }
0x19c: {  	[sflag:s20] =	ssyncadd.s32 $0xFFFFC000  }
0x19d: {  	_ =	swait.ge [sflag:s24], $0x4000  }
0x19e: {  	[sflag:s24] =	ssyncset.done $0x0  }
0x19f: {  	s12 =	simm.s32 $0x280;
	[sflag:s24] =	ssyncadd.s32 $0xFFFFC000  }
0x1a0: {  	[tilespmem:s25], [sflag:$0x4] =	stream.indirect.gather [hbm4b:s5+s22], $0x80, s12, s22, $0xb8;
	[tilespmem:$0x1D000] =	vst v63  }
0x1a1: {  	s13 =	simm.s32 $0x600  }
0x1a2: {  	[spmem:s3] =	stream.indirect.scatter.add.f32 [tilespmem:s23], [sflag:$0x5], $0x80, s13, s22, $0xb8;
	[tilespmem:$0x1D000] =	vst v63  }
0x1a3: {  	_ =	swait.ge [sflag:s20], $0x4000  }
0x1a4: {  	[sflag:s20] =	ssyncset.done $0x0  }
0x1a5: {  	[sflag:s20] =	ssyncadd.s32 $0xFFFFC000  }
0x1a6: {  	_ =	swait.ge [sflag:s26], $0x4000  }
0x1a7: {  	[sflag:s26] =	ssyncset.done $0x0  }
0x1a8: {  	s15 =	simm.s32 $0x300;
	[sflag:s26] =	ssyncadd.s32 $0xFFFFC000  }
0x1a9: {  	[tilespmem:s23], [sflag:$0x3] =	stream.indirect.gather [hbm4b:s5+s22], $0x80, s15, s22, $0xb8;
	[tilespmem:$0x1D000] =	vst v63  }
0x1aa: {  	s19 =	simm.s32 $0x680  }
0x1ab: {  	[spmem:s3] =	stream.indirect.scatter.add.f32 [tilespmem:s25], [sflag:$0x5], $0x80, s19, s22, $0xb8;
	[tilespmem:$0x1D000] =	vst v63  }
0x1ac: {  	_ =	swait.ge [sflag:s20], $0x4000  }
0x1ad: {  	[sflag:s20] =	ssyncset.done $0x0  }
0x1ae: {  	[sflag:s20] =	ssyncadd.s32 $0xFFFFC000  }
0x1af: {  	_ =	swait.ge [sflag:s24], $0x4000  }
0x1b0: {  	[sflag:s24] =	ssyncset.done $0x0  }
0x1b1: {  	s12 =	simm.s32 $0x380;
	[sflag:s24] =	ssyncadd.s32 $0xFFFFC000  }
0x1b2: {  	[tilespmem:s25], [sflag:$0x4] =	stream.indirect.gather [hbm4b:s5+s22], $0x80, s12, s22, $0xb8;
	[tilespmem:$0x1D000] =	vst v63  }
0x1b3: {  	s13 =	simm.s32 $0x700  }
0x1b4: {  	[spmem:s3] =	stream.indirect.scatter.add.f32 [tilespmem:s23], [sflag:$0x5], $0x80, s13, s22, $0xb8;
	[tilespmem:$0x1D000] =	vst v63  }
0x1b5: {  	_ =	swait.ge [sflag:s20], $0x4000  }
0x1b6: {  	[sflag:s20] =	ssyncset.done $0x0  }
0x1b7: {  	[sflag:s20] =	ssyncadd.s32 $0xFFFFC000  }
0x1b8: {  	_ =	swait.ge [sflag:s26], $0x4000  }
0x1b9: {  	[sflag:s26] =	ssyncset.done $0x0  }
0x1ba: {  	[sflag:s26] =	ssyncadd.s32 $0xFFFFC000  }
0x1bb: {  	_ =	swait.ge [sflag:s14], $0x400  }
0x1bc: {  	[sflag:s14] =	ssyncset.done $0x0  }
0x1bd: {  	[sflag:s14] =	ssyncadd.s32 $0xFFFFFC00  }
0x1be: {  	_ =	swait.ge [sflag:s14], $0x400  }
0x1bf: {  	[sflag:s14] =	ssyncset.done $0x0  }
0x1c0: {  	[sflag:s14] =	ssyncadd.s32 $0xFFFFFC00  }
0x1c1: {  	[tilespmem:s23], [sflag:$0x3] =	stream.indirect.gather [hbm4b:s5+s22], $0x80, s17, s22, $0xb8;
	[tilespmem:$0x1D000] =	vst v63  }
0x1c2: {  	s15 =	simm.s32 $0x780  }
0x1c3: {  	[spmem:s3] =	stream.indirect.scatter.add.f32 [tilespmem:s25], [sflag:$0x5], $0x80, s15, s22, $0xb8;
	[tilespmem:$0x1D000] =	vst v63  }
0x1c4: {  	_ =	swait.ge [sflag:s20], $0x4000  }
0x1c5: {  	[sflag:s20] =	ssyncset.done $0x0  }
0x1c6: {  	[sflag:s20] =	ssyncadd.s32 $0xFFFFC000  }
0x1c7: {  	_ =	swait.ge [sflag:s24], $0x4000  }
0x1c8: {  	[sflag:s24] =	ssyncset.done $0x0  }
0x1c9: {  	s19 =	simm.s32 $0x880;
	[sflag:s24] =	ssyncadd.s32 $0xFFFFC000  }
0x1ca: {  	[tilespmem:s25], [sflag:$0x4] =	stream.indirect.gather [hbm4b:s5+s22], $0x80, s19, s22, $0xb8;
	[tilespmem:$0x1D000] =	vst v63  }
0x1cb: {  	_ = 	snop  }
0x1cc: {  	[spmem:s3] =	stream.indirect.scatter.add.f32 [tilespmem:s23], [sflag:$0x5], $0x80, s18, s22, $0xb8;
	[tilespmem:$0x1D000] =	vst v63  }
0x1cd: {  	_ =	swait.ge [sflag:s20], $0x4000  }
0x1ce: {  	[sflag:s20] =	ssyncset.done $0x0  }
0x1cf: {  	[sflag:s20] =	ssyncadd.s32 $0xFFFFC000  }
0x1d0: {  	_ =	swait.ge [sflag:s26], $0x4000  }
0x1d1: {  	[sflag:s26] =	ssyncset.done $0x0  }
0x1d2: {  	s12 =	simm.s32 $0x900;
	[sflag:s26] =	ssyncadd.s32 $0xFFFFC000  }
0x1d3: {  	[tilespmem:s23], [sflag:$0x3] =	stream.indirect.gather [hbm4b:s5+s22], $0x80, s12, s22, $0xb8;
	[tilespmem:$0x1D000] =	vst v63  }
0x1d4: {  	s13 =	simm.s32 $0xC80  }
0x1d5: {  	[spmem:s3] =	stream.indirect.scatter.add.f32 [tilespmem:s25], [sflag:$0x5], $0x80, s13, s22, $0xb8;
	[tilespmem:$0x1D000] =	vst v63  }
0x1d6: {  	_ =	swait.ge [sflag:s20], $0x4000  }
0x1d7: {  	[sflag:s20] =	ssyncset.done $0x0  }
0x1d8: {  	[sflag:s20] =	ssyncadd.s32 $0xFFFFC000  }
0x1d9: {  	_ =	swait.ge [sflag:s24], $0x4000  }
0x1da: {  	[sflag:s24] =	ssyncset.done $0x0  }
0x1db: {  	s15 =	simm.s32 $0x980;
	[sflag:s24] =	ssyncadd.s32 $0xFFFFC000  }
0x1dc: {  	[tilespmem:s25], [sflag:$0x4] =	stream.indirect.gather [hbm4b:s5+s22], $0x80, s15, s22, $0xb8;
	[tilespmem:$0x1D000] =	vst v63  }
0x1dd: {  	_ = 	snop  }
0x1de: {  	[spmem:s3] =	stream.indirect.scatter.add.f32 [tilespmem:s23], [sflag:$0x5], $0x80, s29, s22, $0xb8;
	[tilespmem:$0x1D000] =	vst v63  }
0x1df: {  	_ =	swait.ge [sflag:s20], $0x4000  }
0x1e0: {  	[sflag:s20] =	ssyncset.done $0x0  }
0x1e1: {  	[sflag:s20] =	ssyncadd.s32 $0xFFFFC000  }
0x1e2: {  	_ =	swait.ge [sflag:s26], $0x4000  }
0x1e3: {  	[sflag:s26] =	ssyncset.done $0x0  }
0x1e4: {  	[sflag:s26] =	ssyncadd.s32 $0xFFFFC000  }
0x1e5: {  	[tilespmem:s23], [sflag:$0x3] =	stream.indirect.gather [hbm4b:s5+s22], $0x80, s30, s22, $0xb8;
	[tilespmem:$0x1D000] =	vst v63  }
0x1e6: {  	_ = 	snop  }
0x1e7: {  	[spmem:s3] =	stream.indirect.scatter.add.f32 [tilespmem:s25], [sflag:$0x5], $0x80, s31, s22, $0xb8;
	[tilespmem:$0x1D000] =	vst v63  }
0x1e8: {  	_ =	swait.ge [sflag:s20], $0x4000  }
0x1e9: {  	[sflag:s20] =	ssyncset.done $0x0  }
0x1ea: {  	[sflag:s20] =	ssyncadd.s32 $0xFFFFC000  }
0x1eb: {  	_ =	swait.ge [sflag:s24], $0x4000  }
0x1ec: {  	[sflag:s24] =	ssyncset.done $0x0  }
0x1ed: {  	[sflag:s24] =	ssyncadd.s32 $0xFFFFC000  }
0x1ee: {  	[tilespmem:s25], [sflag:$0x4] =	stream.indirect.gather [hbm4b:s5+s22], $0x80, s0, s22, $0xb8;
	[tilespmem:$0x1D000] =	vst v63  }
0x1ef: {  	_ = 	snop  }
0x1f0: {  	[spmem:s3] =	stream.indirect.scatter.add.f32 [tilespmem:s23], [sflag:$0x5], $0x80, s2, s22, $0xb8;
	[tilespmem:$0x1D000] =	vst v63  }
0x1f1: {  	_ =	swait.ge [sflag:s20], $0x4000  }
0x1f2: {  	[sflag:s20] =	ssyncset.done $0x0  }
0x1f3: {  	[sflag:s20] =	ssyncadd.s32 $0xFFFFC000  }
0x1f4: {  	_ =	swait.ge [sflag:s26], $0x4000  }
0x1f5: {  	[sflag:s26] =	ssyncset.done $0x0  }
0x1f6: {  	[sflag:s26] =	ssyncadd.s32 $0xFFFFC000  }
0x1f7: {  	[tilespmem:s23], [sflag:$0x3] =	stream.indirect.gather [hbm4b:s5+s22], $0x80, s7, s22, $0xb8;
	[tilespmem:$0x1D000] =	vst v63  }
0x1f8: {  	_ = 	snop  }
0x1f9: {  	[spmem:s3] =	stream.indirect.scatter.add.f32 [tilespmem:s25], [sflag:$0x5], $0x80, s8, s22, $0xb8;
	[tilespmem:$0x1D000] =	vst v63  }
0x1fa: {  	_ =	swait.ge [sflag:s20], $0x4000  }
0x1fb: {  	[sflag:s20] =	ssyncset.done $0x0  }
0x1fc: {  	[sflag:s20] =	ssyncadd.s32 $0xFFFFC000  }
0x1fd: {  	_ =	swait.ge [sflag:s24], $0x4000  }
0x1fe: {  	[sflag:s24] =	ssyncset.done $0x0  }
0x1ff: {  	[sflag:s24] =	ssyncadd.s32 $0xFFFFC000  }
0x200: {  	[tilespmem:s25], [sflag:$0x4] =	stream.indirect.gather [hbm4b:s5+s22], $0x80, s9, s22, $0xb8;
	[tilespmem:$0x1D000] =	vst v63  }
0x201: {  	_ = 	snop  }
0x202: {  	[spmem:s3] =	stream.indirect.scatter.add.f32 [tilespmem:s23], [sflag:$0x5], $0x80, s10, s22, $0xb8;
	[tilespmem:$0x1D000] =	vst v63  }
0x203: {  	_ =	swait.ge [sflag:s20], $0x4000  }
0x204: {  	[sflag:s20] =	ssyncset.done $0x0  }
0x205: {  	[sflag:s20] =	ssyncadd.s32 $0xFFFFC000  }
0x206: {  	_ =	swait.ge [sflag:s26], $0x4000  }
0x207: {  	[sflag:s26] =	ssyncset.done $0x0  }
0x208: {  	[sflag:s26] =	ssyncadd.s32 $0xFFFFC000  }
0x209: {  	[spmem:s3] =	stream.indirect.scatter.add.f32 [tilespmem:s25], [sflag:$0x5], $0x80, s11, s22, $0xb8;
	[tilespmem:$0x1D000] =	vst v63  }
0x20a: {  	_ =	swait.ge [sflag:s20], $0x4000  }
0x20b: {  	[sflag:s20] =	ssyncset.done $0x0  }
0x20c: {  	[sflag:s20] =	ssyncadd.s32 $0xFFFFC000  }
0x20d: {  	[bflag:$0x0] =	sbarrier.arrive $0xFFFF  }
0x20e: {  	s12 =	rddreg [dreg:$0xb]  }
0x20f: {  	s19 =	rddreg [dreg:$0xc]  }
0x210: {  	s13 =	rddreg [dreg:$0xf]  }
0x211: {  	[hbm:s19], [sflag:s12] =	dma.local [spmem:s13], $0x2800  }
0x212: {  	_ =	swait.ge [sflag:s20], $0x2800  }
0x213: {  	s1 =	rddreg [dreg:$0x10]  }
0x214: {  	s19 =	rddreg [dreg:$0xd];
	s15 =	sadd.s32 $0x1, s1  }
0x215: {  	p0 =	sne.s32 s15, s19  }
.Ltmp1:
0x216: {  	_ = 	snop;
	(pc) =	sbr.rel @p0 .LBB2_1-.Ltmp1, $3  }
0x217: {  	_ =	sdelay $0x1  }
0x218: {  	[sflag:s20] =	ssyncset.done $0x0  }
0x219: {  	[sflag:s20] =	ssyncadd.s32 $0xFFFFD800  }
0x21a: {  	_ =	sfence.sel $0x180000  }
0x21b: {  	[bflag:$0x0] =	sbarrier.arrive $0xFFFF  }
0x21c: {  	_ =	strace $0x9000004D  }
0x21d: {  	s0 =	stileid.u32;
	[bflag:$0x2] =	sbarrier.arrive $0xFFFF  }
0x21e: {  	p0 =	sne.s32 s0, $0x0;
	s0 =	rddreg [dreg:$0x3]  }
0x21f: {  	s0 =	sadd.s32 @!p0 $0x100000, s0  }
0x220: {  	[sflag:s0] =	ssyncadd.tile.s32 @!p0 $0x1;
	_ =	shalt  }
.Lfunc_end2:
_tile_overlayer_lowered:
.L_overlay_start_2:
0x221: {  	(tag) =	ssettag $0x2  }
0x222: {  	s0 =	rddreg [dreg:$0x0];
	s2 =	stileid.u32  }
0x223: {  	s1 =	rddreg [dreg:$0x1];
	p0 =	sne.s32 s2, $0x0  }
0x224: {  	s3 =	rddreg [dreg:$0x2];
	[bflag:$0x3] =	sbarrier.arrive $0xFFFF;
	s2 =	simm.s32 @!p0 $0x1C05  }
0x225: {  	[timem:s3], [sflag:s2] =	dma.local @!p0 [hbm:s0], s1  }
0x226: {  	s0 =	simm.s32 @!p0 $0x5  }
0x227: {  	_ =	swait.ge @!p0 [sflag:s0], s1  }
0x228: {  	s1 =	ssub.s32 @!p0 $0x0, s1;
	[sflag:s0] =	ssyncset.done @!p0 $0x0  }
0x229: {  	[sflag:s0] =	ssyncadd.s32 @!p0 s1  }
0x22a: {  	[bflag:$0x3] =	sbarrier.arrive $0xFFFF  }
0x22b: {  	_ =	shalt  }

// kernel: kernel.8.cloned.1.call-start
scs
__scs_entry_jumppad:
0x0: {  	(pc) =	sbr.rel $0x88, $3  }
0x1: {  	(tag) =	ssettag $0x0;
	lr =	simm.s32 $0x1  }
0x2: {  	[smem:$0x3F9B] =	sst lr;
	_ =	strace $0xD0000000  }
0x3: {  	_ = 	snop  }
0x4: {  	_ = 	snop  }
0x5: {  	_ = 	snop  }
0x6: {  	_ = 	snop  }
0x7: {  	_ = 	snop  }
__scs_overlays_trampoline_lowered:
0x8: {  	[smem:$0x3FAA] =	sst s0  }
0x9: {  	[smem:$0x3FAB] =	sst s1  }
0xa: {  	[smem:$0x3FAC] =	sst s2  }
0xb: {  	[smem:$0x3FAD] =	sst s3  }
0xc: {  	[smem:$0x3FAE] =	sst s4  }
0xd: {  	[smem:$0x3FAF] =	sst s5  }
0xe: {  	[smem:$0x3FB0] =	sst s6  }
0xf: {  	[smem:$0x3FB1] =	sst s7  }
0x10: {  	[smem:$0x3FB2] =	sst s8  }
0x11: {  	[smem:$0x3FB3] =	sst s9;
	s0 =	simm.s32 @!p0 $0x0  }
0x12: {  	s1 =	sld [smem:$0x3F99];
	s0 =	simm.s32 @p0 $0x1  }
0x13: {  	[smem:$0x3FB4] =	sst s0;
	s0 =	simm.s32 @!p1 $0x0  }
0x14: {  	s2 =	sld [smem:$0x3F98];
	s0 =	simm.s32 @p1 $0x1  }
0x15: {  	[smem:$0x3FB5] =	sst s0;
	s0 =	simm.s32 @!p2 $0x0  }
0x16: {  	s3 =	sld [smem:$0x3FDB];
	s0 =	simm.s32 @p2 $0x1  }
0x17: {  	s4 =	simm.s32 $0x1BF5;
	[smem:$0x3FB7] =	sst s0  }
0x18: {  	s0 =	sld [smem:$0x3F9A];
	_ =	swait.ge [sflag:s4], $0x0  }
0x19: {  	s7 =	sld [smem:$0x3F9B]  }
0x1a: {  	s8 =	sadd.s32 $0xFFFFE003, lr  }
0x1b: {  	s9 =	sadd.s32 $0xFFFFFEF7, lr;
	s5 =	simm.s32 $0xFFFFFFFF;
	p2 =	slt.u32 s8, $0xFFFFF086  }
0x1c: {  	p1 =	slt.u32 s9, $0xF7A;
	s5 =	simm.s32 @!p2 $0x0  }
0x1d: {  	s5 =	simm.s32 @p1 $0x1;
	p0 =	seq.s32 s7, s2  }
0x1e: {  	s7 =	smul.u32 @!p0 $0xF7A, s2;
	p2 =	seq.s32 @!p0 s5, $0x0  }
0x1f: {  	s9 =	smul.u32 $0xF7A, s1;
	s8 =	simm.s32 @!p0 $0x1BF5;
	p2 =	por !p2, p0  }
0x20: {  	[sflag:s8] =	ssyncset.s32 @!p0 $0xFFFFF086;
	s6 =	sadd.s32 @!p0 s3, s7;
	s7 =	simm.s32 @!p0 $0x108  }
0x21: {  	s3 =	sadd.s32 s3, s9;
	s6 =	sadd.s32 @!p0 $0x88, s6;
	s7 =	simm.s32 @p2 $0x1082  }
0x22: {  	[simem:s7], [sflag:s8] =	dma.local @!p0 [hbm:s6], $0xF7A  }
0x23: {  	s9 =	sor.u32 $0xD0000000, s2;
	s6 =	simm.s32 $0x108;
	_ =	swait.ge @!p0 [sflag:s8], $0x0  }
0x24: {  	s3 =	sadd.s32 $0x88, s3;
	s6 =	simm.s32 @!p1 $0x1082;
	[sflag:s4] =	ssyncset.s32 $0xFFFFF086  }
0x25: {  	[simem:s6], [sflag:s4] =	dma.local [hbm:s3], $0xF7A  }
0x26: {  	[smem:$0x3F9B] =	sst s1;
	(tag) =	ssettag s2;
	_ =	strace s9  }
0x27: {  	s1 =	sld [smem:$0x3FAB]  }
0x28: {  	s2 =	sld [smem:$0x3FAC]  }
0x29: {  	s4 =	sld [smem:$0x3FAE]  }
0x2a: {  	p0 =	seq.s32 s5, $0x0;
	s5 =	sld [smem:$0x3FAF]  }
0x2b: {  	s6 =	sld [smem:$0x3FB0]  }
0x2c: {  	s7 =	sld [smem:$0x3FB1]  }
0x2d: {  	s3 =	simm.s32 $0x108;
	s8 =	sld [smem:$0x3FB2]  }
0x2e: {  	s3 =	simm.s32 @!p0 $0x1082;
	s9 =	sld [smem:$0x3FB3]  }
0x2f: {  	lr =	sadd.s32 s0, s3;
	s0 =	sld [smem:$0x3FAA]  }
0x30: {  	s3 =	sld [smem:$0x3FAD]  }
0x31: {  	[smem:$0x3FB6] =	sst s10  }
0x32: {  	s10 =	sld [smem:$0x3FB4];
	_ =	sdelay $0x3  }
0x33: {  	p0 =	seq.s32 s10, $0x1;
	s10 =	sld [smem:$0x3FB6];
	_ =	sdelay $0x3  }
0x34: {  	[smem:$0x3FB6] =	sst s10  }
0x35: {  	s10 =	sld [smem:$0x3FB5];
	_ =	sdelay $0x3  }
0x36: {  	p1 =	seq.s32 s10, $0x1;
	s10 =	sld [smem:$0x3FB6];
	_ =	sdelay $0x3  }
0x37: {  	[smem:$0x3FB6] =	sst s10  }
0x38: {  	s10 =	sld [smem:$0x3FB7]  }
0x39: {  	_ = 	snop;
	(pc) =	sbr.ind lr, $3  }
0x3a: {  	_ = 	snop  }
0x3b: {  	_ = 	snop  }
0x3c: {  	p2 =	seq.s32 s10, $0x1;
	s10 =	sld [smem:$0x3FB6]  }
0x3d: {  	_ =	shalt  }
0x3e: {  	_ =	shalt  }
0x3f: {  	_ =	shalt  }
0x40: {  	_ =	shalt  }
0x41: {  	_ =	shalt  }
0x42: {  	_ =	shalt  }
0x43: {  	_ =	shalt  }
0x44: {  	_ =	shalt  }
0x45: {  	_ =	shalt  }
0x46: {  	_ =	shalt  }
0x47: {  	_ =	shalt  }
0x48: {  	_ =	shalt  }
0x49: {  	_ =	shalt  }
0x4a: {  	_ =	shalt  }
0x4b: {  	_ =	shalt  }
0x4c: {  	_ =	shalt  }
0x4d: {  	_ =	shalt  }
0x4e: {  	_ =	shalt  }
0x4f: {  	_ =	shalt  }
0x50: {  	_ =	shalt  }
0x51: {  	_ =	shalt  }
0x52: {  	_ =	shalt  }
0x53: {  	_ =	shalt  }
0x54: {  	_ =	shalt  }
0x55: {  	_ =	shalt  }
0x56: {  	_ =	shalt  }
0x57: {  	_ =	shalt  }
0x58: {  	_ =	shalt  }
0x59: {  	_ =	shalt  }
0x5a: {  	_ =	shalt  }
0x5b: {  	_ =	shalt  }
0x5c: {  	_ =	shalt  }
0x5d: {  	_ =	shalt  }
0x5e: {  	_ =	shalt  }
0x5f: {  	_ =	shalt  }
0x60: {  	_ =	shalt  }
0x61: {  	_ =	shalt  }
0x62: {  	_ =	shalt  }
0x63: {  	_ =	shalt  }
0x64: {  	_ =	shalt  }
0x65: {  	_ =	shalt  }
0x66: {  	_ =	shalt  }
0x67: {  	_ =	shalt  }
0x68: {  	_ =	shalt  }
0x69: {  	_ =	shalt  }
0x6a: {  	_ =	shalt  }
0x6b: {  	_ =	shalt  }
0x6c: {  	_ =	shalt  }
0x6d: {  	_ =	shalt  }
0x6e: {  	_ =	shalt  }
0x6f: {  	_ =	shalt  }
0x70: {  	_ =	shalt  }
0x71: {  	_ =	shalt  }
0x72: {  	_ =	shalt  }
0x73: {  	_ =	shalt  }
0x74: {  	_ =	shalt  }
0x75: {  	_ =	shalt  }
0x76: {  	_ =	shalt  }
0x77: {  	_ =	shalt  }
0x78: {  	_ =	shalt  }
0x79: {  	_ =	shalt  }
0x7a: {  	_ =	shalt  }
0x7b: {  	_ =	shalt  }
0x7c: {  	_ =	shalt  }
0x7d: {  	_ =	shalt  }
0x7e: {  	_ =	shalt  }
0x7f: {  	_ =	shalt  }
0x80: {  	_ =	shalt  }
0x81: {  	_ =	shalt  }
0x82: {  	_ =	shalt  }
0x83: {  	_ =	shalt  }
0x84: {  	_ =	shalt  }
0x85: {  	_ =	shalt  }
0x86: {  	_ =	shalt  }
0x87: {  	_ =	shalt  }
.Lfunc_end0:
.L_simem_size_0:
called_computation_lowered:
.L_overlay_start_0:
0x88: {  	s2 =	sld [smem:$0x3FD9]  }
0x89: {  	s3 =	sld [smem:$0x3FFE];
	_ =	sdelay $0x1  }
0x8a: {  	s1 =	srdreg.scid  }
0x8b: {  	s0 =	sand.u32 $0x1, s1  }
0x8c: {  	s17 =	sshll.u32 s0, $0xA;
	s2 =	sadd.s32 s3, s2  }
0x8d: {  	s2 =	sadd.s32 s2, s17  }
0x8e: {  	[smem:$0x3FC2] =	sst s2  }
0x8f: {  	_ = 	snop  }
0x90: {  	s2 =	sld [smem:$0x3FD0];
	(tm) =	ssettm $0x1  }
0x91: {  	s18 =	sld [smem:$0x3FFB];
	_ =	sdelay $0x3  }
0x92: {  	_ =	strace s18  }
0x93: {  	s3 =	sld [smem:$0x3FFC];
	_ =	sdelay $0x3  }
0x94: {  	_ =	strace s3  }
0x95: {  	s3 =	sld [smem:$0x3FFD];
	_ =	sdelay $0x3  }
0x96: {  	_ =	strace s3  }
0x97: {  	_ =	strace $0x8FFFFFFF  }
0x98: {  	s19 =	sld [smem:$0x3FDB];
	_ =	sdelay $0x1  }
0x99: {  	s4 =	simm.s32 $_scs_section_size  }
0x9a: {  	s5 =	simm.s32 $_size__tile_overlayer_lowered;
	s6 =	simm.s32 $_tile_overlayer_lowered  }
0x9b: {  	s22 =	simm.s32 $0x1BFF;
	s21 =	sshll.u32 s6, $0x1;
	s3 =	sadd.s32 s4, s19  }
0x9c: {  	s7 =	simm.s32 $0x0;
	s20 =	sshll.u32 s5, $0x1;
	s5 =	sadd.s32 s21, s3  }
0x9d: {  	[timem:s7], [sflag:s22] =	dma.local [hbm:s5], s20  }
0x9e: {  	_ =	swait.ge [sflag:s22], s20  }
0x9f: {  	s4 =	ssub.s32 $0x0, s20;
	[sflag:s22] =	ssyncset.done $0x0  }
0xa0: {  	[sflag:s22] =	ssyncadd.s32 s4;
	_ =	sdelay $0x1  }
0xa1: {  	s23 =	simm.s32 $0x1B8B  }
0xa2: {  	_ =	swait.ge [sflag:s23], $0x1  }
0xa3: {  	[sflag:s23] =	ssyncset.done $0x0  }
0xa4: {  	s25 =	simm.s32 $0x1B8E;
	s24 =	sld [smem:$0x3FFE];
	[sflag:s23] =	ssyncadd.s32 $0xFFFFFFFF  }
0xa5: {  	s26 =	simm.s32 $execute0_lowered;
	[smem:$0x3FD2] =	sst s25  }
0xa6: {  	s5 =	sshll.u32 s26, $0x1;
	_ =	strace $0x80000046;
	[dreg:$0x1] =	wrdreg $0xFFFFFFFF  }
0xa7: {  	s28 =	simm.s32 $_size_execute0_lowered;
	s3 =	sadd.s32 s3, s5;
	[dreg:$0x0] =	wrdreg $0x0  }
0xa8: {  	s5 =	sshll.u32 s28, $0x1;
	[dreg:$0x2] =	wrdreg s3  }
0xa9: {  	[dreg:$0x3] =	wrdreg s5  }
0xaa: {  	[dreg:$0x4] =	wrdreg $0xC0  }
0xab: {  	_ =	task [dreg:s7], $0x5FFFF  }
0xac: {  	[dreg:$0x1] =	wrdreg $0xFFFFFFFF  }
0xad: {  	[dreg:$0x0] =	wrdreg $0x60  }
0xae: {  	[dreg:$0x2] =	wrdreg s2  }
0xaf: {  	[dreg:$0x3] =	wrdreg s24  }
0xb0: {  	[dreg:$0x4] =	wrdreg $0x28800  }
0xb1: {  	[dreg:$0x5] =	wrdreg $0x9  }
0xb2: {  	_ =	task.clear_ibuf [dreg:s7], $0x6FFFF;
	_ =	strace $0x90000046  }
0xb3: {  	s29 =	simm.s32 $0x9;
	_ =	strace $0x80000048  }
0xb4: {  	_ =	swait.ge [sflag:s29], $0x1  }
0xb5: {  	[sflag:s29] =	ssyncadd.s32 $0xFFFFFFFF  }
0xb6: {  	_ =	strace $0x90000048  }
0xb7: {  	_ =	sfence  }
0xb8: {  	s30 =	sld [smem:$0x0];
	_ =	sdelay $0x2  }
0xb9: {  	s31 =	sshll.u32 s1, $0xD;
	s1 =	sshrl.u32 s1, $0x2  }
0xba: {  	s3 =	sand.u32 $0x4000, s31;
	s1 =	sadd.s32 s1, s30  }
0xbb: {  	s0 =	sor.u32 s3, s0;
	s1 =	sshll.u32 s1, $0x11  }
0xbc: {  	s0 =	sor.u32 s1, s0  }
0xbd: {  	s0 =	sadd.s32 $0x8F2B, s0  }
0xbe: {  	[sflag:s0] =	ssyncadd.remote.s32 $0x1  }
0xbf: {  	_ =	sfence.sel $0xFFFF  }
0xc0: {  	[dreg:$0x0] =	wrdreg $0xFFFFFFFF;
	(pc) =	sbr.abs _section_cstart, $3  }
0xc1: {  	[dreg:$0x1] =	wrdreg $0xFFFFFFFF  }
0xc2: {  	_ =	task.clear_ibuf [dreg:s7], $0x2FFFF;
	_ =	strace $0x9FFFFFFF  }
0xc3: {  	(tm) =	ssettm $0x7FFFFFFF  }
tec
execute0_lowered:
.L_overlay_start_1:
0x0: {  	(tag) =	ssettag $0x1  }
0x1: {  	s4 =	rddreg [dreg:$0x0]  }
0x2: {  	s5 =	rddreg [dreg:$0x1]  }
0x3: {  	s2 =	rddreg [dreg:$0x2]  }
0x4: {  	s0 =	rddreg [dreg:$0x3];
	s1 =	stileid.u32  }
0x5: {  	s3 =	simm.s32 $0x0;
	s7 =	srdreg.scid;
	s12 =	simm.s32 $0x2800  }
0x6: {  	s13 =	simm.s32 $0x20;
	s14 =	simm.s32 $0x10;
	s15 =	simm.s32 $0x0  }
0x7: {  	s6 =	smul.u32 $0x280, s1;
	[smem:$0x7FF] =	sst s3;
	s7 =	sand.u32 $0x1, s7  }
0x8: {  	s8 =	smul.u32 $0x500, s1;
	s10 =	sshll.u32 s1, $0x1;
	s31 =	sshll.u32 s1, $0x6  }
0x9: {  	_ =	strace $0x80000047;
	s9 =	sshll.u32 s7, $0x7;
	s26 =	sor.u32 s7, s10  }
0xa: {  	s7 =	ssub.s32 $0x2, s7;
	s11 =	sshrl.u32 s6, $0x3;
	s8 =	sor.u32 s9, s8  }
0xb: {  	s9 =	smul.u32 $0x500, s26;
	s29 =	sshrl.u32 s7, $0x1;
	s30 =	sadd.s32 s6, s2  }
0xc: {  	s8 =	sshrl.u32 s8, $0x3;
	s28 =	sadd.s32 s11, s5;
	s7 =	ssub.s32 s7, s29  }
0xd: {  	s10 =	sshrl.u32 s30, $0x3;
	s11 =	simm.s32 $0x80;
	s8 =	sadd.s32 s8, s5  }
0xe: {  	s4 =	sadd.s32 s4, s9;
	s5 =	sadd.s32 $0x1800, s28;
	s7 =	smax.u32 s7, $0x1  }
0xf: {  	v0 =	vimm.f32 $1.000000000e+00;
	s9 =	sor.u32 $0x1C01, s31;
	s6 =	sadd.s32 $0x1E00, s8;
	s8 =	simm.s32 $0x1  }
.LBB2_1:
0x10: {  	[tilespmem:s3], [sflag:$0x1] =	stream.linear.gather [hbm4b:s4+s3], $0x2800, $0x38;
	[tilespmem:$0x2B00] =	vst v63  }
0x11: {  	_ =	swait.ge [sflag:s8], $0x2800  }
0x12: {  	[sflag:s8] =	ssyncset.done $0x0  }
0x13: {  	[sflag:s8] =	ssyncadd.s32 $0xFFFFD800  }
0x14: {  	[tilespmem:$0x2800] =	vst v0  }
0x15: {  	[tilespmem:$0x2810] =	vst v0  }
0x16: {  	[tilespmem:$0x2820] =	vst v0  }
0x17: {  	[tilespmem:$0x2830] =	vst v0  }
0x18: {  	[tilespmem:$0x2840] =	vst v0  }
0x19: {  	[tilespmem:$0x2850] =	vst v0  }
0x1a: {  	[tilespmem:$0x2860] =	vst v0  }
0x1b: {  	[tilespmem:$0x2870] =	vst v0  }
0x1c: {  	[spmem:s10], [sflag:s9] =	dma.local [hbm:s5], $0x50  }
0x1d: {  	_ =	swait.ge [sflag:s8], $0x50  }
0x1e: {  	[sflag:s8] =	ssyncset.done $0x0  }
0x1f: {  	[sflag:s8] =	ssyncadd.s32 $0xFFFFFFB0  }
0x20: {  	s16 =	simm.s32 $0x0;
	[bflag:$0x0] =	sbarrier.arrive $0xFFFF  }
0x21: {  	[spmem:s2] =	stream.indirect.scatter.add.f32 [tilespmem:s12], [sflag:$0x1], $0x1, s16, s11, $0xb8;
	[tilespmem:$0x2B00] =	vst v63  }
0x22: {  	_ =	swait.ge [sflag:s8], $0x80  }
0x23: {  	[sflag:s8] =	ssyncset.done $0x0  }
0x24: {  	s24 =	simm.s32 $0x80;
	[sflag:s8] =	ssyncadd.s32 $0xFFFFFF80  }
0x25: {  	[spmem:s2] =	stream.indirect.scatter.add.f32 [tilespmem:s12], [sflag:$0x1], $0x1, s24, s11, $0xb8;
	[tilespmem:$0x2B00] =	vst v63  }
0x26: {  	_ =	swait.ge [sflag:s8], $0x80  }
0x27: {  	[sflag:s8] =	ssyncset.done $0x0  }
0x28: {  	s25 =	simm.s32 $0x100;
	[sflag:s8] =	ssyncadd.s32 $0xFFFFFF80  }
0x29: {  	[spmem:s2] =	stream.indirect.scatter.add.f32 [tilespmem:s12], [sflag:$0x1], $0x1, s25, s11, $0xb8;
	[tilespmem:$0x2B00] =	vst v63  }
0x2a: {  	_ =	swait.ge [sflag:s8], $0x80  }
0x2b: {  	[sflag:s8] =	ssyncset.done $0x0  }
0x2c: {  	s26 =	simm.s32 $0x180;
	[sflag:s8] =	ssyncadd.s32 $0xFFFFFF80  }
0x2d: {  	[spmem:s2] =	stream.indirect.scatter.add.f32 [tilespmem:s12], [sflag:$0x1], $0x1, s26, s11, $0xb8;
	[tilespmem:$0x2B00] =	vst v63  }
0x2e: {  	_ =	swait.ge [sflag:s8], $0x80  }
0x2f: {  	[sflag:s8] =	ssyncset.done $0x0  }
0x30: {  	s28 =	simm.s32 $0x200;
	[sflag:s8] =	ssyncadd.s32 $0xFFFFFF80  }
0x31: {  	[spmem:s2] =	stream.indirect.scatter.add.f32 [tilespmem:s12], [sflag:$0x1], $0x1, s28, s11, $0xb8;
	[tilespmem:$0x2B00] =	vst v63  }
0x32: {  	_ =	swait.ge [sflag:s8], $0x80  }
0x33: {  	[sflag:s8] =	ssyncset.done $0x0  }
0x34: {  	s29 =	simm.s32 $0x280;
	[sflag:s8] =	ssyncadd.s32 $0xFFFFFF80  }
0x35: {  	[spmem:s2] =	stream.indirect.scatter.add.f32 [tilespmem:s12], [sflag:$0x1], $0x1, s29, s11, $0xb8;
	[tilespmem:$0x2B00] =	vst v63  }
0x36: {  	_ =	swait.ge [sflag:s8], $0x80  }
0x37: {  	[sflag:s8] =	ssyncset.done $0x0  }
0x38: {  	s30 =	simm.s32 $0x300;
	[sflag:s8] =	ssyncadd.s32 $0xFFFFFF80  }
0x39: {  	[spmem:s2] =	stream.indirect.scatter.add.f32 [tilespmem:s12], [sflag:$0x1], $0x1, s30, s11, $0xb8;
	[tilespmem:$0x2B00] =	vst v63  }
0x3a: {  	_ =	swait.ge [sflag:s8], $0x80  }
0x3b: {  	[sflag:s8] =	ssyncset.done $0x0  }
0x3c: {  	s31 =	simm.s32 $0x380;
	[sflag:s8] =	ssyncadd.s32 $0xFFFFFF80  }
0x3d: {  	[spmem:s2] =	stream.indirect.scatter.add.f32 [tilespmem:s12], [sflag:$0x1], $0x1, s31, s11, $0xb8;
	[tilespmem:$0x2B00] =	vst v63  }
0x3e: {  	_ =	swait.ge [sflag:s8], $0x80  }
0x3f: {  	s19 =	simm.s32 $0x2000;
	s16 =	simm.s32 $0x1000;
	[sflag:s8] =	ssyncset.done $0x0  }
.LBB2_2:
0x40: {  	s18 =	sshra.s32 s16, $0x2  }
0x41: {  	[sflag:s8] =	ssyncadd.s32 $0xFFFFFF80;
	s16 =	smov.u32 s19;
	s17 =	sadd.s32 $0x1000, s19  }
0x42: {  	[spmem:s2] =	stream.indirect.scatter.add.f32 [tilespmem:s12], [sflag:$0x1], $0x1, s18, s11, $0xb8;
	[tilespmem:$0x2B00] =	vst v63  }
0x43: {  	p0 =	sne.s32 s19, $0x9000;
	_ =	swait.ge [sflag:s8], $0x80  }
0x44: {  	[sflag:s8] =	ssyncset.done $0x0  }
0x45: {  	s19 =	sadd.s32 $0x80, s18;
	[sflag:s8] =	ssyncadd.s32 $0xFFFFFF80  }
0x46: {  	[spmem:s2] =	stream.indirect.scatter.add.f32 [tilespmem:s12], [sflag:$0x1], $0x1, s19, s11, $0xb8;
	[tilespmem:$0x2B00] =	vst v63  }
0x47: {  	_ =	swait.ge [sflag:s8], $0x80  }
0x48: {  	[sflag:s8] =	ssyncset.done $0x0  }
0x49: {  	s19 =	sadd.s32 $0x100, s18;
	[sflag:s8] =	ssyncadd.s32 $0xFFFFFF80  }
0x4a: {  	[spmem:s2] =	stream.indirect.scatter.add.f32 [tilespmem:s12], [sflag:$0x1], $0x1, s19, s11, $0xb8;
	[tilespmem:$0x2B00] =	vst v63  }
0x4b: {  	_ =	swait.ge [sflag:s8], $0x80  }
0x4c: {  	[sflag:s8] =	ssyncset.done $0x0  }
0x4d: {  	s19 =	sadd.s32 $0x180, s18;
	[sflag:s8] =	ssyncadd.s32 $0xFFFFFF80  }
0x4e: {  	[spmem:s2] =	stream.indirect.scatter.add.f32 [tilespmem:s12], [sflag:$0x1], $0x1, s19, s11, $0xb8;
	[tilespmem:$0x2B00] =	vst v63  }
0x4f: {  	_ =	swait.ge [sflag:s8], $0x80  }
0x50: {  	[sflag:s8] =	ssyncset.done $0x0  }
0x51: {  	s19 =	sadd.s32 $0x200, s18;
	[sflag:s8] =	ssyncadd.s32 $0xFFFFFF80  }
0x52: {  	[spmem:s2] =	stream.indirect.scatter.add.f32 [tilespmem:s12], [sflag:$0x1], $0x1, s19, s11, $0xb8;
	[tilespmem:$0x2B00] =	vst v63  }
0x53: {  	_ =	swait.ge [sflag:s8], $0x80  }
0x54: {  	[sflag:s8] =	ssyncset.done $0x0  }
0x55: {  	s19 =	sadd.s32 $0x280, s18;
	[sflag:s8] =	ssyncadd.s32 $0xFFFFFF80  }
0x56: {  	[spmem:s2] =	stream.indirect.scatter.add.f32 [tilespmem:s12], [sflag:$0x1], $0x1, s19, s11, $0xb8;
	[tilespmem:$0x2B00] =	vst v63  }
0x57: {  	_ =	swait.ge [sflag:s8], $0x80  }
0x58: {  	[sflag:s8] =	ssyncset.done $0x0  }
0x59: {  	s19 =	sadd.s32 $0x300, s18;
	[sflag:s8] =	ssyncadd.s32 $0xFFFFFF80  }
0x5a: {  	[spmem:s2] =	stream.indirect.scatter.add.f32 [tilespmem:s12], [sflag:$0x1], $0x1, s19, s11, $0xb8;
	[tilespmem:$0x2B00] =	vst v63  }
0x5b: {  	_ =	swait.ge [sflag:s8], $0x80  }
.Ltmp0:
0x5c: {  	[sflag:s8] =	ssyncset.done $0x0;
	(pc) =	sbr.rel @p0 .LBB2_2-.Ltmp0, $4  }
0x5d: {  	s18 =	sadd.s32 $0x380, s18;
	[sflag:s8] =	ssyncadd.s32 $0xFFFFFF80  }
0x5e: {  	[spmem:s2] =	stream.indirect.scatter.add.f32 [tilespmem:s12], [sflag:$0x1], $0x1, s18, s11, $0xb8;
	[tilespmem:$0x2B00] =	vst v63  }
0x5f: {  	_ =	swait.ge [sflag:s8], $0x80  }
0x60: {  	s19 =	smov.u32 s17;
	[sflag:s8] =	ssyncset.done $0x0  }
0x61: {  	s16 =	sshra.s32 s16, $0x2;
	[sflag:s8] =	ssyncadd.s32 $0xFFFFFF80  }
0x62: {  	[spmem:s2] =	stream.indirect.scatter.add.f32 [tilespmem:s12], [sflag:$0x1], $0x1, s16, s11, $0xb8;
	[tilespmem:$0x2B00] =	vst v63  }
0x63: {  	_ =	swait.ge [sflag:s8], $0x80  }
0x64: {  	[sflag:s8] =	ssyncset.done $0x0  }
0x65: {  	s17 =	sadd.s32 $0x80, s16;
	[sflag:s8] =	ssyncadd.s32 $0xFFFFFF80  }
0x66: {  	[spmem:s2] =	stream.indirect.scatter.add.f32 [tilespmem:s12], [sflag:$0x1], $0x1, s17, s11, $0xb8;
	[tilespmem:$0x2B00] =	vst v63  }
0x67: {  	_ =	swait.ge [sflag:s8], $0x80  }
0x68: {  	[sflag:s8] =	ssyncset.done $0x0  }
0x69: {  	s26 =	sadd.s32 $0x100, s16;
	[sflag:s8] =	ssyncadd.s32 $0xFFFFFF80  }
0x6a: {  	[spmem:s2] =	stream.indirect.scatter.add.f32 [tilespmem:s12], [sflag:$0x1], $0x1, s26, s11, $0xb8;
	[tilespmem:$0x2B00] =	vst v63  }
0x6b: {  	_ =	swait.ge [sflag:s8], $0x80  }
0x6c: {  	[sflag:s8] =	ssyncset.done $0x0  }
0x6d: {  	s28 =	sadd.s32 $0x180, s16;
	[sflag:s8] =	ssyncadd.s32 $0xFFFFFF80  }
0x6e: {  	[spmem:s2] =	stream.indirect.scatter.add.f32 [tilespmem:s12], [sflag:$0x1], $0x1, s28, s11, $0xb8;
	[tilespmem:$0x2B00] =	vst v63  }
0x6f: {  	_ =	swait.ge [sflag:s8], $0x80  }
0x70: {  	[sflag:s8] =	ssyncset.done $0x0  }
0x71: {  	s29 =	sadd.s32 $0x200, s16;
	[sflag:s8] =	ssyncadd.s32 $0xFFFFFF80  }
0x72: {  	[spmem:s2] =	stream.indirect.scatter.add.f32 [tilespmem:s12], [sflag:$0x1], $0x1, s29, s11, $0xb8;
	[tilespmem:$0x2B00] =	vst v63  }
0x73: {  	_ =	swait.ge [sflag:s8], $0x80  }
0x74: {  	[sflag:s8] =	ssyncset.done $0x0  }
0x75: {  	s30 =	sadd.s32 $0x280, s16;
	[sflag:s8] =	ssyncadd.s32 $0xFFFFFF80  }
0x76: {  	[spmem:s2] =	stream.indirect.scatter.add.f32 [tilespmem:s12], [sflag:$0x1], $0x1, s30, s11, $0xb8;
	[tilespmem:$0x2B00] =	vst v63  }
0x77: {  	_ =	swait.ge [sflag:s8], $0x80  }
0x78: {  	[sflag:s8] =	ssyncset.done $0x0  }
0x79: {  	s31 =	sadd.s32 $0x300, s16;
	[sflag:s8] =	ssyncadd.s32 $0xFFFFFF80  }
0x7a: {  	[spmem:s2] =	stream.indirect.scatter.add.f32 [tilespmem:s12], [sflag:$0x1], $0x1, s31, s11, $0xb8;
	[tilespmem:$0x2B00] =	vst v63  }
0x7b: {  	_ =	swait.ge [sflag:s8], $0x80  }
0x7c: {  	[sflag:s8] =	ssyncset.done $0x0  }
0x7d: {  	s16 =	sadd.s32 $0x380, s16;
	[sflag:s8] =	ssyncadd.s32 $0xFFFFFF80  }
0x7e: {  	[spmem:s2] =	stream.indirect.scatter.add.f32 [tilespmem:s12], [sflag:$0x1], $0x1, s16, s11, $0xb8;
	[tilespmem:$0x2B00] =	vst v63  }
0x7f: {  	_ =	swait.ge [sflag:s8], $0x80  }
0x80: {  	s15 =	sadd.s32 $0x1, s15;
	[sflag:s8] =	ssyncset.done $0x0  }
0x81: {  	p0 =	sne.s32 s15, s7;
	[sflag:s8] =	ssyncadd.s32 $0xFFFFFF80  }
.Ltmp1:
0x82: {  	[bflag:$0x0] =	sbarrier.arrive $0xFFFF;
	(pc) =	sbr.rel @p0 .LBB2_1-.Ltmp1, $4  }
0x83: {  	[hbm:s6@s13], [sflag:s9] =	dma.strided [spmem:s10@s14], $0x50, s8, $0x10   }
0x84: {  	_ =	swait.ge [sflag:s8], $0x50  }
0x85: {  	[sflag:s8] =	ssyncset.done $0x0  }
0x86: {  	[sflag:s8] =	ssyncadd.s32 $0xFFFFFFB0  }
0x87: {  	_ =	sfence.sel $0x180000  }
0x88: {  	[bflag:$0x0] =	sbarrier.arrive $0xFFFF  }
0x89: {  	p0 =	sne.s32 s1, $0x0;
	_ =	strace $0x90000047  }
0x8a: {  	s0 =	sadd.s32 @!p0 $0x100000, s0;
	[bflag:$0x2] =	sbarrier.arrive $0xFFFF  }
0x8b: {  	[sflag:s0] =	ssyncadd.tile.s32 @!p0 $0x1;
	_ =	shalt  }
.Lfunc_end2:
_tile_overlayer_lowered:
.L_overlay_start_2:
0x8c: {  	(tag) =	ssettag $0x2  }
0x8d: {  	s0 =	rddreg [dreg:$0x0];
	s2 =	stileid.u32  }
0x8e: {  	s1 =	rddreg [dreg:$0x1];
	p0 =	sne.s32 s2, $0x0  }
0x8f: {  	s3 =	rddreg [dreg:$0x2];
	[bflag:$0x3] =	sbarrier.arrive $0xFFFF;
	s2 =	simm.s32 @!p0 $0x1C01  }
0x90: {  	[timem:s3], [sflag:s2] =	dma.local @!p0 [hbm:s0], s1  }
0x91: {  	s0 =	simm.s32 @!p0 $0x1  }
0x92: {  	_ =	swait.ge @!p0 [sflag:s0], s1  }
0x93: {  	s1 =	ssub.s32 @!p0 $0x0, s1;
	[sflag:s0] =	ssyncset.done @!p0 $0x0  }
0x94: {  	[sflag:s0] =	ssyncadd.s32 @!p0 s1  }
0x95: {  	[bflag:$0x3] =	sbarrier.arrive $0xFFFF  }
0x96: {  	_ =	shalt  }

</sc_bundles>
